<compile_context>
chip_gen: v7x
topology: tpu7x:2x2x1
jax: 0.10.2.dev20260603
libtpu: 0.0.44.dev20260713+nightly
codegen_flags: <defaults>
</compile_context>

<pallas_src>
import functools

import jax
import jax.numpy as jnp
from jax import lax
from jax.experimental import pallas as pl
from jax.experimental.pallas import tpu as pltpu
from jax.experimental.pallas import tpu_sc as plsc

N = 10000
E = 320000
D = 128
G = 64
BN_EPS = 1e-5

NC, NS = 2, 16
NW = NC * NS
CHUNK = 128
CHUNKS_PER_TILE = 80
HALF_CHUNKS = CHUNKS_PER_TILE // 2
EDGES_PER_TILE = CHUNKS_PER_TILE * CHUNK
HALF_EDGES = HALF_CHUNKS * CHUNK
LAST_REAL = E - (NW - 1) * EDGES_PER_TILE
E_PAD = NW * CHUNKS_PER_TILE * CHUNK
N_PADIDX = E_PAD - E
N_PAD = 10240
ROWS_PER_TILE = N_PAD // NS
ZCOPIES = ROWS_PER_TILE // CHUNK

BR = 5120
GRID_R = N_PAD // BR


_sc_mesh = plsc.VectorSubcoreMesh(
    core_axis_name="c", subcore_axis_name="s", num_cores=NC, num_subcores=NS)


@functools.partial(
    pl.kernel,
    out_type=jax.ShapeDtypeStruct((NC, N_PAD, D), jnp.float32),
    mesh=_sc_mesh,
    scratch_types=[
        pltpu.VMEM((HALF_EDGES,), jnp.int32),
        pltpu.VMEM((HALF_EDGES,), jnp.int32),
        pltpu.VMEM((CHUNK, D), jnp.float32),
        pltpu.VMEM((CHUNK, D), jnp.float32),
        pltpu.VMEM_SHARED((N_PAD, D), jnp.float32),
        pltpu.SemaphoreType.DMA,
        pltpu.SemaphoreType.DMA,
        pltpu.SemaphoreType.DMA,
    ],
)
def _sc_scatter_add(x_hbm, e_hbm, psrc_hbm, pdst_hbm, zero_hbm, out_hbm,
                    src_v, dst_v, rows0, rows1, acc_sh, sem0, sem1, semi):
    cid = lax.axis_index("c")
    sid = lax.axis_index("s")
    wid = cid * NS + sid
    row0 = sid * ROWS_PER_TILE
    base = wid * EDGES_PER_TILE
    last = wid == NW - 1
    PAD0 = HALF_EDGES - LAST_REAL

    def _stage(half, cp):
        @pl.when(jnp.logical_not(last))
        def _():
            cp(e_hbm.at[0, pl.ds(base + half * HALF_EDGES, HALF_EDGES)],
               src_v, semi)
            cp(e_hbm.at[1, pl.ds(base + half * HALF_EDGES, HALF_EDGES)],
               dst_v, semi)

        if half == 0:
            @pl.when(last)
            def _():
                cp(e_hbm.at[0, pl.ds(base, LAST_REAL)],
                   src_v.at[pl.ds(0, LAST_REAL)], semi)
                cp(psrc_hbm.at[pl.ds(0, PAD0)],
                   src_v.at[pl.ds(LAST_REAL, PAD0)], semi)
                cp(e_hbm.at[1, pl.ds(base, LAST_REAL)],
                   dst_v.at[pl.ds(0, LAST_REAL)], semi)
                cp(pdst_hbm.at[pl.ds(0, PAD0)],
                   dst_v.at[pl.ds(LAST_REAL, PAD0)], semi)
        else:
            @pl.when(last)
            def _():
                cp(psrc_hbm.at[pl.ds(PAD0, HALF_EDGES)], src_v, semi)
                cp(pdst_hbm.at[pl.ds(PAD0, HALF_EDGES)], dst_v, semi)

    def _wait(src, dst, sem):
        pltpu.make_async_copy(src, dst, sem).wait()

    _stage(0, pltpu.async_copy)

    pltpu.sync_copy(zero_hbm.at[pl.ds(sid * CHUNK, CHUNK)], rows0)
    for k in range(ZCOPIES):
        pltpu.sync_copy(rows0, acc_sh.at[pl.ds(row0 + k * CHUNK, CHUNK)])
    _stage(0, _wait)
    plsc.subcore_barrier()

    for half in range(2):
        if half:
            _stage(half, pltpu.async_copy)
            _stage(half, _wait)
        pltpu.async_copy(x_hbm.at[src_v.at[pl.ds(0, CHUNK)]], rows0, sem0)
        pltpu.async_copy(x_hbm.at[src_v.at[pl.ds(CHUNK, CHUNK)]], rows1, sem1)

        def body(p, carry):
            j0 = 2 * p * CHUNK
            pltpu.make_async_copy(x_hbm.at[src_v.at[pl.ds(0, CHUNK)]],
                                  rows0, sem0).wait()
            pltpu.sync_copy(rows0, acc_sh.at[dst_v.at[pl.ds(j0, CHUNK)]],
                            add=True)
            pltpu.async_copy(x_hbm.at[src_v.at[pl.ds(j0 + 2 * CHUNK, CHUNK)]],
                             rows0, sem0)
            pltpu.make_async_copy(x_hbm.at[src_v.at[pl.ds(0, CHUNK)]],
                                  rows1, sem1).wait()
            pltpu.sync_copy(rows1,
                            acc_sh.at[dst_v.at[pl.ds(j0 + CHUNK, CHUNK)]],
                            add=True)
            pltpu.async_copy(x_hbm.at[src_v.at[pl.ds(j0 + 3 * CHUNK, CHUNK)]],
                             rows1, sem1)
            return carry

        lax.fori_loop(0, HALF_CHUNKS // 2 - 1, body, 0)
        pltpu.make_async_copy(x_hbm.at[src_v.at[pl.ds(0, CHUNK)]],
                              rows0, sem0).wait()
        pltpu.sync_copy(
            rows0, acc_sh.at[dst_v.at[pl.ds(HALF_EDGES - 2 * CHUNK, CHUNK)]],
            add=True)
        pltpu.make_async_copy(x_hbm.at[src_v.at[pl.ds(0, CHUNK)]],
                              rows1, sem1).wait()
        pltpu.sync_copy(
            rows1, acc_sh.at[dst_v.at[pl.ds(HALF_EDGES - CHUNK, CHUNK)]],
            add=True)
    plsc.subcore_barrier()

    pltpu.sync_copy(acc_sh.at[pl.ds(row0, ROWS_PER_TILE)],
                    out_hbm.at[cid, pl.ds(row0, ROWS_PER_TILE)])


_INV_SQRT = float(1.0 / (1.0 + BN_EPS) ** 0.5)


def _mlp_body(x_ref, a0_ref, a1_ref, b_ref, w1_ref, b1_ref, g_ref, be_ref,
              w2_ref, b2_ref, o_ref, s_ref, c_ref, acc, cnt):
    i = pl.program_id(0)

    @pl.when(i == 0)
    def _init():
        acc[...] = jnp.zeros_like(acc)
        cnt[...] = jnp.zeros_like(cnt)

    z = x_ref[...] + a0_ref[0] + a1_ref[0]
    h = lax.dot_general(z, w1_ref[...], (((1,), (1,)), ((), ())),
                        preferred_element_type=jnp.float32)
    h = (h + b1_ref[...]) * (g_ref[...] * _INV_SQRT) + be_ref[...]
    h = jnp.maximum(h, 0.0)
    h = lax.dot_general(h, w2_ref[...], (((1,), (1,)), ((), ())),
                        preferred_element_type=jnp.float32)
    h = jnp.maximum(h + b2_ref[...], 0.0)
    o_ref[...] = h

    rows = lax.broadcasted_iota(jnp.int32, (BR, 1), 0) + i * BR
    valid = rows < N
    gids = lax.broadcasted_iota(jnp.int32, (BR, G), 1)
    onehot = jnp.where((b_ref[...] == gids) & valid, 1.0, 0.0)
    ones = jnp.where(jnp.broadcast_to(valid, (BR, D)), 1.0, 0.0)
    hm = jnp.where(jnp.broadcast_to(valid, (BR, D)), h, 0.0)

    cn = (((0,), (0,)), ((), ()))
    cnt[...] += lax.dot_general(onehot, ones, cn,
                                preferred_element_type=jnp.float32)
    acc[...] += lax.dot_general(onehot, hm, cn,
                                preferred_element_type=jnp.float32)

    @pl.when(i == GRID_R - 1)
    def _final():
        s_ref[...] = acc[...]
        c_ref[...] = cnt[...]


def _mlp(x, agg, batch2d, W1, b1, gamma, beta, W2, b2):
    return pl.pallas_call(
        _mlp_body,
        grid=(GRID_R,),
        in_specs=[
            pl.BlockSpec((BR, D), lambda i: (i, 0)),
            pl.BlockSpec((1, BR, D), lambda i: (0, i, 0)),
            pl.BlockSpec((1, BR, D), lambda i: (1, i, 0)),
            pl.BlockSpec((BR, 1), lambda i: (i, 0)),
            pl.BlockSpec((D, D), lambda i: (0, 0)),
            pl.BlockSpec((1, D), lambda i: (0, 0)),
            pl.BlockSpec((1, D), lambda i: (0, 0)),
            pl.BlockSpec((1, D), lambda i: (0, 0)),
            pl.BlockSpec((D, D), lambda i: (0, 0)),
            pl.BlockSpec((1, D), lambda i: (0, 0)),
        ],
        out_specs=[
            pl.BlockSpec((BR, D), lambda i: (i, 0)),
            pl.BlockSpec((G, D), lambda i: (0, 0)),
            pl.BlockSpec((G, D), lambda i: (0, 0)),
        ],
        out_shape=[
            jax.ShapeDtypeStruct((N, D), jnp.float32),
            jax.ShapeDtypeStruct((G, D), jnp.float32),
            jax.ShapeDtypeStruct((G, D), jnp.float32),
        ],
        scratch_shapes=[
            pltpu.VMEM((G, D), jnp.float32),
            pltpu.VMEM((G, D), jnp.float32),
        ],
        compiler_params=pltpu.CompilerParams(
            dimension_semantics=("arbitrary",)),
    )(x, agg, agg, batch2d, W1, b1.reshape(1, D), gamma.reshape(1, D),
      beta.reshape(1, D), W2, b2.reshape(1, D))


def _head_body(s1_ref, s2_ref, s3_ref, c_ref, w1_ref, bb1_ref, w2_ref,
               bb2_ref, o_ref):
    c = jnp.maximum(c_ref[...], 1.0)
    pooled = jnp.concatenate(
        [s1_ref[...] / c, s2_ref[...] / c, s3_ref[...] / c], axis=1)
    hh = lax.dot_general(pooled, w1_ref[...], (((1,), (1,)), ((), ())),
                         preferred_element_type=jnp.float32)
    hh = jnp.maximum(hh + bb1_ref[...], 0.0)
    out = lax.dot_general(hh, w2_ref[...], (((1,), (1,)), ((), ())),
                          preferred_element_type=jnp.float32)
    o_ref[...] = out + bb2_ref[...]


def _head(s1, s2, s3, cnt, lin1_W, lin1_b, lin2_W, lin2_b):
    return pl.pallas_call(
        _head_body,
        out_shape=jax.ShapeDtypeStruct((G, 3), jnp.float32),
    )(s1, s2, s3, cnt, lin1_W, lin1_b.reshape(1, 3 * D), lin2_W,
      lin2_b.reshape(1, 3))


def kernel(x, edge_index, batch,
           conv1_W1, conv1_b1, conv1_gamma, conv1_beta, conv1_W2, conv1_b2,
           conv2_W1, conv2_b1, conv2_gamma, conv2_beta, conv2_W2, conv2_b2,
           conv3_W1, conv3_b1, conv3_gamma, conv3_beta, conv3_W2, conv3_b2,
           lin1_W, lin1_b, lin2_W, lin2_b):
    e32 = edge_index.astype(jnp.int32)
    psrc = jnp.arange(N_PADIDX, dtype=jnp.int32) % N
    pdst = N + jnp.arange(N_PADIDX, dtype=jnp.int32) % (N_PAD - N)
    zeros = jnp.zeros((NS * CHUNK, D), jnp.float32)
    batch2d = batch.astype(jnp.int32).reshape(N, 1)

    agg1 = _sc_scatter_add(x, e32, psrc, pdst, zeros)
    h1, s1, cnt = _mlp(x, agg1, batch2d, conv1_W1, conv1_b1, conv1_gamma,
                       conv1_beta, conv1_W2, conv1_b2)
    agg2 = _sc_scatter_add(h1, e32, psrc, pdst, zeros)
    h2, s2, _ = _mlp(h1, agg2, batch2d, conv2_W1, conv2_b1, conv2_gamma,
                     conv2_beta, conv2_W2, conv2_b2)
    agg3 = _sc_scatter_add(h2, e32, psrc, pdst, zeros)
    h3, s3, _ = _mlp(h2, agg3, batch2d, conv3_W1, conv3_b1, conv3_gamma,
                     conv3_beta, conv3_W2, conv3_b2)
    return _head(s1, s2, s3, cnt, lin1_W, lin1_b, lin2_W, lin2_b)

# --- scband reference (transcript-rebuilt; emitter-appended) ---
"""Pipeline reference for scband-gin-44229573214958 (READ-ONLY COPY).

The authoritative reference and input builder live on the scoring server;
editing this copy changes nothing except your own understanding.
"""

import jax, jax.numpy as jnp
import numpy as np

N = 10000
E = 320000
D_IN = 128
DH = 128
G = 64
BN_EPS = 1e-5


def _gin_conv(x, edge_index, W1, b1, gamma, beta, W2, b2):
    src = edge_index[0]
    dst = edge_index[1]
    agg = jnp.zeros_like(x).at[dst].add(x[src])
    h = x + agg
    h = h @ W1.T + b1
    h = (h / jnp.sqrt(1.0 + BN_EPS)) * gamma + beta
    h = jax.nn.relu(h)
    h = h @ W2.T + b2
    return jax.nn.relu(h)


def _mean_pool(h, batch):
    s = jax.ops.segment_sum(h, batch, num_segments=G)
    c = jax.ops.segment_sum(jnp.ones((h.shape[0], 1), h.dtype), batch, num_segments=G)
    return s / jnp.maximum(c, 1.0)


def setup_inputs(seed: int = 0):
    key = jax.random.key(seed)
    ks = jax.random.split(key, 32)
    inp = {}
    inp["x"] = jax.random.normal(ks[0], (N, D_IN), dtype=jnp.float32)
    inp["edge_index"] = jax.random.randint(ks[1], (2, E), 0, N)
    inp["batch"] = jnp.sort(jax.random.randint(ks[2], (N,), 0, G))
    dims = [(D_IN, DH), (DH, DH), (DH, DH)]
    k = 3
    for i, (din, dh) in enumerate(dims, start=1):
        inp[f"conv{i}_W1"] = jax.random.normal(ks[k], (dh, din), dtype=jnp.float32) * (1.0 / np.sqrt(din)); k += 1
        inp[f"conv{i}_b1"] = jnp.zeros((dh,), dtype=jnp.float32)
        inp[f"conv{i}_gamma"] = jnp.ones((dh,), dtype=jnp.float32)
        inp[f"conv{i}_beta"] = jnp.zeros((dh,), dtype=jnp.float32)
        inp[f"conv{i}_W2"] = jax.random.normal(ks[k], (dh, dh), dtype=jnp.float32) * (1.0 / np.sqrt(dh)); k += 1
        inp[f"conv{i}_b2"] = jnp.zeros((dh,), dtype=jnp.float32)
    inp["lin1_W"] = jax.random.normal(ks[k], (3 * DH, 3 * DH), dtype=jnp.float32) * (1.0 / np.sqrt(3 * DH)); k += 1
    inp["lin1_b"] = jnp.zeros((3 * DH,), dtype=jnp.float32)
    inp["lin2_W"] = jax.random.normal(ks[k], (3, 3 * DH), dtype=jnp.float32) * (1.0 / np.sqrt(3 * DH)); k += 1
    inp["lin2_b"] = jnp.zeros((3,), dtype=jnp.float32)
    return inp


def reference(x, edge_index, batch,
              conv1_W1, conv1_b1, conv1_gamma, conv1_beta, conv1_W2, conv1_b2,
              conv2_W1, conv2_b1, conv2_gamma, conv2_beta, conv2_W2, conv2_b2,
              conv3_W1, conv3_b1, conv3_gamma, conv3_beta, conv3_W2, conv3_b2,
              lin1_W, lin1_b, lin2_W, lin2_b):
    h1 = _gin_conv(x, edge_index, conv1_W1, conv1_b1, conv1_gamma, conv1_beta, conv1_W2, conv1_b2)
    h2 = _gin_conv(h1, edge_index, conv2_W1, conv2_b1, conv2_gamma, conv2_beta, conv2_W2, conv2_b2)
    h3 = _gin_conv(h2, edge_index, conv3_W1, conv3_b1, conv3_gamma, conv3_beta, conv3_W2, conv3_b2)
    p1 = _mean_pool(h1, batch)
    p2 = _mean_pool(h2, batch)
    p3 = _mean_pool(h3, batch)
    h = jnp.concatenate([p1, p2, p3], axis=1)
    h = jax.nn.relu(h @ lin1_W.T + lin1_b)
    out = h @ lin2_W.T + lin2_b
    return out

if __name__ == "__main__":
    import jax
    _d = setup_inputs()
    print(jax.jit(kernel)(*tuple(_d.values())))

</pallas_src>

<mosaic_0001>
#map = affine_map<(d0, d1) -> (0, 0)>
#map1 = affine_map<(d0, d1) -> (0)>
#map2 = affine_map<(d0, d1) -> (0, 0, 0)>
module attributes {stable_mosaic.version = 14 : i64} {
  func.func @_sc_scatter_add(%arg0: i32, %arg1: i32, %arg2: memref<10000x128xf32, #tpu.memory_space<hbm>>, %arg3: memref<2x320000xi32, #tpu.memory_space<hbm>>, %arg4: memref<7680xi32, #tpu.memory_space<hbm>>, %arg5: memref<7680xi32, #tpu.memory_space<hbm>>, %arg6: memref<2048x128xf32, #tpu.memory_space<hbm>>, %arg7: memref<2x10240x128xf32, #tpu.memory_space<hbm>>, %arg8: memref<5120xi32, #tpu.memory_space<vmem>>, %arg9: memref<5120xi32, #tpu.memory_space<vmem>>, %arg10: memref<128x128xf32, #tpu.memory_space<vmem>>, %arg11: memref<128x128xf32, #tpu.memory_space<vmem>>, %arg12: memref<10240x128xf32, #tpu.memory_space<vmem_shared>>, %arg13: memref<!tpu.dma_semaphore, #tpu.memory_space<semaphore_mem>>, %arg14: memref<!tpu.dma_semaphore, #tpu.memory_space<semaphore_mem>>, %arg15: memref<!tpu.dma_semaphore, #tpu.memory_space<semaphore_mem>>) attributes {dimension_semantics = [#tpu.dimension_semantics<core_parallel>, #tpu.dimension_semantics<subcore_parallel>], iteration_bounds = array<i64: 2, 16>, scalar_prefetch = 0 : i64, scratch_operands = 8 : i64, tpu.core_type = #tpu.core_type<sc_vector_subcore>, window_params = [{transform_indices = #map}, {transform_indices = #map}, {transform_indices = #map1}, {transform_indices = #map1}, {transform_indices = #map}, {transform_indices = #map2}]} {
    %mul3A = arith.constant 16 : i32
    %mul3A_0 = arith.muli %arg0, %mul3A : i32
    %add3A = arith.addi %mul3A_0, %arg1 : i32
    %mul3A_1 = arith.constant 640 : i32
    %mul3A_2 = arith.muli %arg1, %mul3A_1 : i32
    %mul3A_3 = arith.constant 10240 : i32
    %mul3A_4 = arith.muli %add3A, %mul3A_3 : i32
    %eq3A = arith.constant 31 : i32
    %eq3A_5 = arith.cmpi eq, %add3A, %eq3A : i32
    %not3A = arith.constant true
    %not3A_6 = arith.xori %eq3A_5, %not3A : i1
    %convert_element_type3A = arith.extui %not3A_6 : i1 to i32
    %cond3A = arith.constant 0 : i32
    %cond3A_7 = arith.cmpi ne, %convert_element_type3A, %cond3A : i32
    scf.if %cond3A_7 {
      %add3A_97 = arith.constant 0 : i32
      %add3A_98 = arith.addi %mul3A_4, %add3A_97 : i32
      %dma_start3A_99 = arith.constant 0 : i32
      %dma_start3A_100 = tpu.memref_slice %arg3[%dma_start3A_99, %add3A_98] : memref<2x320000xi32, #tpu.memory_space<hbm>> -> memref<1x5120xi32, #tpu.memory_space<hbm>>
      %dma_start3A_101 = tpu.memref_squeeze %dma_start3A_100 : memref<1x5120xi32, #tpu.memory_space<hbm>> -> memref<5120xi32, #tpu.memory_space<hbm>>
      %dma_start3A_102 = tpu.memref_slice %arg3[%dma_start3A_99, %add3A_98] : memref<2x320000xi32, #tpu.memory_space<hbm>> -> memref<1x5120xi32, #tpu.memory_space<hbm>>
      %dma_start3A_103 = tpu.memref_squeeze %dma_start3A_102 : memref<1x5120xi32, #tpu.memory_space<hbm>> -> memref<5120xi32, #tpu.memory_space<hbm>>
      tpu.enqueue_dma source(%dma_start3A_103 : memref<5120xi32, #tpu.memory_space<hbm>>) target(%arg8 : memref<5120xi32, #tpu.memory_space<vmem>>) target_semaphore(%arg15 : memref<!tpu.dma_semaphore, #tpu.memory_space<semaphore_mem>>)
      %add3A_104 = arith.constant 0 : i32
      %add3A_105 = arith.addi %mul3A_4, %add3A_104 : i32
      %dma_start3A_106 = arith.constant 1 : i32
      %dma_start3A_107 = tpu.memref_slice %arg3[%dma_start3A_106, %add3A_105] : memref<2x320000xi32, #tpu.memory_space<hbm>> -> memref<1x5120xi32, #tpu.memory_space<hbm>>
      %dma_start3A_108 = tpu.memref_squeeze %dma_start3A_107 : memref<1x5120xi32, #tpu.memory_space<hbm>> -> memref<5120xi32, #tpu.memory_space<hbm>>
      %dma_start3A_109 = tpu.memref_slice %arg3[%dma_start3A_106, %add3A_105] : memref<2x320000xi32, #tpu.memory_space<hbm>> -> memref<1x5120xi32, #tpu.memory_space<hbm>>
      %dma_start3A_110 = tpu.memref_squeeze %dma_start3A_109 : memref<1x5120xi32, #tpu.memory_space<hbm>> -> memref<5120xi32, #tpu.memory_space<hbm>>
      tpu.enqueue_dma source(%dma_start3A_110 : memref<5120xi32, #tpu.memory_space<hbm>>) target(%arg9 : memref<5120xi32, #tpu.memory_space<vmem>>) target_semaphore(%arg15 : memref<!tpu.dma_semaphore, #tpu.memory_space<semaphore_mem>>)
    } else {
    }
    %convert_element_type3A_8 = arith.extui %eq3A_5 : i1 to i32
    %cond3A_9 = arith.constant 0 : i32
    %cond3A_10 = arith.cmpi ne, %convert_element_type3A_8, %cond3A_9 : i32
    scf.if %cond3A_10 {
      %dma_start3A_97 = arith.constant 0 : i32
      %dma_start3A_98 = arith.constant 0 : i32
      %dma_start3A_99 = tpu.memref_slice %arg8[%dma_start3A_98] : memref<5120xi32, #tpu.memory_space<vmem>> -> memref<2560xi32, #tpu.memory_space<vmem>>
      %dma_start3A_100 = tpu.memref_slice %arg3[%dma_start3A_97, %mul3A_4] : memref<2x320000xi32, #tpu.memory_space<hbm>> -> memref<1x2560xi32, #tpu.memory_space<hbm>>
      %dma_start3A_101 = tpu.memref_squeeze %dma_start3A_100 : memref<1x2560xi32, #tpu.memory_space<hbm>> -> memref<2560xi32, #tpu.memory_space<hbm>>
      %dma_start3A_102 = arith.constant 0 : i32
      %dma_start3A_103 = tpu.memref_slice %arg8[%dma_start3A_102] : memref<5120xi32, #tpu.memory_space<vmem>> -> memref<2560xi32, #tpu.memory_space<vmem>>
      %dma_start3A_104 = tpu.memref_slice %arg3[%dma_start3A_97, %mul3A_4] : memref<2x320000xi32, #tpu.memory_space<hbm>> -> memref<1x2560xi32, #tpu.memory_space<hbm>>
      %dma_start3A_105 = tpu.memref_squeeze %dma_start3A_104 : memref<1x2560xi32, #tpu.memory_space<hbm>> -> memref<2560xi32, #tpu.memory_space<hbm>>
      tpu.enqueue_dma source(%dma_start3A_105 : memref<2560xi32, #tpu.memory_space<hbm>>) target(%dma_start3A_103 : memref<2560xi32, #tpu.memory_space<vmem>>) target_semaphore(%arg15 : memref<!tpu.dma_semaphore, #tpu.memory_space<semaphore_mem>>)
      %dma_start3A_106 = arith.constant 2560 : i32
      %dma_start3A_107 = tpu.memref_slice %arg8[%dma_start3A_106] : memref<5120xi32, #tpu.memory_space<vmem>> -> memref<2560xi32, #tpu.memory_space<vmem>>
      %dma_start3A_108 = arith.constant 0 : i32
      %dma_start3A_109 = tpu.memref_slice %arg4[%dma_start3A_108] : memref<7680xi32, #tpu.memory_space<hbm>> -> memref<2560xi32, #tpu.memory_space<hbm>>
      %dma_start3A_110 = arith.constant 2560 : i32
      %dma_start3A_111 = tpu.memref_slice %arg8[%dma_start3A_110] : memref<5120xi32, #tpu.memory_space<vmem>> -> memref<2560xi32, #tpu.memory_space<vmem>>
      %dma_start3A_112 = arith.constant 0 : i32
      %dma_start3A_113 = tpu.memref_slice %arg4[%dma_start3A_112] : memref<7680xi32, #tpu.memory_space<hbm>> -> memref<2560xi32, #tpu.memory_space<hbm>>
      tpu.enqueue_dma source(%dma_start3A_113 : memref<2560xi32, #tpu.memory_space<hbm>>) target(%dma_start3A_111 : memref<2560xi32, #tpu.memory_space<vmem>>) target_semaphore(%arg15 : memref<!tpu.dma_semaphore, #tpu.memory_space<semaphore_mem>>)
      %dma_start3A_114 = arith.constant 1 : i32
      %dma_start3A_115 = arith.constant 0 : i32
      %dma_start3A_116 = tpu.memref_slice %arg9[%dma_start3A_115] : memref<5120xi32, #tpu.memory_space<vmem>> -> memref<2560xi32, #tpu.memory_space<vmem>>
      %dma_start3A_117 = tpu.memref_slice %arg3[%dma_start3A_114, %mul3A_4] : memref<2x320000xi32, #tpu.memory_space<hbm>> -> memref<1x2560xi32, #tpu.memory_space<hbm>>
      %dma_start3A_118 = tpu.memref_squeeze %dma_start3A_117 : memref<1x2560xi32, #tpu.memory_space<hbm>> -> memref<2560xi32, #tpu.memory_space<hbm>>
      %dma_start3A_119 = arith.constant 0 : i32
      %dma_start3A_120 = tpu.memref_slice %arg9[%dma_start3A_119] : memref<5120xi32, #tpu.memory_space<vmem>> -> memref<2560xi32, #tpu.memory_space<vmem>>
      %dma_start3A_121 = tpu.memref_slice %arg3[%dma_start3A_114, %mul3A_4] : memref<2x320000xi32, #tpu.memory_space<hbm>> -> memref<1x2560xi32, #tpu.memory_space<hbm>>
      %dma_start3A_122 = tpu.memref_squeeze %dma_start3A_121 : memref<1x2560xi32, #tpu.memory_space<hbm>> -> memref<2560xi32, #tpu.memory_space<hbm>>
      tpu.enqueue_dma source(%dma_start3A_122 : memref<2560xi32, #tpu.memory_space<hbm>>) target(%dma_start3A_120 : memref<2560xi32, #tpu.memory_space<vmem>>) target_semaphore(%arg15 : memref<!tpu.dma_semaphore, #tpu.memory_space<semaphore_mem>>)
      %dma_start3A_123 = arith.constant 2560 : i32
      %dma_start3A_124 = tpu.memref_slice %arg9[%dma_start3A_123] : memref<5120xi32, #tpu.memory_space<vmem>> -> memref<2560xi32, #tpu.memory_space<vmem>>
      %dma_start3A_125 = arith.constant 0 : i32
      %dma_start3A_126 = tpu.memref_slice %arg5[%dma_start3A_125] : memref<7680xi32, #tpu.memory_space<hbm>> -> memref<2560xi32, #tpu.memory_space<hbm>>
      %dma_start3A_127 = arith.constant 2560 : i32
      %dma_start3A_128 = tpu.memref_slice %arg9[%dma_start3A_127] : memref<5120xi32, #tpu.memory_space<vmem>> -> memref<2560xi32, #tpu.memory_space<vmem>>
      %dma_start3A_129 = arith.constant 0 : i32
      %dma_start3A_130 = tpu.memref_slice %arg5[%dma_start3A_129] : memref<7680xi32, #tpu.memory_space<hbm>> -> memref<2560xi32, #tpu.memory_space<hbm>>
      tpu.enqueue_dma source(%dma_start3A_130 : memref<2560xi32, #tpu.memory_space<hbm>>) target(%dma_start3A_128 : memref<2560xi32, #tpu.memory_space<vmem>>) target_semaphore(%arg15 : memref<!tpu.dma_semaphore, #tpu.memory_space<semaphore_mem>>)
    } else {
    }
    %mul3A_11 = arith.constant 128 : i32
    %mul3A_12 = arith.muli %arg1, %mul3A_11 : i32
    "tpu.region"() ({
      %run_scoped3A = tpu.sem_alloc : memref<!tpu.dma_semaphore, #tpu.memory_space<semaphore_mem>>
      %dma_start3A_97 = arith.constant 0 : i32
      %dma_start3A_98 = tpu.memref_slice %arg6[%mul3A_12, %dma_start3A_97] : memref<2048x128xf32, #tpu.memory_space<hbm>> -> memref<128x128xf32, #tpu.memory_space<hbm>>
      %dma_start3A_99 = arith.constant 0 : i32
      %dma_start3A_100 = tpu.memref_slice %arg6[%mul3A_12, %dma_start3A_99] : memref<2048x128xf32, #tpu.memory_space<hbm>> -> memref<128x128xf32, #tpu.memory_space<hbm>>
      tpu.enqueue_dma source(%dma_start3A_100 : memref<128x128xf32, #tpu.memory_space<hbm>>) target(%arg10 : memref<128x128xf32, #tpu.memory_space<vmem>>) target_semaphore(%run_scoped3A : memref<!tpu.dma_semaphore, #tpu.memory_space<semaphore_mem>>)
      %dma_wait3A_101 = arith.constant 0 : i32
      %dma_wait3A_102 = tpu.memref_slice %arg6[%mul3A_12, %dma_wait3A_101] : memref<2048x128xf32, #tpu.memory_space<hbm>> -> memref<128x128xf32, #tpu.memory_space<hbm>>
      %dma_wait3A_103 = arith.constant 0 : i32
      %dma_wait3A_104 = tpu.memref_slice %arg6[%mul3A_12, %dma_wait3A_103] : memref<2048x128xf32, #tpu.memory_space<hbm>> -> memref<128x128xf32, #tpu.memory_space<hbm>>
      tpu.wait_dma2 semaphore(%run_scoped3A : memref<!tpu.dma_semaphore, #tpu.memory_space<semaphore_mem>>) src(%dma_wait3A_104 : memref<128x128xf32, #tpu.memory_space<hbm>>) dst(%arg10 : memref<128x128xf32, #tpu.memory_space<vmem>>)
      tpu.yield
    }) : () -> ()
    %add3A_13 = arith.constant 0 : i32
    %add3A_14 = arith.addi %mul3A_2, %add3A_13 : i32
    "tpu.region"() ({
      %run_scoped3A = tpu.sem_alloc : memref<!tpu.dma_semaphore, #tpu.memory_space<semaphore_mem>>
      %dma_start3A_97 = arith.constant 0 : i32
      %dma_start3A_98 = tpu.memref_slice %arg12[%add3A_14, %dma_start3A_97] : memref<10240x128xf32, #tpu.memory_space<vmem_shared>> -> memref<128x128xf32, #tpu.memory_space<vmem_shared>>
      %dma_start3A_99 = arith.constant 0 : i32
      %dma_start3A_100 = tpu.memref_slice %arg12[%add3A_14, %dma_start3A_99] : memref<10240x128xf32, #tpu.memory_space<vmem_shared>> -> memref<128x128xf32, #tpu.memory_space<vmem_shared>>
      tpu.enqueue_dma source(%arg10 : memref<128x128xf32, #tpu.memory_space<vmem>>) target(%dma_start3A_100 : memref<128x128xf32, #tpu.memory_space<vmem_shared>>) target_semaphore(%run_scoped3A : memref<!tpu.dma_semaphore, #tpu.memory_space<semaphore_mem>>)
      %dma_wait3A_101 = arith.constant 0 : i32
      %dma_wait3A_102 = tpu.memref_slice %arg12[%add3A_14, %dma_wait3A_101] : memref<10240x128xf32, #tpu.memory_space<vmem_shared>> -> memref<128x128xf32, #tpu.memory_space<vmem_shared>>
      %dma_wait3A_103 = arith.constant 0 : i32
      %dma_wait3A_104 = tpu.memref_slice %arg12[%add3A_14, %dma_wait3A_103] : memref<10240x128xf32, #tpu.memory_space<vmem_shared>> -> memref<128x128xf32, #tpu.memory_space<vmem_shared>>
      tpu.wait_dma2 semaphore(%run_scoped3A : memref<!tpu.dma_semaphore, #tpu.memory_space<semaphore_mem>>) src(%arg10 : memref<128x128xf32, #tpu.memory_space<vmem>>) dst(%dma_wait3A_104 : memref<128x128xf32, #tpu.memory_space<vmem_shared>>)
      tpu.yield
    }) : () -> ()
    %add3A_15 = arith.constant 128 : i32
    %add3A_16 = arith.addi %mul3A_2, %add3A_15 : i32
    "tpu.region"() ({
      %run_scoped3A = tpu.sem_alloc : memref<!tpu.dma_semaphore, #tpu.memory_space<semaphore_mem>>
      %dma_start3A_97 = arith.constant 0 : i32
      %dma_start3A_98 = tpu.memref_slice %arg12[%add3A_16, %dma_start3A_97] : memref<10240x128xf32, #tpu.memory_space<vmem_shared>> -> memref<128x128xf32, #tpu.memory_space<vmem_shared>>
      %dma_start3A_99 = arith.constant 0 : i32
      %dma_start3A_100 = tpu.memref_slice %arg12[%add3A_16, %dma_start3A_99] : memref<10240x128xf32, #tpu.memory_space<vmem_shared>> -> memref<128x128xf32, #tpu.memory_space<vmem_shared>>
      tpu.enqueue_dma source(%arg10 : memref<128x128xf32, #tpu.memory_space<vmem>>) target(%dma_start3A_100 : memref<128x128xf32, #tpu.memory_space<vmem_shared>>) target_semaphore(%run_scoped3A : memref<!tpu.dma_semaphore, #tpu.memory_space<semaphore_mem>>)
      %dma_wait3A_101 = arith.constant 0 : i32
      %dma_wait3A_102 = tpu.memref_slice %arg12[%add3A_16, %dma_wait3A_101] : memref<10240x128xf32, #tpu.memory_space<vmem_shared>> -> memref<128x128xf32, #tpu.memory_space<vmem_shared>>
      %dma_wait3A_103 = arith.constant 0 : i32
      %dma_wait3A_104 = tpu.memref_slice %arg12[%add3A_16, %dma_wait3A_103] : memref<10240x128xf32, #tpu.memory_space<vmem_shared>> -> memref<128x128xf32, #tpu.memory_space<vmem_shared>>
      tpu.wait_dma2 semaphore(%run_scoped3A : memref<!tpu.dma_semaphore, #tpu.memory_space<semaphore_mem>>) src(%arg10 : memref<128x128xf32, #tpu.memory_space<vmem>>) dst(%dma_wait3A_104 : memref<128x128xf32, #tpu.memory_space<vmem_shared>>)
      tpu.yield
    }) : () -> ()
    %add3A_17 = arith.constant 256 : i32
    %add3A_18 = arith.addi %mul3A_2, %add3A_17 : i32
    "tpu.region"() ({
      %run_scoped3A = tpu.sem_alloc : memref<!tpu.dma_semaphore, #tpu.memory_space<semaphore_mem>>
      %dma_start3A_97 = arith.constant 0 : i32
      %dma_start3A_98 = tpu.memref_slice %arg12[%add3A_18, %dma_start3A_97] : memref<10240x128xf32, #tpu.memory_space<vmem_shared>> -> memref<128x128xf32, #tpu.memory_space<vmem_shared>>
      %dma_start3A_99 = arith.constant 0 : i32
      %dma_start3A_100 = tpu.memref_slice %arg12[%add3A_18, %dma_start3A_99] : memref<10240x128xf32, #tpu.memory_space<vmem_shared>> -> memref<128x128xf32, #tpu.memory_space<vmem_shared>>
      tpu.enqueue_dma source(%arg10 : memref<128x128xf32, #tpu.memory_space<vmem>>) target(%dma_start3A_100 : memref<128x128xf32, #tpu.memory_space<vmem_shared>>) target_semaphore(%run_scoped3A : memref<!tpu.dma_semaphore, #tpu.memory_space<semaphore_mem>>)
      %dma_wait3A_101 = arith.constant 0 : i32
      %dma_wait3A_102 = tpu.memref_slice %arg12[%add3A_18, %dma_wait3A_101] : memref<10240x128xf32, #tpu.memory_space<vmem_shared>> -> memref<128x128xf32, #tpu.memory_space<vmem_shared>>
      %dma_wait3A_103 = arith.constant 0 : i32
      %dma_wait3A_104 = tpu.memref_slice %arg12[%add3A_18, %dma_wait3A_103] : memref<10240x128xf32, #tpu.memory_space<vmem_shared>> -> memref<128x128xf32, #tpu.memory_space<vmem_shared>>
      tpu.wait_dma2 semaphore(%run_scoped3A : memref<!tpu.dma_semaphore, #tpu.memory_space<semaphore_mem>>) src(%arg10 : memref<128x128xf32, #tpu.memory_space<vmem>>) dst(%dma_wait3A_104 : memref<128x128xf32, #tpu.memory_space<vmem_shared>>)
      tpu.yield
    }) : () -> ()
    %add3A_19 = arith.constant 384 : i32
    %add3A_20 = arith.addi %mul3A_2, %add3A_19 : i32
    "tpu.region"() ({
      %run_scoped3A = tpu.sem_alloc : memref<!tpu.dma_semaphore, #tpu.memory_space<semaphore_mem>>
      %dma_start3A_97 = arith.constant 0 : i32
      %dma_start3A_98 = tpu.memref_slice %arg12[%add3A_20, %dma_start3A_97] : memref<10240x128xf32, #tpu.memory_space<vmem_shared>> -> memref<128x128xf32, #tpu.memory_space<vmem_shared>>
      %dma_start3A_99 = arith.constant 0 : i32
      %dma_start3A_100 = tpu.memref_slice %arg12[%add3A_20, %dma_start3A_99] : memref<10240x128xf32, #tpu.memory_space<vmem_shared>> -> memref<128x128xf32, #tpu.memory_space<vmem_shared>>
      tpu.enqueue_dma source(%arg10 : memref<128x128xf32, #tpu.memory_space<vmem>>) target(%dma_start3A_100 : memref<128x128xf32, #tpu.memory_space<vmem_shared>>) target_semaphore(%run_scoped3A : memref<!tpu.dma_semaphore, #tpu.memory_space<semaphore_mem>>)
      %dma_wait3A_101 = arith.constant 0 : i32
      %dma_wait3A_102 = tpu.memref_slice %arg12[%add3A_20, %dma_wait3A_101] : memref<10240x128xf32, #tpu.memory_space<vmem_shared>> -> memref<128x128xf32, #tpu.memory_space<vmem_shared>>
      %dma_wait3A_103 = arith.constant 0 : i32
      %dma_wait3A_104 = tpu.memref_slice %arg12[%add3A_20, %dma_wait3A_103] : memref<10240x128xf32, #tpu.memory_space<vmem_shared>> -> memref<128x128xf32, #tpu.memory_space<vmem_shared>>
      tpu.wait_dma2 semaphore(%run_scoped3A : memref<!tpu.dma_semaphore, #tpu.memory_space<semaphore_mem>>) src(%arg10 : memref<128x128xf32, #tpu.memory_space<vmem>>) dst(%dma_wait3A_104 : memref<128x128xf32, #tpu.memory_space<vmem_shared>>)
      tpu.yield
    }) : () -> ()
    %add3A_21 = arith.constant 512 : i32
    %add3A_22 = arith.addi %mul3A_2, %add3A_21 : i32
    "tpu.region"() ({
      %run_scoped3A = tpu.sem_alloc : memref<!tpu.dma_semaphore, #tpu.memory_space<semaphore_mem>>
      %dma_start3A_97 = arith.constant 0 : i32
      %dma_start3A_98 = tpu.memref_slice %arg12[%add3A_22, %dma_start3A_97] : memref<10240x128xf32, #tpu.memory_space<vmem_shared>> -> memref<128x128xf32, #tpu.memory_space<vmem_shared>>
      %dma_start3A_99 = arith.constant 0 : i32
      %dma_start3A_100 = tpu.memref_slice %arg12[%add3A_22, %dma_start3A_99] : memref<10240x128xf32, #tpu.memory_space<vmem_shared>> -> memref<128x128xf32, #tpu.memory_space<vmem_shared>>
      tpu.enqueue_dma source(%arg10 : memref<128x128xf32, #tpu.memory_space<vmem>>) target(%dma_start3A_100 : memref<128x128xf32, #tpu.memory_space<vmem_shared>>) target_semaphore(%run_scoped3A : memref<!tpu.dma_semaphore, #tpu.memory_space<semaphore_mem>>)
      %dma_wait3A_101 = arith.constant 0 : i32
      %dma_wait3A_102 = tpu.memref_slice %arg12[%add3A_22, %dma_wait3A_101] : memref<10240x128xf32, #tpu.memory_space<vmem_shared>> -> memref<128x128xf32, #tpu.memory_space<vmem_shared>>
      %dma_wait3A_103 = arith.constant 0 : i32
      %dma_wait3A_104 = tpu.memref_slice %arg12[%add3A_22, %dma_wait3A_103] : memref<10240x128xf32, #tpu.memory_space<vmem_shared>> -> memref<128x128xf32, #tpu.memory_space<vmem_shared>>
      tpu.wait_dma2 semaphore(%run_scoped3A : memref<!tpu.dma_semaphore, #tpu.memory_space<semaphore_mem>>) src(%arg10 : memref<128x128xf32, #tpu.memory_space<vmem>>) dst(%dma_wait3A_104 : memref<128x128xf32, #tpu.memory_space<vmem_shared>>)
      tpu.yield
    }) : () -> ()
    %not3A_23 = arith.constant true
    %not3A_24 = arith.xori %eq3A_5, %not3A_23 : i1
    %convert_element_type3A_25 = arith.extui %not3A_24 : i1 to i32
    %cond3A_26 = arith.constant 0 : i32
    %cond3A_27 = arith.cmpi ne, %convert_element_type3A_25, %cond3A_26 : i32
    scf.if %cond3A_27 {
      %add3A_97 = arith.constant 0 : i32
      %add3A_98 = arith.addi %mul3A_4, %add3A_97 : i32
      %dma_wait3A_99 = arith.constant 0 : i32
      %dma_wait3A_100 = tpu.memref_slice %arg3[%dma_wait3A_99, %add3A_98] : memref<2x320000xi32, #tpu.memory_space<hbm>> -> memref<1x5120xi32, #tpu.memory_space<hbm>>
      %dma_wait3A_101 = tpu.memref_squeeze %dma_wait3A_100 : memref<1x5120xi32, #tpu.memory_space<hbm>> -> memref<5120xi32, #tpu.memory_space<hbm>>
      %dma_wait3A_102 = tpu.memref_slice %arg3[%dma_wait3A_99, %add3A_98] : memref<2x320000xi32, #tpu.memory_space<hbm>> -> memref<1x5120xi32, #tpu.memory_space<hbm>>
      %dma_wait3A_103 = tpu.memref_squeeze %dma_wait3A_102 : memref<1x5120xi32, #tpu.memory_space<hbm>> -> memref<5120xi32, #tpu.memory_space<hbm>>
      tpu.wait_dma2 semaphore(%arg15 : memref<!tpu.dma_semaphore, #tpu.memory_space<semaphore_mem>>) src(%dma_wait3A_103 : memref<5120xi32, #tpu.memory_space<hbm>>) dst(%arg8 : memref<5120xi32, #tpu.memory_space<vmem>>)
      %add3A_104 = arith.constant 0 : i32
      %add3A_105 = arith.addi %mul3A_4, %add3A_104 : i32
      %dma_wait3A_106 = arith.constant 1 : i32
      %dma_wait3A_107 = tpu.memref_slice %arg3[%dma_wait3A_106, %add3A_105] : memref<2x320000xi32, #tpu.memory_space<hbm>> -> memref<1x5120xi32, #tpu.memory_space<hbm>>
      %dma_wait3A_108 = tpu.memref_squeeze %dma_wait3A_107 : memref<1x5120xi32, #tpu.memory_space<hbm>> -> memref<5120xi32, #tpu.memory_space<hbm>>
      %dma_wait3A_109 = tpu.memref_slice %arg3[%dma_wait3A_106, %add3A_105] : memref<2x320000xi32, #tpu.memory_space<hbm>> -> memref<1x5120xi32, #tpu.memory_space<hbm>>
      %dma_wait3A_110 = tpu.memref_squeeze %dma_wait3A_109 : memref<1x5120xi32, #tpu.memory_space<hbm>> -> memref<5120xi32, #tpu.memory_space<hbm>>
      tpu.wait_dma2 semaphore(%arg15 : memref<!tpu.dma_semaphore, #tpu.memory_space<semaphore_mem>>) src(%dma_wait3A_110 : memref<5120xi32, #tpu.memory_space<hbm>>) dst(%arg9 : memref<5120xi32, #tpu.memory_space<vmem>>)
    } else {
    }
    %convert_element_type3A_28 = arith.extui %eq3A_5 : i1 to i32
    %cond3A_29 = arith.constant 0 : i32
    %cond3A_30 = arith.cmpi ne, %convert_element_type3A_28, %cond3A_29 : i32
    scf.if %cond3A_30 {
      %dma_wait3A_97 = arith.constant 0 : i32
      %dma_wait3A_98 = arith.constant 0 : i32
      %dma_wait3A_99 = tpu.memref_slice %arg8[%dma_wait3A_98] : memref<5120xi32, #tpu.memory_space<vmem>> -> memref<2560xi32, #tpu.memory_space<vmem>>
      %dma_wait3A_100 = tpu.memref_slice %arg3[%dma_wait3A_97, %mul3A_4] : memref<2x320000xi32, #tpu.memory_space<hbm>> -> memref<1x2560xi32, #tpu.memory_space<hbm>>
      %dma_wait3A_101 = tpu.memref_squeeze %dma_wait3A_100 : memref<1x2560xi32, #tpu.memory_space<hbm>> -> memref<2560xi32, #tpu.memory_space<hbm>>
      %dma_wait3A_102 = arith.constant 0 : i32
      %dma_wait3A_103 = tpu.memref_slice %arg8[%dma_wait3A_102] : memref<5120xi32, #tpu.memory_space<vmem>> -> memref<2560xi32, #tpu.memory_space<vmem>>
      %dma_wait3A_104 = tpu.memref_slice %arg3[%dma_wait3A_97, %mul3A_4] : memref<2x320000xi32, #tpu.memory_space<hbm>> -> memref<1x2560xi32, #tpu.memory_space<hbm>>
      %dma_wait3A_105 = tpu.memref_squeeze %dma_wait3A_104 : memref<1x2560xi32, #tpu.memory_space<hbm>> -> memref<2560xi32, #tpu.memory_space<hbm>>
      tpu.wait_dma2 semaphore(%arg15 : memref<!tpu.dma_semaphore, #tpu.memory_space<semaphore_mem>>) src(%dma_wait3A_105 : memref<2560xi32, #tpu.memory_space<hbm>>) dst(%dma_wait3A_103 : memref<2560xi32, #tpu.memory_space<vmem>>)
      %dma_wait3A_106 = arith.constant 2560 : i32
      %dma_wait3A_107 = tpu.memref_slice %arg8[%dma_wait3A_106] : memref<5120xi32, #tpu.memory_space<vmem>> -> memref<2560xi32, #tpu.memory_space<vmem>>
      %dma_wait3A_108 = arith.constant 0 : i32
      %dma_wait3A_109 = tpu.memref_slice %arg4[%dma_wait3A_108] : memref<7680xi32, #tpu.memory_space<hbm>> -> memref<2560xi32, #tpu.memory_space<hbm>>
      %dma_wait3A_110 = arith.constant 2560 : i32
      %dma_wait3A_111 = tpu.memref_slice %arg8[%dma_wait3A_110] : memref<5120xi32, #tpu.memory_space<vmem>> -> memref<2560xi32, #tpu.memory_space<vmem>>
      %dma_wait3A_112 = arith.constant 0 : i32
      %dma_wait3A_113 = tpu.memref_slice %arg4[%dma_wait3A_112] : memref<7680xi32, #tpu.memory_space<hbm>> -> memref<2560xi32, #tpu.memory_space<hbm>>
      tpu.wait_dma2 semaphore(%arg15 : memref<!tpu.dma_semaphore, #tpu.memory_space<semaphore_mem>>) src(%dma_wait3A_113 : memref<2560xi32, #tpu.memory_space<hbm>>) dst(%dma_wait3A_111 : memref<2560xi32, #tpu.memory_space<vmem>>)
      %dma_wait3A_114 = arith.constant 1 : i32
      %dma_wait3A_115 = arith.constant 0 : i32
      %dma_wait3A_116 = tpu.memref_slice %arg9[%dma_wait3A_115] : memref<5120xi32, #tpu.memory_space<vmem>> -> memref<2560xi32, #tpu.memory_space<vmem>>
      %dma_wait3A_117 = tpu.memref_slice %arg3[%dma_wait3A_114, %mul3A_4] : memref<2x320000xi32, #tpu.memory_space<hbm>> -> memref<1x2560xi32, #tpu.memory_space<hbm>>
      %dma_wait3A_118 = tpu.memref_squeeze %dma_wait3A_117 : memref<1x2560xi32, #tpu.memory_space<hbm>> -> memref<2560xi32, #tpu.memory_space<hbm>>
      %dma_wait3A_119 = arith.constant 0 : i32
      %dma_wait3A_120 = tpu.memref_slice %arg9[%dma_wait3A_119] : memref<5120xi32, #tpu.memory_space<vmem>> -> memref<2560xi32, #tpu.memory_space<vmem>>
      %dma_wait3A_121 = tpu.memref_slice %arg3[%dma_wait3A_114, %mul3A_4] : memref<2x320000xi32, #tpu.memory_space<hbm>> -> memref<1x2560xi32, #tpu.memory_space<hbm>>
      %dma_wait3A_122 = tpu.memref_squeeze %dma_wait3A_121 : memref<1x2560xi32, #tpu.memory_space<hbm>> -> memref<2560xi32, #tpu.memory_space<hbm>>
      tpu.wait_dma2 semaphore(%arg15 : memref<!tpu.dma_semaphore, #tpu.memory_space<semaphore_mem>>) src(%dma_wait3A_122 : memref<2560xi32, #tpu.memory_space<hbm>>) dst(%dma_wait3A_120 : memref<2560xi32, #tpu.memory_space<vmem>>)
      %dma_wait3A_123 = arith.constant 2560 : i32
      %dma_wait3A_124 = tpu.memref_slice %arg9[%dma_wait3A_123] : memref<5120xi32, #tpu.memory_space<vmem>> -> memref<2560xi32, #tpu.memory_space<vmem>>
      %dma_wait3A_125 = arith.constant 0 : i32
      %dma_wait3A_126 = tpu.memref_slice %arg5[%dma_wait3A_125] : memref<7680xi32, #tpu.memory_space<hbm>> -> memref<2560xi32, #tpu.memory_space<hbm>>
      %dma_wait3A_127 = arith.constant 2560 : i32
      %dma_wait3A_128 = tpu.memref_slice %arg9[%dma_wait3A_127] : memref<5120xi32, #tpu.memory_space<vmem>> -> memref<2560xi32, #tpu.memory_space<vmem>>
      %dma_wait3A_129 = arith.constant 0 : i32
      %dma_wait3A_130 = tpu.memref_slice %arg5[%dma_wait3A_129] : memref<7680xi32, #tpu.memory_space<hbm>> -> memref<2560xi32, #tpu.memory_space<hbm>>
      tpu.wait_dma2 semaphore(%arg15 : memref<!tpu.dma_semaphore, #tpu.memory_space<semaphore_mem>>) src(%dma_wait3A_130 : memref<2560xi32, #tpu.memory_space<hbm>>) dst(%dma_wait3A_128 : memref<2560xi32, #tpu.memory_space<vmem>>)
    } else {
    }
    %barrier3A = arith.constant 0 : index
    tpu.barrier barrier_id(%barrier3A)
    %dma_start3A = arith.constant 0 : i32
    %dma_start3A_31 = tpu.memref_slice %arg8[%dma_start3A] : memref<5120xi32, #tpu.memory_space<vmem>> -> memref<128xi32, #tpu.memory_space<vmem>>
    %dma_start3A_32 = arith.constant 0 : i32
    %dma_start3A_33 = arith.constant 0 : i32
    %dma_start3A_34 = tpu.memref_slice %arg2[%dma_start3A_32, %dma_start3A_33] : memref<10000x128xf32, #tpu.memory_space<hbm>> -> memref<10000x128xf32, #tpu.memory_space<hbm>>
    tpu.enqueue_indirect_dma source(%dma_start3A_34 : memref<10000x128xf32, #tpu.memory_space<hbm>>) target(%arg10 : memref<128x128xf32, #tpu.memory_space<vmem>>) offsets(%dma_start3A_31 : memref<128xi32, #tpu.memory_space<vmem>>) semaphore(%arg13 : memref<!tpu.dma_semaphore, #tpu.memory_space<semaphore_mem>>)
    %dma_start3A_35 = arith.constant 128 : i32
    %dma_start3A_36 = tpu.memref_slice %arg8[%dma_start3A_35] : memref<5120xi32, #tpu.memory_space<vmem>> -> memref<128xi32, #tpu.memory_space<vmem>>
    %dma_start3A_37 = arith.constant 0 : i32
    %dma_start3A_38 = arith.constant 0 : i32
    %dma_start3A_39 = tpu.memref_slice %arg2[%dma_start3A_37, %dma_start3A_38] : memref<10000x128xf32, #tpu.memory_space<hbm>> -> memref<10000x128xf32, #tpu.memory_space<hbm>>
    tpu.enqueue_indirect_dma source(%dma_start3A_39 : memref<10000x128xf32, #tpu.memory_space<hbm>>) target(%arg11 : memref<128x128xf32, #tpu.memory_space<vmem>>) offsets(%dma_start3A_36 : memref<128xi32, #tpu.memory_space<vmem>>) semaphore(%arg14 : memref<!tpu.dma_semaphore, #tpu.memory_space<semaphore_mem>>)
    %scan3A = arith.constant 0 : i32
    %scan3A_40 = arith.constant 0 : i32
    %scan3A_41 = arith.constant 19 : i32
    %scan3A_42 = arith.addi %scan3A_40, %scan3A_41 : i32
    %scan3A_43 = arith.constant 1 : i32
    scf.for %scan3A_97 = %scan3A_40 to %scan3A_42 step %scan3A_43  : i32 {
      %mul3A_98 = arith.constant 2 : i32
      %mul3A_99 = arith.muli %mul3A_98, %scan3A_97 : i32
      %mul3A_100 = arith.constant 128 : i32
      %mul3A_101 = arith.muli %mul3A_99, %mul3A_100 : i32
      %dma_wait3A_102 = arith.constant 0 : i32
      %dma_wait3A_103 = tpu.memref_slice %arg8[%dma_wait3A_102] : memref<5120xi32, #tpu.memory_space<vmem>> -> memref<128xi32, #tpu.memory_space<vmem>>
      %dma_wait3A_104 = arith.constant 0 : i32
      %dma_wait3A_105 = arith.constant 0 : i32
      %dma_wait3A_106 = tpu.memref_slice %arg2[%dma_wait3A_104, %dma_wait3A_105] : memref<10000x128xf32, #tpu.memory_space<hbm>> -> memref<10000x128xf32, #tpu.memory_space<hbm>>
      tpu.wait_indirect_dma semaphore(%arg13 : memref<!tpu.dma_semaphore, #tpu.memory_space<semaphore_mem>>) src(%dma_wait3A_106 : memref<10000x128xf32, #tpu.memory_space<hbm>>) dst(%arg10 : memref<128x128xf32, #tpu.memory_space<vmem>>)
      "tpu.region"() ({
        %run_scoped3A = tpu.sem_alloc : memref<!tpu.dma_semaphore, #tpu.memory_space<semaphore_mem>>
        %dma_start3A_126 = tpu.memref_slice %arg9[%mul3A_101] : memref<5120xi32, #tpu.memory_space<vmem>> -> memref<128xi32, #tpu.memory_space<vmem>>
        %dma_start3A_127 = arith.constant 0 : i32
        %dma_start3A_128 = arith.constant 0 : i32
        %dma_start3A_129 = tpu.memref_slice %arg12[%dma_start3A_127, %dma_start3A_128] : memref<10240x128xf32, #tpu.memory_space<vmem_shared>> -> memref<10240x128xf32, #tpu.memory_space<vmem_shared>>
        tpu.enqueue_indirect_dma source(%arg10 : memref<128x128xf32, #tpu.memory_space<vmem>>) target(%dma_start3A_129 : memref<10240x128xf32, #tpu.memory_space<vmem_shared>>) offsets(%dma_start3A_126 : memref<128xi32, #tpu.memory_space<vmem>>) semaphore(%run_scoped3A : memref<!tpu.dma_semaphore, #tpu.memory_space<semaphore_mem>>) {add = true}
        %dma_wait3A_130 = tpu.memref_slice %arg9[%mul3A_101] : memref<5120xi32, #tpu.memory_space<vmem>> -> memref<128xi32, #tpu.memory_space<vmem>>
        %dma_wait3A_131 = arith.constant 0 : i32
        %dma_wait3A_132 = arith.constant 0 : i32
        %dma_wait3A_133 = tpu.memref_slice %arg12[%dma_wait3A_131, %dma_wait3A_132] : memref<10240x128xf32, #tpu.memory_space<vmem_shared>> -> memref<10240x128xf32, #tpu.memory_space<vmem_shared>>
        tpu.wait_indirect_dma semaphore(%run_scoped3A : memref<!tpu.dma_semaphore, #tpu.memory_space<semaphore_mem>>) src(%arg10 : memref<128x128xf32, #tpu.memory_space<vmem>>) dst(%dma_wait3A_133 : memref<10240x128xf32, #tpu.memory_space<vmem_shared>>)
        tpu.yield
      }) : () -> ()
      %add3A_107 = arith.constant 256 : i32
      %add3A_108 = arith.addi %mul3A_101, %add3A_107 : i32
      %dma_start3A_109 = tpu.memref_slice %arg8[%add3A_108] : memref<5120xi32, #tpu.memory_space<vmem>> -> memref<128xi32, #tpu.memory_space<vmem>>
      %dma_start3A_110 = arith.constant 0 : i32
      %dma_start3A_111 = arith.constant 0 : i32
      %dma_start3A_112 = tpu.memref_slice %arg2[%dma_start3A_110, %dma_start3A_111] : memref<10000x128xf32, #tpu.memory_space<hbm>> -> memref<10000x128xf32, #tpu.memory_space<hbm>>
      tpu.enqueue_indirect_dma source(%dma_start3A_112 : memref<10000x128xf32, #tpu.memory_space<hbm>>) target(%arg10 : memref<128x128xf32, #tpu.memory_space<vmem>>) offsets(%dma_start3A_109 : memref<128xi32, #tpu.memory_space<vmem>>) semaphore(%arg13 : memref<!tpu.dma_semaphore, #tpu.memory_space<semaphore_mem>>)
      %dma_wait3A_113 = arith.constant 0 : i32
      %dma_wait3A_114 = tpu.memref_slice %arg8[%dma_wait3A_113] : memref<5120xi32, #tpu.memory_space<vmem>> -> memref<128xi32, #tpu.memory_space<vmem>>
      %dma_wait3A_115 = arith.constant 0 : i32
      %dma_wait3A_116 = arith.constant 0 : i32
      %dma_wait3A_117 = tpu.memref_slice %arg2[%dma_wait3A_115, %dma_wait3A_116] : memref<10000x128xf32, #tpu.memory_space<hbm>> -> memref<10000x128xf32, #tpu.memory_space<hbm>>
      tpu.wait_indirect_dma semaphore(%arg14 : memref<!tpu.dma_semaphore, #tpu.memory_space<semaphore_mem>>) src(%dma_wait3A_117 : memref<10000x128xf32, #tpu.memory_space<hbm>>) dst(%arg11 : memref<128x128xf32, #tpu.memory_space<vmem>>)
      %add3A_118 = arith.constant 128 : i32
      %add3A_119 = arith.addi %mul3A_101, %add3A_118 : i32
      "tpu.region"() ({
        %run_scoped3A = tpu.sem_alloc : memref<!tpu.dma_semaphore, #tpu.memory_space<semaphore_mem>>
        %dma_start3A_126 = tpu.memref_slice %arg9[%add3A_119] : memref<5120xi32, #tpu.memory_space<vmem>> -> memref<128xi32, #tpu.memory_space<vmem>>
        %dma_start3A_127 = arith.constant 0 : i32
        %dma_start3A_128 = arith.constant 0 : i32
        %dma_start3A_129 = tpu.memref_slice %arg12[%dma_start3A_127, %dma_start3A_128] : memref<10240x128xf32, #tpu.memory_space<vmem_shared>> -> memref<10240x128xf32, #tpu.memory_space<vmem_shared>>
        tpu.enqueue_indirect_dma source(%arg11 : memref<128x128xf32, #tpu.memory_space<vmem>>) target(%dma_start3A_129 : memref<10240x128xf32, #tpu.memory_space<vmem_shared>>) offsets(%dma_start3A_126 : memref<128xi32, #tpu.memory_space<vmem>>) semaphore(%run_scoped3A : memref<!tpu.dma_semaphore, #tpu.memory_space<semaphore_mem>>) {add = true}
        %dma_wait3A_130 = tpu.memref_slice %arg9[%add3A_119] : memref<5120xi32, #tpu.memory_space<vmem>> -> memref<128xi32, #tpu.memory_space<vmem>>
        %dma_wait3A_131 = arith.constant 0 : i32
        %dma_wait3A_132 = arith.constant 0 : i32
        %dma_wait3A_133 = tpu.memref_slice %arg12[%dma_wait3A_131, %dma_wait3A_132] : memref<10240x128xf32, #tpu.memory_space<vmem_shared>> -> memref<10240x128xf32, #tpu.memory_space<vmem_shared>>
        tpu.wait_indirect_dma semaphore(%run_scoped3A : memref<!tpu.dma_semaphore, #tpu.memory_space<semaphore_mem>>) src(%arg11 : memref<128x128xf32, #tpu.memory_space<vmem>>) dst(%dma_wait3A_133 : memref<10240x128xf32, #tpu.memory_space<vmem_shared>>)
        tpu.yield
      }) : () -> ()
      %add3A_120 = arith.constant 384 : i32
      %add3A_121 = arith.addi %mul3A_101, %add3A_120 : i32
      %dma_start3A_122 = tpu.memref_slice %arg8[%add3A_121] : memref<5120xi32, #tpu.memory_space<vmem>> -> memref<128xi32, #tpu.memory_space<vmem>>
      %dma_start3A_123 = arith.constant 0 : i32
      %dma_start3A_124 = arith.constant 0 : i32
      %dma_start3A_125 = tpu.memref_slice %arg2[%dma_start3A_123, %dma_start3A_124] : memref<10000x128xf32, #tpu.memory_space<hbm>> -> memref<10000x128xf32, #tpu.memory_space<hbm>>
      tpu.enqueue_indirect_dma source(%dma_start3A_125 : memref<10000x128xf32, #tpu.memory_space<hbm>>) target(%arg11 : memref<128x128xf32, #tpu.memory_space<vmem>>) offsets(%dma_start3A_122 : memref<128xi32, #tpu.memory_space<vmem>>) semaphore(%arg14 : memref<!tpu.dma_semaphore, #tpu.memory_space<semaphore_mem>>)
    }
    %scan3A_44 = arith.constant 19 : i32
    %dma_wait3A = arith.constant 0 : i32
    %dma_wait3A_45 = tpu.memref_slice %arg8[%dma_wait3A] : memref<5120xi32, #tpu.memory_space<vmem>> -> memref<128xi32, #tpu.memory_space<vmem>>
    %dma_wait3A_46 = arith.constant 0 : i32
    %dma_wait3A_47 = arith.constant 0 : i32
    %dma_wait3A_48 = tpu.memref_slice %arg2[%dma_wait3A_46, %dma_wait3A_47] : memref<10000x128xf32, #tpu.memory_space<hbm>> -> memref<10000x128xf32, #tpu.memory_space<hbm>>
    tpu.wait_indirect_dma semaphore(%arg13 : memref<!tpu.dma_semaphore, #tpu.memory_space<semaphore_mem>>) src(%dma_wait3A_48 : memref<10000x128xf32, #tpu.memory_space<hbm>>) dst(%arg10 : memref<128x128xf32, #tpu.memory_space<vmem>>)
    "tpu.region"() ({
      %run_scoped3A = tpu.sem_alloc : memref<!tpu.dma_semaphore, #tpu.memory_space<semaphore_mem>>
      %dma_start3A_97 = arith.constant 4864 : i32
      %dma_start3A_98 = tpu.memref_slice %arg9[%dma_start3A_97] : memref<5120xi32, #tpu.memory_space<vmem>> -> memref<128xi32, #tpu.memory_space<vmem>>
      %dma_start3A_99 = arith.constant 0 : i32
      %dma_start3A_100 = arith.constant 0 : i32
      %dma_start3A_101 = tpu.memref_slice %arg12[%dma_start3A_99, %dma_start3A_100] : memref<10240x128xf32, #tpu.memory_space<vmem_shared>> -> memref<10240x128xf32, #tpu.memory_space<vmem_shared>>
      tpu.enqueue_indirect_dma source(%arg10 : memref<128x128xf32, #tpu.memory_space<vmem>>) target(%dma_start3A_101 : memref<10240x128xf32, #tpu.memory_space<vmem_shared>>) offsets(%dma_start3A_98 : memref<128xi32, #tpu.memory_space<vmem>>) semaphore(%run_scoped3A : memref<!tpu.dma_semaphore, #tpu.memory_space<semaphore_mem>>) {add = true}
      %dma_wait3A_102 = arith.constant 4864 : i32
      %dma_wait3A_103 = tpu.memref_slice %arg9[%dma_wait3A_102] : memref<5120xi32, #tpu.memory_space<vmem>> -> memref<128xi32, #tpu.memory_space<vmem>>
      %dma_wait3A_104 = arith.constant 0 : i32
      %dma_wait3A_105 = arith.constant 0 : i32
      %dma_wait3A_106 = tpu.memref_slice %arg12[%dma_wait3A_104, %dma_wait3A_105] : memref<10240x128xf32, #tpu.memory_space<vmem_shared>> -> memref<10240x128xf32, #tpu.memory_space<vmem_shared>>
      tpu.wait_indirect_dma semaphore(%run_scoped3A : memref<!tpu.dma_semaphore, #tpu.memory_space<semaphore_mem>>) src(%arg10 : memref<128x128xf32, #tpu.memory_space<vmem>>) dst(%dma_wait3A_106 : memref<10240x128xf32, #tpu.memory_space<vmem_shared>>)
      tpu.yield
    }) : () -> ()
    %dma_wait3A_49 = arith.constant 0 : i32
    %dma_wait3A_50 = tpu.memref_slice %arg8[%dma_wait3A_49] : memref<5120xi32, #tpu.memory_space<vmem>> -> memref<128xi32, #tpu.memory_space<vmem>>
    %dma_wait3A_51 = arith.constant 0 : i32
    %dma_wait3A_52 = arith.constant 0 : i32
    %dma_wait3A_53 = tpu.memref_slice %arg2[%dma_wait3A_51, %dma_wait3A_52] : memref<10000x128xf32, #tpu.memory_space<hbm>> -> memref<10000x128xf32, #tpu.memory_space<hbm>>
    tpu.wait_indirect_dma semaphore(%arg14 : memref<!tpu.dma_semaphore, #tpu.memory_space<semaphore_mem>>) src(%dma_wait3A_53 : memref<10000x128xf32, #tpu.memory_space<hbm>>) dst(%arg11 : memref<128x128xf32, #tpu.memory_space<vmem>>)
    "tpu.region"() ({
      %run_scoped3A = tpu.sem_alloc : memref<!tpu.dma_semaphore, #tpu.memory_space<semaphore_mem>>
      %dma_start3A_97 = arith.constant 4992 : i32
      %dma_start3A_98 = tpu.memref_slice %arg9[%dma_start3A_97] : memref<5120xi32, #tpu.memory_space<vmem>> -> memref<128xi32, #tpu.memory_space<vmem>>
      %dma_start3A_99 = arith.constant 0 : i32
      %dma_start3A_100 = arith.constant 0 : i32
      %dma_start3A_101 = tpu.memref_slice %arg12[%dma_start3A_99, %dma_start3A_100] : memref<10240x128xf32, #tpu.memory_space<vmem_shared>> -> memref<10240x128xf32, #tpu.memory_space<vmem_shared>>
      tpu.enqueue_indirect_dma source(%arg11 : memref<128x128xf32, #tpu.memory_space<vmem>>) target(%dma_start3A_101 : memref<10240x128xf32, #tpu.memory_space<vmem_shared>>) offsets(%dma_start3A_98 : memref<128xi32, #tpu.memory_space<vmem>>) semaphore(%run_scoped3A : memref<!tpu.dma_semaphore, #tpu.memory_space<semaphore_mem>>) {add = true}
      %dma_wait3A_102 = arith.constant 4992 : i32
      %dma_wait3A_103 = tpu.memref_slice %arg9[%dma_wait3A_102] : memref<5120xi32, #tpu.memory_space<vmem>> -> memref<128xi32, #tpu.memory_space<vmem>>
      %dma_wait3A_104 = arith.constant 0 : i32
      %dma_wait3A_105 = arith.constant 0 : i32
      %dma_wait3A_106 = tpu.memref_slice %arg12[%dma_wait3A_104, %dma_wait3A_105] : memref<10240x128xf32, #tpu.memory_space<vmem_shared>> -> memref<10240x128xf32, #tpu.memory_space<vmem_shared>>
      tpu.wait_indirect_dma semaphore(%run_scoped3A : memref<!tpu.dma_semaphore, #tpu.memory_space<semaphore_mem>>) src(%arg11 : memref<128x128xf32, #tpu.memory_space<vmem>>) dst(%dma_wait3A_106 : memref<10240x128xf32, #tpu.memory_space<vmem_shared>>)
      tpu.yield
    }) : () -> ()
    %not3A_54 = arith.constant true
    %not3A_55 = arith.xori %eq3A_5, %not3A_54 : i1
    %convert_element_type3A_56 = arith.extui %not3A_55 : i1 to i32
    %cond3A_57 = arith.constant 0 : i32
    %cond3A_58 = arith.cmpi ne, %convert_element_type3A_56, %cond3A_57 : i32
    scf.if %cond3A_58 {
      %add3A_97 = arith.constant 5120 : i32
      %add3A_98 = arith.addi %mul3A_4, %add3A_97 : i32
      %dma_start3A_99 = arith.constant 0 : i32
      %dma_start3A_100 = tpu.memref_slice %arg3[%dma_start3A_99, %add3A_98] : memref<2x320000xi32, #tpu.memory_space<hbm>> -> memref<1x5120xi32, #tpu.memory_space<hbm>>
      %dma_start3A_101 = tpu.memref_squeeze %dma_start3A_100 : memref<1x5120xi32, #tpu.memory_space<hbm>> -> memref<5120xi32, #tpu.memory_space<hbm>>
      %dma_start3A_102 = tpu.memref_slice %arg3[%dma_start3A_99, %add3A_98] : memref<2x320000xi32, #tpu.memory_space<hbm>> -> memref<1x5120xi32, #tpu.memory_space<hbm>>
      %dma_start3A_103 = tpu.memref_squeeze %dma_start3A_102 : memref<1x5120xi32, #tpu.memory_space<hbm>> -> memref<5120xi32, #tpu.memory_space<hbm>>
      tpu.enqueue_dma source(%dma_start3A_103 : memref<5120xi32, #tpu.memory_space<hbm>>) target(%arg8 : memref<5120xi32, #tpu.memory_space<vmem>>) target_semaphore(%arg15 : memref<!tpu.dma_semaphore, #tpu.memory_space<semaphore_mem>>)
      %add3A_104 = arith.constant 5120 : i32
      %add3A_105 = arith.addi %mul3A_4, %add3A_104 : i32
      %dma_start3A_106 = arith.constant 1 : i32
      %dma_start3A_107 = tpu.memref_slice %arg3[%dma_start3A_106, %add3A_105] : memref<2x320000xi32, #tpu.memory_space<hbm>> -> memref<1x5120xi32, #tpu.memory_space<hbm>>
      %dma_start3A_108 = tpu.memref_squeeze %dma_start3A_107 : memref<1x5120xi32, #tpu.memory_space<hbm>> -> memref<5120xi32, #tpu.memory_space<hbm>>
      %dma_start3A_109 = tpu.memref_slice %arg3[%dma_start3A_106, %add3A_105] : memref<2x320000xi32, #tpu.memory_space<hbm>> -> memref<1x5120xi32, #tpu.memory_space<hbm>>
      %dma_start3A_110 = tpu.memref_squeeze %dma_start3A_109 : memref<1x5120xi32, #tpu.memory_space<hbm>> -> memref<5120xi32, #tpu.memory_space<hbm>>
      tpu.enqueue_dma source(%dma_start3A_110 : memref<5120xi32, #tpu.memory_space<hbm>>) target(%arg9 : memref<5120xi32, #tpu.memory_space<vmem>>) target_semaphore(%arg15 : memref<!tpu.dma_semaphore, #tpu.memory_space<semaphore_mem>>)
    } else {
    }
    %convert_element_type3A_59 = arith.extui %eq3A_5 : i1 to i32
    %cond3A_60 = arith.constant 0 : i32
    %cond3A_61 = arith.cmpi ne, %convert_element_type3A_59, %cond3A_60 : i32
    scf.if %cond3A_61 {
      %dma_start3A_97 = arith.constant 2560 : i32
      %dma_start3A_98 = tpu.memref_slice %arg4[%dma_start3A_97] : memref<7680xi32, #tpu.memory_space<hbm>> -> memref<5120xi32, #tpu.memory_space<hbm>>
      %dma_start3A_99 = arith.constant 2560 : i32
      %dma_start3A_100 = tpu.memref_slice %arg4[%dma_start3A_99] : memref<7680xi32, #tpu.memory_space<hbm>> -> memref<5120xi32, #tpu.memory_space<hbm>>
      tpu.enqueue_dma source(%dma_start3A_100 : memref<5120xi32, #tpu.memory_space<hbm>>) target(%arg8 : memref<5120xi32, #tpu.memory_space<vmem>>) target_semaphore(%arg15 : memref<!tpu.dma_semaphore, #tpu.memory_space<semaphore_mem>>)
      %dma_start3A_101 = arith.constant 2560 : i32
      %dma_start3A_102 = tpu.memref_slice %arg5[%dma_start3A_101] : memref<7680xi32, #tpu.memory_space<hbm>> -> memref<5120xi32, #tpu.memory_space<hbm>>
      %dma_start3A_103 = arith.constant 2560 : i32
      %dma_start3A_104 = tpu.memref_slice %arg5[%dma_start3A_103] : memref<7680xi32, #tpu.memory_space<hbm>> -> memref<5120xi32, #tpu.memory_space<hbm>>
      tpu.enqueue_dma source(%dma_start3A_104 : memref<5120xi32, #tpu.memory_space<hbm>>) target(%arg9 : memref<5120xi32, #tpu.memory_space<vmem>>) target_semaphore(%arg15 : memref<!tpu.dma_semaphore, #tpu.memory_space<semaphore_mem>>)
    } else {
    }
    %not3A_62 = arith.constant true
    %not3A_63 = arith.xori %eq3A_5, %not3A_62 : i1
    %convert_element_type3A_64 = arith.extui %not3A_63 : i1 to i32
    %cond3A_65 = arith.constant 0 : i32
    %cond3A_66 = arith.cmpi ne, %convert_element_type3A_64, %cond3A_65 : i32
    scf.if %cond3A_66 {
      %add3A_97 = arith.constant 5120 : i32
      %add3A_98 = arith.addi %mul3A_4, %add3A_97 : i32
      %dma_wait3A_99 = arith.constant 0 : i32
      %dma_wait3A_100 = tpu.memref_slice %arg3[%dma_wait3A_99, %add3A_98] : memref<2x320000xi32, #tpu.memory_space<hbm>> -> memref<1x5120xi32, #tpu.memory_space<hbm>>
      %dma_wait3A_101 = tpu.memref_squeeze %dma_wait3A_100 : memref<1x5120xi32, #tpu.memory_space<hbm>> -> memref<5120xi32, #tpu.memory_space<hbm>>
      %dma_wait3A_102 = tpu.memref_slice %arg3[%dma_wait3A_99, %add3A_98] : memref<2x320000xi32, #tpu.memory_space<hbm>> -> memref<1x5120xi32, #tpu.memory_space<hbm>>
      %dma_wait3A_103 = tpu.memref_squeeze %dma_wait3A_102 : memref<1x5120xi32, #tpu.memory_space<hbm>> -> memref<5120xi32, #tpu.memory_space<hbm>>
      tpu.wait_dma2 semaphore(%arg15 : memref<!tpu.dma_semaphore, #tpu.memory_space<semaphore_mem>>) src(%dma_wait3A_103 : memref<5120xi32, #tpu.memory_space<hbm>>) dst(%arg8 : memref<5120xi32, #tpu.memory_space<vmem>>)
      %add3A_104 = arith.constant 5120 : i32
      %add3A_105 = arith.addi %mul3A_4, %add3A_104 : i32
      %dma_wait3A_106 = arith.constant 1 : i32
      %dma_wait3A_107 = tpu.memref_slice %arg3[%dma_wait3A_106, %add3A_105] : memref<2x320000xi32, #tpu.memory_space<hbm>> -> memref<1x5120xi32, #tpu.memory_space<hbm>>
      %dma_wait3A_108 = tpu.memref_squeeze %dma_wait3A_107 : memref<1x5120xi32, #tpu.memory_space<hbm>> -> memref<5120xi32, #tpu.memory_space<hbm>>
      %dma_wait3A_109 = tpu.memref_slice %arg3[%dma_wait3A_106, %add3A_105] : memref<2x320000xi32, #tpu.memory_space<hbm>> -> memref<1x5120xi32, #tpu.memory_space<hbm>>
      %dma_wait3A_110 = tpu.memref_squeeze %dma_wait3A_109 : memref<1x5120xi32, #tpu.memory_space<hbm>> -> memref<5120xi32, #tpu.memory_space<hbm>>
      tpu.wait_dma2 semaphore(%arg15 : memref<!tpu.dma_semaphore, #tpu.memory_space<semaphore_mem>>) src(%dma_wait3A_110 : memref<5120xi32, #tpu.memory_space<hbm>>) dst(%arg9 : memref<5120xi32, #tpu.memory_space<vmem>>)
    } else {
    }
    %convert_element_type3A_67 = arith.extui %eq3A_5 : i1 to i32
    %cond3A_68 = arith.constant 0 : i32
    %cond3A_69 = arith.cmpi ne, %convert_element_type3A_67, %cond3A_68 : i32
    scf.if %cond3A_69 {
      %dma_wait3A_97 = arith.constant 2560 : i32
      %dma_wait3A_98 = tpu.memref_slice %arg4[%dma_wait3A_97] : memref<7680xi32, #tpu.memory_space<hbm>> -> memref<5120xi32, #tpu.memory_space<hbm>>
      %dma_wait3A_99 = arith.constant 2560 : i32
      %dma_wait3A_100 = tpu.memref_slice %arg4[%dma_wait3A_99] : memref<7680xi32, #tpu.memory_space<hbm>> -> memref<5120xi32, #tpu.memory_space<hbm>>
      tpu.wait_dma2 semaphore(%arg15 : memref<!tpu.dma_semaphore, #tpu.memory_space<semaphore_mem>>) src(%dma_wait3A_100 : memref<5120xi32, #tpu.memory_space<hbm>>) dst(%arg8 : memref<5120xi32, #tpu.memory_space<vmem>>)
      %dma_wait3A_101 = arith.constant 2560 : i32
      %dma_wait3A_102 = tpu.memref_slice %arg5[%dma_wait3A_101] : memref<7680xi32, #tpu.memory_space<hbm>> -> memref<5120xi32, #tpu.memory_space<hbm>>
      %dma_wait3A_103 = arith.constant 2560 : i32
      %dma_wait3A_104 = tpu.memref_slice %arg5[%dma_wait3A_103] : memref<7680xi32, #tpu.memory_space<hbm>> -> memref<5120xi32, #tpu.memory_space<hbm>>
      tpu.wait_dma2 semaphore(%arg15 : memref<!tpu.dma_semaphore, #tpu.memory_space<semaphore_mem>>) src(%dma_wait3A_104 : memref<5120xi32, #tpu.memory_space<hbm>>) dst(%arg9 : memref<5120xi32, #tpu.memory_space<vmem>>)
    } else {
    }
    %dma_start3A_70 = arith.constant 0 : i32
    %dma_start3A_71 = tpu.memref_slice %arg8[%dma_start3A_70] : memref<5120xi32, #tpu.memory_space<vmem>> -> memref<128xi32, #tpu.memory_space<vmem>>
    %dma_start3A_72 = arith.constant 0 : i32
    %dma_start3A_73 = arith.constant 0 : i32
    %dma_start3A_74 = tpu.memref_slice %arg2[%dma_start3A_72, %dma_start3A_73] : memref<10000x128xf32, #tpu.memory_space<hbm>> -> memref<10000x128xf32, #tpu.memory_space<hbm>>
    tpu.enqueue_indirect_dma source(%dma_start3A_74 : memref<10000x128xf32, #tpu.memory_space<hbm>>) target(%arg10 : memref<128x128xf32, #tpu.memory_space<vmem>>) offsets(%dma_start3A_71 : memref<128xi32, #tpu.memory_space<vmem>>) semaphore(%arg13 : memref<!tpu.dma_semaphore, #tpu.memory_space<semaphore_mem>>)
    %dma_start3A_75 = arith.constant 128 : i32
    %dma_start3A_76 = tpu.memref_slice %arg8[%dma_start3A_75] : memref<5120xi32, #tpu.memory_space<vmem>> -> memref<128xi32, #tpu.memory_space<vmem>>
    %dma_start3A_77 = arith.constant 0 : i32
    %dma_start3A_78 = arith.constant 0 : i32
    %dma_start3A_79 = tpu.memref_slice %arg2[%dma_start3A_77, %dma_start3A_78] : memref<10000x128xf32, #tpu.memory_space<hbm>> -> memref<10000x128xf32, #tpu.memory_space<hbm>>
    tpu.enqueue_indirect_dma source(%dma_start3A_79 : memref<10000x128xf32, #tpu.memory_space<hbm>>) target(%arg11 : memref<128x128xf32, #tpu.memory_space<vmem>>) offsets(%dma_start3A_76 : memref<128xi32, #tpu.memory_space<vmem>>) semaphore(%arg14 : memref<!tpu.dma_semaphore, #tpu.memory_space<semaphore_mem>>)
    %scan3A_80 = arith.constant 0 : i32
    %scan3A_81 = arith.constant 0 : i32
    %scan3A_82 = arith.constant 19 : i32
    %scan3A_83 = arith.addi %scan3A_81, %scan3A_82 : i32
    %scan3A_84 = arith.constant 1 : i32
    scf.for %scan3A_97 = %scan3A_81 to %scan3A_83 step %scan3A_84  : i32 {
      %mul3A_98 = arith.constant 2 : i32
      %mul3A_99 = arith.muli %mul3A_98, %scan3A_97 : i32
      %mul3A_100 = arith.constant 128 : i32
      %mul3A_101 = arith.muli %mul3A_99, %mul3A_100 : i32
      %dma_wait3A_102 = arith.constant 0 : i32
      %dma_wait3A_103 = tpu.memref_slice %arg8[%dma_wait3A_102] : memref<5120xi32, #tpu.memory_space<vmem>> -> memref<128xi32, #tpu.memory_space<vmem>>
      %dma_wait3A_104 = arith.constant 0 : i32
      %dma_wait3A_105 = arith.constant 0 : i32
      %dma_wait3A_106 = tpu.memref_slice %arg2[%dma_wait3A_104, %dma_wait3A_105] : memref<10000x128xf32, #tpu.memory_space<hbm>> -> memref<10000x128xf32, #tpu.memory_space<hbm>>
      tpu.wait_indirect_dma semaphore(%arg13 : memref<!tpu.dma_semaphore, #tpu.memory_space<semaphore_mem>>) src(%dma_wait3A_106 : memref<10000x128xf32, #tpu.memory_space<hbm>>) dst(%arg10 : memref<128x128xf32, #tpu.memory_space<vmem>>)
      "tpu.region"() ({
        %run_scoped3A = tpu.sem_alloc : memref<!tpu.dma_semaphore, #tpu.memory_space<semaphore_mem>>
        %dma_start3A_126 = tpu.memref_slice %arg9[%mul3A_101] : memref<5120xi32, #tpu.memory_space<vmem>> -> memref<128xi32, #tpu.memory_space<vmem>>
        %dma_start3A_127 = arith.constant 0 : i32
        %dma_start3A_128 = arith.constant 0 : i32
        %dma_start3A_129 = tpu.memref_slice %arg12[%dma_start3A_127, %dma_start3A_128] : memref<10240x128xf32, #tpu.memory_space<vmem_shared>> -> memref<10240x128xf32, #tpu.memory_space<vmem_shared>>
        tpu.enqueue_indirect_dma source(%arg10 : memref<128x128xf32, #tpu.memory_space<vmem>>) target(%dma_start3A_129 : memref<10240x128xf32, #tpu.memory_space<vmem_shared>>) offsets(%dma_start3A_126 : memref<128xi32, #tpu.memory_space<vmem>>) semaphore(%run_scoped3A : memref<!tpu.dma_semaphore, #tpu.memory_space<semaphore_mem>>) {add = true}
        %dma_wait3A_130 = tpu.memref_slice %arg9[%mul3A_101] : memref<5120xi32, #tpu.memory_space<vmem>> -> memref<128xi32, #tpu.memory_space<vmem>>
        %dma_wait3A_131 = arith.constant 0 : i32
        %dma_wait3A_132 = arith.constant 0 : i32
        %dma_wait3A_133 = tpu.memref_slice %arg12[%dma_wait3A_131, %dma_wait3A_132] : memref<10240x128xf32, #tpu.memory_space<vmem_shared>> -> memref<10240x128xf32, #tpu.memory_space<vmem_shared>>
        tpu.wait_indirect_dma semaphore(%run_scoped3A : memref<!tpu.dma_semaphore, #tpu.memory_space<semaphore_mem>>) src(%arg10 : memref<128x128xf32, #tpu.memory_space<vmem>>) dst(%dma_wait3A_133 : memref<10240x128xf32, #tpu.memory_space<vmem_shared>>)
        tpu.yield
      }) : () -> ()
      %add3A_107 = arith.constant 256 : i32
      %add3A_108 = arith.addi %mul3A_101, %add3A_107 : i32
      %dma_start3A_109 = tpu.memref_slice %arg8[%add3A_108] : memref<5120xi32, #tpu.memory_space<vmem>> -> memref<128xi32, #tpu.memory_space<vmem>>
      %dma_start3A_110 = arith.constant 0 : i32
      %dma_start3A_111 = arith.constant 0 : i32
      %dma_start3A_112 = tpu.memref_slice %arg2[%dma_start3A_110, %dma_start3A_111] : memref<10000x128xf32, #tpu.memory_space<hbm>> -> memref<10000x128xf32, #tpu.memory_space<hbm>>
      tpu.enqueue_indirect_dma source(%dma_start3A_112 : memref<10000x128xf32, #tpu.memory_space<hbm>>) target(%arg10 : memref<128x128xf32, #tpu.memory_space<vmem>>) offsets(%dma_start3A_109 : memref<128xi32, #tpu.memory_space<vmem>>) semaphore(%arg13 : memref<!tpu.dma_semaphore, #tpu.memory_space<semaphore_mem>>)
      %dma_wait3A_113 = arith.constant 0 : i32
      %dma_wait3A_114 = tpu.memref_slice %arg8[%dma_wait3A_113] : memref<5120xi32, #tpu.memory_space<vmem>> -> memref<128xi32, #tpu.memory_space<vmem>>
      %dma_wait3A_115 = arith.constant 0 : i32
      %dma_wait3A_116 = arith.constant 0 : i32
      %dma_wait3A_117 = tpu.memref_slice %arg2[%dma_wait3A_115, %dma_wait3A_116] : memref<10000x128xf32, #tpu.memory_space<hbm>> -> memref<10000x128xf32, #tpu.memory_space<hbm>>
      tpu.wait_indirect_dma semaphore(%arg14 : memref<!tpu.dma_semaphore, #tpu.memory_space<semaphore_mem>>) src(%dma_wait3A_117 : memref<10000x128xf32, #tpu.memory_space<hbm>>) dst(%arg11 : memref<128x128xf32, #tpu.memory_space<vmem>>)
      %add3A_118 = arith.constant 128 : i32
      %add3A_119 = arith.addi %mul3A_101, %add3A_118 : i32
      "tpu.region"() ({
        %run_scoped3A = tpu.sem_alloc : memref<!tpu.dma_semaphore, #tpu.memory_space<semaphore_mem>>
        %dma_start3A_126 = tpu.memref_slice %arg9[%add3A_119] : memref<5120xi32, #tpu.memory_space<vmem>> -> memref<128xi32, #tpu.memory_space<vmem>>
        %dma_start3A_127 = arith.constant 0 : i32
        %dma_start3A_128 = arith.constant 0 : i32
        %dma_start3A_129 = tpu.memref_slice %arg12[%dma_start3A_127, %dma_start3A_128] : memref<10240x128xf32, #tpu.memory_space<vmem_shared>> -> memref<10240x128xf32, #tpu.memory_space<vmem_shared>>
        tpu.enqueue_indirect_dma source(%arg11 : memref<128x128xf32, #tpu.memory_space<vmem>>) target(%dma_start3A_129 : memref<10240x128xf32, #tpu.memory_space<vmem_shared>>) offsets(%dma_start3A_126 : memref<128xi32, #tpu.memory_space<vmem>>) semaphore(%run_scoped3A : memref<!tpu.dma_semaphore, #tpu.memory_space<semaphore_mem>>) {add = true}
        %dma_wait3A_130 = tpu.memref_slice %arg9[%add3A_119] : memref<5120xi32, #tpu.memory_space<vmem>> -> memref<128xi32, #tpu.memory_space<vmem>>
        %dma_wait3A_131 = arith.constant 0 : i32
        %dma_wait3A_132 = arith.constant 0 : i32
        %dma_wait3A_133 = tpu.memref_slice %arg12[%dma_wait3A_131, %dma_wait3A_132] : memref<10240x128xf32, #tpu.memory_space<vmem_shared>> -> memref<10240x128xf32, #tpu.memory_space<vmem_shared>>
        tpu.wait_indirect_dma semaphore(%run_scoped3A : memref<!tpu.dma_semaphore, #tpu.memory_space<semaphore_mem>>) src(%arg11 : memref<128x128xf32, #tpu.memory_space<vmem>>) dst(%dma_wait3A_133 : memref<10240x128xf32, #tpu.memory_space<vmem_shared>>)
        tpu.yield
      }) : () -> ()
      %add3A_120 = arith.constant 384 : i32
      %add3A_121 = arith.addi %mul3A_101, %add3A_120 : i32
      %dma_start3A_122 = tpu.memref_slice %arg8[%add3A_121] : memref<5120xi32, #tpu.memory_space<vmem>> -> memref<128xi32, #tpu.memory_space<vmem>>
      %dma_start3A_123 = arith.constant 0 : i32
      %dma_start3A_124 = arith.constant 0 : i32
      %dma_start3A_125 = tpu.memref_slice %arg2[%dma_start3A_123, %dma_start3A_124] : memref<10000x128xf32, #tpu.memory_space<hbm>> -> memref<10000x128xf32, #tpu.memory_space<hbm>>
      tpu.enqueue_indirect_dma source(%dma_start3A_125 : memref<10000x128xf32, #tpu.memory_space<hbm>>) target(%arg11 : memref<128x128xf32, #tpu.memory_space<vmem>>) offsets(%dma_start3A_122 : memref<128xi32, #tpu.memory_space<vmem>>) semaphore(%arg14 : memref<!tpu.dma_semaphore, #tpu.memory_space<semaphore_mem>>)
    }
    %scan3A_85 = arith.constant 19 : i32
    %dma_wait3A_86 = arith.constant 0 : i32
    %dma_wait3A_87 = tpu.memref_slice %arg8[%dma_wait3A_86] : memref<5120xi32, #tpu.memory_space<vmem>> -> memref<128xi32, #tpu.memory_space<vmem>>
    %dma_wait3A_88 = arith.constant 0 : i32
    %dma_wait3A_89 = arith.constant 0 : i32
    %dma_wait3A_90 = tpu.memref_slice %arg2[%dma_wait3A_88, %dma_wait3A_89] : memref<10000x128xf32, #tpu.memory_space<hbm>> -> memref<10000x128xf32, #tpu.memory_space<hbm>>
    tpu.wait_indirect_dma semaphore(%arg13 : memref<!tpu.dma_semaphore, #tpu.memory_space<semaphore_mem>>) src(%dma_wait3A_90 : memref<10000x128xf32, #tpu.memory_space<hbm>>) dst(%arg10 : memref<128x128xf32, #tpu.memory_space<vmem>>)
    "tpu.region"() ({
      %run_scoped3A = tpu.sem_alloc : memref<!tpu.dma_semaphore, #tpu.memory_space<semaphore_mem>>
      %dma_start3A_97 = arith.constant 4864 : i32
      %dma_start3A_98 = tpu.memref_slice %arg9[%dma_start3A_97] : memref<5120xi32, #tpu.memory_space<vmem>> -> memref<128xi32, #tpu.memory_space<vmem>>
      %dma_start3A_99 = arith.constant 0 : i32
      %dma_start3A_100 = arith.constant 0 : i32
      %dma_start3A_101 = tpu.memref_slice %arg12[%dma_start3A_99, %dma_start3A_100] : memref<10240x128xf32, #tpu.memory_space<vmem_shared>> -> memref<10240x128xf32, #tpu.memory_space<vmem_shared>>
      tpu.enqueue_indirect_dma source(%arg10 : memref<128x128xf32, #tpu.memory_space<vmem>>) target(%dma_start3A_101 : memref<10240x128xf32, #tpu.memory_space<vmem_shared>>) offsets(%dma_start3A_98 : memref<128xi32, #tpu.memory_space<vmem>>) semaphore(%run_scoped3A : memref<!tpu.dma_semaphore, #tpu.memory_space<semaphore_mem>>) {add = true}
      %dma_wait3A_102 = arith.constant 4864 : i32
      %dma_wait3A_103 = tpu.memref_slice %arg9[%dma_wait3A_102] : memref<5120xi32, #tpu.memory_space<vmem>> -> memref<128xi32, #tpu.memory_space<vmem>>
      %dma_wait3A_104 = arith.constant 0 : i32
      %dma_wait3A_105 = arith.constant 0 : i32
      %dma_wait3A_106 = tpu.memref_slice %arg12[%dma_wait3A_104, %dma_wait3A_105] : memref<10240x128xf32, #tpu.memory_space<vmem_shared>> -> memref<10240x128xf32, #tpu.memory_space<vmem_shared>>
      tpu.wait_indirect_dma semaphore(%run_scoped3A : memref<!tpu.dma_semaphore, #tpu.memory_space<semaphore_mem>>) src(%arg10 : memref<128x128xf32, #tpu.memory_space<vmem>>) dst(%dma_wait3A_106 : memref<10240x128xf32, #tpu.memory_space<vmem_shared>>)
      tpu.yield
    }) : () -> ()
    %dma_wait3A_91 = arith.constant 0 : i32
    %dma_wait3A_92 = tpu.memref_slice %arg8[%dma_wait3A_91] : memref<5120xi32, #tpu.memory_space<vmem>> -> memref<128xi32, #tpu.memory_space<vmem>>
    %dma_wait3A_93 = arith.constant 0 : i32
    %dma_wait3A_94 = arith.constant 0 : i32
    %dma_wait3A_95 = tpu.memref_slice %arg2[%dma_wait3A_93, %dma_wait3A_94] : memref<10000x128xf32, #tpu.memory_space<hbm>> -> memref<10000x128xf32, #tpu.memory_space<hbm>>
    tpu.wait_indirect_dma semaphore(%arg14 : memref<!tpu.dma_semaphore, #tpu.memory_space<semaphore_mem>>) src(%dma_wait3A_95 : memref<10000x128xf32, #tpu.memory_space<hbm>>) dst(%arg11 : memref<128x128xf32, #tpu.memory_space<vmem>>)
    "tpu.region"() ({
      %run_scoped3A = tpu.sem_alloc : memref<!tpu.dma_semaphore, #tpu.memory_space<semaphore_mem>>
      %dma_start3A_97 = arith.constant 4992 : i32
      %dma_start3A_98 = tpu.memref_slice %arg9[%dma_start3A_97] : memref<5120xi32, #tpu.memory_space<vmem>> -> memref<128xi32, #tpu.memory_space<vmem>>
      %dma_start3A_99 = arith.constant 0 : i32
      %dma_start3A_100 = arith.constant 0 : i32
      %dma_start3A_101 = tpu.memref_slice %arg12[%dma_start3A_99, %dma_start3A_100] : memref<10240x128xf32, #tpu.memory_space<vmem_shared>> -> memref<10240x128xf32, #tpu.memory_space<vmem_shared>>
      tpu.enqueue_indirect_dma source(%arg11 : memref<128x128xf32, #tpu.memory_space<vmem>>) target(%dma_start3A_101 : memref<10240x128xf32, #tpu.memory_space<vmem_shared>>) offsets(%dma_start3A_98 : memref<128xi32, #tpu.memory_space<vmem>>) semaphore(%run_scoped3A : memref<!tpu.dma_semaphore, #tpu.memory_space<semaphore_mem>>) {add = true}
      %dma_wait3A_102 = arith.constant 4992 : i32
      %dma_wait3A_103 = tpu.memref_slice %arg9[%dma_wait3A_102] : memref<5120xi32, #tpu.memory_space<vmem>> -> memref<128xi32, #tpu.memory_space<vmem>>
      %dma_wait3A_104 = arith.constant 0 : i32
      %dma_wait3A_105 = arith.constant 0 : i32
      %dma_wait3A_106 = tpu.memref_slice %arg12[%dma_wait3A_104, %dma_wait3A_105] : memref<10240x128xf32, #tpu.memory_space<vmem_shared>> -> memref<10240x128xf32, #tpu.memory_space<vmem_shared>>
      tpu.wait_indirect_dma semaphore(%run_scoped3A : memref<!tpu.dma_semaphore, #tpu.memory_space<semaphore_mem>>) src(%arg11 : memref<128x128xf32, #tpu.memory_space<vmem>>) dst(%dma_wait3A_106 : memref<10240x128xf32, #tpu.memory_space<vmem_shared>>)
      tpu.yield
    }) : () -> ()
    %barrier3A_96 = arith.constant 0 : index
    tpu.barrier barrier_id(%barrier3A_96)
    "tpu.region"() ({
      %run_scoped3A = tpu.sem_alloc : memref<!tpu.dma_semaphore, #tpu.memory_space<semaphore_mem>>
      %dma_start3A_97 = arith.constant 0 : i32
      %dma_start3A_98 = tpu.memref_slice %arg7[%arg0, %mul3A_2, %dma_start3A_97] : memref<2x10240x128xf32, #tpu.memory_space<hbm>> -> memref<1x640x128xf32, #tpu.memory_space<hbm>>
      %dma_start3A_99 = tpu.memref_squeeze %dma_start3A_98 : memref<1x640x128xf32, #tpu.memory_space<hbm>> -> memref<640x128xf32, #tpu.memory_space<hbm>>
      %dma_start3A_100 = arith.constant 0 : i32
      %dma_start3A_101 = tpu.memref_slice %arg12[%mul3A_2, %dma_start3A_100] : memref<10240x128xf32, #tpu.memory_space<vmem_shared>> -> memref<640x128xf32, #tpu.memory_space<vmem_shared>>
      tpu.enqueue_dma source(%dma_start3A_101 : memref<640x128xf32, #tpu.memory_space<vmem_shared>>) target(%dma_start3A_99 : memref<640x128xf32, #tpu.memory_space<hbm>>) target_semaphore(%run_scoped3A : memref<!tpu.dma_semaphore, #tpu.memory_space<semaphore_mem>>)
      %dma_wait3A_102 = arith.constant 0 : i32
      %dma_wait3A_103 = tpu.memref_slice %arg7[%arg0, %mul3A_2, %dma_wait3A_102] : memref<2x10240x128xf32, #tpu.memory_space<hbm>> -> memref<1x640x128xf32, #tpu.memory_space<hbm>>
      %dma_wait3A_104 = tpu.memref_squeeze %dma_wait3A_103 : memref<1x640x128xf32, #tpu.memory_space<hbm>> -> memref<640x128xf32, #tpu.memory_space<hbm>>
      %dma_wait3A_105 = arith.constant 0 : i32
      %dma_wait3A_106 = tpu.memref_slice %arg12[%mul3A_2, %dma_wait3A_105] : memref<10240x128xf32, #tpu.memory_space<vmem_shared>> -> memref<640x128xf32, #tpu.memory_space<vmem_shared>>
      tpu.wait_dma2 semaphore(%run_scoped3A : memref<!tpu.dma_semaphore, #tpu.memory_space<semaphore_mem>>) src(%dma_wait3A_106 : memref<640x128xf32, #tpu.memory_space<vmem_shared>>) dst(%dma_wait3A_104 : memref<640x128xf32, #tpu.memory_space<hbm>>)
      tpu.yield
    }) : () -> ()
    return
  }
}

#map = affine_map<(d0, d1) -> (0, 0)>
#map1 = affine_map<(d0, d1) -> (0)>
#map2 = affine_map<(d0, d1) -> (0, 0, 0)>
module attributes {stable_mosaic.version = 14 : i64} {
  func.func @_sc_scatter_add(%arg0: i32, %arg1: i32, %arg2: memref<10000x128xf32, #tpu.memory_space<hbm>>, %arg3: memref<2x320000xi32, #tpu.memory_space<hbm>>, %arg4: memref<7680xi32, #tpu.memory_space<hbm>>, %arg5: memref<7680xi32, #tpu.memory_space<hbm>>, %arg6: memref<2048x128xf32, #tpu.memory_space<hbm>>, %arg7: memref<2x10240x128xf32, #tpu.memory_space<hbm>>, %arg8: memref<5120xi32, #tpu.memory_space<vmem>>, %arg9: memref<5120xi32, #tpu.memory_space<vmem>>, %arg10: memref<128x128xf32, #tpu.memory_space<vmem>>, %arg11: memref<128x128xf32, #tpu.memory_space<vmem>>, %arg12: memref<10240x128xf32, #tpu.memory_space<vmem_shared>>, %arg13: memref<!tpu.dma_semaphore, #tpu.memory_space<semaphore_mem>>, %arg14: memref<!tpu.dma_semaphore, #tpu.memory_space<semaphore_mem>>, %arg15: memref<!tpu.dma_semaphore, #tpu.memory_space<semaphore_mem>>) attributes {dimension_semantics = [#tpu.dimension_semantics<core_parallel>, #tpu.dimension_semantics<subcore_parallel>], iteration_bounds = array<i64: 2, 16>, scalar_prefetch = 0 : i64, scratch_operands = 8 : i64, tpu.core_type = #tpu.core_type<sc_vector_subcore>, window_params = [{transform_indices = #map}, {transform_indices = #map}, {transform_indices = #map1}, {transform_indices = #map1}, {transform_indices = #map}, {transform_indices = #map2}]} {
    %mul3A = arith.constant 16 : i32
    %mul3A_0 = arith.muli %arg0, %mul3A : i32
    %add3A = arith.addi %mul3A_0, %arg1 : i32
    %mul3A_1 = arith.constant 640 : i32
    %mul3A_2 = arith.muli %arg1, %mul3A_1 : i32
    %mul3A_3 = arith.constant 10240 : i32
    %mul3A_4 = arith.muli %add3A, %mul3A_3 : i32
    %eq3A = arith.constant 31 : i32
    %eq3A_5 = arith.cmpi eq, %add3A, %eq3A : i32
    %not3A = arith.constant true
    %not3A_6 = arith.xori %eq3A_5, %not3A : i1
    %convert_element_type3A = arith.extui %not3A_6 : i1 to i32
    %cond3A = arith.constant 0 : i32
    %cond3A_7 = arith.cmpi ne, %convert_element_type3A, %cond3A : i32
    scf.if %cond3A_7 {
      %add3A_97 = arith.constant 0 : i32
      %add3A_98 = arith.addi %mul3A_4, %add3A_97 : i32
      %dma_start3A_99 = arith.constant 0 : i32
      %dma_start3A_100 = tpu.memref_slice %arg3[%dma_start3A_99, %add3A_98] : memref<2x320000xi32, #tpu.memory_space<hbm>> -> memref<1x5120xi32, #tpu.memory_space<hbm>>
      %dma_start3A_101 = tpu.memref_squeeze %dma_start3A_100 : memref<1x5120xi32, #tpu.memory_space<hbm>> -> memref<5120xi32, #tpu.memory_space<hbm>>
      %dma_start3A_102 = tpu.memref_slice %arg3[%dma_start3A_99, %add3A_98] : memref<2x320000xi32, #tpu.memory_space<hbm>> -> memref<1x5120xi32, #tpu.memory_space<hbm>>
      %dma_start3A_103 = tpu.memref_squeeze %dma_start3A_102 : memref<1x5120xi32, #tpu.memory_space<hbm>> -> memref<5120xi32, #tpu.memory_space<hbm>>
      tpu.enqueue_dma source(%dma_start3A_103 : memref<5120xi32, #tpu.memory_space<hbm>>) target(%arg8 : memref<5120xi32, #tpu.memory_space<vmem>>) target_semaphore(%arg15 : memref<!tpu.dma_semaphore, #tpu.memory_space<semaphore_mem>>)
      %add3A_104 = arith.constant 0 : i32
      %add3A_105 = arith.addi %mul3A_4, %add3A_104 : i32
      %dma_start3A_106 = arith.constant 1 : i32
      %dma_start3A_107 = tpu.memref_slice %arg3[%dma_start3A_106, %add3A_105] : memref<2x320000xi32, #tpu.memory_space<hbm>> -> memref<1x5120xi32, #tpu.memory_space<hbm>>
      %dma_start3A_108 = tpu.memref_squeeze %dma_start3A_107 : memref<1x5120xi32, #tpu.memory_space<hbm>> -> memref<5120xi32, #tpu.memory_space<hbm>>
      %dma_start3A_109 = tpu.memref_slice %arg3[%dma_start3A_106, %add3A_105] : memref<2x320000xi32, #tpu.memory_space<hbm>> -> memref<1x5120xi32, #tpu.memory_space<hbm>>
      %dma_start3A_110 = tpu.memref_squeeze %dma_start3A_109 : memref<1x5120xi32, #tpu.memory_space<hbm>> -> memref<5120xi32, #tpu.memory_space<hbm>>
      tpu.enqueue_dma source(%dma_start3A_110 : memref<5120xi32, #tpu.memory_space<hbm>>) target(%arg9 : memref<5120xi32, #tpu.memory_space<vmem>>) target_semaphore(%arg15 : memref<!tpu.dma_semaphore, #tpu.memory_space<semaphore_mem>>)
    } else {
    }
    %convert_element_type3A_8 = arith.extui %eq3A_5 : i1 to i32
    %cond3A_9 = arith.constant 0 : i32
    %cond3A_10 = arith.cmpi ne, %convert_element_type3A_8, %cond3A_9 : i32
    scf.if %cond3A_10 {
      %dma_start3A_97 = arith.constant 0 : i32
      %dma_start3A_98 = arith.constant 0 : i32
      %dma_start3A_99 = tpu.memref_slice %arg8[%dma_start3A_98] : memref<5120xi32, #tpu.memory_space<vmem>> -> memref<2560xi32, #tpu.memory_space<vmem>>
      %dma_start3A_100 = tpu.memref_slice %arg3[%dma_start3A_97, %mul3A_4] : memref<2x320000xi32, #tpu.memory_space<hbm>> -> memref<1x2560xi32, #tpu.memory_space<hbm>>
      %dma_start3A_101 = tpu.memref_squeeze %dma_start3A_100 : memref<1x2560xi32, #tpu.memory_space<hbm>> -> memref<2560xi32, #tpu.memory_space<hbm>>
      %dma_start3A_102 = arith.constant 0 : i32
      %dma_start3A_103 = tpu.memref_slice %arg8[%dma_start3A_102] : memref<5120xi32, #tpu.memory_space<vmem>> -> memref<2560xi32, #tpu.memory_space<vmem>>
      %dma_start3A_104 = tpu.memref_slice %arg3[%dma_start3A_97, %mul3A_4] : memref<2x320000xi32, #tpu.memory_space<hbm>> -> memref<1x2560xi32, #tpu.memory_space<hbm>>
      %dma_start3A_105 = tpu.memref_squeeze %dma_start3A_104 : memref<1x2560xi32, #tpu.memory_space<hbm>> -> memref<2560xi32, #tpu.memory_space<hbm>>
      tpu.enqueue_dma source(%dma_start3A_105 : memref<2560xi32, #tpu.memory_space<hbm>>) target(%dma_start3A_103 : memref<2560xi32, #tpu.memory_space<vmem>>) target_semaphore(%arg15 : memref<!tpu.dma_semaphore, #tpu.memory_space<semaphore_mem>>)
      %dma_start3A_106 = arith.constant 2560 : i32
      %dma_start3A_107 = tpu.memref_slice %arg8[%dma_start3A_106] : memref<5120xi32, #tpu.memory_space<vmem>> -> memref<2560xi32, #tpu.memory_space<vmem>>
      %dma_start3A_108 = arith.constant 0 : i32
      %dma_start3A_109 = tpu.memref_slice %arg4[%dma_start3A_108] : memref<7680xi32, #tpu.memory_space<hbm>> -> memref<2560xi32, #tpu.memory_space<hbm>>
      %dma_start3A_110 = arith.constant 2560 : i32
      %dma_start3A_111 = tpu.memref_slice %arg8[%dma_start3A_110] : memref<5120xi32, #tpu.memory_space<vmem>> -> memref<2560xi32, #tpu.memory_space<vmem>>
      %dma_start3A_112 = arith.constant 0 : i32
      %dma_start3A_113 = tpu.memref_slice %arg4[%dma_start3A_112] : memref<7680xi32, #tpu.memory_space<hbm>> -> memref<2560xi32, #tpu.memory_space<hbm>>
      tpu.enqueue_dma source(%dma_start3A_113 : memref<2560xi32, #tpu.memory_space<hbm>>) target(%dma_start3A_111 : memref<2560xi32, #tpu.memory_space<vmem>>) target_semaphore(%arg15 : memref<!tpu.dma_semaphore, #tpu.memory_space<semaphore_mem>>)
      %dma_start3A_114 = arith.constant 1 : i32
      %dma_start3A_115 = arith.constant 0 : i32
      %dma_start3A_116 = tpu.memref_slice %arg9[%dma_start3A_115] : memref<5120xi32, #tpu.memory_space<vmem>> -> memref<2560xi32, #tpu.memory_space<vmem>>
      %dma_start3A_117 = tpu.memref_slice %arg3[%dma_start3A_114, %mul3A_4] : memref<2x320000xi32, #tpu.memory_space<hbm>> -> memref<1x2560xi32, #tpu.memory_space<hbm>>
      %dma_start3A_118 = tpu.memref_squeeze %dma_start3A_117 : memref<1x2560xi32, #tpu.memory_space<hbm>> -> memref<2560xi32, #tpu.memory_space<hbm>>
      %dma_start3A_119 = arith.constant 0 : i32
      %dma_start3A_120 = tpu.memref_slice %arg9[%dma_start3A_119] : memref<5120xi32, #tpu.memory_space<vmem>> -> memref<2560xi32, #tpu.memory_space<vmem>>
      %dma_start3A_121 = tpu.memref_slice %arg3[%dma_start3A_114, %mul3A_4] : memref<2x320000xi32, #tpu.memory_space<hbm>> -> memref<1x2560xi32, #tpu.memory_space<hbm>>
      %dma_start3A_122 = tpu.memref_squeeze %dma_start3A_121 : memref<1x2560xi32, #tpu.memory_space<hbm>> -> memref<2560xi32, #tpu.memory_space<hbm>>
      tpu.enqueue_dma source(%dma_start3A_122 : memref<2560xi32, #tpu.memory_space<hbm>>) target(%dma_start3A_120 : memref<2560xi32, #tpu.memory_space<vmem>>) target_semaphore(%arg15 : memref<!tpu.dma_semaphore, #tpu.memory_space<semaphore_mem>>)
      %dma_start3A_123 = arith.constant 2560 : i32
      %dma_start3A_124 = tpu.memref_slice %arg9[%dma_start3A_123] : memref<5120xi32, #tpu.memory_space<vmem>> -> memref<2560xi32, #tpu.memory_space<vmem>>
      %dma_start3A_125 = arith.constant 0 : i32
      %dma_start3A_126 = tpu.memref_slice %arg5[%dma_start3A_125] : memref<7680xi32, #tpu.memory_space<hbm>> -> memref<2560xi32, #tpu.memory_space<hbm>>
      %dma_start3A_127 = arith.constant 2560 : i32
      %dma_start3A_128 = tpu.memref_slice %arg9[%dma_start3A_127] : memref<5120xi32, #tpu.memory_space<vmem>> -> memref<2560xi32, #tpu.memory_space<vmem>>
      %dma_start3A_129 = arith.constant 0 : i32
      %dma_start3A_130 = tpu.memref_slice %arg5[%dma_start3A_129] : memref<7680xi32, #tpu.memory_space<hbm>> -> memref<2560xi32, #tpu.memory_space<hbm>>
      tpu.enqueue_dma source(%dma_start3A_130 : memref<2560xi32, #tpu.memory_space<hbm>>) target(%dma_start3A_128 : memref<2560xi32, #tpu.memory_space<vmem>>) target_semaphore(%arg15 : memref<!tpu.dma_semaphore, #tpu.memory_space<semaphore_mem>>)
    } else {
    }
    %mul3A_11 = arith.constant 128 : i32
    %mul3A_12 = arith.muli %arg1, %mul3A_11 : i32
    "tpu.region"() ({
      %run_scoped3A = tpu.sem_alloc : memref<!tpu.dma_semaphore, #tpu.memory_space<semaphore_mem>>
      %dma_start3A_97 = arith.constant 0 : i32
      %dma_start3A_98 = tpu.memref_slice %arg6[%mul3A_12, %dma_start3A_97] : memref<2048x128xf32, #tpu.memory_space<hbm>> -> memref<128x128xf32, #tpu.memory_space<hbm>>
      %dma_start3A_99 = arith.constant 0 : i32
      %dma_start3A_100 = tpu.memref_slice %arg6[%mul3A_12, %dma_start3A_99] : memref<2048x128xf32, #tpu.memory_space<hbm>> -> memref<128x128xf32, #tpu.memory_space<hbm>>
      tpu.enqueue_dma source(%dma_start3A_100 : memref<128x128xf32, #tpu.memory_space<hbm>>) target(%arg10 : memref<128x128xf32, #tpu.memory_space<vmem>>) target_semaphore(%run_scoped3A : memref<!tpu.dma_semaphore, #tpu.memory_space<semaphore_mem>>)
      %dma_wait3A_101 = arith.constant 0 : i32
      %dma_wait3A_102 = tpu.memref_slice %arg6[%mul3A_12, %dma_wait3A_101] : memref<2048x128xf32, #tpu.memory_space<hbm>> -> memref<128x128xf32, #tpu.memory_space<hbm>>
      %dma_wait3A_103 = arith.constant 0 : i32
      %dma_wait3A_104 = tpu.memref_slice %arg6[%mul3A_12, %dma_wait3A_103] : memref<2048x128xf32, #tpu.memory_space<hbm>> -> memref<128x128xf32, #tpu.memory_space<hbm>>
      tpu.wait_dma2 semaphore(%run_scoped3A : memref<!tpu.dma_semaphore, #tpu.memory_space<semaphore_mem>>) src(%dma_wait3A_104 : memref<128x128xf32, #tpu.memory_space<hbm>>) dst(%arg10 : memref<128x128xf32, #tpu.memory_space<vmem>>)
      tpu.yield
    }) : () -> ()
    %add3A_13 = arith.constant 0 : i32
    %add3A_14 = arith.addi %mul3A_2, %add3A_13 : i32
    "tpu.region"() ({
      %run_scoped3A = tpu.sem_alloc : memref<!tpu.dma_semaphore, #tpu.memory_space<semaphore_mem>>
      %dma_start3A_97 = arith.constant 0 : i32
      %dma_start3A_98 = tpu.memref_slice %arg12[%add3A_14, %dma_start3A_97] : memref<10240x128xf32, #tpu.memory_space<vmem_shared>> -> memref<128x128xf32, #tpu.memory_space<vmem_shared>>
      %dma_start3A_99 = arith.constant 0 : i32
      %dma_start3A_100 = tpu.memref_slice %arg12[%add3A_14, %dma_start3A_99] : memref<10240x128xf32, #tpu.memory_space<vmem_shared>> -> memref<128x128xf32, #tpu.memory_space<vmem_shared>>
      tpu.enqueue_dma source(%arg10 : memref<128x128xf32, #tpu.memory_space<vmem>>) target(%dma_start3A_100 : memref<128x128xf32, #tpu.memory_space<vmem_shared>>) target_semaphore(%run_scoped3A : memref<!tpu.dma_semaphore, #tpu.memory_space<semaphore_mem>>)
      %dma_wait3A_101 = arith.constant 0 : i32
      %dma_wait3A_102 = tpu.memref_slice %arg12[%add3A_14, %dma_wait3A_101] : memref<10240x128xf32, #tpu.memory_space<vmem_shared>> -> memref<128x128xf32, #tpu.memory_space<vmem_shared>>
      %dma_wait3A_103 = arith.constant 0 : i32
      %dma_wait3A_104 = tpu.memref_slice %arg12[%add3A_14, %dma_wait3A_103] : memref<10240x128xf32, #tpu.memory_space<vmem_shared>> -> memref<128x128xf32, #tpu.memory_space<vmem_shared>>
      tpu.wait_dma2 semaphore(%run_scoped3A : memref<!tpu.dma_semaphore, #tpu.memory_space<semaphore_mem>>) src(%arg10 : memref<128x128xf32, #tpu.memory_space<vmem>>) dst(%dma_wait3A_104 : memref<128x128xf32, #tpu.memory_space<vmem_shared>>)
      tpu.yield
    }) : () -> ()
    %add3A_15 = arith.constant 128 : i32
    %add3A_16 = arith.addi %mul3A_2, %add3A_15 : i32
    "tpu.region"() ({
      %run_scoped3A = tpu.sem_alloc : memref<!tpu.dma_semaphore, #tpu.memory_space<semaphore_mem>>
      %dma_start3A_97 = arith.constant 0 : i32
      %dma_start3A_98 = tpu.memref_slice %arg12[%add3A_16, %dma_start3A_97] : memref<10240x128xf32, #tpu.memory_space<vmem_shared>> -> memref<128x128xf32, #tpu.memory_space<vmem_shared>>
      %dma_start3A_99 = arith.constant 0 : i32
      %dma_start3A_100 = tpu.memref_slice %arg12[%add3A_16, %dma_start3A_99] : memref<10240x128xf32, #tpu.memory_space<vmem_shared>> -> memref<128x128xf32, #tpu.memory_space<vmem_shared>>
      tpu.enqueue_dma source(%arg10 : memref<128x128xf32, #tpu.memory_space<vmem>>) target(%dma_start3A_100 : memref<128x128xf32, #tpu.memory_space<vmem_shared>>) target_semaphore(%run_scoped3A : memref<!tpu.dma_semaphore, #tpu.memory_space<semaphore_mem>>)
      %dma_wait3A_101 = arith.constant 0 : i32
      %dma_wait3A_102 = tpu.memref_slice %arg12[%add3A_16, %dma_wait3A_101] : memref<10240x128xf32, #tpu.memory_space<vmem_shared>> -> memref<128x128xf32, #tpu.memory_space<vmem_shared>>
      %dma_wait3A_103 = arith.constant 0 : i32
      %dma_wait3A_104 = tpu.memref_slice %arg12[%add3A_16, %dma_wait3A_103] : memref<10240x128xf32, #tpu.memory_space<vmem_shared>> -> memref<128x128xf32, #tpu.memory_space<vmem_shared>>
      tpu.wait_dma2 semaphore(%run_scoped3A : memref<!tpu.dma_semaphore, #tpu.memory_space<semaphore_mem>>) src(%arg10 : memref<128x128xf32, #tpu.memory_space<vmem>>) dst(%dma_wait3A_104 : memref<128x128xf32, #tpu.memory_space<vmem_shared>>)
      tpu.yield
    }) : () -> ()
    %add3A_17 = arith.constant 256 : i32
    %add3A_18 = arith.addi %mul3A_2, %add3A_17 : i32
    "tpu.region"() ({
      %run_scoped3A = tpu.sem_alloc : memref<!tpu.dma_semaphore, #tpu.memory_space<semaphore_mem>>
      %dma_start3A_97 = arith.constant 0 : i32
      %dma_start3A_98 = tpu.memref_slice %arg12[%add3A_18, %dma_start3A_97] : memref<10240x128xf32, #tpu.memory_space<vmem_shared>> -> memref<128x128xf32, #tpu.memory_space<vmem_shared>>
      %dma_start3A_99 = arith.constant 0 : i32
      %dma_start3A_100 = tpu.memref_slice %arg12[%add3A_18, %dma_start3A_99] : memref<10240x128xf32, #tpu.memory_space<vmem_shared>> -> memref<128x128xf32, #tpu.memory_space<vmem_shared>>
      tpu.enqueue_dma source(%arg10 : memref<128x128xf32, #tpu.memory_space<vmem>>) target(%dma_start3A_100 : memref<128x128xf32, #tpu.memory_space<vmem_shared>>) target_semaphore(%run_scoped3A : memref<!tpu.dma_semaphore, #tpu.memory_space<semaphore_mem>>)
      %dma_wait3A_101 = arith.constant 0 : i32
      %dma_wait3A_102 = tpu.memref_slice %arg12[%add3A_18, %dma_wait3A_101] : memref<10240x128xf32, #tpu.memory_space<vmem_shared>> -> memref<128x128xf32, #tpu.memory_space<vmem_shared>>
      %dma_wait3A_103 = arith.constant 0 : i32
      %dma_wait3A_104 = tpu.memref_slice %arg12[%add3A_18, %dma_wait3A_103] : memref<10240x128xf32, #tpu.memory_space<vmem_shared>> -> memref<128x128xf32, #tpu.memory_space<vmem_shared>>
      tpu.wait_dma2 semaphore(%run_scoped3A : memref<!tpu.dma_semaphore, #tpu.memory_space<semaphore_mem>>) src(%arg10 : memref<128x128xf32, #tpu.memory_space<vmem>>) dst(%dma_wait3A_104 : memref<128x128xf32, #tpu.memory_space<vmem_shared>>)
      tpu.yield
    }) : () -> ()
    %add3A_19 = arith.constant 384 : i32
    %add3A_20 = arith.addi %mul3A_2, %add3A_19 : i32
    "tpu.region"() ({
      %run_scoped3A = tpu.sem_alloc : memref<!tpu.dma_semaphore, #tpu.memory_space<semaphore_mem>>
      %dma_start3A_97 = arith.constant 0 : i32
      %dma_start3A_98 = tpu.memref_slice %arg12[%add3A_20, %dma_start3A_97] : memref<10240x128xf32, #tpu.memory_space<vmem_shared>> -> memref<128x128xf32, #tpu.memory_space<vmem_shared>>
      %dma_start3A_99 = arith.constant 0 : i32
      %dma_start3A_100 = tpu.memref_slice %arg12[%add3A_20, %dma_start3A_99] : memref<10240x128xf32, #tpu.memory_space<vmem_shared>> -> memref<128x128xf32, #tpu.memory_space<vmem_shared>>
      tpu.enqueue_dma source(%arg10 : memref<128x128xf32, #tpu.memory_space<vmem>>) target(%dma_start3A_100 : memref<128x128xf32, #tpu.memory_space<vmem_shared>>) target_semaphore(%run_scoped3A : memref<!tpu.dma_semaphore, #tpu.memory_space<semaphore_mem>>)
      %dma_wait3A_101 = arith.constant 0 : i32
      %dma_wait3A_102 = tpu.memref_slice %arg12[%add3A_20, %dma_wait3A_101] : memref<10240x128xf32, #tpu.memory_space<vmem_shared>> -> memref<128x128xf32, #tpu.memory_space<vmem_shared>>
      %dma_wait3A_103 = arith.constant 0 : i32
      %dma_wait3A_104 = tpu.memref_slice %arg12[%add3A_20, %dma_wait3A_103] : memref<10240x128xf32, #tpu.memory_space<vmem_shared>> -> memref<128x128xf32, #tpu.memory_space<vmem_shared>>
      tpu.wait_dma2 semaphore(%run_scoped3A : memref<!tpu.dma_semaphore, #tpu.memory_space<semaphore_mem>>) src(%arg10 : memref<128x128xf32, #tpu.memory_space<vmem>>) dst(%dma_wait3A_104 : memref<128x128xf32, #tpu.memory_space<vmem_shared>>)
      tpu.yield
    }) : () -> ()
    %add3A_21 = arith.constant 512 : i32
    %add3A_22 = arith.addi %mul3A_2, %add3A_21 : i32
    "tpu.region"() ({
      %run_scoped3A = tpu.sem_alloc : memref<!tpu.dma_semaphore, #tpu.memory_space<semaphore_mem>>
      %dma_start3A_97 = arith.constant 0 : i32
      %dma_start3A_98 = tpu.memref_slice %arg12[%add3A_22, %dma_start3A_97] : memref<10240x128xf32, #tpu.memory_space<vmem_shared>> -> memref<128x128xf32, #tpu.memory_space<vmem_shared>>
      %dma_start3A_99 = arith.constant 0 : i32
      %dma_start3A_100 = tpu.memref_slice %arg12[%add3A_22, %dma_start3A_99] : memref<10240x128xf32, #tpu.memory_space<vmem_shared>> -> memref<128x128xf32, #tpu.memory_space<vmem_shared>>
      tpu.enqueue_dma source(%arg10 : memref<128x128xf32, #tpu.memory_space<vmem>>) target(%dma_start3A_100 : memref<128x128xf32, #tpu.memory_space<vmem_shared>>) target_semaphore(%run_scoped3A : memref<!tpu.dma_semaphore, #tpu.memory_space<semaphore_mem>>)
      %dma_wait3A_101 = arith.constant 0 : i32
      %dma_wait3A_102 = tpu.memref_slice %arg12[%add3A_22, %dma_wait3A_101] : memref<10240x128xf32, #tpu.memory_space<vmem_shared>> -> memref<128x128xf32, #tpu.memory_space<vmem_shared>>
      %dma_wait3A_103 = arith.constant 0 : i32
      %dma_wait3A_104 = tpu.memref_slice %arg12[%add3A_22, %dma_wait3A_103] : memref<10240x128xf32, #tpu.memory_space<vmem_shared>> -> memref<128x128xf32, #tpu.memory_space<vmem_shared>>
      tpu.wait_dma2 semaphore(%run_scoped3A : memref<!tpu.dma_semaphore, #tpu.memory_space<semaphore_mem>>) src(%arg10 : memref<128x128xf32, #tpu.memory_space<vmem>>) dst(%dma_wait3A_104 : memref<128x128xf32, #tpu.memory_space<vmem_shared>>)
      tpu.yield
    }) : () -> ()
    %not3A_23 = arith.constant true
    %not3A_24 = arith.xori %eq3A_5, %not3A_23 : i1
    %convert_element_type3A_25 = arith.extui %not3A_24 : i1 to i32
    %cond3A_26 = arith.constant 0 : i32
    %cond3A_27 = arith.cmpi ne, %convert_element_type3A_25, %cond3A_26 : i32
    scf.if %cond3A_27 {
      %add3A_97 = arith.constant 0 : i32
      %add3A_98 = arith.addi %mul3A_4, %add3A_97 : i32
      %dma_wait3A_99 = arith.constant 0 : i32
      %dma_wait3A_100 = tpu.memref_slice %arg3[%dma_wait3A_99, %add3A_98] : memref<2x320000xi32, #tpu.memory_space<hbm>> -> memref<1x5120xi32, #tpu.memory_space<hbm>>
      %dma_wait3A_101 = tpu.memref_squeeze %dma_wait3A_100 : memref<1x5120xi32, #tpu.memory_space<hbm>> -> memref<5120xi32, #tpu.memory_space<hbm>>
      %dma_wait3A_102 = tpu.memref_slice %arg3[%dma_wait3A_99, %add3A_98] : memref<2x320000xi32, #tpu.memory_space<hbm>> -> memref<1x5120xi32, #tpu.memory_space<hbm>>
      %dma_wait3A_103 = tpu.memref_squeeze %dma_wait3A_102 : memref<1x5120xi32, #tpu.memory_space<hbm>> -> memref<5120xi32, #tpu.memory_space<hbm>>
      tpu.wait_dma2 semaphore(%arg15 : memref<!tpu.dma_semaphore, #tpu.memory_space<semaphore_mem>>) src(%dma_wait3A_103 : memref<5120xi32, #tpu.memory_space<hbm>>) dst(%arg8 : memref<5120xi32, #tpu.memory_space<vmem>>)
      %add3A_104 = arith.constant 0 : i32
      %add3A_105 = arith.addi %mul3A_4, %add3A_104 : i32
      %dma_wait3A_106 = arith.constant 1 : i32
      %dma_wait3A_107 = tpu.memref_slice %arg3[%dma_wait3A_106, %add3A_105] : memref<2x320000xi32, #tpu.memory_space<hbm>> -> memref<1x5120xi32, #tpu.memory_space<hbm>>
      %dma_wait3A_108 = tpu.memref_squeeze %dma_wait3A_107 : memref<1x5120xi32, #tpu.memory_space<hbm>> -> memref<5120xi32, #tpu.memory_space<hbm>>
      %dma_wait3A_109 = tpu.memref_slice %arg3[%dma_wait3A_106, %add3A_105] : memref<2x320000xi32, #tpu.memory_space<hbm>> -> memref<1x5120xi32, #tpu.memory_space<hbm>>
      %dma_wait3A_110 = tpu.memref_squeeze %dma_wait3A_109 : memref<1x5120xi32, #tpu.memory_space<hbm>> -> memref<5120xi32, #tpu.memory_space<hbm>>
      tpu.wait_dma2 semaphore(%arg15 : memref<!tpu.dma_semaphore, #tpu.memory_space<semaphore_mem>>) src(%dma_wait3A_110 : memref<5120xi32, #tpu.memory_space<hbm>>) dst(%arg9 : memref<5120xi32, #tpu.memory_space<vmem>>)
    } else {
    }
    %convert_element_type3A_28 = arith.extui %eq3A_5 : i1 to i32
    %cond3A_29 = arith.constant 0 : i32
    %cond3A_30 = arith.cmpi ne, %convert_element_type3A_28, %cond3A_29 : i32
    scf.if %cond3A_30 {
      %dma_wait3A_97 = arith.constant 0 : i32
      %dma_wait3A_98 = arith.constant 0 : i32
      %dma_wait3A_99 = tpu.memref_slice %arg8[%dma_wait3A_98] : memref<5120xi32, #tpu.memory_space<vmem>> -> memref<2560xi32, #tpu.memory_space<vmem>>
      %dma_wait3A_100 = tpu.memref_slice %arg3[%dma_wait3A_97, %mul3A_4] : memref<2x320000xi32, #tpu.memory_space<hbm>> -> memref<1x2560xi32, #tpu.memory_space<hbm>>
      %dma_wait3A_101 = tpu.memref_squeeze %dma_wait3A_100 : memref<1x2560xi32, #tpu.memory_space<hbm>> -> memref<2560xi32, #tpu.memory_space<hbm>>
      %dma_wait3A_102 = arith.constant 0 : i32
      %dma_wait3A_103 = tpu.memref_slice %arg8[%dma_wait3A_102] : memref<5120xi32, #tpu.memory_space<vmem>> -> memref<2560xi32, #tpu.memory_space<vmem>>
      %dma_wait3A_104 = tpu.memref_slice %arg3[%dma_wait3A_97, %mul3A_4] : memref<2x320000xi32, #tpu.memory_space<hbm>> -> memref<1x2560xi32, #tpu.memory_space<hbm>>
      %dma_wait3A_105 = tpu.memref_squeeze %dma_wait3A_104 : memref<1x2560xi32, #tpu.memory_space<hbm>> -> memref<2560xi32, #tpu.memory_space<hbm>>
      tpu.wait_dma2 semaphore(%arg15 : memref<!tpu.dma_semaphore, #tpu.memory_space<semaphore_mem>>) src(%dma_wait3A_105 : memref<2560xi32, #tpu.memory_space<hbm>>) dst(%dma_wait3A_103 : memref<2560xi32, #tpu.memory_space<vmem>>)
      %dma_wait3A_106 = arith.constant 2560 : i32
      %dma_wait3A_107 = tpu.memref_slice %arg8[%dma_wait3A_106] : memref<5120xi32, #tpu.memory_space<vmem>> -> memref<2560xi32, #tpu.memory_space<vmem>>
      %dma_wait3A_108 = arith.constant 0 : i32
      %dma_wait3A_109 = tpu.memref_slice %arg4[%dma_wait3A_108] : memref<7680xi32, #tpu.memory_space<hbm>> -> memref<2560xi32, #tpu.memory_space<hbm>>
      %dma_wait3A_110 = arith.constant 2560 : i32
      %dma_wait3A_111 = tpu.memref_slice %arg8[%dma_wait3A_110] : memref<5120xi32, #tpu.memory_space<vmem>> -> memref<2560xi32, #tpu.memory_space<vmem>>
      %dma_wait3A_112 = arith.constant 0 : i32
      %dma_wait3A_113 = tpu.memref_slice %arg4[%dma_wait3A_112] : memref<7680xi32, #tpu.memory_space<hbm>> -> memref<2560xi32, #tpu.memory_space<hbm>>
      tpu.wait_dma2 semaphore(%arg15 : memref<!tpu.dma_semaphore, #tpu.memory_space<semaphore_mem>>) src(%dma_wait3A_113 : memref<2560xi32, #tpu.memory_space<hbm>>) dst(%dma_wait3A_111 : memref<2560xi32, #tpu.memory_space<vmem>>)
      %dma_wait3A_114 = arith.constant 1 : i32
      %dma_wait3A_115 = arith.constant 0 : i32
      %dma_wait3A_116 = tpu.memref_slice %arg9[%dma_wait3A_115] : memref<5120xi32, #tpu.memory_space<vmem>> -> memref<2560xi32, #tpu.memory_space<vmem>>
      %dma_wait3A_117 = tpu.memref_slice %arg3[%dma_wait3A_114, %mul3A_4] : memref<2x320000xi32, #tpu.memory_space<hbm>> -> memref<1x2560xi32, #tpu.memory_space<hbm>>
      %dma_wait3A_118 = tpu.memref_squeeze %dma_wait3A_117 : memref<1x2560xi32, #tpu.memory_space<hbm>> -> memref<2560xi32, #tpu.memory_space<hbm>>
      %dma_wait3A_119 = arith.constant 0 : i32
      %dma_wait3A_120 = tpu.memref_slice %arg9[%dma_wait3A_119] : memref<5120xi32, #tpu.memory_space<vmem>> -> memref<2560xi32, #tpu.memory_space<vmem>>
      %dma_wait3A_121 = tpu.memref_slice %arg3[%dma_wait3A_114, %mul3A_4] : memref<2x320000xi32, #tpu.memory_space<hbm>> -> memref<1x2560xi32, #tpu.memory_space<hbm>>
      %dma_wait3A_122 = tpu.memref_squeeze %dma_wait3A_121 : memref<1x2560xi32, #tpu.memory_space<hbm>> -> memref<2560xi32, #tpu.memory_space<hbm>>
      tpu.wait_dma2 semaphore(%arg15 : memref<!tpu.dma_semaphore, #tpu.memory_space<semaphore_mem>>) src(%dma_wait3A_122 : memref<2560xi32, #tpu.memory_space<hbm>>) dst(%dma_wait3A_120 : memref<2560xi32, #tpu.memory_space<vmem>>)
      %dma_wait3A_123 = arith.constant 2560 : i32
      %dma_wait3A_124 = tpu.memref_slice %arg9[%dma_wait3A_123] : memref<5120xi32, #tpu.memory_space<vmem>> -> memref<2560xi32, #tpu.memory_space<vmem>>
      %dma_wait3A_125 = arith.constant 0 : i32
      %dma_wait3A_126 = tpu.memref_slice %arg5[%dma_wait3A_125] : memref<7680xi32, #tpu.memory_space<hbm>> -> memref<2560xi32, #tpu.memory_space<hbm>>
      %dma_wait3A_127 = arith.constant 2560 : i32
      %dma_wait3A_128 = tpu.memref_slice %arg9[%dma_wait3A_127] : memref<5120xi32, #tpu.memory_space<vmem>> -> memref<2560xi32, #tpu.memory_space<vmem>>
      %dma_wait3A_129 = arith.constant 0 : i32
      %dma_wait3A_130 = tpu.memref_slice %arg5[%dma_wait3A_129] : memref<7680xi32, #tpu.memory_space<hbm>> -> memref<2560xi32, #tpu.memory_space<hbm>>
      tpu.wait_dma2 semaphore(%arg15 : memref<!tpu.dma_semaphore, #tpu.memory_space<semaphore_mem>>) src(%dma_wait3A_130 : memref<2560xi32, #tpu.memory_space<hbm>>) dst(%dma_wait3A_128 : memref<2560xi32, #tpu.memory_space<vmem>>)
    } else {
    }
    %barrier3A = arith.constant 0 : index
    tpu.barrier barrier_id(%barrier3A)
    %dma_start3A = arith.constant 0 : i32
    %dma_start3A_31 = tpu.memref_slice %arg8[%dma_start3A] : memref<5120xi32, #tpu.memory_space<vmem>> -> memref<128xi32, #tpu.memory_space<vmem>>
    %dma_start3A_32 = arith.constant 0 : i32
    %dma_start3A_33 = arith.constant 0 : i32
    %dma_start3A_34 = tpu.memref_slice %arg2[%dma_start3A_32, %dma_start3A_33] : memref<10000x128xf32, #tpu.memory_space<hbm>> -> memref<10000x128xf32, #tpu.memory_space<hbm>>
    tpu.enqueue_indirect_dma source(%dma_start3A_34 : memref<10000x128xf32, #tpu.memory_space<hbm>>) target(%arg10 : memref<128x128xf32, #tpu.memory_space<vmem>>) offsets(%dma_start3A_31 : memref<128xi32, #tpu.memory_space<vmem>>) semaphore(%arg13 : memref<!tpu.dma_semaphore, #tpu.memory_space<semaphore_mem>>)
    %dma_start3A_35 = arith.constant 128 : i32
    %dma_start3A_36 = tpu.memref_slice %arg8[%dma_start3A_35] : memref<5120xi32, #tpu.memory_space<vmem>> -> memref<128xi32, #tpu.memory_space<vmem>>
    %dma_start3A_37 = arith.constant 0 : i32
    %dma_start3A_38 = arith.constant 0 : i32
    %dma_start3A_39 = tpu.memref_slice %arg2[%dma_start3A_37, %dma_start3A_38] : memref<10000x128xf32, #tpu.memory_space<hbm>> -> memref<10000x128xf32, #tpu.memory_space<hbm>>
    tpu.enqueue_indirect_dma source(%dma_start3A_39 : memref<10000x128xf32, #tpu.memory_space<hbm>>) target(%arg11 : memref<128x128xf32, #tpu.memory_space<vmem>>) offsets(%dma_start3A_36 : memref<128xi32, #tpu.memory_space<vmem>>) semaphore(%arg14 : memref<!tpu.dma_semaphore, #tpu.memory_space<semaphore_mem>>)
    %scan3A = arith.constant 0 : i32
    %scan3A_40 = arith.constant 0 : i32
    %scan3A_41 = arith.constant 19 : i32
    %scan3A_42 = arith.addi %scan3A_40, %scan3A_41 : i32
    %scan3A_43 = arith.constant 1 : i32
    scf.for %scan3A_97 = %scan3A_40 to %scan3A_42 step %scan3A_43  : i32 {
      %mul3A_98 = arith.constant 2 : i32
      %mul3A_99 = arith.muli %mul3A_98, %scan3A_97 : i32
      %mul3A_100 = arith.constant 128 : i32
      %mul3A_101 = arith.muli %mul3A_99, %mul3A_100 : i32
      %dma_wait3A_102 = arith.constant 0 : i32
      %dma_wait3A_103 = tpu.memref_slice %arg8[%dma_wait3A_102] : memref<5120xi32, #tpu.memory_space<vmem>> -> memref<128xi32, #tpu.memory_space<vmem>>
      %dma_wait3A_104 = arith.constant 0 : i32
      %dma_wait3A_105 = arith.constant 0 : i32
      %dma_wait3A_106 = tpu.memref_slice %arg2[%dma_wait3A_104, %dma_wait3A_105] : memref<10000x128xf32, #tpu.memory_space<hbm>> -> memref<10000x128xf32, #tpu.memory_space<hbm>>
      tpu.wait_indirect_dma semaphore(%arg13 : memref<!tpu.dma_semaphore, #tpu.memory_space<semaphore_mem>>) src(%dma_wait3A_106 : memref<10000x128xf32, #tpu.memory_space<hbm>>) dst(%arg10 : memref<128x128xf32, #tpu.memory_space<vmem>>)
      "tpu.region"() ({
        %run_scoped3A = tpu.sem_alloc : memref<!tpu.dma_semaphore, #tpu.memory_space<semaphore_mem>>
        %dma_start3A_126 = tpu.memref_slice %arg9[%mul3A_101] : memref<5120xi32, #tpu.memory_space<vmem>> -> memref<128xi32, #tpu.memory_space<vmem>>
        %dma_start3A_127 = arith.constant 0 : i32
        %dma_start3A_128 = arith.constant 0 : i32
        %dma_start3A_129 = tpu.memref_slice %arg12[%dma_start3A_127, %dma_start3A_128] : memref<10240x128xf32, #tpu.memory_space<vmem_shared>> -> memref<10240x128xf32, #tpu.memory_space<vmem_shared>>
        tpu.enqueue_indirect_dma source(%arg10 : memref<128x128xf32, #tpu.memory_space<vmem>>) target(%dma_start3A_129 : memref<10240x128xf32, #tpu.memory_space<vmem_shared>>) offsets(%dma_start3A_126 : memref<128xi32, #tpu.memory_space<vmem>>) semaphore(%run_scoped3A : memref<!tpu.dma_semaphore, #tpu.memory_space<semaphore_mem>>) {add = true}
        %dma_wait3A_130 = tpu.memref_slice %arg9[%mul3A_101] : memref<5120xi32, #tpu.memory_space<vmem>> -> memref<128xi32, #tpu.memory_space<vmem>>
        %dma_wait3A_131 = arith.constant 0 : i32
        %dma_wait3A_132 = arith.constant 0 : i32
        %dma_wait3A_133 = tpu.memref_slice %arg12[%dma_wait3A_131, %dma_wait3A_132] : memref<10240x128xf32, #tpu.memory_space<vmem_shared>> -> memref<10240x128xf32, #tpu.memory_space<vmem_shared>>
        tpu.wait_indirect_dma semaphore(%run_scoped3A : memref<!tpu.dma_semaphore, #tpu.memory_space<semaphore_mem>>) src(%arg10 : memref<128x128xf32, #tpu.memory_space<vmem>>) dst(%dma_wait3A_133 : memref<10240x128xf32, #tpu.memory_space<vmem_shared>>)
        tpu.yield
      }) : () -> ()
      %add3A_107 = arith.constant 256 : i32
      %add3A_108 = arith.addi %mul3A_101, %add3A_107 : i32
      %dma_start3A_109 = tpu.memref_slice %arg8[%add3A_108] : memref<5120xi32, #tpu.memory_space<vmem>> -> memref<128xi32, #tpu.memory_space<vmem>>
      %dma_start3A_110 = arith.constant 0 : i32
      %dma_start3A_111 = arith.constant 0 : i32
      %dma_start3A_112 = tpu.memref_slice %arg2[%dma_start3A_110, %dma_start3A_111] : memref<10000x128xf32, #tpu.memory_space<hbm>> -> memref<10000x128xf32, #tpu.memory_space<hbm>>
      tpu.enqueue_indirect_dma source(%dma_start3A_112 : memref<10000x128xf32, #tpu.memory_space<hbm>>) target(%arg10 : memref<128x128xf32, #tpu.memory_space<vmem>>) offsets(%dma_start3A_109 : memref<128xi32, #tpu.memory_space<vmem>>) semaphore(%arg13 : memref<!tpu.dma_semaphore, #tpu.memory_space<semaphore_mem>>)
      %dma_wait3A_113 = arith.constant 0 : i32
      %dma_wait3A_114 = tpu.memref_slice %arg8[%dma_wait3A_113] : memref<5120xi32, #tpu.memory_space<vmem>> -> memref<128xi32, #tpu.memory_space<vmem>>
      %dma_wait3A_115 = arith.constant 0 : i32
      %dma_wait3A_116 = arith.constant 0 : i32
      %dma_wait3A_117 = tpu.memref_slice %arg2[%dma_wait3A_115, %dma_wait3A_116] : memref<10000x128xf32, #tpu.memory_space<hbm>> -> memref<10000x128xf32, #tpu.memory_space<hbm>>
      tpu.wait_indirect_dma semaphore(%arg14 : memref<!tpu.dma_semaphore, #tpu.memory_space<semaphore_mem>>) src(%dma_wait3A_117 : memref<10000x128xf32, #tpu.memory_space<hbm>>) dst(%arg11 : memref<128x128xf32, #tpu.memory_space<vmem>>)
      %add3A_118 = arith.constant 128 : i32
      %add3A_119 = arith.addi %mul3A_101, %add3A_118 : i32
      "tpu.region"() ({
        %run_scoped3A = tpu.sem_alloc : memref<!tpu.dma_semaphore, #tpu.memory_space<semaphore_mem>>
        %dma_start3A_126 = tpu.memref_slice %arg9[%add3A_119] : memref<5120xi32, #tpu.memory_space<vmem>> -> memref<128xi32, #tpu.memory_space<vmem>>
        %dma_start3A_127 = arith.constant 0 : i32
        %dma_start3A_128 = arith.constant 0 : i32
        %dma_start3A_129 = tpu.memref_slice %arg12[%dma_start3A_127, %dma_start3A_128] : memref<10240x128xf32, #tpu.memory_space<vmem_shared>> -> memref<10240x128xf32, #tpu.memory_space<vmem_shared>>
        tpu.enqueue_indirect_dma source(%arg11 : memref<128x128xf32, #tpu.memory_space<vmem>>) target(%dma_start3A_129 : memref<10240x128xf32, #tpu.memory_space<vmem_shared>>) offsets(%dma_start3A_126 : memref<128xi32, #tpu.memory_space<vmem>>) semaphore(%run_scoped3A : memref<!tpu.dma_semaphore, #tpu.memory_space<semaphore_mem>>) {add = true}
        %dma_wait3A_130 = tpu.memref_slice %arg9[%add3A_119] : memref<5120xi32, #tpu.memory_space<vmem>> -> memref<128xi32, #tpu.memory_space<vmem>>
        %dma_wait3A_131 = arith.constant 0 : i32
        %dma_wait3A_132 = arith.constant 0 : i32
        %dma_wait3A_133 = tpu.memref_slice %arg12[%dma_wait3A_131, %dma_wait3A_132] : memref<10240x128xf32, #tpu.memory_space<vmem_shared>> -> memref<10240x128xf32, #tpu.memory_space<vmem_shared>>
        tpu.wait_indirect_dma semaphore(%run_scoped3A : memref<!tpu.dma_semaphore, #tpu.memory_space<semaphore_mem>>) src(%arg11 : memref<128x128xf32, #tpu.memory_space<vmem>>) dst(%dma_wait3A_133 : memref<10240x128xf32, #tpu.memory_space<vmem_shared>>)
        tpu.yield
      }) : () -> ()
      %add3A_120 = arith.constant 384 : i32
      %add3A_121 = arith.addi %mul3A_101, %add3A_120 : i32
      %dma_start3A_122 = tpu.memref_slice %arg8[%add3A_121] : memref<5120xi32, #tpu.memory_space<vmem>> -> memref<128xi32, #tpu.memory_space<vmem>>
      %dma_start3A_123 = arith.constant 0 : i32
      %dma_start3A_124 = arith.constant 0 : i32
      %dma_start3A_125 = tpu.memref_slice %arg2[%dma_start3A_123, %dma_start3A_124] : memref<10000x128xf32, #tpu.memory_space<hbm>> -> memref<10000x128xf32, #tpu.memory_space<hbm>>
      tpu.enqueue_indirect_dma source(%dma_start3A_125 : memref<10000x128xf32, #tpu.memory_space<hbm>>) target(%arg11 : memref<128x128xf32, #tpu.memory_space<vmem>>) offsets(%dma_start3A_122 : memref<128xi32, #tpu.memory_space<vmem>>) semaphore(%arg14 : memref<!tpu.dma_semaphore, #tpu.memory_space<semaphore_mem>>)
    }
    %scan3A_44 = arith.constant 19 : i32
    %dma_wait3A = arith.constant 0 : i32
    %dma_wait3A_45 = tpu.memref_slice %arg8[%dma_wait3A] : memref<5120xi32, #tpu.memory_space<vmem>> -> memref<128xi32, #tpu.memory_space<vmem>>
    %dma_wait3A_46 = arith.constant 0 : i32
    %dma_wait3A_47 = arith.constant 0 : i32
    %dma_wait3A_48 = tpu.memref_slice %arg2[%dma_wait3A_46, %dma_wait3A_47] : memref<10000x128xf32, #tpu.memory_space<hbm>> -> memref<10000x128xf32, #tpu.memory_space<hbm>>
    tpu.wait_indirect_dma semaphore(%arg13 : memref<!tpu.dma_semaphore, #tpu.memory_space<semaphore_mem>>) src(%dma_wait3A_48 : memref<10000x128xf32, #tpu.memory_space<hbm>>) dst(%arg10 : memref<128x128xf32, #tpu.memory_space<vmem>>)
    "tpu.region"() ({
      %run_scoped3A = tpu.sem_alloc : memref<!tpu.dma_semaphore, #tpu.memory_space<semaphore_mem>>
      %dma_start3A_97 = arith.constant 4864 : i32
      %dma_start3A_98 = tpu.memref_slice %arg9[%dma_start3A_97] : memref<5120xi32, #tpu.memory_space<vmem>> -> memref<128xi32, #tpu.memory_space<vmem>>
      %dma_start3A_99 = arith.constant 0 : i32
      %dma_start3A_100 = arith.constant 0 : i32
      %dma_start3A_101 = tpu.memref_slice %arg12[%dma_start3A_99, %dma_start3A_100] : memref<10240x128xf32, #tpu.memory_space<vmem_shared>> -> memref<10240x128xf32, #tpu.memory_space<vmem_shared>>
      tpu.enqueue_indirect_dma source(%arg10 : memref<128x128xf32, #tpu.memory_space<vmem>>) target(%dma_start3A_101 : memref<10240x128xf32, #tpu.memory_space<vmem_shared>>) offsets(%dma_start3A_98 : memref<128xi32, #tpu.memory_space<vmem>>) semaphore(%run_scoped3A : memref<!tpu.dma_semaphore, #tpu.memory_space<semaphore_mem>>) {add = true}
      %dma_wait3A_102 = arith.constant 4864 : i32
      %dma_wait3A_103 = tpu.memref_slice %arg9[%dma_wait3A_102] : memref<5120xi32, #tpu.memory_space<vmem>> -> memref<128xi32, #tpu.memory_space<vmem>>
      %dma_wait3A_104 = arith.constant 0 : i32
      %dma_wait3A_105 = arith.constant 0 : i32
      %dma_wait3A_106 = tpu.memref_slice %arg12[%dma_wait3A_104, %dma_wait3A_105] : memref<10240x128xf32, #tpu.memory_space<vmem_shared>> -> memref<10240x128xf32, #tpu.memory_space<vmem_shared>>
      tpu.wait_indirect_dma semaphore(%run_scoped3A : memref<!tpu.dma_semaphore, #tpu.memory_space<semaphore_mem>>) src(%arg10 : memref<128x128xf32, #tpu.memory_space<vmem>>) dst(%dma_wait3A_106 : memref<10240x128xf32, #tpu.memory_space<vmem_shared>>)
      tpu.yield
    }) : () -> ()
    %dma_wait3A_49 = arith.constant 0 : i32
    %dma_wait3A_50 = tpu.memref_slice %arg8[%dma_wait3A_49] : memref<5120xi32, #tpu.memory_space<vmem>> -> memref<128xi32, #tpu.memory_space<vmem>>
    %dma_wait3A_51 = arith.constant 0 : i32
    %dma_wait3A_52 = arith.constant 0 : i32
    %dma_wait3A_53 = tpu.memref_slice %arg2[%dma_wait3A_51, %dma_wait3A_52] : memref<10000x128xf32, #tpu.memory_space<hbm>> -> memref<10000x128xf32, #tpu.memory_space<hbm>>
    tpu.wait_indirect_dma semaphore(%arg14 : memref<!tpu.dma_semaphore, #tpu.memory_space<semaphore_mem>>) src(%dma_wait3A_53 : memref<10000x128xf32, #tpu.memory_space<hbm>>) dst(%arg11 : memref<128x128xf32, #tpu.memory_space<vmem>>)
    "tpu.region"() ({
      %run_scoped3A = tpu.sem_alloc : memref<!tpu.dma_semaphore, #tpu.memory_space<semaphore_mem>>
      %dma_start3A_97 = arith.constant 4992 : i32
      %dma_start3A_98 = tpu.memref_slice %arg9[%dma_start3A_97] : memref<5120xi32, #tpu.memory_space<vmem>> -> memref<128xi32, #tpu.memory_space<vmem>>
      %dma_start3A_99 = arith.constant 0 : i32
      %dma_start3A_100 = arith.constant 0 : i32
      %dma_start3A_101 = tpu.memref_slice %arg12[%dma_start3A_99, %dma_start3A_100] : memref<10240x128xf32, #tpu.memory_space<vmem_shared>> -> memref<10240x128xf32, #tpu.memory_space<vmem_shared>>
      tpu.enqueue_indirect_dma source(%arg11 : memref<128x128xf32, #tpu.memory_space<vmem>>) target(%dma_start3A_101 : memref<10240x128xf32, #tpu.memory_space<vmem_shared>>) offsets(%dma_start3A_98 : memref<128xi32, #tpu.memory_space<vmem>>) semaphore(%run_scoped3A : memref<!tpu.dma_semaphore, #tpu.memory_space<semaphore_mem>>) {add = true}
      %dma_wait3A_102 = arith.constant 4992 : i32
      %dma_wait3A_103 = tpu.memref_slice %arg9[%dma_wait3A_102] : memref<5120xi32, #tpu.memory_space<vmem>> -> memref<128xi32, #tpu.memory_space<vmem>>
      %dma_wait3A_104 = arith.constant 0 : i32
      %dma_wait3A_105 = arith.constant 0 : i32
      %dma_wait3A_106 = tpu.memref_slice %arg12[%dma_wait3A_104, %dma_wait3A_105] : memref<10240x128xf32, #tpu.memory_space<vmem_shared>> -> memref<10240x128xf32, #tpu.memory_space<vmem_shared>>
      tpu.wait_indirect_dma semaphore(%run_scoped3A : memref<!tpu.dma_semaphore, #tpu.memory_space<semaphore_mem>>) src(%arg11 : memref<128x128xf32, #tpu.memory_space<vmem>>) dst(%dma_wait3A_106 : memref<10240x128xf32, #tpu.memory_space<vmem_shared>>)
      tpu.yield
    }) : () -> ()
    %not3A_54 = arith.constant true
    %not3A_55 = arith.xori %eq3A_5, %not3A_54 : i1
    %convert_element_type3A_56 = arith.extui %not3A_55 : i1 to i32
    %cond3A_57 = arith.constant 0 : i32
    %cond3A_58 = arith.cmpi ne, %convert_element_type3A_56, %cond3A_57 : i32
    scf.if %cond3A_58 {
      %add3A_97 = arith.constant 5120 : i32
      %add3A_98 = arith.addi %mul3A_4, %add3A_97 : i32
      %dma_start3A_99 = arith.constant 0 : i32
      %dma_start3A_100 = tpu.memref_slice %arg3[%dma_start3A_99, %add3A_98] : memref<2x320000xi32, #tpu.memory_space<hbm>> -> memref<1x5120xi32, #tpu.memory_space<hbm>>
      %dma_start3A_101 = tpu.memref_squeeze %dma_start3A_100 : memref<1x5120xi32, #tpu.memory_space<hbm>> -> memref<5120xi32, #tpu.memory_space<hbm>>
      %dma_start3A_102 = tpu.memref_slice %arg3[%dma_start3A_99, %add3A_98] : memref<2x320000xi32, #tpu.memory_space<hbm>> -> memref<1x5120xi32, #tpu.memory_space<hbm>>
      %dma_start3A_103 = tpu.memref_squeeze %dma_start3A_102 : memref<1x5120xi32, #tpu.memory_space<hbm>> -> memref<5120xi32, #tpu.memory_space<hbm>>
      tpu.enqueue_dma source(%dma_start3A_103 : memref<5120xi32, #tpu.memory_space<hbm>>) target(%arg8 : memref<5120xi32, #tpu.memory_space<vmem>>) target_semaphore(%arg15 : memref<!tpu.dma_semaphore, #tpu.memory_space<semaphore_mem>>)
      %add3A_104 = arith.constant 5120 : i32
      %add3A_105 = arith.addi %mul3A_4, %add3A_104 : i32
      %dma_start3A_106 = arith.constant 1 : i32
      %dma_start3A_107 = tpu.memref_slice %arg3[%dma_start3A_106, %add3A_105] : memref<2x320000xi32, #tpu.memory_space<hbm>> -> memref<1x5120xi32, #tpu.memory_space<hbm>>
      %dma_start3A_108 = tpu.memref_squeeze %dma_start3A_107 : memref<1x5120xi32, #tpu.memory_space<hbm>> -> memref<5120xi32, #tpu.memory_space<hbm>>
      %dma_start3A_109 = tpu.memref_slice %arg3[%dma_start3A_106, %add3A_105] : memref<2x320000xi32, #tpu.memory_space<hbm>> -> memref<1x5120xi32, #tpu.memory_space<hbm>>
      %dma_start3A_110 = tpu.memref_squeeze %dma_start3A_109 : memref<1x5120xi32, #tpu.memory_space<hbm>> -> memref<5120xi32, #tpu.memory_space<hbm>>
      tpu.enqueue_dma source(%dma_start3A_110 : memref<5120xi32, #tpu.memory_space<hbm>>) target(%arg9 : memref<5120xi32, #tpu.memory_space<vmem>>) target_semaphore(%arg15 : memref<!tpu.dma_semaphore, #tpu.memory_space<semaphore_mem>>)
    } else {
    }
    %convert_element_type3A_59 = arith.extui %eq3A_5 : i1 to i32
    %cond3A_60 = arith.constant 0 : i32
    %cond3A_61 = arith.cmpi ne, %convert_element_type3A_59, %cond3A_60 : i32
    scf.if %cond3A_61 {
      %dma_start3A_97 = arith.constant 2560 : i32
      %dma_start3A_98 = tpu.memref_slice %arg4[%dma_start3A_97] : memref<7680xi32, #tpu.memory_space<hbm>> -> memref<5120xi32, #tpu.memory_space<hbm>>
      %dma_start3A_99 = arith.constant 2560 : i32
      %dma_start3A_100 = tpu.memref_slice %arg4[%dma_start3A_99] : memref<7680xi32, #tpu.memory_space<hbm>> -> memref<5120xi32, #tpu.memory_space<hbm>>
      tpu.enqueue_dma source(%dma_start3A_100 : memref<5120xi32, #tpu.memory_space<hbm>>) target(%arg8 : memref<5120xi32, #tpu.memory_space<vmem>>) target_semaphore(%arg15 : memref<!tpu.dma_semaphore, #tpu.memory_space<semaphore_mem>>)
      %dma_start3A_101 = arith.constant 2560 : i32
      %dma_start3A_102 = tpu.memref_slice %arg5[%dma_start3A_101] : memref<7680xi32, #tpu.memory_space<hbm>> -> memref<5120xi32, #tpu.memory_space<hbm>>
      %dma_start3A_103 = arith.constant 2560 : i32
      %dma_start3A_104 = tpu.memref_slice %arg5[%dma_start3A_103] : memref<7680xi32, #tpu.memory_space<hbm>> -> memref<5120xi32, #tpu.memory_space<hbm>>
      tpu.enqueue_dma source(%dma_start3A_104 : memref<5120xi32, #tpu.memory_space<hbm>>) target(%arg9 : memref<5120xi32, #tpu.memory_space<vmem>>) target_semaphore(%arg15 : memref<!tpu.dma_semaphore, #tpu.memory_space<semaphore_mem>>)
    } else {
    }
    %not3A_62 = arith.constant true
    %not3A_63 = arith.xori %eq3A_5, %not3A_62 : i1
    %convert_element_type3A_64 = arith.extui %not3A_63 : i1 to i32
    %cond3A_65 = arith.constant 0 : i32
    %cond3A_66 = arith.cmpi ne, %convert_element_type3A_64, %cond3A_65 : i32
    scf.if %cond3A_66 {
      %add3A_97 = arith.constant 5120 : i32
      %add3A_98 = arith.addi %mul3A_4, %add3A_97 : i32
      %dma_wait3A_99 = arith.constant 0 : i32
      %dma_wait3A_100 = tpu.memref_slice %arg3[%dma_wait3A_99, %add3A_98] : memref<2x320000xi32, #tpu.memory_space<hbm>> -> memref<1x5120xi32, #tpu.memory_space<hbm>>
      %dma_wait3A_101 = tpu.memref_squeeze %dma_wait3A_100 : memref<1x5120xi32, #tpu.memory_space<hbm>> -> memref<5120xi32, #tpu.memory_space<hbm>>
      %dma_wait3A_102 = tpu.memref_slice %arg3[%dma_wait3A_99, %add3A_98] : memref<2x320000xi32, #tpu.memory_space<hbm>> -> memref<1x5120xi32, #tpu.memory_space<hbm>>
      %dma_wait3A_103 = tpu.memref_squeeze %dma_wait3A_102 : memref<1x5120xi32, #tpu.memory_space<hbm>> -> memref<5120xi32, #tpu.memory_space<hbm>>
      tpu.wait_dma2 semaphore(%arg15 : memref<!tpu.dma_semaphore, #tpu.memory_space<semaphore_mem>>) src(%dma_wait3A_103 : memref<5120xi32, #tpu.memory_space<hbm>>) dst(%arg8 : memref<5120xi32, #tpu.memory_space<vmem>>)
      %add3A_104 = arith.constant 5120 : i32
      %add3A_105 = arith.addi %mul3A_4, %add3A_104 : i32
      %dma_wait3A_106 = arith.constant 1 : i32
      %dma_wait3A_107 = tpu.memref_slice %arg3[%dma_wait3A_106, %add3A_105] : memref<2x320000xi32, #tpu.memory_space<hbm>> -> memref<1x5120xi32, #tpu.memory_space<hbm>>
      %dma_wait3A_108 = tpu.memref_squeeze %dma_wait3A_107 : memref<1x5120xi32, #tpu.memory_space<hbm>> -> memref<5120xi32, #tpu.memory_space<hbm>>
      %dma_wait3A_109 = tpu.memref_slice %arg3[%dma_wait3A_106, %add3A_105] : memref<2x320000xi32, #tpu.memory_space<hbm>> -> memref<1x5120xi32, #tpu.memory_space<hbm>>
      %dma_wait3A_110 = tpu.memref_squeeze %dma_wait3A_109 : memref<1x5120xi32, #tpu.memory_space<hbm>> -> memref<5120xi32, #tpu.memory_space<hbm>>
      tpu.wait_dma2 semaphore(%arg15 : memref<!tpu.dma_semaphore, #tpu.memory_space<semaphore_mem>>) src(%dma_wait3A_110 : memref<5120xi32, #tpu.memory_space<hbm>>) dst(%arg9 : memref<5120xi32, #tpu.memory_space<vmem>>)
    } else {
    }
    %convert_element_type3A_67 = arith.extui %eq3A_5 : i1 to i32
    %cond3A_68 = arith.constant 0 : i32
    %cond3A_69 = arith.cmpi ne, %convert_element_type3A_67, %cond3A_68 : i32
    scf.if %cond3A_69 {
      %dma_wait3A_97 = arith.constant 2560 : i32
      %dma_wait3A_98 = tpu.memref_slice %arg4[%dma_wait3A_97] : memref<7680xi32, #tpu.memory_space<hbm>> -> memref<5120xi32, #tpu.memory_space<hbm>>
      %dma_wait3A_99 = arith.constant 2560 : i32
      %dma_wait3A_100 = tpu.memref_slice %arg4[%dma_wait3A_99] : memref<7680xi32, #tpu.memory_space<hbm>> -> memref<5120xi32, #tpu.memory_space<hbm>>
      tpu.wait_dma2 semaphore(%arg15 : memref<!tpu.dma_semaphore, #tpu.memory_space<semaphore_mem>>) src(%dma_wait3A_100 : memref<5120xi32, #tpu.memory_space<hbm>>) dst(%arg8 : memref<5120xi32, #tpu.memory_space<vmem>>)
      %dma_wait3A_101 = arith.constant 2560 : i32
      %dma_wait3A_102 = tpu.memref_slice %arg5[%dma_wait3A_101] : memref<7680xi32, #tpu.memory_space<hbm>> -> memref<5120xi32, #tpu.memory_space<hbm>>
      %dma_wait3A_103 = arith.constant 2560 : i32
      %dma_wait3A_104 = tpu.memref_slice %arg5[%dma_wait3A_103] : memref<7680xi32, #tpu.memory_space<hbm>> -> memref<5120xi32, #tpu.memory_space<hbm>>
      tpu.wait_dma2 semaphore(%arg15 : memref<!tpu.dma_semaphore, #tpu.memory_space<semaphore_mem>>) src(%dma_wait3A_104 : memref<5120xi32, #tpu.memory_space<hbm>>) dst(%arg9 : memref<5120xi32, #tpu.memory_space<vmem>>)
    } else {
    }
    %dma_start3A_70 = arith.constant 0 : i32
    %dma_start3A_71 = tpu.memref_slice %arg8[%dma_start3A_70] : memref<5120xi32, #tpu.memory_space<vmem>> -> memref<128xi32, #tpu.memory_space<vmem>>
    %dma_start3A_72 = arith.constant 0 : i32
    %dma_start3A_73 = arith.constant 0 : i32
    %dma_start3A_74 = tpu.memref_slice %arg2[%dma_start3A_72, %dma_start3A_73] : memref<10000x128xf32, #tpu.memory_space<hbm>> -> memref<10000x128xf32, #tpu.memory_space<hbm>>
    tpu.enqueue_indirect_dma source(%dma_start3A_74 : memref<10000x128xf32, #tpu.memory_space<hbm>>) target(%arg10 : memref<128x128xf32, #tpu.memory_space<vmem>>) offsets(%dma_start3A_71 : memref<128xi32, #tpu.memory_space<vmem>>) semaphore(%arg13 : memref<!tpu.dma_semaphore, #tpu.memory_space<semaphore_mem>>)
    %dma_start3A_75 = arith.constant 128 : i32
    %dma_start3A_76 = tpu.memref_slice %arg8[%dma_start3A_75] : memref<5120xi32, #tpu.memory_space<vmem>> -> memref<128xi32, #tpu.memory_space<vmem>>
    %dma_start3A_77 = arith.constant 0 : i32
    %dma_start3A_78 = arith.constant 0 : i32
    %dma_start3A_79 = tpu.memref_slice %arg2[%dma_start3A_77, %dma_start3A_78] : memref<10000x128xf32, #tpu.memory_space<hbm>> -> memref<10000x128xf32, #tpu.memory_space<hbm>>
    tpu.enqueue_indirect_dma source(%dma_start3A_79 : memref<10000x128xf32, #tpu.memory_space<hbm>>) target(%arg11 : memref<128x128xf32, #tpu.memory_space<vmem>>) offsets(%dma_start3A_76 : memref<128xi32, #tpu.memory_space<vmem>>) semaphore(%arg14 : memref<!tpu.dma_semaphore, #tpu.memory_space<semaphore_mem>>)
    %scan3A_80 = arith.constant 0 : i32
    %scan3A_81 = arith.constant 0 : i32
    %scan3A_82 = arith.constant 19 : i32
    %scan3A_83 = arith.addi %scan3A_81, %scan3A_82 : i32
    %scan3A_84 = arith.constant 1 : i32
    scf.for %scan3A_97 = %scan3A_81 to %scan3A_83 step %scan3A_84  : i32 {
      %mul3A_98 = arith.constant 2 : i32
      %mul3A_99 = arith.muli %mul3A_98, %scan3A_97 : i32
      %mul3A_100 = arith.constant 128 : i32
      %mul3A_101 = arith.muli %mul3A_99, %mul3A_100 : i32
      %dma_wait3A_102 = arith.constant 0 : i32
      %dma_wait3A_103 = tpu.memref_slice %arg8[%dma_wait3A_102] : memref<5120xi32, #tpu.memory_space<vmem>> -> memref<128xi32, #tpu.memory_space<vmem>>
      %dma_wait3A_104 = arith.constant 0 : i32
      %dma_wait3A_105 = arith.constant 0 : i32
      %dma_wait3A_106 = tpu.memref_slice %arg2[%dma_wait3A_104, %dma_wait3A_105] : memref<10000x128xf32, #tpu.memory_space<hbm>> -> memref<10000x128xf32, #tpu.memory_space<hbm>>
      tpu.wait_indirect_dma semaphore(%arg13 : memref<!tpu.dma_semaphore, #tpu.memory_space<semaphore_mem>>) src(%dma_wait3A_106 : memref<10000x128xf32, #tpu.memory_space<hbm>>) dst(%arg10 : memref<128x128xf32, #tpu.memory_space<vmem>>)
      "tpu.region"() ({
        %run_scoped3A = tpu.sem_alloc : memref<!tpu.dma_semaphore, #tpu.memory_space<semaphore_mem>>
        %dma_start3A_126 = tpu.memref_slice %arg9[%mul3A_101] : memref<5120xi32, #tpu.memory_space<vmem>> -> memref<128xi32, #tpu.memory_space<vmem>>
        %dma_start3A_127 = arith.constant 0 : i32
        %dma_start3A_128 = arith.constant 0 : i32
        %dma_start3A_129 = tpu.memref_slice %arg12[%dma_start3A_127, %dma_start3A_128] : memref<10240x128xf32, #tpu.memory_space<vmem_shared>> -> memref<10240x128xf32, #tpu.memory_space<vmem_shared>>
        tpu.enqueue_indirect_dma source(%arg10 : memref<128x128xf32, #tpu.memory_space<vmem>>) target(%dma_start3A_129 : memref<10240x128xf32, #tpu.memory_space<vmem_shared>>) offsets(%dma_start3A_126 : memref<128xi32, #tpu.memory_space<vmem>>) semaphore(%run_scoped3A : memref<!tpu.dma_semaphore, #tpu.memory_space<semaphore_mem>>) {add = true}
        %dma_wait3A_130 = tpu.memref_slice %arg9[%mul3A_101] : memref<5120xi32, #tpu.memory_space<vmem>> -> memref<128xi32, #tpu.memory_space<vmem>>
        %dma_wait3A_131 = arith.constant 0 : i32
        %dma_wait3A_132 = arith.constant 0 : i32
        %dma_wait3A_133 = tpu.memref_slice %arg12[%dma_wait3A_131, %dma_wait3A_132] : memref<10240x128xf32, #tpu.memory_space<vmem_shared>> -> memref<10240x128xf32, #tpu.memory_space<vmem_shared>>
        tpu.wait_indirect_dma semaphore(%run_scoped3A : memref<!tpu.dma_semaphore, #tpu.memory_space<semaphore_mem>>) src(%arg10 : memref<128x128xf32, #tpu.memory_space<vmem>>) dst(%dma_wait3A_133 : memref<10240x128xf32, #tpu.memory_space<vmem_shared>>)
        tpu.yield
      }) : () -> ()
      %add3A_107 = arith.constant 256 : i32
      %add3A_108 = arith.addi %mul3A_101, %add3A_107 : i32
      %dma_start3A_109 = tpu.memref_slice %arg8[%add3A_108] : memref<5120xi32, #tpu.memory_space<vmem>> -> memref<128xi32, #tpu.memory_space<vmem>>
      %dma_start3A_110 = arith.constant 0 : i32
      %dma_start3A_111 = arith.constant 0 : i32
      %dma_start3A_112 = tpu.memref_slice %arg2[%dma_start3A_110, %dma_start3A_111] : memref<10000x128xf32, #tpu.memory_space<hbm>> -> memref<10000x128xf32, #tpu.memory_space<hbm>>
      tpu.enqueue_indirect_dma source(%dma_start3A_112 : memref<10000x128xf32, #tpu.memory_space<hbm>>) target(%arg10 : memref<128x128xf32, #tpu.memory_space<vmem>>) offsets(%dma_start3A_109 : memref<128xi32, #tpu.memory_space<vmem>>) semaphore(%arg13 : memref<!tpu.dma_semaphore, #tpu.memory_space<semaphore_mem>>)
      %dma_wait3A_113 = arith.constant 0 : i32
      %dma_wait3A_114 = tpu.memref_slice %arg8[%dma_wait3A_113] : memref<5120xi32, #tpu.memory_space<vmem>> -> memref<128xi32, #tpu.memory_space<vmem>>
      %dma_wait3A_115 = arith.constant 0 : i32
      %dma_wait3A_116 = arith.constant 0 : i32
      %dma_wait3A_117 = tpu.memref_slice %arg2[%dma_wait3A_115, %dma_wait3A_116] : memref<10000x128xf32, #tpu.memory_space<hbm>> -> memref<10000x128xf32, #tpu.memory_space<hbm>>
      tpu.wait_indirect_dma semaphore(%arg14 : memref<!tpu.dma_semaphore, #tpu.memory_space<semaphore_mem>>) src(%dma_wait3A_117 : memref<10000x128xf32, #tpu.memory_space<hbm>>) dst(%arg11 : memref<128x128xf32, #tpu.memory_space<vmem>>)
      %add3A_118 = arith.constant 128 : i32
      %add3A_119 = arith.addi %mul3A_101, %add3A_118 : i32
      "tpu.region"() ({
        %run_scoped3A = tpu.sem_alloc : memref<!tpu.dma_semaphore, #tpu.memory_space<semaphore_mem>>
        %dma_start3A_126 = tpu.memref_slice %arg9[%add3A_119] : memref<5120xi32, #tpu.memory_space<vmem>> -> memref<128xi32, #tpu.memory_space<vmem>>
        %dma_start3A_127 = arith.constant 0 : i32
        %dma_start3A_128 = arith.constant 0 : i32
        %dma_start3A_129 = tpu.memref_slice %arg12[%dma_start3A_127, %dma_start3A_128] : memref<10240x128xf32, #tpu.memory_space<vmem_shared>> -> memref<10240x128xf32, #tpu.memory_space<vmem_shared>>
        tpu.enqueue_indirect_dma source(%arg11 : memref<128x128xf32, #tpu.memory_space<vmem>>) target(%dma_start3A_129 : memref<10240x128xf32, #tpu.memory_space<vmem_shared>>) offsets(%dma_start3A_126 : memref<128xi32, #tpu.memory_space<vmem>>) semaphore(%run_scoped3A : memref<!tpu.dma_semaphore, #tpu.memory_space<semaphore_mem>>) {add = true}
        %dma_wait3A_130 = tpu.memref_slice %arg9[%add3A_119] : memref<5120xi32, #tpu.memory_space<vmem>> -> memref<128xi32, #tpu.memory_space<vmem>>
        %dma_wait3A_131 = arith.constant 0 : i32
        %dma_wait3A_132 = arith.constant 0 : i32
        %dma_wait3A_133 = tpu.memref_slice %arg12[%dma_wait3A_131, %dma_wait3A_132] : memref<10240x128xf32, #tpu.memory_space<vmem_shared>> -> memref<10240x128xf32, #tpu.memory_space<vmem_shared>>
        tpu.wait_indirect_dma semaphore(%run_scoped3A : memref<!tpu.dma_semaphore, #tpu.memory_space<semaphore_mem>>) src(%arg11 : memref<128x128xf32, #tpu.memory_space<vmem>>) dst(%dma_wait3A_133 : memref<10240x128xf32, #tpu.memory_space<vmem_shared>>)
        tpu.yield
      }) : () -> ()
      %add3A_120 = arith.constant 384 : i32
      %add3A_121 = arith.addi %mul3A_101, %add3A_120 : i32
      %dma_start3A_122 = tpu.memref_slice %arg8[%add3A_121] : memref<5120xi32, #tpu.memory_space<vmem>> -> memref<128xi32, #tpu.memory_space<vmem>>
      %dma_start3A_123 = arith.constant 0 : i32
      %dma_start3A_124 = arith.constant 0 : i32
      %dma_start3A_125 = tpu.memref_slice %arg2[%dma_start3A_123, %dma_start3A_124] : memref<10000x128xf32, #tpu.memory_space<hbm>> -> memref<10000x128xf32, #tpu.memory_space<hbm>>
      tpu.enqueue_indirect_dma source(%dma_start3A_125 : memref<10000x128xf32, #tpu.memory_space<hbm>>) target(%arg11 : memref<128x128xf32, #tpu.memory_space<vmem>>) offsets(%dma_start3A_122 : memref<128xi32, #tpu.memory_space<vmem>>) semaphore(%arg14 : memref<!tpu.dma_semaphore, #tpu.memory_space<semaphore_mem>>)
    }
    %scan3A_85 = arith.constant 19 : i32
    %dma_wait3A_86 = arith.constant 0 : i32
    %dma_wait3A_87 = tpu.memref_slice %arg8[%dma_wait3A_86] : memref<5120xi32, #tpu.memory_space<vmem>> -> memref<128xi32, #tpu.memory_space<vmem>>
    %dma_wait3A_88 = arith.constant 0 : i32
    %dma_wait3A_89 = arith.constant 0 : i32
    %dma_wait3A_90 = tpu.memref_slice %arg2[%dma_wait3A_88, %dma_wait3A_89] : memref<10000x128xf32, #tpu.memory_space<hbm>> -> memref<10000x128xf32, #tpu.memory_space<hbm>>
    tpu.wait_indirect_dma semaphore(%arg13 : memref<!tpu.dma_semaphore, #tpu.memory_space<semaphore_mem>>) src(%dma_wait3A_90 : memref<10000x128xf32, #tpu.memory_space<hbm>>) dst(%arg10 : memref<128x128xf32, #tpu.memory_space<vmem>>)
    "tpu.region"() ({
      %run_scoped3A = tpu.sem_alloc : memref<!tpu.dma_semaphore, #tpu.memory_space<semaphore_mem>>
      %dma_start3A_97 = arith.constant 4864 : i32
      %dma_start3A_98 = tpu.memref_slice %arg9[%dma_start3A_97] : memref<5120xi32, #tpu.memory_space<vmem>> -> memref<128xi32, #tpu.memory_space<vmem>>
      %dma_start3A_99 = arith.constant 0 : i32
      %dma_start3A_100 = arith.constant 0 : i32
      %dma_start3A_101 = tpu.memref_slice %arg12[%dma_start3A_99, %dma_start3A_100] : memref<10240x128xf32, #tpu.memory_space<vmem_shared>> -> memref<10240x128xf32, #tpu.memory_space<vmem_shared>>
      tpu.enqueue_indirect_dma source(%arg10 : memref<128x128xf32, #tpu.memory_space<vmem>>) target(%dma_start3A_101 : memref<10240x128xf32, #tpu.memory_space<vmem_shared>>) offsets(%dma_start3A_98 : memref<128xi32, #tpu.memory_space<vmem>>) semaphore(%run_scoped3A : memref<!tpu.dma_semaphore, #tpu.memory_space<semaphore_mem>>) {add = true}
      %dma_wait3A_102 = arith.constant 4864 : i32
      %dma_wait3A_103 = tpu.memref_slice %arg9[%dma_wait3A_102] : memref<5120xi32, #tpu.memory_space<vmem>> -> memref<128xi32, #tpu.memory_space<vmem>>
      %dma_wait3A_104 = arith.constant 0 : i32
      %dma_wait3A_105 = arith.constant 0 : i32
      %dma_wait3A_106 = tpu.memref_slice %arg12[%dma_wait3A_104, %dma_wait3A_105] : memref<10240x128xf32, #tpu.memory_space<vmem_shared>> -> memref<10240x128xf32, #tpu.memory_space<vmem_shared>>
      tpu.wait_indirect_dma semaphore(%run_scoped3A : memref<!tpu.dma_semaphore, #tpu.memory_space<semaphore_mem>>) src(%arg10 : memref<128x128xf32, #tpu.memory_space<vmem>>) dst(%dma_wait3A_106 : memref<10240x128xf32, #tpu.memory_space<vmem_shared>>)
      tpu.yield
    }) : () -> ()
    %dma_wait3A_91 = arith.constant 0 : i32
    %dma_wait3A_92 = tpu.memref_slice %arg8[%dma_wait3A_91] : memref<5120xi32, #tpu.memory_space<vmem>> -> memref<128xi32, #tpu.memory_space<vmem>>
    %dma_wait3A_93 = arith.constant 0 : i32
    %dma_wait3A_94 = arith.constant 0 : i32
    %dma_wait3A_95 = tpu.memref_slice %arg2[%dma_wait3A_93, %dma_wait3A_94] : memref<10000x128xf32, #tpu.memory_space<hbm>> -> memref<10000x128xf32, #tpu.memory_space<hbm>>
    tpu.wait_indirect_dma semaphore(%arg14 : memref<!tpu.dma_semaphore, #tpu.memory_space<semaphore_mem>>) src(%dma_wait3A_95 : memref<10000x128xf32, #tpu.memory_space<hbm>>) dst(%arg11 : memref<128x128xf32, #tpu.memory_space<vmem>>)
    "tpu.region"() ({
      %run_scoped3A = tpu.sem_alloc : memref<!tpu.dma_semaphore, #tpu.memory_space<semaphore_mem>>
      %dma_start3A_97 = arith.constant 4992 : i32
      %dma_start3A_98 = tpu.memref_slice %arg9[%dma_start3A_97] : memref<5120xi32, #tpu.memory_space<vmem>> -> memref<128xi32, #tpu.memory_space<vmem>>
      %dma_start3A_99 = arith.constant 0 : i32
      %dma_start3A_100 = arith.constant 0 : i32
      %dma_start3A_101 = tpu.memref_slice %arg12[%dma_start3A_99, %dma_start3A_100] : memref<10240x128xf32, #tpu.memory_space<vmem_shared>> -> memref<10240x128xf32, #tpu.memory_space<vmem_shared>>
      tpu.enqueue_indirect_dma source(%arg11 : memref<128x128xf32, #tpu.memory_space<vmem>>) target(%dma_start3A_101 : memref<10240x128xf32, #tpu.memory_space<vmem_shared>>) offsets(%dma_start3A_98 : memref<128xi32, #tpu.memory_space<vmem>>) semaphore(%run_scoped3A : memref<!tpu.dma_semaphore, #tpu.memory_space<semaphore_mem>>) {add = true}
      %dma_wait3A_102 = arith.constant 4992 : i32
      %dma_wait3A_103 = tpu.memref_slice %arg9[%dma_wait3A_102] : memref<5120xi32, #tpu.memory_space<vmem>> -> memref<128xi32, #tpu.memory_space<vmem>>
      %dma_wait3A_104 = arith.constant 0 : i32
      %dma_wait3A_105 = arith.constant 0 : i32
      %dma_wait3A_106 = tpu.memref_slice %arg12[%dma_wait3A_104, %dma_wait3A_105] : memref<10240x128xf32, #tpu.memory_space<vmem_shared>> -> memref<10240x128xf32, #tpu.memory_space<vmem_shared>>
      tpu.wait_indirect_dma semaphore(%run_scoped3A : memref<!tpu.dma_semaphore, #tpu.memory_space<semaphore_mem>>) src(%arg11 : memref<128x128xf32, #tpu.memory_space<vmem>>) dst(%dma_wait3A_106 : memref<10240x128xf32, #tpu.memory_space<vmem_shared>>)
      tpu.yield
    }) : () -> ()
    %barrier3A_96 = arith.constant 0 : index
    tpu.barrier barrier_id(%barrier3A_96)
    "tpu.region"() ({
      %run_scoped3A = tpu.sem_alloc : memref<!tpu.dma_semaphore, #tpu.memory_space<semaphore_mem>>
      %dma_start3A_97 = arith.constant 0 : i32
      %dma_start3A_98 = tpu.memref_slice %arg7[%arg0, %mul3A_2, %dma_start3A_97] : memref<2x10240x128xf32, #tpu.memory_space<hbm>> -> memref<1x640x128xf32, #tpu.memory_space<hbm>>
      %dma_start3A_99 = tpu.memref_squeeze %dma_start3A_98 : memref<1x640x128xf32, #tpu.memory_space<hbm>> -> memref<640x128xf32, #tpu.memory_space<hbm>>
      %dma_start3A_100 = arith.constant 0 : i32
      %dma_start3A_101 = tpu.memref_slice %arg12[%mul3A_2, %dma_start3A_100] : memref<10240x128xf32, #tpu.memory_space<vmem_shared>> -> memref<640x128xf32, #tpu.memory_space<vmem_shared>>
      tpu.enqueue_dma source(%dma_start3A_101 : memref<640x128xf32, #tpu.memory_space<vmem_shared>>) target(%dma_start3A_99 : memref<640x128xf32, #tpu.memory_space<hbm>>) target_semaphore(%run_scoped3A : memref<!tpu.dma_semaphore, #tpu.memory_space<semaphore_mem>>)
      %dma_wait3A_102 = arith.constant 0 : i32
      %dma_wait3A_103 = tpu.memref_slice %arg7[%arg0, %mul3A_2, %dma_wait3A_102] : memref<2x10240x128xf32, #tpu.memory_space<hbm>> -> memref<1x640x128xf32, #tpu.memory_space<hbm>>
      %dma_wait3A_104 = tpu.memref_squeeze %dma_wait3A_103 : memref<1x640x128xf32, #tpu.memory_space<hbm>> -> memref<640x128xf32, #tpu.memory_space<hbm>>
      %dma_wait3A_105 = arith.constant 0 : i32
      %dma_wait3A_106 = tpu.memref_slice %arg12[%mul3A_2, %dma_wait3A_105] : memref<10240x128xf32, #tpu.memory_space<vmem_shared>> -> memref<640x128xf32, #tpu.memory_space<vmem_shared>>
      tpu.wait_dma2 semaphore(%run_scoped3A : memref<!tpu.dma_semaphore, #tpu.memory_space<semaphore_mem>>) src(%dma_wait3A_106 : memref<640x128xf32, #tpu.memory_space<vmem_shared>>) dst(%dma_wait3A_104 : memref<640x128xf32, #tpu.memory_space<hbm>>)
      tpu.yield
    }) : () -> ()
    return
  }
}

#map = affine_map<(d0, d1) -> (0, 0)>
#map1 = affine_map<(d0, d1) -> (0)>
#map2 = affine_map<(d0, d1) -> (0, 0, 0)>
module attributes {stable_mosaic.version = 14 : i64} {
  func.func @_sc_scatter_add(%arg0: i32, %arg1: i32, %arg2: memref<10000x128xf32, #tpu.memory_space<hbm>>, %arg3: memref<2x320000xi32, #tpu.memory_space<hbm>>, %arg4: memref<7680xi32, #tpu.memory_space<hbm>>, %arg5: memref<7680xi32, #tpu.memory_space<hbm>>, %arg6: memref<2048x128xf32, #tpu.memory_space<hbm>>, %arg7: memref<2x10240x128xf32, #tpu.memory_space<hbm>>, %arg8: memref<5120xi32, #tpu.memory_space<vmem>>, %arg9: memref<5120xi32, #tpu.memory_space<vmem>>, %arg10: memref<128x128xf32, #tpu.memory_space<vmem>>, %arg11: memref<128x128xf32, #tpu.memory_space<vmem>>, %arg12: memref<10240x128xf32, #tpu.memory_space<vmem_shared>>, %arg13: memref<!tpu.dma_semaphore, #tpu.memory_space<semaphore_mem>>, %arg14: memref<!tpu.dma_semaphore, #tpu.memory_space<semaphore_mem>>, %arg15: memref<!tpu.dma_semaphore, #tpu.memory_space<semaphore_mem>>) attributes {dimension_semantics = [#tpu.dimension_semantics<core_parallel>, #tpu.dimension_semantics<subcore_parallel>], iteration_bounds = array<i64: 2, 16>, scalar_prefetch = 0 : i64, scratch_operands = 8 : i64, tpu.core_type = #tpu.core_type<sc_vector_subcore>, window_params = [{transform_indices = #map}, {transform_indices = #map}, {transform_indices = #map1}, {transform_indices = #map1}, {transform_indices = #map}, {transform_indices = #map2}]} {
    %mul3A = arith.constant 16 : i32
    %mul3A_0 = arith.muli %arg0, %mul3A : i32
    %add3A = arith.addi %mul3A_0, %arg1 : i32
    %mul3A_1 = arith.constant 640 : i32
    %mul3A_2 = arith.muli %arg1, %mul3A_1 : i32
    %mul3A_3 = arith.constant 10240 : i32
    %mul3A_4 = arith.muli %add3A, %mul3A_3 : i32
    %eq3A = arith.constant 31 : i32
    %eq3A_5 = arith.cmpi eq, %add3A, %eq3A : i32
    %not3A = arith.constant true
    %not3A_6 = arith.xori %eq3A_5, %not3A : i1
    %convert_element_type3A = arith.extui %not3A_6 : i1 to i32
    %cond3A = arith.constant 0 : i32
    %cond3A_7 = arith.cmpi ne, %convert_element_type3A, %cond3A : i32
    scf.if %cond3A_7 {
      %add3A_97 = arith.constant 0 : i32
      %add3A_98 = arith.addi %mul3A_4, %add3A_97 : i32
      %dma_start3A_99 = arith.constant 0 : i32
      %dma_start3A_100 = tpu.memref_slice %arg3[%dma_start3A_99, %add3A_98] : memref<2x320000xi32, #tpu.memory_space<hbm>> -> memref<1x5120xi32, #tpu.memory_space<hbm>>
      %dma_start3A_101 = tpu.memref_squeeze %dma_start3A_100 : memref<1x5120xi32, #tpu.memory_space<hbm>> -> memref<5120xi32, #tpu.memory_space<hbm>>
      %dma_start3A_102 = tpu.memref_slice %arg3[%dma_start3A_99, %add3A_98] : memref<2x320000xi32, #tpu.memory_space<hbm>> -> memref<1x5120xi32, #tpu.memory_space<hbm>>
      %dma_start3A_103 = tpu.memref_squeeze %dma_start3A_102 : memref<1x5120xi32, #tpu.memory_space<hbm>> -> memref<5120xi32, #tpu.memory_space<hbm>>
      tpu.enqueue_dma source(%dma_start3A_103 : memref<5120xi32, #tpu.memory_space<hbm>>) target(%arg8 : memref<5120xi32, #tpu.memory_space<vmem>>) target_semaphore(%arg15 : memref<!tpu.dma_semaphore, #tpu.memory_space<semaphore_mem>>)
      %add3A_104 = arith.constant 0 : i32
      %add3A_105 = arith.addi %mul3A_4, %add3A_104 : i32
      %dma_start3A_106 = arith.constant 1 : i32
      %dma_start3A_107 = tpu.memref_slice %arg3[%dma_start3A_106, %add3A_105] : memref<2x320000xi32, #tpu.memory_space<hbm>> -> memref<1x5120xi32, #tpu.memory_space<hbm>>
      %dma_start3A_108 = tpu.memref_squeeze %dma_start3A_107 : memref<1x5120xi32, #tpu.memory_space<hbm>> -> memref<5120xi32, #tpu.memory_space<hbm>>
      %dma_start3A_109 = tpu.memref_slice %arg3[%dma_start3A_106, %add3A_105] : memref<2x320000xi32, #tpu.memory_space<hbm>> -> memref<1x5120xi32, #tpu.memory_space<hbm>>
      %dma_start3A_110 = tpu.memref_squeeze %dma_start3A_109 : memref<1x5120xi32, #tpu.memory_space<hbm>> -> memref<5120xi32, #tpu.memory_space<hbm>>
      tpu.enqueue_dma source(%dma_start3A_110 : memref<5120xi32, #tpu.memory_space<hbm>>) target(%arg9 : memref<5120xi32, #tpu.memory_space<vmem>>) target_semaphore(%arg15 : memref<!tpu.dma_semaphore, #tpu.memory_space<semaphore_mem>>)
    } else {
    }
    %convert_element_type3A_8 = arith.extui %eq3A_5 : i1 to i32
    %cond3A_9 = arith.constant 0 : i32
    %cond3A_10 = arith.cmpi ne, %convert_element_type3A_8, %cond3A_9 : i32
    scf.if %cond3A_10 {
      %dma_start3A_97 = arith.constant 0 : i32
      %dma_start3A_98 = arith.constant 0 : i32
      %dma_start3A_99 = tpu.memref_slice %arg8[%dma_start3A_98] : memref<5120xi32, #tpu.memory_space<vmem>> -> memref<2560xi32, #tpu.memory_space<vmem>>
      %dma_start3A_100 = tpu.memref_slice %arg3[%dma_start3A_97, %mul3A_4] : memref<2x320000xi32, #tpu.memory_space<hbm>> -> memref<1x2560xi32, #tpu.memory_space<hbm>>
      %dma_start3A_101 = tpu.memref_squeeze %dma_start3A_100 : memref<1x2560xi32, #tpu.memory_space<hbm>> -> memref<2560xi32, #tpu.memory_space<hbm>>
      %dma_start3A_102 = arith.constant 0 : i32
      %dma_start3A_103 = tpu.memref_slice %arg8[%dma_start3A_102] : memref<5120xi32, #tpu.memory_space<vmem>> -> memref<2560xi32, #tpu.memory_space<vmem>>
      %dma_start3A_104 = tpu.memref_slice %arg3[%dma_start3A_97, %mul3A_4] : memref<2x320000xi32, #tpu.memory_space<hbm>> -> memref<1x2560xi32, #tpu.memory_space<hbm>>
      %dma_start3A_105 = tpu.memref_squeeze %dma_start3A_104 : memref<1x2560xi32, #tpu.memory_space<hbm>> -> memref<2560xi32, #tpu.memory_space<hbm>>
      tpu.enqueue_dma source(%dma_start3A_105 : memref<2560xi32, #tpu.memory_space<hbm>>) target(%dma_start3A_103 : memref<2560xi32, #tpu.memory_space<vmem>>) target_semaphore(%arg15 : memref<!tpu.dma_semaphore, #tpu.memory_space<semaphore_mem>>)
      %dma_start3A_106 = arith.constant 2560 : i32
      %dma_start3A_107 = tpu.memref_slice %arg8[%dma_start3A_106] : memref<5120xi32, #tpu.memory_space<vmem>> -> memref<2560xi32, #tpu.memory_space<vmem>>
      %dma_start3A_108 = arith.constant 0 : i32
      %dma_start3A_109 = tpu.memref_slice %arg4[%dma_start3A_108] : memref<7680xi32, #tpu.memory_space<hbm>> -> memref<2560xi32, #tpu.memory_space<hbm>>
      %dma_start3A_110 = arith.constant 2560 : i32
      %dma_start3A_111 = tpu.memref_slice %arg8[%dma_start3A_110] : memref<5120xi32, #tpu.memory_space<vmem>> -> memref<2560xi32, #tpu.memory_space<vmem>>
      %dma_start3A_112 = arith.constant 0 : i32
      %dma_start3A_113 = tpu.memref_slice %arg4[%dma_start3A_112] : memref<7680xi32, #tpu.memory_space<hbm>> -> memref<2560xi32, #tpu.memory_space<hbm>>
      tpu.enqueue_dma source(%dma_start3A_113 : memref<2560xi32, #tpu.memory_space<hbm>>) target(%dma_start3A_111 : memref<2560xi32, #tpu.memory_space<vmem>>) target_semaphore(%arg15 : memref<!tpu.dma_semaphore, #tpu.memory_space<semaphore_mem>>)
      %dma_start3A_114 = arith.constant 1 : i32
      %dma_start3A_115 = arith.constant 0 : i32
      %dma_start3A_116 = tpu.memref_slice %arg9[%dma_start3A_115] : memref<5120xi32, #tpu.memory_space<vmem>> -> memref<2560xi32, #tpu.memory_space<vmem>>
      %dma_start3A_117 = tpu.memref_slice %arg3[%dma_start3A_114, %mul3A_4] : memref<2x320000xi32, #tpu.memory_space<hbm>> -> memref<1x2560xi32, #tpu.memory_space<hbm>>
      %dma_start3A_118 = tpu.memref_squeeze %dma_start3A_117 : memref<1x2560xi32, #tpu.memory_space<hbm>> -> memref<2560xi32, #tpu.memory_space<hbm>>
      %dma_start3A_119 = arith.constant 0 : i32
      %dma_start3A_120 = tpu.memref_slice %arg9[%dma_start3A_119] : memref<5120xi32, #tpu.memory_space<vmem>> -> memref<2560xi32, #tpu.memory_space<vmem>>
      %dma_start3A_121 = tpu.memref_slice %arg3[%dma_start3A_114, %mul3A_4] : memref<2x320000xi32, #tpu.memory_space<hbm>> -> memref<1x2560xi32, #tpu.memory_space<hbm>>
      %dma_start3A_122 = tpu.memref_squeeze %dma_start3A_121 : memref<1x2560xi32, #tpu.memory_space<hbm>> -> memref<2560xi32, #tpu.memory_space<hbm>>
      tpu.enqueue_dma source(%dma_start3A_122 : memref<2560xi32, #tpu.memory_space<hbm>>) target(%dma_start3A_120 : memref<2560xi32, #tpu.memory_space<vmem>>) target_semaphore(%arg15 : memref<!tpu.dma_semaphore, #tpu.memory_space<semaphore_mem>>)
      %dma_start3A_123 = arith.constant 2560 : i32
      %dma_start3A_124 = tpu.memref_slice %arg9[%dma_start3A_123] : memref<5120xi32, #tpu.memory_space<vmem>> -> memref<2560xi32, #tpu.memory_space<vmem>>
      %dma_start3A_125 = arith.constant 0 : i32
      %dma_start3A_126 = tpu.memref_slice %arg5[%dma_start3A_125] : memref<7680xi32, #tpu.memory_space<hbm>> -> memref<2560xi32, #tpu.memory_space<hbm>>
      %dma_start3A_127 = arith.constant 2560 : i32
      %dma_start3A_128 = tpu.memref_slice %arg9[%dma_start3A_127] : memref<5120xi32, #tpu.memory_space<vmem>> -> memref<2560xi32, #tpu.memory_space<vmem>>
      %dma_start3A_129 = arith.constant 0 : i32
      %dma_start3A_130 = tpu.memref_slice %arg5[%dma_start3A_129] : memref<7680xi32, #tpu.memory_space<hbm>> -> memref<2560xi32, #tpu.memory_space<hbm>>
      tpu.enqueue_dma source(%dma_start3A_130 : memref<2560xi32, #tpu.memory_space<hbm>>) target(%dma_start3A_128 : memref<2560xi32, #tpu.memory_space<vmem>>) target_semaphore(%arg15 : memref<!tpu.dma_semaphore, #tpu.memory_space<semaphore_mem>>)
    } else {
    }
    %mul3A_11 = arith.constant 128 : i32
    %mul3A_12 = arith.muli %arg1, %mul3A_11 : i32
    "tpu.region"() ({
      %run_scoped3A = tpu.sem_alloc : memref<!tpu.dma_semaphore, #tpu.memory_space<semaphore_mem>>
      %dma_start3A_97 = arith.constant 0 : i32
      %dma_start3A_98 = tpu.memref_slice %arg6[%mul3A_12, %dma_start3A_97] : memref<2048x128xf32, #tpu.memory_space<hbm>> -> memref<128x128xf32, #tpu.memory_space<hbm>>
      %dma_start3A_99 = arith.constant 0 : i32
      %dma_start3A_100 = tpu.memref_slice %arg6[%mul3A_12, %dma_start3A_99] : memref<2048x128xf32, #tpu.memory_space<hbm>> -> memref<128x128xf32, #tpu.memory_space<hbm>>
      tpu.enqueue_dma source(%dma_start3A_100 : memref<128x128xf32, #tpu.memory_space<hbm>>) target(%arg10 : memref<128x128xf32, #tpu.memory_space<vmem>>) target_semaphore(%run_scoped3A : memref<!tpu.dma_semaphore, #tpu.memory_space<semaphore_mem>>)
      %dma_wait3A_101 = arith.constant 0 : i32
      %dma_wait3A_102 = tpu.memref_slice %arg6[%mul3A_12, %dma_wait3A_101] : memref<2048x128xf32, #tpu.memory_space<hbm>> -> memref<128x128xf32, #tpu.memory_space<hbm>>
      %dma_wait3A_103 = arith.constant 0 : i32
      %dma_wait3A_104 = tpu.memref_slice %arg6[%mul3A_12, %dma_wait3A_103] : memref<2048x128xf32, #tpu.memory_space<hbm>> -> memref<128x128xf32, #tpu.memory_space<hbm>>
      tpu.wait_dma2 semaphore(%run_scoped3A : memref<!tpu.dma_semaphore, #tpu.memory_space<semaphore_mem>>) src(%dma_wait3A_104 : memref<128x128xf32, #tpu.memory_space<hbm>>) dst(%arg10 : memref<128x128xf32, #tpu.memory_space<vmem>>)
      tpu.yield
    }) : () -> ()
    %add3A_13 = arith.constant 0 : i32
    %add3A_14 = arith.addi %mul3A_2, %add3A_13 : i32
    "tpu.region"() ({
      %run_scoped3A = tpu.sem_alloc : memref<!tpu.dma_semaphore, #tpu.memory_space<semaphore_mem>>
      %dma_start3A_97 = arith.constant 0 : i32
      %dma_start3A_98 = tpu.memref_slice %arg12[%add3A_14, %dma_start3A_97] : memref<10240x128xf32, #tpu.memory_space<vmem_shared>> -> memref<128x128xf32, #tpu.memory_space<vmem_shared>>
      %dma_start3A_99 = arith.constant 0 : i32
      %dma_start3A_100 = tpu.memref_slice %arg12[%add3A_14, %dma_start3A_99] : memref<10240x128xf32, #tpu.memory_space<vmem_shared>> -> memref<128x128xf32, #tpu.memory_space<vmem_shared>>
      tpu.enqueue_dma source(%arg10 : memref<128x128xf32, #tpu.memory_space<vmem>>) target(%dma_start3A_100 : memref<128x128xf32, #tpu.memory_space<vmem_shared>>) target_semaphore(%run_scoped3A : memref<!tpu.dma_semaphore, #tpu.memory_space<semaphore_mem>>)
      %dma_wait3A_101 = arith.constant 0 : i32
      %dma_wait3A_102 = tpu.memref_slice %arg12[%add3A_14, %dma_wait3A_101] : memref<10240x128xf32, #tpu.memory_space<vmem_shared>> -> memref<128x128xf32, #tpu.memory_space<vmem_shared>>
      %dma_wait3A_103 = arith.constant 0 : i32
      %dma_wait3A_104 = tpu.memref_slice %arg12[%add3A_14, %dma_wait3A_103] : memref<10240x128xf32, #tpu.memory_space<vmem_shared>> -> memref<128x128xf32, #tpu.memory_space<vmem_shared>>
      tpu.wait_dma2 semaphore(%run_scoped3A : memref<!tpu.dma_semaphore, #tpu.memory_space<semaphore_mem>>) src(%arg10 : memref<128x128xf32, #tpu.memory_space<vmem>>) dst(%dma_wait3A_104 : memref<128x128xf32, #tpu.memory_space<vmem_shared>>)
      tpu.yield
    }) : () -> ()
    %add3A_15 = arith.constant 128 : i32
    %add3A_16 = arith.addi %mul3A_2, %add3A_15 : i32
    "tpu.region"() ({
      %run_scoped3A = tpu.sem_alloc : memref<!tpu.dma_semaphore, #tpu.memory_space<semaphore_mem>>
      %dma_start3A_97 = arith.constant 0 : i32
      %dma_start3A_98 = tpu.memref_slice %arg12[%add3A_16, %dma_start3A_97] : memref<10240x128xf32, #tpu.memory_space<vmem_shared>> -> memref<128x128xf32, #tpu.memory_space<vmem_shared>>
      %dma_start3A_99 = arith.constant 0 : i32
      %dma_start3A_100 = tpu.memref_slice %arg12[%add3A_16, %dma_start3A_99] : memref<10240x128xf32, #tpu.memory_space<vmem_shared>> -> memref<128x128xf32, #tpu.memory_space<vmem_shared>>
      tpu.enqueue_dma source(%arg10 : memref<128x128xf32, #tpu.memory_space<vmem>>) target(%dma_start3A_100 : memref<128x128xf32, #tpu.memory_space<vmem_shared>>) target_semaphore(%run_scoped3A : memref<!tpu.dma_semaphore, #tpu.memory_space<semaphore_mem>>)
      %dma_wait3A_101 = arith.constant 0 : i32
      %dma_wait3A_102 = tpu.memref_slice %arg12[%add3A_16, %dma_wait3A_101] : memref<10240x128xf32, #tpu.memory_space<vmem_shared>> -> memref<128x128xf32, #tpu.memory_space<vmem_shared>>
      %dma_wait3A_103 = arith.constant 0 : i32
      %dma_wait3A_104 = tpu.memref_slice %arg12[%add3A_16, %dma_wait3A_103] : memref<10240x128xf32, #tpu.memory_space<vmem_shared>> -> memref<128x128xf32, #tpu.memory_space<vmem_shared>>
      tpu.wait_dma2 semaphore(%run_scoped3A : memref<!tpu.dma_semaphore, #tpu.memory_space<semaphore_mem>>) src(%arg10 : memref<128x128xf32, #tpu.memory_space<vmem>>) dst(%dma_wait3A_104 : memref<128x128xf32, #tpu.memory_space<vmem_shared>>)
      tpu.yield
    }) : () -> ()
    %add3A_17 = arith.constant 256 : i32
    %add3A_18 = arith.addi %mul3A_2, %add3A_17 : i32
    "tpu.region"() ({
      %run_scoped3A = tpu.sem_alloc : memref<!tpu.dma_semaphore, #tpu.memory_space<semaphore_mem>>
      %dma_start3A_97 = arith.constant 0 : i32
      %dma_start3A_98 = tpu.memref_slice %arg12[%add3A_18, %dma_start3A_97] : memref<10240x128xf32, #tpu.memory_space<vmem_shared>> -> memref<128x128xf32, #tpu.memory_space<vmem_shared>>
      %dma_start3A_99 = arith.constant 0 : i32
      %dma_start3A_100 = tpu.memref_slice %arg12[%add3A_18, %dma_start3A_99] : memref<10240x128xf32, #tpu.memory_space<vmem_shared>> -> memref<128x128xf32, #tpu.memory_space<vmem_shared>>
      tpu.enqueue_dma source(%arg10 : memref<128x128xf32, #tpu.memory_space<vmem>>) target(%dma_start3A_100 : memref<128x128xf32, #tpu.memory_space<vmem_shared>>) target_semaphore(%run_scoped3A : memref<!tpu.dma_semaphore, #tpu.memory_space<semaphore_mem>>)
      %dma_wait3A_101 = arith.constant 0 : i32
      %dma_wait3A_102 = tpu.memref_slice %arg12[%add3A_18, %dma_wait3A_101] : memref<10240x128xf32, #tpu.memory_space<vmem_shared>> -> memref<128x128xf32, #tpu.memory_space<vmem_shared>>
      %dma_wait3A_103 = arith.constant 0 : i32
      %dma_wait3A_104 = tpu.memref_slice %arg12[%add3A_18, %dma_wait3A_103] : memref<10240x128xf32, #tpu.memory_space<vmem_shared>> -> memref<128x128xf32, #tpu.memory_space<vmem_shared>>
      tpu.wait_dma2 semaphore(%run_scoped3A : memref<!tpu.dma_semaphore, #tpu.memory_space<semaphore_mem>>) src(%arg10 : memref<128x128xf32, #tpu.memory_space<vmem>>) dst(%dma_wait3A_104 : memref<128x128xf32, #tpu.memory_space<vmem_shared>>)
      tpu.yield
    }) : () -> ()
    %add3A_19 = arith.constant 384 : i32
    %add3A_20 = arith.addi %mul3A_2, %add3A_19 : i32
    "tpu.region"() ({
      %run_scoped3A = tpu.sem_alloc : memref<!tpu.dma_semaphore, #tpu.memory_space<semaphore_mem>>
      %dma_start3A_97 = arith.constant 0 : i32
      %dma_start3A_98 = tpu.memref_slice %arg12[%add3A_20, %dma_start3A_97] : memref<10240x128xf32, #tpu.memory_space<vmem_shared>> -> memref<128x128xf32, #tpu.memory_space<vmem_shared>>
      %dma_start3A_99 = arith.constant 0 : i32
      %dma_start3A_100 = tpu.memref_slice %arg12[%add3A_20, %dma_start3A_99] : memref<10240x128xf32, #tpu.memory_space<vmem_shared>> -> memref<128x128xf32, #tpu.memory_space<vmem_shared>>
      tpu.enqueue_dma source(%arg10 : memref<128x128xf32, #tpu.memory_space<vmem>>) target(%dma_start3A_100 : memref<128x128xf32, #tpu.memory_space<vmem_shared>>) target_semaphore(%run_scoped3A : memref<!tpu.dma_semaphore, #tpu.memory_space<semaphore_mem>>)
      %dma_wait3A_101 = arith.constant 0 : i32
      %dma_wait3A_102 = tpu.memref_slice %arg12[%add3A_20, %dma_wait3A_101] : memref<10240x128xf32, #tpu.memory_space<vmem_shared>> -> memref<128x128xf32, #tpu.memory_space<vmem_shared>>
      %dma_wait3A_103 = arith.constant 0 : i32
      %dma_wait3A_104 = tpu.memref_slice %arg12[%add3A_20, %dma_wait3A_103] : memref<10240x128xf32, #tpu.memory_space<vmem_shared>> -> memref<128x128xf32, #tpu.memory_space<vmem_shared>>
      tpu.wait_dma2 semaphore(%run_scoped3A : memref<!tpu.dma_semaphore, #tpu.memory_space<semaphore_mem>>) src(%arg10 : memref<128x128xf32, #tpu.memory_space<vmem>>) dst(%dma_wait3A_104 : memref<128x128xf32, #tpu.memory_space<vmem_shared>>)
      tpu.yield
    }) : () -> ()
    %add3A_21 = arith.constant 512 : i32
    %add3A_22 = arith.addi %mul3A_2, %add3A_21 : i32
    "tpu.region"() ({
      %run_scoped3A = tpu.sem_alloc : memref<!tpu.dma_semaphore, #tpu.memory_space<semaphore_mem>>
      %dma_start3A_97 = arith.constant 0 : i32
      %dma_start3A_98 = tpu.memref_slice %arg12[%add3A_22, %dma_start3A_97] : memref<10240x128xf32, #tpu.memory_space<vmem_shared>> -> memref<128x128xf32, #tpu.memory_space<vmem_shared>>
      %dma_start3A_99 = arith.constant 0 : i32
      %dma_start3A_100 = tpu.memref_slice %arg12[%add3A_22, %dma_start3A_99] : memref<10240x128xf32, #tpu.memory_space<vmem_shared>> -> memref<128x128xf32, #tpu.memory_space<vmem_shared>>
      tpu.enqueue_dma source(%arg10 : memref<128x128xf32, #tpu.memory_space<vmem>>) target(%dma_start3A_100 : memref<128x128xf32, #tpu.memory_space<vmem_shared>>) target_semaphore(%run_scoped3A : memref<!tpu.dma_semaphore, #tpu.memory_space<semaphore_mem>>)
      %dma_wait3A_101 = arith.constant 0 : i32
      %dma_wait3A_102 = tpu.memref_slice %arg12[%add3A_22, %dma_wait3A_101] : memref<10240x128xf32, #tpu.memory_space<vmem_shared>> -> memref<128x128xf32, #tpu.memory_space<vmem_shared>>
      %dma_wait3A_103 = arith.constant 0 : i32
      %dma_wait3A_104 = tpu.memref_slice %arg12[%add3A_22, %dma_wait3A_103] : memref<10240x128xf32, #tpu.memory_space<vmem_shared>> -> memref<128x128xf32, #tpu.memory_space<vmem_shared>>
      tpu.wait_dma2 semaphore(%run_scoped3A : memref<!tpu.dma_semaphore, #tpu.memory_space<semaphore_mem>>) src(%arg10 : memref<128x128xf32, #tpu.memory_space<vmem>>) dst(%dma_wait3A_104 : memref<128x128xf32, #tpu.memory_space<vmem_shared>>)
      tpu.yield
    }) : () -> ()
    %not3A_23 = arith.constant true
    %not3A_24 = arith.xori %eq3A_5, %not3A_23 : i1
    %convert_element_type3A_25 = arith.extui %not3A_24 : i1 to i32
    %cond3A_26 = arith.constant 0 : i32
    %cond3A_27 = arith.cmpi ne, %convert_element_type3A_25, %cond3A_26 : i32
    scf.if %cond3A_27 {
      %add3A_97 = arith.constant 0 : i32
      %add3A_98 = arith.addi %mul3A_4, %add3A_97 : i32
      %dma_wait3A_99 = arith.constant 0 : i32
      %dma_wait3A_100 = tpu.memref_slice %arg3[%dma_wait3A_99, %add3A_98] : memref<2x320000xi32, #tpu.memory_space<hbm>> -> memref<1x5120xi32, #tpu.memory_space<hbm>>
      %dma_wait3A_101 = tpu.memref_squeeze %dma_wait3A_100 : memref<1x5120xi32, #tpu.memory_space<hbm>> -> memref<5120xi32, #tpu.memory_space<hbm>>
      %dma_wait3A_102 = tpu.memref_slice %arg3[%dma_wait3A_99, %add3A_98] : memref<2x320000xi32, #tpu.memory_space<hbm>> -> memref<1x5120xi32, #tpu.memory_space<hbm>>
      %dma_wait3A_103 = tpu.memref_squeeze %dma_wait3A_102 : memref<1x5120xi32, #tpu.memory_space<hbm>> -> memref<5120xi32, #tpu.memory_space<hbm>>
      tpu.wait_dma2 semaphore(%arg15 : memref<!tpu.dma_semaphore, #tpu.memory_space<semaphore_mem>>) src(%dma_wait3A_103 : memref<5120xi32, #tpu.memory_space<hbm>>) dst(%arg8 : memref<5120xi32, #tpu.memory_space<vmem>>)
      %add3A_104 = arith.constant 0 : i32
      %add3A_105 = arith.addi %mul3A_4, %add3A_104 : i32
      %dma_wait3A_106 = arith.constant 1 : i32
      %dma_wait3A_107 = tpu.memref_slice %arg3[%dma_wait3A_106, %add3A_105] : memref<2x320000xi32, #tpu.memory_space<hbm>> -> memref<1x5120xi32, #tpu.memory_space<hbm>>
      %dma_wait3A_108 = tpu.memref_squeeze %dma_wait3A_107 : memref<1x5120xi32, #tpu.memory_space<hbm>> -> memref<5120xi32, #tpu.memory_space<hbm>>
      %dma_wait3A_109 = tpu.memref_slice %arg3[%dma_wait3A_106, %add3A_105] : memref<2x320000xi32, #tpu.memory_space<hbm>> -> memref<1x5120xi32, #tpu.memory_space<hbm>>
      %dma_wait3A_110 = tpu.memref_squeeze %dma_wait3A_109 : memref<1x5120xi32, #tpu.memory_space<hbm>> -> memref<5120xi32, #tpu.memory_space<hbm>>
      tpu.wait_dma2 semaphore(%arg15 : memref<!tpu.dma_semaphore, #tpu.memory_space<semaphore_mem>>) src(%dma_wait3A_110 : memref<5120xi32, #tpu.memory_space<hbm>>) dst(%arg9 : memref<5120xi32, #tpu.memory_space<vmem>>)
    } else {
    }
    %convert_element_type3A_28 = arith.extui %eq3A_5 : i1 to i32
    %cond3A_29 = arith.constant 0 : i32
    %cond3A_30 = arith.cmpi ne, %convert_element_type3A_28, %cond3A_29 : i32
    scf.if %cond3A_30 {
      %dma_wait3A_97 = arith.constant 0 : i32
      %dma_wait3A_98 = arith.constant 0 : i32
      %dma_wait3A_99 = tpu.memref_slice %arg8[%dma_wait3A_98] : memref<5120xi32, #tpu.memory_space<vmem>> -> memref<2560xi32, #tpu.memory_space<vmem>>
      %dma_wait3A_100 = tpu.memref_slice %arg3[%dma_wait3A_97, %mul3A_4] : memref<2x320000xi32, #tpu.memory_space<hbm>> -> memref<1x2560xi32, #tpu.memory_space<hbm>>
      %dma_wait3A_101 = tpu.memref_squeeze %dma_wait3A_100 : memref<1x2560xi32, #tpu.memory_space<hbm>> -> memref<2560xi32, #tpu.memory_space<hbm>>
      %dma_wait3A_102 = arith.constant 0 : i32
      %dma_wait3A_103 = tpu.memref_slice %arg8[%dma_wait3A_102] : memref<5120xi32, #tpu.memory_space<vmem>> -> memref<2560xi32, #tpu.memory_space<vmem>>
      %dma_wait3A_104 = tpu.memref_slice %arg3[%dma_wait3A_97, %mul3A_4] : memref<2x320000xi32, #tpu.memory_space<hbm>> -> memref<1x2560xi32, #tpu.memory_space<hbm>>
      %dma_wait3A_105 = tpu.memref_squeeze %dma_wait3A_104 : memref<1x2560xi32, #tpu.memory_space<hbm>> -> memref<2560xi32, #tpu.memory_space<hbm>>
      tpu.wait_dma2 semaphore(%arg15 : memref<!tpu.dma_semaphore, #tpu.memory_space<semaphore_mem>>) src(%dma_wait3A_105 : memref<2560xi32, #tpu.memory_space<hbm>>) dst(%dma_wait3A_103 : memref<2560xi32, #tpu.memory_space<vmem>>)
      %dma_wait3A_106 = arith.constant 2560 : i32
      %dma_wait3A_107 = tpu.memref_slice %arg8[%dma_wait3A_106] : memref<5120xi32, #tpu.memory_space<vmem>> -> memref<2560xi32, #tpu.memory_space<vmem>>
      %dma_wait3A_108 = arith.constant 0 : i32
      %dma_wait3A_109 = tpu.memref_slice %arg4[%dma_wait3A_108] : memref<7680xi32, #tpu.memory_space<hbm>> -> memref<2560xi32, #tpu.memory_space<hbm>>
      %dma_wait3A_110 = arith.constant 2560 : i32
      %dma_wait3A_111 = tpu.memref_slice %arg8[%dma_wait3A_110] : memref<5120xi32, #tpu.memory_space<vmem>> -> memref<2560xi32, #tpu.memory_space<vmem>>
      %dma_wait3A_112 = arith.constant 0 : i32
      %dma_wait3A_113 = tpu.memref_slice %arg4[%dma_wait3A_112] : memref<7680xi32, #tpu.memory_space<hbm>> -> memref<2560xi32, #tpu.memory_space<hbm>>
      tpu.wait_dma2 semaphore(%arg15 : memref<!tpu.dma_semaphore, #tpu.memory_space<semaphore_mem>>) src(%dma_wait3A_113 : memref<2560xi32, #tpu.memory_space<hbm>>) dst(%dma_wait3A_111 : memref<2560xi32, #tpu.memory_space<vmem>>)
      %dma_wait3A_114 = arith.constant 1 : i32
      %dma_wait3A_115 = arith.constant 0 : i32
      %dma_wait3A_116 = tpu.memref_slice %arg9[%dma_wait3A_115] : memref<5120xi32, #tpu.memory_space<vmem>> -> memref<2560xi32, #tpu.memory_space<vmem>>
      %dma_wait3A_117 = tpu.memref_slice %arg3[%dma_wait3A_114, %mul3A_4] : memref<2x320000xi32, #tpu.memory_space<hbm>> -> memref<1x2560xi32, #tpu.memory_space<hbm>>
      %dma_wait3A_118 = tpu.memref_squeeze %dma_wait3A_117 : memref<1x2560xi32, #tpu.memory_space<hbm>> -> memref<2560xi32, #tpu.memory_space<hbm>>
      %dma_wait3A_119 = arith.constant 0 : i32
      %dma_wait3A_120 = tpu.memref_slice %arg9[%dma_wait3A_119] : memref<5120xi32, #tpu.memory_space<vmem>> -> memref<2560xi32, #tpu.memory_space<vmem>>
      %dma_wait3A_121 = tpu.memref_slice %arg3[%dma_wait3A_114, %mul3A_4] : memref<2x320000xi32, #tpu.memory_space<hbm>> -> memref<1x2560xi32, #tpu.memory_space<hbm>>
      %dma_wait3A_122 = tpu.memref_squeeze %dma_wait3A_121 : memref<1x2560xi32, #tpu.memory_space<hbm>> -> memref<2560xi32, #tpu.memory_space<hbm>>
      tpu.wait_dma2 semaphore(%arg15 : memref<!tpu.dma_semaphore, #tpu.memory_space<semaphore_mem>>) src(%dma_wait3A_122 : memref<2560xi32, #tpu.memory_space<hbm>>) dst(%dma_wait3A_120 : memref<2560xi32, #tpu.memory_space<vmem>>)
      %dma_wait3A_123 = arith.constant 2560 : i32
      %dma_wait3A_124 = tpu.memref_slice %arg9[%dma_wait3A_123] : memref<5120xi32, #tpu.memory_space<vmem>> -> memref<2560xi32, #tpu.memory_space<vmem>>
      %dma_wait3A_125 = arith.constant 0 : i32
      %dma_wait3A_126 = tpu.memref_slice %arg5[%dma_wait3A_125] : memref<7680xi32, #tpu.memory_space<hbm>> -> memref<2560xi32, #tpu.memory_space<hbm>>
      %dma_wait3A_127 = arith.constant 2560 : i32
      %dma_wait3A_128 = tpu.memref_slice %arg9[%dma_wait3A_127] : memref<5120xi32, #tpu.memory_space<vmem>> -> memref<2560xi32, #tpu.memory_space<vmem>>
      %dma_wait3A_129 = arith.constant 0 : i32
      %dma_wait3A_130 = tpu.memref_slice %arg5[%dma_wait3A_129] : memref<7680xi32, #tpu.memory_space<hbm>> -> memref<2560xi32, #tpu.memory_space<hbm>>
      tpu.wait_dma2 semaphore(%arg15 : memref<!tpu.dma_semaphore, #tpu.memory_space<semaphore_mem>>) src(%dma_wait3A_130 : memref<2560xi32, #tpu.memory_space<hbm>>) dst(%dma_wait3A_128 : memref<2560xi32, #tpu.memory_space<vmem>>)
    } else {
    }
    %barrier3A = arith.constant 0 : index
    tpu.barrier barrier_id(%barrier3A)
    %dma_start3A = arith.constant 0 : i32
    %dma_start3A_31 = tpu.memref_slice %arg8[%dma_start3A] : memref<5120xi32, #tpu.memory_space<vmem>> -> memref<128xi32, #tpu.memory_space<vmem>>
    %dma_start3A_32 = arith.constant 0 : i32
    %dma_start3A_33 = arith.constant 0 : i32
    %dma_start3A_34 = tpu.memref_slice %arg2[%dma_start3A_32, %dma_start3A_33] : memref<10000x128xf32, #tpu.memory_space<hbm>> -> memref<10000x128xf32, #tpu.memory_space<hbm>>
    tpu.enqueue_indirect_dma source(%dma_start3A_34 : memref<10000x128xf32, #tpu.memory_space<hbm>>) target(%arg10 : memref<128x128xf32, #tpu.memory_space<vmem>>) offsets(%dma_start3A_31 : memref<128xi32, #tpu.memory_space<vmem>>) semaphore(%arg13 : memref<!tpu.dma_semaphore, #tpu.memory_space<semaphore_mem>>)
    %dma_start3A_35 = arith.constant 128 : i32
    %dma_start3A_36 = tpu.memref_slice %arg8[%dma_start3A_35] : memref<5120xi32, #tpu.memory_space<vmem>> -> memref<128xi32, #tpu.memory_space<vmem>>
    %dma_start3A_37 = arith.constant 0 : i32
    %dma_start3A_38 = arith.constant 0 : i32
    %dma_start3A_39 = tpu.memref_slice %arg2[%dma_start3A_37, %dma_start3A_38] : memref<10000x128xf32, #tpu.memory_space<hbm>> -> memref<10000x128xf32, #tpu.memory_space<hbm>>
    tpu.enqueue_indirect_dma source(%dma_start3A_39 : memref<10000x128xf32, #tpu.memory_space<hbm>>) target(%arg11 : memref<128x128xf32, #tpu.memory_space<vmem>>) offsets(%dma_start3A_36 : memref<128xi32, #tpu.memory_space<vmem>>) semaphore(%arg14 : memref<!tpu.dma_semaphore, #tpu.memory_space<semaphore_mem>>)
    %scan3A = arith.constant 0 : i32
    %scan3A_40 = arith.constant 0 : i32
    %scan3A_41 = arith.constant 19 : i32
    %scan3A_42 = arith.addi %scan3A_40, %scan3A_41 : i32
    %scan3A_43 = arith.constant 1 : i32
    scf.for %scan3A_97 = %scan3A_40 to %scan3A_42 step %scan3A_43  : i32 {
      %mul3A_98 = arith.constant 2 : i32
      %mul3A_99 = arith.muli %mul3A_98, %scan3A_97 : i32
      %mul3A_100 = arith.constant 128 : i32
      %mul3A_101 = arith.muli %mul3A_99, %mul3A_100 : i32
      %dma_wait3A_102 = arith.constant 0 : i32
      %dma_wait3A_103 = tpu.memref_slice %arg8[%dma_wait3A_102] : memref<5120xi32, #tpu.memory_space<vmem>> -> memref<128xi32, #tpu.memory_space<vmem>>
      %dma_wait3A_104 = arith.constant 0 : i32
      %dma_wait3A_105 = arith.constant 0 : i32
      %dma_wait3A_106 = tpu.memref_slice %arg2[%dma_wait3A_104, %dma_wait3A_105] : memref<10000x128xf32, #tpu.memory_space<hbm>> -> memref<10000x128xf32, #tpu.memory_space<hbm>>
      tpu.wait_indirect_dma semaphore(%arg13 : memref<!tpu.dma_semaphore, #tpu.memory_space<semaphore_mem>>) src(%dma_wait3A_106 : memref<10000x128xf32, #tpu.memory_space<hbm>>) dst(%arg10 : memref<128x128xf32, #tpu.memory_space<vmem>>)
      "tpu.region"() ({
        %run_scoped3A = tpu.sem_alloc : memref<!tpu.dma_semaphore, #tpu.memory_space<semaphore_mem>>
        %dma_start3A_126 = tpu.memref_slice %arg9[%mul3A_101] : memref<5120xi32, #tpu.memory_space<vmem>> -> memref<128xi32, #tpu.memory_space<vmem>>
        %dma_start3A_127 = arith.constant 0 : i32
        %dma_start3A_128 = arith.constant 0 : i32
        %dma_start3A_129 = tpu.memref_slice %arg12[%dma_start3A_127, %dma_start3A_128] : memref<10240x128xf32, #tpu.memory_space<vmem_shared>> -> memref<10240x128xf32, #tpu.memory_space<vmem_shared>>
        tpu.enqueue_indirect_dma source(%arg10 : memref<128x128xf32, #tpu.memory_space<vmem>>) target(%dma_start3A_129 : memref<10240x128xf32, #tpu.memory_space<vmem_shared>>) offsets(%dma_start3A_126 : memref<128xi32, #tpu.memory_space<vmem>>) semaphore(%run_scoped3A : memref<!tpu.dma_semaphore, #tpu.memory_space<semaphore_mem>>) {add = true}
        %dma_wait3A_130 = tpu.memref_slice %arg9[%mul3A_101] : memref<5120xi32, #tpu.memory_space<vmem>> -> memref<128xi32, #tpu.memory_space<vmem>>
        %dma_wait3A_131 = arith.constant 0 : i32
        %dma_wait3A_132 = arith.constant 0 : i32
        %dma_wait3A_133 = tpu.memref_slice %arg12[%dma_wait3A_131, %dma_wait3A_132] : memref<10240x128xf32, #tpu.memory_space<vmem_shared>> -> memref<10240x128xf32, #tpu.memory_space<vmem_shared>>
        tpu.wait_indirect_dma semaphore(%run_scoped3A : memref<!tpu.dma_semaphore, #tpu.memory_space<semaphore_mem>>) src(%arg10 : memref<128x128xf32, #tpu.memory_space<vmem>>) dst(%dma_wait3A_133 : memref<10240x128xf32, #tpu.memory_space<vmem_shared>>)
        tpu.yield
      }) : () -> ()
      %add3A_107 = arith.constant 256 : i32
      %add3A_108 = arith.addi %mul3A_101, %add3A_107 : i32
      %dma_start3A_109 = tpu.memref_slice %arg8[%add3A_108] : memref<5120xi32, #tpu.memory_space<vmem>> -> memref<128xi32, #tpu.memory_space<vmem>>
      %dma_start3A_110 = arith.constant 0 : i32
      %dma_start3A_111 = arith.constant 0 : i32
      %dma_start3A_112 = tpu.memref_slice %arg2[%dma_start3A_110, %dma_start3A_111] : memref<10000x128xf32, #tpu.memory_space<hbm>> -> memref<10000x128xf32, #tpu.memory_space<hbm>>
      tpu.enqueue_indirect_dma source(%dma_start3A_112 : memref<10000x128xf32, #tpu.memory_space<hbm>>) target(%arg10 : memref<128x128xf32, #tpu.memory_space<vmem>>) offsets(%dma_start3A_109 : memref<128xi32, #tpu.memory_space<vmem>>) semaphore(%arg13 : memref<!tpu.dma_semaphore, #tpu.memory_space<semaphore_mem>>)
      %dma_wait3A_113 = arith.constant 0 : i32
      %dma_wait3A_114 = tpu.memref_slice %arg8[%dma_wait3A_113] : memref<5120xi32, #tpu.memory_space<vmem>> -> memref<128xi32, #tpu.memory_space<vmem>>
      %dma_wait3A_115 = arith.constant 0 : i32
      %dma_wait3A_116 = arith.constant 0 : i32
      %dma_wait3A_117 = tpu.memref_slice %arg2[%dma_wait3A_115, %dma_wait3A_116] : memref<10000x128xf32, #tpu.memory_space<hbm>> -> memref<10000x128xf32, #tpu.memory_space<hbm>>
      tpu.wait_indirect_dma semaphore(%arg14 : memref<!tpu.dma_semaphore, #tpu.memory_space<semaphore_mem>>) src(%dma_wait3A_117 : memref<10000x128xf32, #tpu.memory_space<hbm>>) dst(%arg11 : memref<128x128xf32, #tpu.memory_space<vmem>>)
      %add3A_118 = arith.constant 128 : i32
      %add3A_119 = arith.addi %mul3A_101, %add3A_118 : i32
      "tpu.region"() ({
        %run_scoped3A = tpu.sem_alloc : memref<!tpu.dma_semaphore, #tpu.memory_space<semaphore_mem>>
        %dma_start3A_126 = tpu.memref_slice %arg9[%add3A_119] : memref<5120xi32, #tpu.memory_space<vmem>> -> memref<128xi32, #tpu.memory_space<vmem>>
        %dma_start3A_127 = arith.constant 0 : i32
        %dma_start3A_128 = arith.constant 0 : i32
        %dma_start3A_129 = tpu.memref_slice %arg12[%dma_start3A_127, %dma_start3A_128] : memref<10240x128xf32, #tpu.memory_space<vmem_shared>> -> memref<10240x128xf32, #tpu.memory_space<vmem_shared>>
        tpu.enqueue_indirect_dma source(%arg11 : memref<128x128xf32, #tpu.memory_space<vmem>>) target(%dma_start3A_129 : memref<10240x128xf32, #tpu.memory_space<vmem_shared>>) offsets(%dma_start3A_126 : memref<128xi32, #tpu.memory_space<vmem>>) semaphore(%run_scoped3A : memref<!tpu.dma_semaphore, #tpu.memory_space<semaphore_mem>>) {add = true}
        %dma_wait3A_130 = tpu.memref_slice %arg9[%add3A_119] : memref<5120xi32, #tpu.memory_space<vmem>> -> memref<128xi32, #tpu.memory_space<vmem>>
        %dma_wait3A_131 = arith.constant 0 : i32
        %dma_wait3A_132 = arith.constant 0 : i32
        %dma_wait3A_133 = tpu.memref_slice %arg12[%dma_wait3A_131, %dma_wait3A_132] : memref<10240x128xf32, #tpu.memory_space<vmem_shared>> -> memref<10240x128xf32, #tpu.memory_space<vmem_shared>>
        tpu.wait_indirect_dma semaphore(%run_scoped3A : memref<!tpu.dma_semaphore, #tpu.memory_space<semaphore_mem>>) src(%arg11 : memref<128x128xf32, #tpu.memory_space<vmem>>) dst(%dma_wait3A_133 : memref<10240x128xf32, #tpu.memory_space<vmem_shared>>)
        tpu.yield
      }) : () -> ()
      %add3A_120 = arith.constant 384 : i32
      %add3A_121 = arith.addi %mul3A_101, %add3A_120 : i32
      %dma_start3A_122 = tpu.memref_slice %arg8[%add3A_121] : memref<5120xi32, #tpu.memory_space<vmem>> -> memref<128xi32, #tpu.memory_space<vmem>>
      %dma_start3A_123 = arith.constant 0 : i32
      %dma_start3A_124 = arith.constant 0 : i32
      %dma_start3A_125 = tpu.memref_slice %arg2[%dma_start3A_123, %dma_start3A_124] : memref<10000x128xf32, #tpu.memory_space<hbm>> -> memref<10000x128xf32, #tpu.memory_space<hbm>>
      tpu.enqueue_indirect_dma source(%dma_start3A_125 : memref<10000x128xf32, #tpu.memory_space<hbm>>) target(%arg11 : memref<128x128xf32, #tpu.memory_space<vmem>>) offsets(%dma_start3A_122 : memref<128xi32, #tpu.memory_space<vmem>>) semaphore(%arg14 : memref<!tpu.dma_semaphore, #tpu.memory_space<semaphore_mem>>)
    }
    %scan3A_44 = arith.constant 19 : i32
    %dma_wait3A = arith.constant 0 : i32
    %dma_wait3A_45 = tpu.memref_slice %arg8[%dma_wait3A] : memref<5120xi32, #tpu.memory_space<vmem>> -> memref<128xi32, #tpu.memory_space<vmem>>
    %dma_wait3A_46 = arith.constant 0 : i32
    %dma_wait3A_47 = arith.constant 0 : i32
    %dma_wait3A_48 = tpu.memref_slice %arg2[%dma_wait3A_46, %dma_wait3A_47] : memref<10000x128xf32, #tpu.memory_space<hbm>> -> memref<10000x128xf32, #tpu.memory_space<hbm>>
    tpu.wait_indirect_dma semaphore(%arg13 : memref<!tpu.dma_semaphore, #tpu.memory_space<semaphore_mem>>) src(%dma_wait3A_48 : memref<10000x128xf32, #tpu.memory_space<hbm>>) dst(%arg10 : memref<128x128xf32, #tpu.memory_space<vmem>>)
    "tpu.region"() ({
      %run_scoped3A = tpu.sem_alloc : memref<!tpu.dma_semaphore, #tpu.memory_space<semaphore_mem>>
      %dma_start3A_97 = arith.constant 4864 : i32
      %dma_start3A_98 = tpu.memref_slice %arg9[%dma_start3A_97] : memref<5120xi32, #tpu.memory_space<vmem>> -> memref<128xi32, #tpu.memory_space<vmem>>
      %dma_start3A_99 = arith.constant 0 : i32
      %dma_start3A_100 = arith.constant 0 : i32
      %dma_start3A_101 = tpu.memref_slice %arg12[%dma_start3A_99, %dma_start3A_100] : memref<10240x128xf32, #tpu.memory_space<vmem_shared>> -> memref<10240x128xf32, #tpu.memory_space<vmem_shared>>
      tpu.enqueue_indirect_dma source(%arg10 : memref<128x128xf32, #tpu.memory_space<vmem>>) target(%dma_start3A_101 : memref<10240x128xf32, #tpu.memory_space<vmem_shared>>) offsets(%dma_start3A_98 : memref<128xi32, #tpu.memory_space<vmem>>) semaphore(%run_scoped3A : memref<!tpu.dma_semaphore, #tpu.memory_space<semaphore_mem>>) {add = true}
      %dma_wait3A_102 = arith.constant 4864 : i32
      %dma_wait3A_103 = tpu.memref_slice %arg9[%dma_wait3A_102] : memref<5120xi32, #tpu.memory_space<vmem>> -> memref<128xi32, #tpu.memory_space<vmem>>
      %dma_wait3A_104 = arith.constant 0 : i32
      %dma_wait3A_105 = arith.constant 0 : i32
      %dma_wait3A_106 = tpu.memref_slice %arg12[%dma_wait3A_104, %dma_wait3A_105] : memref<10240x128xf32, #tpu.memory_space<vmem_shared>> -> memref<10240x128xf32, #tpu.memory_space<vmem_shared>>
      tpu.wait_indirect_dma semaphore(%run_scoped3A : memref<!tpu.dma_semaphore, #tpu.memory_space<semaphore_mem>>) src(%arg10 : memref<128x128xf32, #tpu.memory_space<vmem>>) dst(%dma_wait3A_106 : memref<10240x128xf32, #tpu.memory_space<vmem_shared>>)
      tpu.yield
    }) : () -> ()
    %dma_wait3A_49 = arith.constant 0 : i32
    %dma_wait3A_50 = tpu.memref_slice %arg8[%dma_wait3A_49] : memref<5120xi32, #tpu.memory_space<vmem>> -> memref<128xi32, #tpu.memory_space<vmem>>
    %dma_wait3A_51 = arith.constant 0 : i32
    %dma_wait3A_52 = arith.constant 0 : i32
    %dma_wait3A_53 = tpu.memref_slice %arg2[%dma_wait3A_51, %dma_wait3A_52] : memref<10000x128xf32, #tpu.memory_space<hbm>> -> memref<10000x128xf32, #tpu.memory_space<hbm>>
    tpu.wait_indirect_dma semaphore(%arg14 : memref<!tpu.dma_semaphore, #tpu.memory_space<semaphore_mem>>) src(%dma_wait3A_53 : memref<10000x128xf32, #tpu.memory_space<hbm>>) dst(%arg11 : memref<128x128xf32, #tpu.memory_space<vmem>>)
    "tpu.region"() ({
      %run_scoped3A = tpu.sem_alloc : memref<!tpu.dma_semaphore, #tpu.memory_space<semaphore_mem>>
      %dma_start3A_97 = arith.constant 4992 : i32
      %dma_start3A_98 = tpu.memref_slice %arg9[%dma_start3A_97] : memref<5120xi32, #tpu.memory_space<vmem>> -> memref<128xi32, #tpu.memory_space<vmem>>
      %dma_start3A_99 = arith.constant 0 : i32
      %dma_start3A_100 = arith.constant 0 : i32
      %dma_start3A_101 = tpu.memref_slice %arg12[%dma_start3A_99, %dma_start3A_100] : memref<10240x128xf32, #tpu.memory_space<vmem_shared>> -> memref<10240x128xf32, #tpu.memory_space<vmem_shared>>
      tpu.enqueue_indirect_dma source(%arg11 : memref<128x128xf32, #tpu.memory_space<vmem>>) target(%dma_start3A_101 : memref<10240x128xf32, #tpu.memory_space<vmem_shared>>) offsets(%dma_start3A_98 : memref<128xi32, #tpu.memory_space<vmem>>) semaphore(%run_scoped3A : memref<!tpu.dma_semaphore, #tpu.memory_space<semaphore_mem>>) {add = true}
      %dma_wait3A_102 = arith.constant 4992 : i32
      %dma_wait3A_103 = tpu.memref_slice %arg9[%dma_wait3A_102] : memref<5120xi32, #tpu.memory_space<vmem>> -> memref<128xi32, #tpu.memory_space<vmem>>
      %dma_wait3A_104 = arith.constant 0 : i32
      %dma_wait3A_105 = arith.constant 0 : i32
      %dma_wait3A_106 = tpu.memref_slice %arg12[%dma_wait3A_104, %dma_wait3A_105] : memref<10240x128xf32, #tpu.memory_space<vmem_shared>> -> memref<10240x128xf32, #tpu.memory_space<vmem_shared>>
      tpu.wait_indirect_dma semaphore(%run_scoped3A : memref<!tpu.dma_semaphore, #tpu.memory_space<semaphore_mem>>) src(%arg11 : memref<128x128xf32, #tpu.memory_space<vmem>>) dst(%dma_wait3A_106 : memref<10240x128xf32, #tpu.memory_space<vmem_shared>>)
      tpu.yield
    }) : () -> ()
    %not3A_54 = arith.constant true
    %not3A_55 = arith.xori %eq3A_5, %not3A_54 : i1
    %convert_element_type3A_56 = arith.extui %not3A_55 : i1 to i32
    %cond3A_57 = arith.constant 0 : i32
    %cond3A_58 = arith.cmpi ne, %convert_element_type3A_56, %cond3A_57 : i32
    scf.if %cond3A_58 {
      %add3A_97 = arith.constant 5120 : i32
      %add3A_98 = arith.addi %mul3A_4, %add3A_97 : i32
      %dma_start3A_99 = arith.constant 0 : i32
      %dma_start3A_100 = tpu.memref_slice %arg3[%dma_start3A_99, %add3A_98] : memref<2x320000xi32, #tpu.memory_space<hbm>> -> memref<1x5120xi32, #tpu.memory_space<hbm>>
      %dma_start3A_101 = tpu.memref_squeeze %dma_start3A_100 : memref<1x5120xi32, #tpu.memory_space<hbm>> -> memref<5120xi32, #tpu.memory_space<hbm>>
      %dma_start3A_102 = tpu.memref_slice %arg3[%dma_start3A_99, %add3A_98] : memref<2x320000xi32, #tpu.memory_space<hbm>> -> memref<1x5120xi32, #tpu.memory_space<hbm>>
      %dma_start3A_103 = tpu.memref_squeeze %dma_start3A_102 : memref<1x5120xi32, #tpu.memory_space<hbm>> -> memref<5120xi32, #tpu.memory_space<hbm>>
      tpu.enqueue_dma source(%dma_start3A_103 : memref<5120xi32, #tpu.memory_space<hbm>>) target(%arg8 : memref<5120xi32, #tpu.memory_space<vmem>>) target_semaphore(%arg15 : memref<!tpu.dma_semaphore, #tpu.memory_space<semaphore_mem>>)
      %add3A_104 = arith.constant 5120 : i32
      %add3A_105 = arith.addi %mul3A_4, %add3A_104 : i32
      %dma_start3A_106 = arith.constant 1 : i32
      %dma_start3A_107 = tpu.memref_slice %arg3[%dma_start3A_106, %add3A_105] : memref<2x320000xi32, #tpu.memory_space<hbm>> -> memref<1x5120xi32, #tpu.memory_space<hbm>>
      %dma_start3A_108 = tpu.memref_squeeze %dma_start3A_107 : memref<1x5120xi32, #tpu.memory_space<hbm>> -> memref<5120xi32, #tpu.memory_space<hbm>>
      %dma_start3A_109 = tpu.memref_slice %arg3[%dma_start3A_106, %add3A_105] : memref<2x320000xi32, #tpu.memory_space<hbm>> -> memref<1x5120xi32, #tpu.memory_space<hbm>>
      %dma_start3A_110 = tpu.memref_squeeze %dma_start3A_109 : memref<1x5120xi32, #tpu.memory_space<hbm>> -> memref<5120xi32, #tpu.memory_space<hbm>>
      tpu.enqueue_dma source(%dma_start3A_110 : memref<5120xi32, #tpu.memory_space<hbm>>) target(%arg9 : memref<5120xi32, #tpu.memory_space<vmem>>) target_semaphore(%arg15 : memref<!tpu.dma_semaphore, #tpu.memory_space<semaphore_mem>>)
    } else {
    }
    %convert_element_type3A_59 = arith.extui %eq3A_5 : i1 to i32
    %cond3A_60 = arith.constant 0 : i32
    %cond3A_61 = arith.cmpi ne, %convert_element_type3A_59, %cond3A_60 : i32
    scf.if %cond3A_61 {
      %dma_start3A_97 = arith.constant 2560 : i32
      %dma_start3A_98 = tpu.memref_slice %arg4[%dma_start3A_97] : memref<7680xi32, #tpu.memory_space<hbm>> -> memref<5120xi32, #tpu.memory_space<hbm>>
      %dma_start3A_99 = arith.constant 2560 : i32
      %dma_start3A_100 = tpu.memref_slice %arg4[%dma_start3A_99] : memref<7680xi32, #tpu.memory_space<hbm>> -> memref<5120xi32, #tpu.memory_space<hbm>>
      tpu.enqueue_dma source(%dma_start3A_100 : memref<5120xi32, #tpu.memory_space<hbm>>) target(%arg8 : memref<5120xi32, #tpu.memory_space<vmem>>) target_semaphore(%arg15 : memref<!tpu.dma_semaphore, #tpu.memory_space<semaphore_mem>>)
      %dma_start3A_101 = arith.constant 2560 : i32
      %dma_start3A_102 = tpu.memref_slice %arg5[%dma_start3A_101] : memref<7680xi32, #tpu.memory_space<hbm>> -> memref<5120xi32, #tpu.memory_space<hbm>>
      %dma_start3A_103 = arith.constant 2560 : i32
      %dma_start3A_104 = tpu.memref_slice %arg5[%dma_start3A_103] : memref<7680xi32, #tpu.memory_space<hbm>> -> memref<5120xi32, #tpu.memory_space<hbm>>
      tpu.enqueue_dma source(%dma_start3A_104 : memref<5120xi32, #tpu.memory_space<hbm>>) target(%arg9 : memref<5120xi32, #tpu.memory_space<vmem>>) target_semaphore(%arg15 : memref<!tpu.dma_semaphore, #tpu.memory_space<semaphore_mem>>)
    } else {
    }
    %not3A_62 = arith.constant true
    %not3A_63 = arith.xori %eq3A_5, %not3A_62 : i1
    %convert_element_type3A_64 = arith.extui %not3A_63 : i1 to i32
    %cond3A_65 = arith.constant 0 : i32
    %cond3A_66 = arith.cmpi ne, %convert_element_type3A_64, %cond3A_65 : i32
    scf.if %cond3A_66 {
      %add3A_97 = arith.constant 5120 : i32
      %add3A_98 = arith.addi %mul3A_4, %add3A_97 : i32
      %dma_wait3A_99 = arith.constant 0 : i32
      %dma_wait3A_100 = tpu.memref_slice %arg3[%dma_wait3A_99, %add3A_98] : memref<2x320000xi32, #tpu.memory_space<hbm>> -> memref<1x5120xi32, #tpu.memory_space<hbm>>
      %dma_wait3A_101 = tpu.memref_squeeze %dma_wait3A_100 : memref<1x5120xi32, #tpu.memory_space<hbm>> -> memref<5120xi32, #tpu.memory_space<hbm>>
      %dma_wait3A_102 = tpu.memref_slice %arg3[%dma_wait3A_99, %add3A_98] : memref<2x320000xi32, #tpu.memory_space<hbm>> -> memref<1x5120xi32, #tpu.memory_space<hbm>>
      %dma_wait3A_103 = tpu.memref_squeeze %dma_wait3A_102 : memref<1x5120xi32, #tpu.memory_space<hbm>> -> memref<5120xi32, #tpu.memory_space<hbm>>
      tpu.wait_dma2 semaphore(%arg15 : memref<!tpu.dma_semaphore, #tpu.memory_space<semaphore_mem>>) src(%dma_wait3A_103 : memref<5120xi32, #tpu.memory_space<hbm>>) dst(%arg8 : memref<5120xi32, #tpu.memory_space<vmem>>)
      %add3A_104 = arith.constant 5120 : i32
      %add3A_105 = arith.addi %mul3A_4, %add3A_104 : i32
      %dma_wait3A_106 = arith.constant 1 : i32
      %dma_wait3A_107 = tpu.memref_slice %arg3[%dma_wait3A_106, %add3A_105] : memref<2x320000xi32, #tpu.memory_space<hbm>> -> memref<1x5120xi32, #tpu.memory_space<hbm>>
      %dma_wait3A_108 = tpu.memref_squeeze %dma_wait3A_107 : memref<1x5120xi32, #tpu.memory_space<hbm>> -> memref<5120xi32, #tpu.memory_space<hbm>>
      %dma_wait3A_109 = tpu.memref_slice %arg3[%dma_wait3A_106, %add3A_105] : memref<2x320000xi32, #tpu.memory_space<hbm>> -> memref<1x5120xi32, #tpu.memory_space<hbm>>
      %dma_wait3A_110 = tpu.memref_squeeze %dma_wait3A_109 : memref<1x5120xi32, #tpu.memory_space<hbm>> -> memref<5120xi32, #tpu.memory_space<hbm>>
      tpu.wait_dma2 semaphore(%arg15 : memref<!tpu.dma_semaphore, #tpu.memory_space<semaphore_mem>>) src(%dma_wait3A_110 : memref<5120xi32, #tpu.memory_space<hbm>>) dst(%arg9 : memref<5120xi32, #tpu.memory_space<vmem>>)
    } else {
    }
    %convert_element_type3A_67 = arith.extui %eq3A_5 : i1 to i32
    %cond3A_68 = arith.constant 0 : i32
    %cond3A_69 = arith.cmpi ne, %convert_element_type3A_67, %cond3A_68 : i32
    scf.if %cond3A_69 {
      %dma_wait3A_97 = arith.constant 2560 : i32
      %dma_wait3A_98 = tpu.memref_slice %arg4[%dma_wait3A_97] : memref<7680xi32, #tpu.memory_space<hbm>> -> memref<5120xi32, #tpu.memory_space<hbm>>
      %dma_wait3A_99 = arith.constant 2560 : i32
      %dma_wait3A_100 = tpu.memref_slice %arg4[%dma_wait3A_99] : memref<7680xi32, #tpu.memory_space<hbm>> -> memref<5120xi32, #tpu.memory_space<hbm>>
      tpu.wait_dma2 semaphore(%arg15 : memref<!tpu.dma_semaphore, #tpu.memory_space<semaphore_mem>>) src(%dma_wait3A_100 : memref<5120xi32, #tpu.memory_space<hbm>>) dst(%arg8 : memref<5120xi32, #tpu.memory_space<vmem>>)
      %dma_wait3A_101 = arith.constant 2560 : i32
      %dma_wait3A_102 = tpu.memref_slice %arg5[%dma_wait3A_101] : memref<7680xi32, #tpu.memory_space<hbm>> -> memref<5120xi32, #tpu.memory_space<hbm>>
      %dma_wait3A_103 = arith.constant 2560 : i32
      %dma_wait3A_104 = tpu.memref_slice %arg5[%dma_wait3A_103] : memref<7680xi32, #tpu.memory_space<hbm>> -> memref<5120xi32, #tpu.memory_space<hbm>>
      tpu.wait_dma2 semaphore(%arg15 : memref<!tpu.dma_semaphore, #tpu.memory_space<semaphore_mem>>) src(%dma_wait3A_104 : memref<5120xi32, #tpu.memory_space<hbm>>) dst(%arg9 : memref<5120xi32, #tpu.memory_space<vmem>>)
    } else {
    }
    %dma_start3A_70 = arith.constant 0 : i32
    %dma_start3A_71 = tpu.memref_slice %arg8[%dma_start3A_70] : memref<5120xi32, #tpu.memory_space<vmem>> -> memref<128xi32, #tpu.memory_space<vmem>>
    %dma_start3A_72 = arith.constant 0 : i32
    %dma_start3A_73 = arith.constant 0 : i32
    %dma_start3A_74 = tpu.memref_slice %arg2[%dma_start3A_72, %dma_start3A_73] : memref<10000x128xf32, #tpu.memory_space<hbm>> -> memref<10000x128xf32, #tpu.memory_space<hbm>>
    tpu.enqueue_indirect_dma source(%dma_start3A_74 : memref<10000x128xf32, #tpu.memory_space<hbm>>) target(%arg10 : memref<128x128xf32, #tpu.memory_space<vmem>>) offsets(%dma_start3A_71 : memref<128xi32, #tpu.memory_space<vmem>>) semaphore(%arg13 : memref<!tpu.dma_semaphore, #tpu.memory_space<semaphore_mem>>)
    %dma_start3A_75 = arith.constant 128 : i32
    %dma_start3A_76 = tpu.memref_slice %arg8[%dma_start3A_75] : memref<5120xi32, #tpu.memory_space<vmem>> -> memref<128xi32, #tpu.memory_space<vmem>>
    %dma_start3A_77 = arith.constant 0 : i32
    %dma_start3A_78 = arith.constant 0 : i32
    %dma_start3A_79 = tpu.memref_slice %arg2[%dma_start3A_77, %dma_start3A_78] : memref<10000x128xf32, #tpu.memory_space<hbm>> -> memref<10000x128xf32, #tpu.memory_space<hbm>>
    tpu.enqueue_indirect_dma source(%dma_start3A_79 : memref<10000x128xf32, #tpu.memory_space<hbm>>) target(%arg11 : memref<128x128xf32, #tpu.memory_space<vmem>>) offsets(%dma_start3A_76 : memref<128xi32, #tpu.memory_space<vmem>>) semaphore(%arg14 : memref<!tpu.dma_semaphore, #tpu.memory_space<semaphore_mem>>)
    %scan3A_80 = arith.constant 0 : i32
    %scan3A_81 = arith.constant 0 : i32
    %scan3A_82 = arith.constant 19 : i32
    %scan3A_83 = arith.addi %scan3A_81, %scan3A_82 : i32
    %scan3A_84 = arith.constant 1 : i32
    scf.for %scan3A_97 = %scan3A_81 to %scan3A_83 step %scan3A_84  : i32 {
      %mul3A_98 = arith.constant 2 : i32
      %mul3A_99 = arith.muli %mul3A_98, %scan3A_97 : i32
      %mul3A_100 = arith.constant 128 : i32
      %mul3A_101 = arith.muli %mul3A_99, %mul3A_100 : i32
      %dma_wait3A_102 = arith.constant 0 : i32
      %dma_wait3A_103 = tpu.memref_slice %arg8[%dma_wait3A_102] : memref<5120xi32, #tpu.memory_space<vmem>> -> memref<128xi32, #tpu.memory_space<vmem>>
      %dma_wait3A_104 = arith.constant 0 : i32
      %dma_wait3A_105 = arith.constant 0 : i32
      %dma_wait3A_106 = tpu.memref_slice %arg2[%dma_wait3A_104, %dma_wait3A_105] : memref<10000x128xf32, #tpu.memory_space<hbm>> -> memref<10000x128xf32, #tpu.memory_space<hbm>>
      tpu.wait_indirect_dma semaphore(%arg13 : memref<!tpu.dma_semaphore, #tpu.memory_space<semaphore_mem>>) src(%dma_wait3A_106 : memref<10000x128xf32, #tpu.memory_space<hbm>>) dst(%arg10 : memref<128x128xf32, #tpu.memory_space<vmem>>)
      "tpu.region"() ({
        %run_scoped3A = tpu.sem_alloc : memref<!tpu.dma_semaphore, #tpu.memory_space<semaphore_mem>>
        %dma_start3A_126 = tpu.memref_slice %arg9[%mul3A_101] : memref<5120xi32, #tpu.memory_space<vmem>> -> memref<128xi32, #tpu.memory_space<vmem>>
        %dma_start3A_127 = arith.constant 0 : i32
        %dma_start3A_128 = arith.constant 0 : i32
        %dma_start3A_129 = tpu.memref_slice %arg12[%dma_start3A_127, %dma_start3A_128] : memref<10240x128xf32, #tpu.memory_space<vmem_shared>> -> memref<10240x128xf32, #tpu.memory_space<vmem_shared>>
        tpu.enqueue_indirect_dma source(%arg10 : memref<128x128xf32, #tpu.memory_space<vmem>>) target(%dma_start3A_129 : memref<10240x128xf32, #tpu.memory_space<vmem_shared>>) offsets(%dma_start3A_126 : memref<128xi32, #tpu.memory_space<vmem>>) semaphore(%run_scoped3A : memref<!tpu.dma_semaphore, #tpu.memory_space<semaphore_mem>>) {add = true}
        %dma_wait3A_130 = tpu.memref_slice %arg9[%mul3A_101] : memref<5120xi32, #tpu.memory_space<vmem>> -> memref<128xi32, #tpu.memory_space<vmem>>
        %dma_wait3A_131 = arith.constant 0 : i32
        %dma_wait3A_132 = arith.constant 0 : i32
        %dma_wait3A_133 = tpu.memref_slice %arg12[%dma_wait3A_131, %dma_wait3A_132] : memref<10240x128xf32, #tpu.memory_space<vmem_shared>> -> memref<10240x128xf32, #tpu.memory_space<vmem_shared>>
        tpu.wait_indirect_dma semaphore(%run_scoped3A : memref<!tpu.dma_semaphore, #tpu.memory_space<semaphore_mem>>) src(%arg10 : memref<128x128xf32, #tpu.memory_space<vmem>>) dst(%dma_wait3A_133 : memref<10240x128xf32, #tpu.memory_space<vmem_shared>>)
        tpu.yield
      }) : () -> ()
      %add3A_107 = arith.constant 256 : i32
      %add3A_108 = arith.addi %mul3A_101, %add3A_107 : i32
      %dma_start3A_109 = tpu.memref_slice %arg8[%add3A_108] : memref<5120xi32, #tpu.memory_space<vmem>> -> memref<128xi32, #tpu.memory_space<vmem>>
      %dma_start3A_110 = arith.constant 0 : i32
      %dma_start3A_111 = arith.constant 0 : i32
      %dma_start3A_112 = tpu.memref_slice %arg2[%dma_start3A_110, %dma_start3A_111] : memref<10000x128xf32, #tpu.memory_space<hbm>> -> memref<10000x128xf32, #tpu.memory_space<hbm>>
      tpu.enqueue_indirect_dma source(%dma_start3A_112 : memref<10000x128xf32, #tpu.memory_space<hbm>>) target(%arg10 : memref<128x128xf32, #tpu.memory_space<vmem>>) offsets(%dma_start3A_109 : memref<128xi32, #tpu.memory_space<vmem>>) semaphore(%arg13 : memref<!tpu.dma_semaphore, #tpu.memory_space<semaphore_mem>>)
      %dma_wait3A_113 = arith.constant 0 : i32
      %dma_wait3A_114 = tpu.memref_slice %arg8[%dma_wait3A_113] : memref<5120xi32, #tpu.memory_space<vmem>> -> memref<128xi32, #tpu.memory_space<vmem>>
      %dma_wait3A_115 = arith.constant 0 : i32
      %dma_wait3A_116 = arith.constant 0 : i32
      %dma_wait3A_117 = tpu.memref_slice %arg2[%dma_wait3A_115, %dma_wait3A_116] : memref<10000x128xf32, #tpu.memory_space<hbm>> -> memref<10000x128xf32, #tpu.memory_space<hbm>>
      tpu.wait_indirect_dma semaphore(%arg14 : memref<!tpu.dma_semaphore, #tpu.memory_space<semaphore_mem>>) src(%dma_wait3A_117 : memref<10000x128xf32, #tpu.memory_space<hbm>>) dst(%arg11 : memref<128x128xf32, #tpu.memory_space<vmem>>)
      %add3A_118 = arith.constant 128 : i32
      %add3A_119 = arith.addi %mul3A_101, %add3A_118 : i32
      "tpu.region"() ({
        %run_scoped3A = tpu.sem_alloc : memref<!tpu.dma_semaphore, #tpu.memory_space<semaphore_mem>>
        %dma_start3A_126 = tpu.memref_slice %arg9[%add3A_119] : memref<5120xi32, #tpu.memory_space<vmem>> -> memref<128xi32, #tpu.memory_space<vmem>>
        %dma_start3A_127 = arith.constant 0 : i32
        %dma_start3A_128 = arith.constant 0 : i32
        %dma_start3A_129 = tpu.memref_slice %arg12[%dma_start3A_127, %dma_start3A_128] : memref<10240x128xf32, #tpu.memory_space<vmem_shared>> -> memref<10240x128xf32, #tpu.memory_space<vmem_shared>>
        tpu.enqueue_indirect_dma source(%arg11 : memref<128x128xf32, #tpu.memory_space<vmem>>) target(%dma_start3A_129 : memref<10240x128xf32, #tpu.memory_space<vmem_shared>>) offsets(%dma_start3A_126 : memref<128xi32, #tpu.memory_space<vmem>>) semaphore(%run_scoped3A : memref<!tpu.dma_semaphore, #tpu.memory_space<semaphore_mem>>) {add = true}
        %dma_wait3A_130 = tpu.memref_slice %arg9[%add3A_119] : memref<5120xi32, #tpu.memory_space<vmem>> -> memref<128xi32, #tpu.memory_space<vmem>>
        %dma_wait3A_131 = arith.constant 0 : i32
        %dma_wait3A_132 = arith.constant 0 : i32
        %dma_wait3A_133 = tpu.memref_slice %arg12[%dma_wait3A_131, %dma_wait3A_132] : memref<10240x128xf32, #tpu.memory_space<vmem_shared>> -> memref<10240x128xf32, #tpu.memory_space<vmem_shared>>
        tpu.wait_indirect_dma semaphore(%run_scoped3A : memref<!tpu.dma_semaphore, #tpu.memory_space<semaphore_mem>>) src(%arg11 : memref<128x128xf32, #tpu.memory_space<vmem>>) dst(%dma_wait3A_133 : memref<10240x128xf32, #tpu.memory_space<vmem_shared>>)
        tpu.yield
      }) : () -> ()
      %add3A_120 = arith.constant 384 : i32
      %add3A_121 = arith.addi %mul3A_101, %add3A_120 : i32
      %dma_start3A_122 = tpu.memref_slice %arg8[%add3A_121] : memref<5120xi32, #tpu.memory_space<vmem>> -> memref<128xi32, #tpu.memory_space<vmem>>
      %dma_start3A_123 = arith.constant 0 : i32
      %dma_start3A_124 = arith.constant 0 : i32
      %dma_start3A_125 = tpu.memref_slice %arg2[%dma_start3A_123, %dma_start3A_124] : memref<10000x128xf32, #tpu.memory_space<hbm>> -> memref<10000x128xf32, #tpu.memory_space<hbm>>
      tpu.enqueue_indirect_dma source(%dma_start3A_125 : memref<10000x128xf32, #tpu.memory_space<hbm>>) target(%arg11 : memref<128x128xf32, #tpu.memory_space<vmem>>) offsets(%dma_start3A_122 : memref<128xi32, #tpu.memory_space<vmem>>) semaphore(%arg14 : memref<!tpu.dma_semaphore, #tpu.memory_space<semaphore_mem>>)
    }
    %scan3A_85 = arith.constant 19 : i32
    %dma_wait3A_86 = arith.constant 0 : i32
    %dma_wait3A_87 = tpu.memref_slice %arg8[%dma_wait3A_86] : memref<5120xi32, #tpu.memory_space<vmem>> -> memref<128xi32, #tpu.memory_space<vmem>>
    %dma_wait3A_88 = arith.constant 0 : i32
    %dma_wait3A_89 = arith.constant 0 : i32
    %dma_wait3A_90 = tpu.memref_slice %arg2[%dma_wait3A_88, %dma_wait3A_89] : memref<10000x128xf32, #tpu.memory_space<hbm>> -> memref<10000x128xf32, #tpu.memory_space<hbm>>
    tpu.wait_indirect_dma semaphore(%arg13 : memref<!tpu.dma_semaphore, #tpu.memory_space<semaphore_mem>>) src(%dma_wait3A_90 : memref<10000x128xf32, #tpu.memory_space<hbm>>) dst(%arg10 : memref<128x128xf32, #tpu.memory_space<vmem>>)
    "tpu.region"() ({
      %run_scoped3A = tpu.sem_alloc : memref<!tpu.dma_semaphore, #tpu.memory_space<semaphore_mem>>
      %dma_start3A_97 = arith.constant 4864 : i32
      %dma_start3A_98 = tpu.memref_slice %arg9[%dma_start3A_97] : memref<5120xi32, #tpu.memory_space<vmem>> -> memref<128xi32, #tpu.memory_space<vmem>>
      %dma_start3A_99 = arith.constant 0 : i32
      %dma_start3A_100 = arith.constant 0 : i32
      %dma_start3A_101 = tpu.memref_slice %arg12[%dma_start3A_99, %dma_start3A_100] : memref<10240x128xf32, #tpu.memory_space<vmem_shared>> -> memref<10240x128xf32, #tpu.memory_space<vmem_shared>>
      tpu.enqueue_indirect_dma source(%arg10 : memref<128x128xf32, #tpu.memory_space<vmem>>) target(%dma_start3A_101 : memref<10240x128xf32, #tpu.memory_space<vmem_shared>>) offsets(%dma_start3A_98 : memref<128xi32, #tpu.memory_space<vmem>>) semaphore(%run_scoped3A : memref<!tpu.dma_semaphore, #tpu.memory_space<semaphore_mem>>) {add = true}
      %dma_wait3A_102 = arith.constant 4864 : i32
      %dma_wait3A_103 = tpu.memref_slice %arg9[%dma_wait3A_102] : memref<5120xi32, #tpu.memory_space<vmem>> -> memref<128xi32, #tpu.memory_space<vmem>>
      %dma_wait3A_104 = arith.constant 0 : i32
      %dma_wait3A_105 = arith.constant 0 : i32
      %dma_wait3A_106 = tpu.memref_slice %arg12[%dma_wait3A_104, %dma_wait3A_105] : memref<10240x128xf32, #tpu.memory_space<vmem_shared>> -> memref<10240x128xf32, #tpu.memory_space<vmem_shared>>
      tpu.wait_indirect_dma semaphore(%run_scoped3A : memref<!tpu.dma_semaphore, #tpu.memory_space<semaphore_mem>>) src(%arg10 : memref<128x128xf32, #tpu.memory_space<vmem>>) dst(%dma_wait3A_106 : memref<10240x128xf32, #tpu.memory_space<vmem_shared>>)
      tpu.yield
    }) : () -> ()
    %dma_wait3A_91 = arith.constant 0 : i32
    %dma_wait3A_92 = tpu.memref_slice %arg8[%dma_wait3A_91] : memref<5120xi32, #tpu.memory_space<vmem>> -> memref<128xi32, #tpu.memory_space<vmem>>
    %dma_wait3A_93 = arith.constant 0 : i32
    %dma_wait3A_94 = arith.constant 0 : i32
    %dma_wait3A_95 = tpu.memref_slice %arg2[%dma_wait3A_93, %dma_wait3A_94] : memref<10000x128xf32, #tpu.memory_space<hbm>> -> memref<10000x128xf32, #tpu.memory_space<hbm>>
    tpu.wait_indirect_dma semaphore(%arg14 : memref<!tpu.dma_semaphore, #tpu.memory_space<semaphore_mem>>) src(%dma_wait3A_95 : memref<10000x128xf32, #tpu.memory_space<hbm>>) dst(%arg11 : memref<128x128xf32, #tpu.memory_space<vmem>>)
    "tpu.region"() ({
      %run_scoped3A = tpu.sem_alloc : memref<!tpu.dma_semaphore, #tpu.memory_space<semaphore_mem>>
      %dma_start3A_97 = arith.constant 4992 : i32
      %dma_start3A_98 = tpu.memref_slice %arg9[%dma_start3A_97] : memref<5120xi32, #tpu.memory_space<vmem>> -> memref<128xi32, #tpu.memory_space<vmem>>
      %dma_start3A_99 = arith.constant 0 : i32
      %dma_start3A_100 = arith.constant 0 : i32
      %dma_start3A_101 = tpu.memref_slice %arg12[%dma_start3A_99, %dma_start3A_100] : memref<10240x128xf32, #tpu.memory_space<vmem_shared>> -> memref<10240x128xf32, #tpu.memory_space<vmem_shared>>
      tpu.enqueue_indirect_dma source(%arg11 : memref<128x128xf32, #tpu.memory_space<vmem>>) target(%dma_start3A_101 : memref<10240x128xf32, #tpu.memory_space<vmem_shared>>) offsets(%dma_start3A_98 : memref<128xi32, #tpu.memory_space<vmem>>) semaphore(%run_scoped3A : memref<!tpu.dma_semaphore, #tpu.memory_space<semaphore_mem>>) {add = true}
      %dma_wait3A_102 = arith.constant 4992 : i32
      %dma_wait3A_103 = tpu.memref_slice %arg9[%dma_wait3A_102] : memref<5120xi32, #tpu.memory_space<vmem>> -> memref<128xi32, #tpu.memory_space<vmem>>
      %dma_wait3A_104 = arith.constant 0 : i32
      %dma_wait3A_105 = arith.constant 0 : i32
      %dma_wait3A_106 = tpu.memref_slice %arg12[%dma_wait3A_104, %dma_wait3A_105] : memref<10240x128xf32, #tpu.memory_space<vmem_shared>> -> memref<10240x128xf32, #tpu.memory_space<vmem_shared>>
      tpu.wait_indirect_dma semaphore(%run_scoped3A : memref<!tpu.dma_semaphore, #tpu.memory_space<semaphore_mem>>) src(%arg11 : memref<128x128xf32, #tpu.memory_space<vmem>>) dst(%dma_wait3A_106 : memref<10240x128xf32, #tpu.memory_space<vmem_shared>>)
      tpu.yield
    }) : () -> ()
    %barrier3A_96 = arith.constant 0 : index
    tpu.barrier barrier_id(%barrier3A_96)
    "tpu.region"() ({
      %run_scoped3A = tpu.sem_alloc : memref<!tpu.dma_semaphore, #tpu.memory_space<semaphore_mem>>
      %dma_start3A_97 = arith.constant 0 : i32
      %dma_start3A_98 = tpu.memref_slice %arg7[%arg0, %mul3A_2, %dma_start3A_97] : memref<2x10240x128xf32, #tpu.memory_space<hbm>> -> memref<1x640x128xf32, #tpu.memory_space<hbm>>
      %dma_start3A_99 = tpu.memref_squeeze %dma_start3A_98 : memref<1x640x128xf32, #tpu.memory_space<hbm>> -> memref<640x128xf32, #tpu.memory_space<hbm>>
      %dma_start3A_100 = arith.constant 0 : i32
      %dma_start3A_101 = tpu.memref_slice %arg12[%mul3A_2, %dma_start3A_100] : memref<10240x128xf32, #tpu.memory_space<vmem_shared>> -> memref<640x128xf32, #tpu.memory_space<vmem_shared>>
      tpu.enqueue_dma source(%dma_start3A_101 : memref<640x128xf32, #tpu.memory_space<vmem_shared>>) target(%dma_start3A_99 : memref<640x128xf32, #tpu.memory_space<hbm>>) target_semaphore(%run_scoped3A : memref<!tpu.dma_semaphore, #tpu.memory_space<semaphore_mem>>)
      %dma_wait3A_102 = arith.constant 0 : i32
      %dma_wait3A_103 = tpu.memref_slice %arg7[%arg0, %mul3A_2, %dma_wait3A_102] : memref<2x10240x128xf32, #tpu.memory_space<hbm>> -> memref<1x640x128xf32, #tpu.memory_space<hbm>>
      %dma_wait3A_104 = tpu.memref_squeeze %dma_wait3A_103 : memref<1x640x128xf32, #tpu.memory_space<hbm>> -> memref<640x128xf32, #tpu.memory_space<hbm>>
      %dma_wait3A_105 = arith.constant 0 : i32
      %dma_wait3A_106 = tpu.memref_slice %arg12[%mul3A_2, %dma_wait3A_105] : memref<10240x128xf32, #tpu.memory_space<vmem_shared>> -> memref<640x128xf32, #tpu.memory_space<vmem_shared>>
      tpu.wait_dma2 semaphore(%run_scoped3A : memref<!tpu.dma_semaphore, #tpu.memory_space<semaphore_mem>>) src(%dma_wait3A_106 : memref<640x128xf32, #tpu.memory_space<vmem_shared>>) dst(%dma_wait3A_104 : memref<640x128xf32, #tpu.memory_space<hbm>>)
      tpu.yield
    }) : () -> ()
    return
  }
}

module attributes {stable_mosaic.version = 14 : i64} {
  func.func @_mlp_body(%arg0: i32, %arg1: memref<5120x128xf32, #tpu.memory_space<vmem>>, %arg2: memref<1x5120x128xf32, #tpu.memory_space<vmem>>, %arg3: memref<1x5120x128xf32, #tpu.memory_space<vmem>>, %arg4: memref<5120x1xi32, #tpu.memory_space<vmem>>, %arg5: memref<128x128xf32, #tpu.memory_space<vmem>>, %arg6: memref<1x128xf32, #tpu.memory_space<vmem>>, %arg7: memref<1x128xf32, #tpu.memory_space<vmem>>, %arg8: memref<1x128xf32, #tpu.memory_space<vmem>>, %arg9: memref<128x128xf32, #tpu.memory_space<vmem>>, %arg10: memref<1x128xf32, #tpu.memory_space<vmem>>, %arg11: memref<5120x128xf32, #tpu.memory_space<vmem>>, %arg12: memref<64x128xf32, #tpu.memory_space<vmem>>, %arg13: memref<64x128xf32, #tpu.memory_space<vmem>>, %arg14: memref<64x128xf32, #tpu.memory_space<vmem>>, %arg15: memref<64x128xf32, #tpu.memory_space<vmem>>) attributes {dimension_semantics = [#tpu.dimension_semantics<arbitrary>], iteration_bounds = array<i64: 2>, scalar_prefetch = 0 : i64, scratch_operands = 2 : i64, tpu.core_type = #tpu.core_type<tc>, window_params = [{transform_indices = @transform_0, window_bounds = array<i64: 5120, 128>}, {transform_indices = @transform_1, window_bounds = array<i64: 1, 5120, 128>}, {transform_indices = @transform_2, window_bounds = array<i64: 1, 5120, 128>}, {transform_indices = @transform_3, window_bounds = array<i64: 5120, 1>}, {pipeline_mode = #tpu.pipeline_mode<synchronous>, transform_indices = @transform_4, window_bounds = array<i64: 128, 128>}, {pipeline_mode = #tpu.pipeline_mode<synchronous>, transform_indices = @transform_5, window_bounds = array<i64: 1, 128>}, {pipeline_mode = #tpu.pipeline_mode<synchronous>, transform_indices = @transform_6, window_bounds = array<i64: 1, 128>}, {pipeline_mode = #tpu.pipeline_mode<synchronous>, transform_indices = @transform_7, window_bounds = array<i64: 1, 128>}, {pipeline_mode = #tpu.pipeline_mode<synchronous>, transform_indices = @transform_8, window_bounds = array<i64: 128, 128>}, {pipeline_mode = #tpu.pipeline_mode<synchronous>, transform_indices = @transform_9, window_bounds = array<i64: 1, 128>}, {transform_indices = @transform_10, window_bounds = array<i64: 5120, 128>}, {pipeline_mode = #tpu.pipeline_mode<synchronous>, transform_indices = @transform_11, window_bounds = array<i64: 64, 128>}, {pipeline_mode = #tpu.pipeline_mode<synchronous>, transform_indices = @transform_12, window_bounds = array<i64: 64, 128>}]} {
    %eq3A = arith.constant 0 : i32
    %eq3A_0 = arith.cmpi eq, %arg0, %eq3A : i32
    %convert_element_type3A = arith.extui %eq3A_0 : i1 to i32
    %cond3A = arith.constant 0 : i32
    %cond3A_1 = arith.cmpi ne, %convert_element_type3A, %cond3A : i32
    scf.if %cond3A_1 {
      %broadcast_in_dim3A_103 = arith.constant 0.000000e+00 : f32
      %broadcast_in_dim3A_104 = vector.broadcast %broadcast_in_dim3A_103 : f32 to vector<64x128xf32>
      %swap3A_105 = arith.constant 0 : index
      %swap3A_106 = arith.constant 0 : index
      %swap3A_107 = vector.load %arg14[%swap3A_105, %swap3A_106] : memref<64x128xf32, #tpu.memory_space<vmem>>, vector<64x128xf32>
      tpu.vector_store %arg14[%swap3A_105, %swap3A_106], %broadcast_in_dim3A_104 {strides = array<i32>} : memref<64x128xf32, #tpu.memory_space<vmem>>, vector<64x128xf32>,
      %broadcast_in_dim3A_108 = arith.constant 0.000000e+00 : f32
      %broadcast_in_dim3A_109 = vector.broadcast %broadcast_in_dim3A_108 : f32 to vector<64x128xf32>
      %swap3A_110 = arith.constant 0 : index
      %swap3A_111 = arith.constant 0 : index
      %swap3A_112 = vector.load %arg15[%swap3A_110, %swap3A_111] : memref<64x128xf32, #tpu.memory_space<vmem>>, vector<64x128xf32>
      tpu.vector_store %arg15[%swap3A_110, %swap3A_111], %broadcast_in_dim3A_109 {strides = array<i32>} : memref<64x128xf32, #tpu.memory_space<vmem>>, vector<64x128xf32>,
    } else {
    }
    %get3A = arith.constant 0 : index
    %get3A_2 = arith.constant 0 : index
    %get3A_3 = vector.load %arg1[%get3A, %get3A_2] : memref<5120x128xf32, #tpu.memory_space<vmem>>, vector<5120x128xf32>
    %get3A_4 = arith.constant 0 : index
    %get3A_5 = arith.constant 0 : index
    %get3A_6 = arith.constant 0 : index
    %get3A_7 = vector.load %arg2[%get3A_4, %get3A_5, %get3A_6] : memref<1x5120x128xf32, #tpu.memory_space<vmem>>, vector<1x5120x128xf32>
    %get3A_8 = vector.shape_cast %get3A_7 : vector<1x5120x128xf32> to vector<5120x128xf32>
    %add3A = arith.addf %get3A_3, %get3A_8 : vector<5120x128xf32>
    %get3A_9 = arith.constant 0 : index
    %get3A_10 = arith.constant 0 : index
    %get3A_11 = arith.constant 0 : index
    %get3A_12 = vector.load %arg3[%get3A_9, %get3A_10, %get3A_11] : memref<1x5120x128xf32, #tpu.memory_space<vmem>>, vector<1x5120x128xf32>
    %get3A_13 = vector.shape_cast %get3A_12 : vector<1x5120x128xf32> to vector<5120x128xf32>
    %add3A_14 = arith.addf %add3A, %get3A_13 : vector<5120x128xf32>
    %get3A_15 = arith.constant 0 : index
    %get3A_16 = arith.constant 0 : index
    %get3A_17 = vector.load %arg5[%get3A_15, %get3A_16] : memref<128x128xf32, #tpu.memory_space<vmem>>, vector<128x128xf32>
    %dot_general3A = arith.constant dense<0.000000e+00> : vector<5120x128xf32>
    %dot_general3A_18 = tpu.matmul %add3A_14, %get3A_17, %dot_general3A {dimension_numbers = #tpu.dot_dimension_numbers<[1], [1], [0], [0], [0, 0, 1, 0], [], []>, transpose_lhs_hint = false} : vector<5120x128xf32>, vector<128x128xf32>, vector<5120x128xf32> -> vector<5120x128xf32>
    %get3A_19 = arith.constant 0 : index
    %get3A_20 = arith.constant 0 : index
    %get3A_21 = vector.load %arg6[%get3A_19, %get3A_20] : memref<1x128xf32, #tpu.memory_space<vmem>>, vector<1x128xf32>
    %add3A_22 = vector.broadcast %get3A_21 : vector<1x128xf32> to vector<5120x128xf32>
    %add3A_23 = arith.addf %dot_general3A_18, %add3A_22 : vector<5120x128xf32>
    %get3A_24 = arith.constant 0 : index
    %get3A_25 = arith.constant 0 : index
    %get3A_26 = vector.load %arg7[%get3A_24, %get3A_25] : memref<1x128xf32, #tpu.memory_space<vmem>>, vector<1x128xf32>
    %mul3A = arith.constant 0.999994993 : f32
    %mul3A_27 = vector.broadcast %mul3A : f32 to vector<1x128xf32>
    %mul3A_28 = arith.mulf %get3A_26, %mul3A_27 : vector<1x128xf32>
    %mul3A_29 = vector.broadcast %mul3A_28 : vector<1x128xf32> to vector<5120x128xf32>
    %mul3A_30 = arith.mulf %add3A_23, %mul3A_29 : vector<5120x128xf32>
    %get3A_31 = arith.constant 0 : index
    %get3A_32 = arith.constant 0 : index
    %get3A_33 = vector.load %arg8[%get3A_31, %get3A_32] : memref<1x128xf32, #tpu.memory_space<vmem>>, vector<1x128xf32>
    %add3A_34 = vector.broadcast %get3A_33 : vector<1x128xf32> to vector<5120x128xf32>
    %add3A_35 = arith.addf %mul3A_30, %add3A_34 : vector<5120x128xf32>
    %max3A = arith.constant 0.000000e+00 : f32
    %max3A_36 = vector.broadcast %max3A : f32 to vector<5120x128xf32>
    %max3A_37 = arith.maximumf %add3A_35, %max3A_36 : vector<5120x128xf32>
    %get3A_38 = arith.constant 0 : index
    %get3A_39 = arith.constant 0 : index
    %get3A_40 = vector.load %arg9[%get3A_38, %get3A_39] : memref<128x128xf32, #tpu.memory_space<vmem>>, vector<128x128xf32>
    %dot_general3A_41 = arith.constant dense<0.000000e+00> : vector<5120x128xf32>
    %dot_general3A_42 = tpu.matmul %max3A_37, %get3A_40, %dot_general3A_41 {dimension_numbers = #tpu.dot_dimension_numbers<[1], [1], [0], [0], [0, 0, 1, 0], [], []>, transpose_lhs_hint = false} : vector<5120x128xf32>, vector<128x128xf32>, vector<5120x128xf32> -> vector<5120x128xf32>
    %get3A_43 = arith.constant 0 : index
    %get3A_44 = arith.constant 0 : index
    %get3A_45 = vector.load %arg10[%get3A_43, %get3A_44] : memref<1x128xf32, #tpu.memory_space<vmem>>, vector<1x128xf32>
    %add3A_46 = vector.broadcast %get3A_45 : vector<1x128xf32> to vector<5120x128xf32>
    %add3A_47 = arith.addf %dot_general3A_42, %add3A_46 : vector<5120x128xf32>
    %max3A_48 = arith.constant 0.000000e+00 : f32
    %max3A_49 = vector.broadcast %max3A_48 : f32 to vector<5120x128xf32>
    %max3A_50 = arith.maximumf %add3A_47, %max3A_49 : vector<5120x128xf32>
    %swap3A = arith.constant 0 : index
    %swap3A_51 = arith.constant 0 : index
    %swap3A_52 = vector.load %arg11[%swap3A, %swap3A_51] : memref<5120x128xf32, #tpu.memory_space<vmem>>, vector<5120x128xf32>
    tpu.vector_store %arg11[%swap3A, %swap3A_51], %max3A_50 {strides = array<i32>} : memref<5120x128xf32, #tpu.memory_space<vmem>>, vector<5120x128xf32>,
    %iota3A = tpu.iota {dimensions = array<i32: 0>} : vector<5120x1xi32>
    %mul3A_53 = arith.constant 5120 : i32
    %mul3A_54 = arith.muli %arg0, %mul3A_53 : i32
    %add3A_55 = vector.broadcast %mul3A_54 : i32 to vector<5120x1xi32>
    %add3A_56 = arith.addi %iota3A, %add3A_55 : vector<5120x1xi32>
    %lt3A = arith.constant 10000 : i32
    %lt3A_57 = vector.broadcast %lt3A : i32 to vector<5120x1xi32>
    %lt3A_58 = arith.cmpi slt, %add3A_56, %lt3A_57 : vector<5120x1xi32>
    %iota3A_59 = tpu.iota {dimensions = array<i32: 1>} : vector<5120x64xi32>
    %get3A_60 = arith.constant 0 : index
    %get3A_61 = arith.constant 0 : index
    %get3A_62 = vector.load %arg4[%get3A_60, %get3A_61] : memref<5120x1xi32, #tpu.memory_space<vmem>>, vector<5120x1xi32>
    %eq3A_63 = vector.broadcast %get3A_62 : vector<5120x1xi32> to vector<5120x64xi32>
    %eq3A_64 = arith.cmpi eq, %eq3A_63, %iota3A_59 : vector<5120x64xi32>
    %and3A = vector.broadcast %lt3A_58 : vector<5120x1xi1> to vector<5120x64xi1>
    %and3A_65 = arith.andi %eq3A_64, %and3A : vector<5120x64xi1>
    %jit3A = arith.constant 1.000000e+00 : f32
    %jit3A_66 = arith.constant 0.000000e+00 : f32
    %broadcast_in_dim3A = vector.broadcast %jit3A : f32 to vector<5120x64xf32>
    %broadcast_in_dim3A_67 = vector.broadcast %jit3A_66 : f32 to vector<5120x64xf32>
    %select_n3A = arith.select %and3A_65, %broadcast_in_dim3A, %broadcast_in_dim3A_67 : vector<5120x64xi1>, vector<5120x64xf32>
    %broadcast_in_dim3A_68 = vector.shape_cast %lt3A_58 : vector<5120x1xi1> to vector<5120x1xi1>
    %broadcast_in_dim3A_69 = vector.broadcast %broadcast_in_dim3A_68 : vector<5120x1xi1> to vector<5120x128xi1>
    %jit3A_70 = arith.constant 1.000000e+00 : f32
    %jit3A_71 = arith.constant 0.000000e+00 : f32
    %broadcast_in_dim3A_72 = vector.broadcast %jit3A_70 : f32 to vector<5120x128xf32>
    %broadcast_in_dim3A_73 = vector.broadcast %jit3A_71 : f32 to vector<5120x128xf32>
    %select_n3A_74 = arith.select %broadcast_in_dim3A_69, %broadcast_in_dim3A_72, %broadcast_in_dim3A_73 : vector<5120x128xi1>, vector<5120x128xf32>
    %broadcast_in_dim3A_75 = vector.shape_cast %lt3A_58 : vector<5120x1xi1> to vector<5120x1xi1>
    %broadcast_in_dim3A_76 = vector.broadcast %broadcast_in_dim3A_75 : vector<5120x1xi1> to vector<5120x128xi1>
    %jit3A_77 = arith.constant 0.000000e+00 : f32
    %broadcast_in_dim3A_78 = vector.broadcast %jit3A_77 : f32 to vector<5120x128xf32>
    %select_n3A_79 = arith.select %broadcast_in_dim3A_76, %max3A_50, %broadcast_in_dim3A_78 : vector<5120x128xi1>, vector<5120x128xf32>
    %get3A_80 = arith.constant 0 : index
    %get3A_81 = arith.constant 0 : index
    %get3A_82 = vector.load %arg15[%get3A_80, %get3A_81] : memref<64x128xf32, #tpu.memory_space<vmem>>, vector<64x128xf32>
    %dot_general3A_83 = arith.constant dense<0.000000e+00> : vector<64x128xf32>
    %dot_general3A_84 = tpu.matmul %select_n3A, %select_n3A_74, %dot_general3A_83 {dimension_numbers = #tpu.dot_dimension_numbers<[0], [0], [1], [1], [0, 1, 1, 1], [], []>, transpose_lhs_hint = false} : vector<5120x64xf32>, vector<5120x128xf32>, vector<64x128xf32> -> vector<64x128xf32>
    %add3A_85 = arith.addf %get3A_82, %dot_general3A_84 : vector<64x128xf32>
    %swap3A_86 = arith.constant 0 : index
    %swap3A_87 = arith.constant 0 : index
    %swap3A_88 = vector.load %arg15[%swap3A_86, %swap3A_87] : memref<64x128xf32, #tpu.memory_space<vmem>>, vector<64x128xf32>
    tpu.vector_store %arg15[%swap3A_86, %swap3A_87], %add3A_85 {strides = array<i32>} : memref<64x128xf32, #tpu.memory_space<vmem>>, vector<64x128xf32>,
    %get3A_89 = arith.constant 0 : index
    %get3A_90 = arith.constant 0 : index
    %get3A_91 = vector.load %arg14[%get3A_89, %get3A_90] : memref<64x128xf32, #tpu.memory_space<vmem>>, vector<64x128xf32>
    %dot_general3A_92 = arith.constant dense<0.000000e+00> : vector<64x128xf32>
    %dot_general3A_93 = tpu.matmul %select_n3A, %select_n3A_79, %dot_general3A_92 {dimension_numbers = #tpu.dot_dimension_numbers<[0], [0], [1], [1], [0, 1, 1, 1], [], []>, transpose_lhs_hint = false} : vector<5120x64xf32>, vector<5120x128xf32>, vector<64x128xf32> -> vector<64x128xf32>
    %add3A_94 = arith.addf %get3A_91, %dot_general3A_93 : vector<64x128xf32>
    %swap3A_95 = arith.constant 0 : index
    %swap3A_96 = arith.constant 0 : index
    %swap3A_97 = vector.load %arg14[%swap3A_95, %swap3A_96] : memref<64x128xf32, #tpu.memory_space<vmem>>, vector<64x128xf32>
    tpu.vector_store %arg14[%swap3A_95, %swap3A_96], %add3A_94 {strides = array<i32>} : memref<64x128xf32, #tpu.memory_space<vmem>>, vector<64x128xf32>,
    %eq3A_98 = arith.constant 1 : i32
    %eq3A_99 = arith.cmpi eq, %arg0, %eq3A_98 : i32
    %convert_element_type3A_100 = arith.extui %eq3A_99 : i1 to i32
    %cond3A_101 = arith.constant 0 : i32
    %cond3A_102 = arith.cmpi ne, %convert_element_type3A_100, %cond3A_101 : i32
    scf.if %cond3A_102 {
      %get3A_103 = arith.constant 0 : index
      %get3A_104 = arith.constant 0 : index
      %get3A_105 = vector.load %arg14[%get3A_103, %get3A_104] : memref<64x128xf32, #tpu.memory_space<vmem>>, vector<64x128xf32>
      %swap3A_106 = arith.constant 0 : index
      %swap3A_107 = arith.constant 0 : index
      %swap3A_108 = vector.load %arg12[%swap3A_106, %swap3A_107] : memref<64x128xf32, #tpu.memory_space<vmem>>, vector<64x128xf32>
      tpu.vector_store %arg12[%swap3A_106, %swap3A_107], %get3A_105 {strides = array<i32>} : memref<64x128xf32, #tpu.memory_space<vmem>>, vector<64x128xf32>,
      %get3A_109 = arith.constant 0 : index
      %get3A_110 = arith.constant 0 : index
      %get3A_111 = vector.load %arg15[%get3A_109, %get3A_110] : memref<64x128xf32, #tpu.memory_space<vmem>>, vector<64x128xf32>
      %swap3A_112 = arith.constant 0 : index
      %swap3A_113 = arith.constant 0 : index
      %swap3A_114 = vector.load %arg13[%swap3A_112, %swap3A_113] : memref<64x128xf32, #tpu.memory_space<vmem>>, vector<64x128xf32>
      tpu.vector_store %arg13[%swap3A_112, %swap3A_113], %get3A_111 {strides = array<i32>} : memref<64x128xf32, #tpu.memory_space<vmem>>, vector<64x128xf32>,
    } else {
    }
    return
  }
  func.func @transform_0(%arg0: i32) -> (i32, i32) {
    %c0_i32 = arith.constant 0 : i32
    %c0_i32_0 = arith.constant 0 : i32
    return %arg0, %c0_i32 : i32, i32
  }
  func.func @transform_1(%arg0: i32) -> (i32, i32, i32) {
    %c0_i32 = arith.constant 0 : i32
    %c0_i32_0 = arith.constant 0 : i32
    %c0_i32_1 = arith.constant 0 : i32
    return %c0_i32, %arg0, %c0_i32_0 : i32, i32, i32
  }
  func.func @transform_2(%arg0: i32) -> (i32, i32, i32) {
    %c1_i32 = arith.constant 1 : i32
    %c0_i32 = arith.constant 0 : i32
    %c0_i32_0 = arith.constant 0 : i32
    return %c1_i32, %arg0, %c0_i32 : i32, i32, i32
  }
  func.func @transform_3(%arg0: i32) -> (i32, i32) {
    %c0_i32 = arith.constant 0 : i32
    %c0_i32_0 = arith.constant 0 : i32
    return %arg0, %c0_i32 : i32, i32
  }
  func.func @transform_4(%arg0: i32) -> (i32, i32) {
    %c0_i32 = arith.constant 0 : i32
    %c0_i32_0 = arith.constant 0 : i32
    %c0_i32_1 = arith.constant 0 : i32
    return %c0_i32, %c0_i32_0 : i32, i32
  }
  func.func @transform_5(%arg0: i32) -> (i32, i32) {
    %c0_i32 = arith.constant 0 : i32
    %c0_i32_0 = arith.constant 0 : i32
    %c0_i32_1 = arith.constant 0 : i32
    return %c0_i32, %c0_i32_0 : i32, i32
  }
  func.func @transform_6(%arg0: i32) -> (i32, i32) {
    %c0_i32 = arith.constant 0 : i32
    %c0_i32_0 = arith.constant 0 : i32
    %c0_i32_1 = arith.constant 0 : i32
    return %c0_i32, %c0_i32_0 : i32, i32
  }
  func.func @transform_7(%arg0: i32) -> (i32, i32) {
    %c0_i32 = arith.constant 0 : i32
    %c0_i32_0 = arith.constant 0 : i32
    %c0_i32_1 = arith.constant 0 : i32
    return %c0_i32, %c0_i32_0 : i32, i32
  }
  func.func @transform_8(%arg0: i32) -> (i32, i32) {
    %c0_i32 = arith.constant 0 : i32
    %c0_i32_0 = arith.constant 0 : i32
    %c0_i32_1 = arith.constant 0 : i32
    return %c0_i32, %c0_i32_0 : i32, i32
  }
  func.func @transform_9(%arg0: i32) -> (i32, i32) {
    %c0_i32 = arith.constant 0 : i32
    %c0_i32_0 = arith.constant 0 : i32
    %c0_i32_1 = arith.constant 0 : i32
    return %c0_i32, %c0_i32_0 : i32, i32
  }
  func.func @transform_10(%arg0: i32) -> (i32, i32) {
    %c0_i32 = arith.constant 0 : i32
    %c0_i32_0 = arith.constant 0 : i32
    return %arg0, %c0_i32 : i32, i32
  }
  func.func @transform_11(%arg0: i32) -> (i32, i32) {
    %c0_i32 = arith.constant 0 : i32
    %c0_i32_0 = arith.constant 0 : i32
    %c0_i32_1 = arith.constant 0 : i32
    return %c0_i32, %c0_i32_0 : i32, i32
  }
  func.func @transform_12(%arg0: i32) -> (i32, i32) {
    %c0_i32 = arith.constant 0 : i32
    %c0_i32_0 = arith.constant 0 : i32
    %c0_i32_1 = arith.constant 0 : i32
    return %c0_i32, %c0_i32_0 : i32, i32
  }
}

module attributes {stable_mosaic.version = 14 : i64} {
  func.func @_mlp_body(%arg0: i32, %arg1: memref<5120x128xf32, #tpu.memory_space<vmem>>, %arg2: memref<1x5120x128xf32, #tpu.memory_space<vmem>>, %arg3: memref<1x5120x128xf32, #tpu.memory_space<vmem>>, %arg4: memref<5120x1xi32, #tpu.memory_space<vmem>>, %arg5: memref<128x128xf32, #tpu.memory_space<vmem>>, %arg6: memref<1x128xf32, #tpu.memory_space<vmem>>, %arg7: memref<1x128xf32, #tpu.memory_space<vmem>>, %arg8: memref<1x128xf32, #tpu.memory_space<vmem>>, %arg9: memref<128x128xf32, #tpu.memory_space<vmem>>, %arg10: memref<1x128xf32, #tpu.memory_space<vmem>>, %arg11: memref<5120x128xf32, #tpu.memory_space<vmem>>, %arg12: memref<64x128xf32, #tpu.memory_space<vmem>>, %arg13: memref<64x128xf32, #tpu.memory_space<vmem>>, %arg14: memref<64x128xf32, #tpu.memory_space<vmem>>, %arg15: memref<64x128xf32, #tpu.memory_space<vmem>>) attributes {dimension_semantics = [#tpu.dimension_semantics<arbitrary>], iteration_bounds = array<i64: 2>, scalar_prefetch = 0 : i64, scratch_operands = 2 : i64, tpu.core_type = #tpu.core_type<tc>, window_params = [{transform_indices = @transform_0, window_bounds = array<i64: 5120, 128>}, {transform_indices = @transform_1, window_bounds = array<i64: 1, 5120, 128>}, {transform_indices = @transform_2, window_bounds = array<i64: 1, 5120, 128>}, {transform_indices = @transform_3, window_bounds = array<i64: 5120, 1>}, {pipeline_mode = #tpu.pipeline_mode<synchronous>, transform_indices = @transform_4, window_bounds = array<i64: 128, 128>}, {pipeline_mode = #tpu.pipeline_mode<synchronous>, transform_indices = @transform_5, window_bounds = array<i64: 1, 128>}, {pipeline_mode = #tpu.pipeline_mode<synchronous>, transform_indices = @transform_6, window_bounds = array<i64: 1, 128>}, {pipeline_mode = #tpu.pipeline_mode<synchronous>, transform_indices = @transform_7, window_bounds = array<i64: 1, 128>}, {pipeline_mode = #tpu.pipeline_mode<synchronous>, transform_indices = @transform_8, window_bounds = array<i64: 128, 128>}, {pipeline_mode = #tpu.pipeline_mode<synchronous>, transform_indices = @transform_9, window_bounds = array<i64: 1, 128>}, {transform_indices = @transform_10, window_bounds = array<i64: 5120, 128>}, {pipeline_mode = #tpu.pipeline_mode<synchronous>, transform_indices = @transform_11, window_bounds = array<i64: 64, 128>}, {pipeline_mode = #tpu.pipeline_mode<synchronous>, transform_indices = @transform_12, window_bounds = array<i64: 64, 128>}]} {
    %eq3A = arith.constant 0 : i32
    %eq3A_0 = arith.cmpi eq, %arg0, %eq3A : i32
    %convert_element_type3A = arith.extui %eq3A_0 : i1 to i32
    %cond3A = arith.constant 0 : i32
    %cond3A_1 = arith.cmpi ne, %convert_element_type3A, %cond3A : i32
    scf.if %cond3A_1 {
      %broadcast_in_dim3A_103 = arith.constant 0.000000e+00 : f32
      %broadcast_in_dim3A_104 = vector.broadcast %broadcast_in_dim3A_103 : f32 to vector<64x128xf32>
      %swap3A_105 = arith.constant 0 : index
      %swap3A_106 = arith.constant 0 : index
      %swap3A_107 = vector.load %arg14[%swap3A_105, %swap3A_106] : memref<64x128xf32, #tpu.memory_space<vmem>>, vector<64x128xf32>
      tpu.vector_store %arg14[%swap3A_105, %swap3A_106], %broadcast_in_dim3A_104 {strides = array<i32>} : memref<64x128xf32, #tpu.memory_space<vmem>>, vector<64x128xf32>,
      %broadcast_in_dim3A_108 = arith.constant 0.000000e+00 : f32
      %broadcast_in_dim3A_109 = vector.broadcast %broadcast_in_dim3A_108 : f32 to vector<64x128xf32>
      %swap3A_110 = arith.constant 0 : index
      %swap3A_111 = arith.constant 0 : index
      %swap3A_112 = vector.load %arg15[%swap3A_110, %swap3A_111] : memref<64x128xf32, #tpu.memory_space<vmem>>, vector<64x128xf32>
      tpu.vector_store %arg15[%swap3A_110, %swap3A_111], %broadcast_in_dim3A_109 {strides = array<i32>} : memref<64x128xf32, #tpu.memory_space<vmem>>, vector<64x128xf32>,
    } else {
    }
    %get3A = arith.constant 0 : index
    %get3A_2 = arith.constant 0 : index
    %get3A_3 = vector.load %arg1[%get3A, %get3A_2] : memref<5120x128xf32, #tpu.memory_space<vmem>>, vector<5120x128xf32>
    %get3A_4 = arith.constant 0 : index
    %get3A_5 = arith.constant 0 : index
    %get3A_6 = arith.constant 0 : index
    %get3A_7 = vector.load %arg2[%get3A_4, %get3A_5, %get3A_6] : memref<1x5120x128xf32, #tpu.memory_space<vmem>>, vector<1x5120x128xf32>
    %get3A_8 = vector.shape_cast %get3A_7 : vector<1x5120x128xf32> to vector<5120x128xf32>
    %add3A = arith.addf %get3A_3, %get3A_8 : vector<5120x128xf32>
    %get3A_9 = arith.constant 0 : index
    %get3A_10 = arith.constant 0 : index
    %get3A_11 = arith.constant 0 : index
    %get3A_12 = vector.load %arg3[%get3A_9, %get3A_10, %get3A_11] : memref<1x5120x128xf32, #tpu.memory_space<vmem>>, vector<1x5120x128xf32>
    %get3A_13 = vector.shape_cast %get3A_12 : vector<1x5120x128xf32> to vector<5120x128xf32>
    %add3A_14 = arith.addf %add3A, %get3A_13 : vector<5120x128xf32>
    %get3A_15 = arith.constant 0 : index
    %get3A_16 = arith.constant 0 : index
    %get3A_17 = vector.load %arg5[%get3A_15, %get3A_16] : memref<128x128xf32, #tpu.memory_space<vmem>>, vector<128x128xf32>
    %dot_general3A = arith.constant dense<0.000000e+00> : vector<5120x128xf32>
    %dot_general3A_18 = tpu.matmul %add3A_14, %get3A_17, %dot_general3A {dimension_numbers = #tpu.dot_dimension_numbers<[1], [1], [0], [0], [0, 0, 1, 0], [], []>, transpose_lhs_hint = false} : vector<5120x128xf32>, vector<128x128xf32>, vector<5120x128xf32> -> vector<5120x128xf32>
    %get3A_19 = arith.constant 0 : index
    %get3A_20 = arith.constant 0 : index
    %get3A_21 = vector.load %arg6[%get3A_19, %get3A_20] : memref<1x128xf32, #tpu.memory_space<vmem>>, vector<1x128xf32>
    %add3A_22 = vector.broadcast %get3A_21 : vector<1x128xf32> to vector<5120x128xf32>
    %add3A_23 = arith.addf %dot_general3A_18, %add3A_22 : vector<5120x128xf32>
    %get3A_24 = arith.constant 0 : index
    %get3A_25 = arith.constant 0 : index
    %get3A_26 = vector.load %arg7[%get3A_24, %get3A_25] : memref<1x128xf32, #tpu.memory_space<vmem>>, vector<1x128xf32>
    %mul3A = arith.constant 0.999994993 : f32
    %mul3A_27 = vector.broadcast %mul3A : f32 to vector<1x128xf32>
    %mul3A_28 = arith.mulf %get3A_26, %mul3A_27 : vector<1x128xf32>
    %mul3A_29 = vector.broadcast %mul3A_28 : vector<1x128xf32> to vector<5120x128xf32>
    %mul3A_30 = arith.mulf %add3A_23, %mul3A_29 : vector<5120x128xf32>
    %get3A_31 = arith.constant 0 : index
    %get3A_32 = arith.constant 0 : index
    %get3A_33 = vector.load %arg8[%get3A_31, %get3A_32] : memref<1x128xf32, #tpu.memory_space<vmem>>, vector<1x128xf32>
    %add3A_34 = vector.broadcast %get3A_33 : vector<1x128xf32> to vector<5120x128xf32>
    %add3A_35 = arith.addf %mul3A_30, %add3A_34 : vector<5120x128xf32>
    %max3A = arith.constant 0.000000e+00 : f32
    %max3A_36 = vector.broadcast %max3A : f32 to vector<5120x128xf32>
    %max3A_37 = arith.maximumf %add3A_35, %max3A_36 : vector<5120x128xf32>
    %get3A_38 = arith.constant 0 : index
    %get3A_39 = arith.constant 0 : index
    %get3A_40 = vector.load %arg9[%get3A_38, %get3A_39] : memref<128x128xf32, #tpu.memory_space<vmem>>, vector<128x128xf32>
    %dot_general3A_41 = arith.constant dense<0.000000e+00> : vector<5120x128xf32>
    %dot_general3A_42 = tpu.matmul %max3A_37, %get3A_40, %dot_general3A_41 {dimension_numbers = #tpu.dot_dimension_numbers<[1], [1], [0], [0], [0, 0, 1, 0], [], []>, transpose_lhs_hint = false} : vector<5120x128xf32>, vector<128x128xf32>, vector<5120x128xf32> -> vector<5120x128xf32>
    %get3A_43 = arith.constant 0 : index
    %get3A_44 = arith.constant 0 : index
    %get3A_45 = vector.load %arg10[%get3A_43, %get3A_44] : memref<1x128xf32, #tpu.memory_space<vmem>>, vector<1x128xf32>
    %add3A_46 = vector.broadcast %get3A_45 : vector<1x128xf32> to vector<5120x128xf32>
    %add3A_47 = arith.addf %dot_general3A_42, %add3A_46 : vector<5120x128xf32>
    %max3A_48 = arith.constant 0.000000e+00 : f32
    %max3A_49 = vector.broadcast %max3A_48 : f32 to vector<5120x128xf32>
    %max3A_50 = arith.maximumf %add3A_47, %max3A_49 : vector<5120x128xf32>
    %swap3A = arith.constant 0 : index
    %swap3A_51 = arith.constant 0 : index
    %swap3A_52 = vector.load %arg11[%swap3A, %swap3A_51] : memref<5120x128xf32, #tpu.memory_space<vmem>>, vector<5120x128xf32>
    tpu.vector_store %arg11[%swap3A, %swap3A_51], %max3A_50 {strides = array<i32>} : memref<5120x128xf32, #tpu.memory_space<vmem>>, vector<5120x128xf32>,
    %iota3A = tpu.iota {dimensions = array<i32: 0>} : vector<5120x1xi32>
    %mul3A_53 = arith.constant 5120 : i32
    %mul3A_54 = arith.muli %arg0, %mul3A_53 : i32
    %add3A_55 = vector.broadcast %mul3A_54 : i32 to vector<5120x1xi32>
    %add3A_56 = arith.addi %iota3A, %add3A_55 : vector<5120x1xi32>
    %lt3A = arith.constant 10000 : i32
    %lt3A_57 = vector.broadcast %lt3A : i32 to vector<5120x1xi32>
    %lt3A_58 = arith.cmpi slt, %add3A_56, %lt3A_57 : vector<5120x1xi32>
    %iota3A_59 = tpu.iota {dimensions = array<i32: 1>} : vector<5120x64xi32>
    %get3A_60 = arith.constant 0 : index
    %get3A_61 = arith.constant 0 : index
    %get3A_62 = vector.load %arg4[%get3A_60, %get3A_61] : memref<5120x1xi32, #tpu.memory_space<vmem>>, vector<5120x1xi32>
    %eq3A_63 = vector.broadcast %get3A_62 : vector<5120x1xi32> to vector<5120x64xi32>
    %eq3A_64 = arith.cmpi eq, %eq3A_63, %iota3A_59 : vector<5120x64xi32>
    %and3A = vector.broadcast %lt3A_58 : vector<5120x1xi1> to vector<5120x64xi1>
    %and3A_65 = arith.andi %eq3A_64, %and3A : vector<5120x64xi1>
    %jit3A = arith.constant 1.000000e+00 : f32
    %jit3A_66 = arith.constant 0.000000e+00 : f32
    %broadcast_in_dim3A = vector.broadcast %jit3A : f32 to vector<5120x64xf32>
    %broadcast_in_dim3A_67 = vector.broadcast %jit3A_66 : f32 to vector<5120x64xf32>
    %select_n3A = arith.select %and3A_65, %broadcast_in_dim3A, %broadcast_in_dim3A_67 : vector<5120x64xi1>, vector<5120x64xf32>
    %broadcast_in_dim3A_68 = vector.shape_cast %lt3A_58 : vector<5120x1xi1> to vector<5120x1xi1>
    %broadcast_in_dim3A_69 = vector.broadcast %broadcast_in_dim3A_68 : vector<5120x1xi1> to vector<5120x128xi1>
    %jit3A_70 = arith.constant 1.000000e+00 : f32
    %jit3A_71 = arith.constant 0.000000e+00 : f32
    %broadcast_in_dim3A_72 = vector.broadcast %jit3A_70 : f32 to vector<5120x128xf32>
    %broadcast_in_dim3A_73 = vector.broadcast %jit3A_71 : f32 to vector<5120x128xf32>
    %select_n3A_74 = arith.select %broadcast_in_dim3A_69, %broadcast_in_dim3A_72, %broadcast_in_dim3A_73 : vector<5120x128xi1>, vector<5120x128xf32>
    %broadcast_in_dim3A_75 = vector.shape_cast %lt3A_58 : vector<5120x1xi1> to vector<5120x1xi1>
    %broadcast_in_dim3A_76 = vector.broadcast %broadcast_in_dim3A_75 : vector<5120x1xi1> to vector<5120x128xi1>
    %jit3A_77 = arith.constant 0.000000e+00 : f32
    %broadcast_in_dim3A_78 = vector.broadcast %jit3A_77 : f32 to vector<5120x128xf32>
    %select_n3A_79 = arith.select %broadcast_in_dim3A_76, %max3A_50, %broadcast_in_dim3A_78 : vector<5120x128xi1>, vector<5120x128xf32>
    %get3A_80 = arith.constant 0 : index
    %get3A_81 = arith.constant 0 : index
    %get3A_82 = vector.load %arg15[%get3A_80, %get3A_81] : memref<64x128xf32, #tpu.memory_space<vmem>>, vector<64x128xf32>
    %dot_general3A_83 = arith.constant dense<0.000000e+00> : vector<64x128xf32>
    %dot_general3A_84 = tpu.matmul %select_n3A, %select_n3A_74, %dot_general3A_83 {dimension_numbers = #tpu.dot_dimension_numbers<[0], [0], [1], [1], [0, 1, 1, 1], [], []>, transpose_lhs_hint = false} : vector<5120x64xf32>, vector<5120x128xf32>, vector<64x128xf32> -> vector<64x128xf32>
    %add3A_85 = arith.addf %get3A_82, %dot_general3A_84 : vector<64x128xf32>
    %swap3A_86 = arith.constant 0 : index
    %swap3A_87 = arith.constant 0 : index
    %swap3A_88 = vector.load %arg15[%swap3A_86, %swap3A_87] : memref<64x128xf32, #tpu.memory_space<vmem>>, vector<64x128xf32>
    tpu.vector_store %arg15[%swap3A_86, %swap3A_87], %add3A_85 {strides = array<i32>} : memref<64x128xf32, #tpu.memory_space<vmem>>, vector<64x128xf32>,
    %get3A_89 = arith.constant 0 : index
    %get3A_90 = arith.constant 0 : index
    %get3A_91 = vector.load %arg14[%get3A_89, %get3A_90] : memref<64x128xf32, #tpu.memory_space<vmem>>, vector<64x128xf32>
    %dot_general3A_92 = arith.constant dense<0.000000e+00> : vector<64x128xf32>
    %dot_general3A_93 = tpu.matmul %select_n3A, %select_n3A_79, %dot_general3A_92 {dimension_numbers = #tpu.dot_dimension_numbers<[0], [0], [1], [1], [0, 1, 1, 1], [], []>, transpose_lhs_hint = false} : vector<5120x64xf32>, vector<5120x128xf32>, vector<64x128xf32> -> vector<64x128xf32>
    %add3A_94 = arith.addf %get3A_91, %dot_general3A_93 : vector<64x128xf32>
    %swap3A_95 = arith.constant 0 : index
    %swap3A_96 = arith.constant 0 : index
    %swap3A_97 = vector.load %arg14[%swap3A_95, %swap3A_96] : memref<64x128xf32, #tpu.memory_space<vmem>>, vector<64x128xf32>
    tpu.vector_store %arg14[%swap3A_95, %swap3A_96], %add3A_94 {strides = array<i32>} : memref<64x128xf32, #tpu.memory_space<vmem>>, vector<64x128xf32>,
    %eq3A_98 = arith.constant 1 : i32
    %eq3A_99 = arith.cmpi eq, %arg0, %eq3A_98 : i32
    %convert_element_type3A_100 = arith.extui %eq3A_99 : i1 to i32
    %cond3A_101 = arith.constant 0 : i32
    %cond3A_102 = arith.cmpi ne, %convert_element_type3A_100, %cond3A_101 : i32
    scf.if %cond3A_102 {
      %get3A_103 = arith.constant 0 : index
      %get3A_104 = arith.constant 0 : index
      %get3A_105 = vector.load %arg14[%get3A_103, %get3A_104] : memref<64x128xf32, #tpu.memory_space<vmem>>, vector<64x128xf32>
      %swap3A_106 = arith.constant 0 : index
      %swap3A_107 = arith.constant 0 : index
      %swap3A_108 = vector.load %arg12[%swap3A_106, %swap3A_107] : memref<64x128xf32, #tpu.memory_space<vmem>>, vector<64x128xf32>
      tpu.vector_store %arg12[%swap3A_106, %swap3A_107], %get3A_105 {strides = array<i32>} : memref<64x128xf32, #tpu.memory_space<vmem>>, vector<64x128xf32>,
      %get3A_109 = arith.constant 0 : index
      %get3A_110 = arith.constant 0 : index
      %get3A_111 = vector.load %arg15[%get3A_109, %get3A_110] : memref<64x128xf32, #tpu.memory_space<vmem>>, vector<64x128xf32>
      %swap3A_112 = arith.constant 0 : index
      %swap3A_113 = arith.constant 0 : index
      %swap3A_114 = vector.load %arg13[%swap3A_112, %swap3A_113] : memref<64x128xf32, #tpu.memory_space<vmem>>, vector<64x128xf32>
      tpu.vector_store %arg13[%swap3A_112, %swap3A_113], %get3A_111 {strides = array<i32>} : memref<64x128xf32, #tpu.memory_space<vmem>>, vector<64x128xf32>,
    } else {
    }
    return
  }
  func.func @transform_0(%arg0: i32) -> (i32, i32) {
    %c0_i32 = arith.constant 0 : i32
    %c0_i32_0 = arith.constant 0 : i32
    return %arg0, %c0_i32 : i32, i32
  }
  func.func @transform_1(%arg0: i32) -> (i32, i32, i32) {
    %c0_i32 = arith.constant 0 : i32
    %c0_i32_0 = arith.constant 0 : i32
    %c0_i32_1 = arith.constant 0 : i32
    return %c0_i32, %arg0, %c0_i32_0 : i32, i32, i32
  }
  func.func @transform_2(%arg0: i32) -> (i32, i32, i32) {
    %c1_i32 = arith.constant 1 : i32
    %c0_i32 = arith.constant 0 : i32
    %c0_i32_0 = arith.constant 0 : i32
    return %c1_i32, %arg0, %c0_i32 : i32, i32, i32
  }
  func.func @transform_3(%arg0: i32) -> (i32, i32) {
    %c0_i32 = arith.constant 0 : i32
    %c0_i32_0 = arith.constant 0 : i32
    return %arg0, %c0_i32 : i32, i32
  }
  func.func @transform_4(%arg0: i32) -> (i32, i32) {
    %c0_i32 = arith.constant 0 : i32
    %c0_i32_0 = arith.constant 0 : i32
    %c0_i32_1 = arith.constant 0 : i32
    return %c0_i32, %c0_i32_0 : i32, i32
  }
  func.func @transform_5(%arg0: i32) -> (i32, i32) {
    %c0_i32 = arith.constant 0 : i32
    %c0_i32_0 = arith.constant 0 : i32
    %c0_i32_1 = arith.constant 0 : i32
    return %c0_i32, %c0_i32_0 : i32, i32
  }
  func.func @transform_6(%arg0: i32) -> (i32, i32) {
    %c0_i32 = arith.constant 0 : i32
    %c0_i32_0 = arith.constant 0 : i32
    %c0_i32_1 = arith.constant 0 : i32
    return %c0_i32, %c0_i32_0 : i32, i32
  }
  func.func @transform_7(%arg0: i32) -> (i32, i32) {
    %c0_i32 = arith.constant 0 : i32
    %c0_i32_0 = arith.constant 0 : i32
    %c0_i32_1 = arith.constant 0 : i32
    return %c0_i32, %c0_i32_0 : i32, i32
  }
  func.func @transform_8(%arg0: i32) -> (i32, i32) {
    %c0_i32 = arith.constant 0 : i32
    %c0_i32_0 = arith.constant 0 : i32
    %c0_i32_1 = arith.constant 0 : i32
    return %c0_i32, %c0_i32_0 : i32, i32
  }
  func.func @transform_9(%arg0: i32) -> (i32, i32) {
    %c0_i32 = arith.constant 0 : i32
    %c0_i32_0 = arith.constant 0 : i32
    %c0_i32_1 = arith.constant 0 : i32
    return %c0_i32, %c0_i32_0 : i32, i32
  }
  func.func @transform_10(%arg0: i32) -> (i32, i32) {
    %c0_i32 = arith.constant 0 : i32
    %c0_i32_0 = arith.constant 0 : i32
    return %arg0, %c0_i32 : i32, i32
  }
  func.func @transform_11(%arg0: i32) -> (i32, i32) {
    %c0_i32 = arith.constant 0 : i32
    %c0_i32_0 = arith.constant 0 : i32
    %c0_i32_1 = arith.constant 0 : i32
    return %c0_i32, %c0_i32_0 : i32, i32
  }
  func.func @transform_12(%arg0: i32) -> (i32, i32) {
    %c0_i32 = arith.constant 0 : i32
    %c0_i32_0 = arith.constant 0 : i32
    %c0_i32_1 = arith.constant 0 : i32
    return %c0_i32, %c0_i32_0 : i32, i32
  }
}

module attributes {stable_mosaic.version = 14 : i64} {
  func.func @_mlp_body(%arg0: i32, %arg1: memref<5120x128xf32, #tpu.memory_space<vmem>>, %arg2: memref<1x5120x128xf32, #tpu.memory_space<vmem>>, %arg3: memref<1x5120x128xf32, #tpu.memory_space<vmem>>, %arg4: memref<5120x1xi32, #tpu.memory_space<vmem>>, %arg5: memref<128x128xf32, #tpu.memory_space<vmem>>, %arg6: memref<1x128xf32, #tpu.memory_space<vmem>>, %arg7: memref<1x128xf32, #tpu.memory_space<vmem>>, %arg8: memref<1x128xf32, #tpu.memory_space<vmem>>, %arg9: memref<128x128xf32, #tpu.memory_space<vmem>>, %arg10: memref<1x128xf32, #tpu.memory_space<vmem>>, %arg11: memref<5120x128xf32, #tpu.memory_space<vmem>>, %arg12: memref<64x128xf32, #tpu.memory_space<vmem>>, %arg13: memref<64x128xf32, #tpu.memory_space<vmem>>, %arg14: memref<64x128xf32, #tpu.memory_space<vmem>>, %arg15: memref<64x128xf32, #tpu.memory_space<vmem>>) attributes {dimension_semantics = [#tpu.dimension_semantics<arbitrary>], iteration_bounds = array<i64: 2>, scalar_prefetch = 0 : i64, scratch_operands = 2 : i64, tpu.core_type = #tpu.core_type<tc>, window_params = [{transform_indices = @transform_0, window_bounds = array<i64: 5120, 128>}, {transform_indices = @transform_1, window_bounds = array<i64: 1, 5120, 128>}, {transform_indices = @transform_2, window_bounds = array<i64: 1, 5120, 128>}, {transform_indices = @transform_3, window_bounds = array<i64: 5120, 1>}, {pipeline_mode = #tpu.pipeline_mode<synchronous>, transform_indices = @transform_4, window_bounds = array<i64: 128, 128>}, {pipeline_mode = #tpu.pipeline_mode<synchronous>, transform_indices = @transform_5, window_bounds = array<i64: 1, 128>}, {pipeline_mode = #tpu.pipeline_mode<synchronous>, transform_indices = @transform_6, window_bounds = array<i64: 1, 128>}, {pipeline_mode = #tpu.pipeline_mode<synchronous>, transform_indices = @transform_7, window_bounds = array<i64: 1, 128>}, {pipeline_mode = #tpu.pipeline_mode<synchronous>, transform_indices = @transform_8, window_bounds = array<i64: 128, 128>}, {pipeline_mode = #tpu.pipeline_mode<synchronous>, transform_indices = @transform_9, window_bounds = array<i64: 1, 128>}, {transform_indices = @transform_10, window_bounds = array<i64: 5120, 128>}, {pipeline_mode = #tpu.pipeline_mode<synchronous>, transform_indices = @transform_11, window_bounds = array<i64: 64, 128>}, {pipeline_mode = #tpu.pipeline_mode<synchronous>, transform_indices = @transform_12, window_bounds = array<i64: 64, 128>}]} {
    %eq3A = arith.constant 0 : i32
    %eq3A_0 = arith.cmpi eq, %arg0, %eq3A : i32
    %convert_element_type3A = arith.extui %eq3A_0 : i1 to i32
    %cond3A = arith.constant 0 : i32
    %cond3A_1 = arith.cmpi ne, %convert_element_type3A, %cond3A : i32
    scf.if %cond3A_1 {
      %broadcast_in_dim3A_103 = arith.constant 0.000000e+00 : f32
      %broadcast_in_dim3A_104 = vector.broadcast %broadcast_in_dim3A_103 : f32 to vector<64x128xf32>
      %swap3A_105 = arith.constant 0 : index
      %swap3A_106 = arith.constant 0 : index
      %swap3A_107 = vector.load %arg14[%swap3A_105, %swap3A_106] : memref<64x128xf32, #tpu.memory_space<vmem>>, vector<64x128xf32>
      tpu.vector_store %arg14[%swap3A_105, %swap3A_106], %broadcast_in_dim3A_104 {strides = array<i32>} : memref<64x128xf32, #tpu.memory_space<vmem>>, vector<64x128xf32>,
      %broadcast_in_dim3A_108 = arith.constant 0.000000e+00 : f32
      %broadcast_in_dim3A_109 = vector.broadcast %broadcast_in_dim3A_108 : f32 to vector<64x128xf32>
      %swap3A_110 = arith.constant 0 : index
      %swap3A_111 = arith.constant 0 : index
      %swap3A_112 = vector.load %arg15[%swap3A_110, %swap3A_111] : memref<64x128xf32, #tpu.memory_space<vmem>>, vector<64x128xf32>
      tpu.vector_store %arg15[%swap3A_110, %swap3A_111], %broadcast_in_dim3A_109 {strides = array<i32>} : memref<64x128xf32, #tpu.memory_space<vmem>>, vector<64x128xf32>,
    } else {
    }
    %get3A = arith.constant 0 : index
    %get3A_2 = arith.constant 0 : index
    %get3A_3 = vector.load %arg1[%get3A, %get3A_2] : memref<5120x128xf32, #tpu.memory_space<vmem>>, vector<5120x128xf32>
    %get3A_4 = arith.constant 0 : index
    %get3A_5 = arith.constant 0 : index
    %get3A_6 = arith.constant 0 : index
    %get3A_7 = vector.load %arg2[%get3A_4, %get3A_5, %get3A_6] : memref<1x5120x128xf32, #tpu.memory_space<vmem>>, vector<1x5120x128xf32>
    %get3A_8 = vector.shape_cast %get3A_7 : vector<1x5120x128xf32> to vector<5120x128xf32>
    %add3A = arith.addf %get3A_3, %get3A_8 : vector<5120x128xf32>
    %get3A_9 = arith.constant 0 : index
    %get3A_10 = arith.constant 0 : index
    %get3A_11 = arith.constant 0 : index
    %get3A_12 = vector.load %arg3[%get3A_9, %get3A_10, %get3A_11] : memref<1x5120x128xf32, #tpu.memory_space<vmem>>, vector<1x5120x128xf32>
    %get3A_13 = vector.shape_cast %get3A_12 : vector<1x5120x128xf32> to vector<5120x128xf32>
    %add3A_14 = arith.addf %add3A, %get3A_13 : vector<5120x128xf32>
    %get3A_15 = arith.constant 0 : index
    %get3A_16 = arith.constant 0 : index
    %get3A_17 = vector.load %arg5[%get3A_15, %get3A_16] : memref<128x128xf32, #tpu.memory_space<vmem>>, vector<128x128xf32>
    %dot_general3A = arith.constant dense<0.000000e+00> : vector<5120x128xf32>
    %dot_general3A_18 = tpu.matmul %add3A_14, %get3A_17, %dot_general3A {dimension_numbers = #tpu.dot_dimension_numbers<[1], [1], [0], [0], [0, 0, 1, 0], [], []>, transpose_lhs_hint = false} : vector<5120x128xf32>, vector<128x128xf32>, vector<5120x128xf32> -> vector<5120x128xf32>
    %get3A_19 = arith.constant 0 : index
    %get3A_20 = arith.constant 0 : index
    %get3A_21 = vector.load %arg6[%get3A_19, %get3A_20] : memref<1x128xf32, #tpu.memory_space<vmem>>, vector<1x128xf32>
    %add3A_22 = vector.broadcast %get3A_21 : vector<1x128xf32> to vector<5120x128xf32>
    %add3A_23 = arith.addf %dot_general3A_18, %add3A_22 : vector<5120x128xf32>
    %get3A_24 = arith.constant 0 : index
    %get3A_25 = arith.constant 0 : index
    %get3A_26 = vector.load %arg7[%get3A_24, %get3A_25] : memref<1x128xf32, #tpu.memory_space<vmem>>, vector<1x128xf32>
    %mul3A = arith.constant 0.999994993 : f32
    %mul3A_27 = vector.broadcast %mul3A : f32 to vector<1x128xf32>
    %mul3A_28 = arith.mulf %get3A_26, %mul3A_27 : vector<1x128xf32>
    %mul3A_29 = vector.broadcast %mul3A_28 : vector<1x128xf32> to vector<5120x128xf32>
    %mul3A_30 = arith.mulf %add3A_23, %mul3A_29 : vector<5120x128xf32>
    %get3A_31 = arith.constant 0 : index
    %get3A_32 = arith.constant 0 : index
    %get3A_33 = vector.load %arg8[%get3A_31, %get3A_32] : memref<1x128xf32, #tpu.memory_space<vmem>>, vector<1x128xf32>
    %add3A_34 = vector.broadcast %get3A_33 : vector<1x128xf32> to vector<5120x128xf32>
    %add3A_35 = arith.addf %mul3A_30, %add3A_34 : vector<5120x128xf32>
    %max3A = arith.constant 0.000000e+00 : f32
    %max3A_36 = vector.broadcast %max3A : f32 to vector<5120x128xf32>
    %max3A_37 = arith.maximumf %add3A_35, %max3A_36 : vector<5120x128xf32>
    %get3A_38 = arith.constant 0 : index
    %get3A_39 = arith.constant 0 : index
    %get3A_40 = vector.load %arg9[%get3A_38, %get3A_39] : memref<128x128xf32, #tpu.memory_space<vmem>>, vector<128x128xf32>
    %dot_general3A_41 = arith.constant dense<0.000000e+00> : vector<5120x128xf32>
    %dot_general3A_42 = tpu.matmul %max3A_37, %get3A_40, %dot_general3A_41 {dimension_numbers = #tpu.dot_dimension_numbers<[1], [1], [0], [0], [0, 0, 1, 0], [], []>, transpose_lhs_hint = false} : vector<5120x128xf32>, vector<128x128xf32>, vector<5120x128xf32> -> vector<5120x128xf32>
    %get3A_43 = arith.constant 0 : index
    %get3A_44 = arith.constant 0 : index
    %get3A_45 = vector.load %arg10[%get3A_43, %get3A_44] : memref<1x128xf32, #tpu.memory_space<vmem>>, vector<1x128xf32>
    %add3A_46 = vector.broadcast %get3A_45 : vector<1x128xf32> to vector<5120x128xf32>
    %add3A_47 = arith.addf %dot_general3A_42, %add3A_46 : vector<5120x128xf32>
    %max3A_48 = arith.constant 0.000000e+00 : f32
    %max3A_49 = vector.broadcast %max3A_48 : f32 to vector<5120x128xf32>
    %max3A_50 = arith.maximumf %add3A_47, %max3A_49 : vector<5120x128xf32>
    %swap3A = arith.constant 0 : index
    %swap3A_51 = arith.constant 0 : index
    %swap3A_52 = vector.load %arg11[%swap3A, %swap3A_51] : memref<5120x128xf32, #tpu.memory_space<vmem>>, vector<5120x128xf32>
    tpu.vector_store %arg11[%swap3A, %swap3A_51], %max3A_50 {strides = array<i32>} : memref<5120x128xf32, #tpu.memory_space<vmem>>, vector<5120x128xf32>,
    %iota3A = tpu.iota {dimensions = array<i32: 0>} : vector<5120x1xi32>
    %mul3A_53 = arith.constant 5120 : i32
    %mul3A_54 = arith.muli %arg0, %mul3A_53 : i32
    %add3A_55 = vector.broadcast %mul3A_54 : i32 to vector<5120x1xi32>
    %add3A_56 = arith.addi %iota3A, %add3A_55 : vector<5120x1xi32>
    %lt3A = arith.constant 10000 : i32
    %lt3A_57 = vector.broadcast %lt3A : i32 to vector<5120x1xi32>
    %lt3A_58 = arith.cmpi slt, %add3A_56, %lt3A_57 : vector<5120x1xi32>
    %iota3A_59 = tpu.iota {dimensions = array<i32: 1>} : vector<5120x64xi32>
    %get3A_60 = arith.constant 0 : index
    %get3A_61 = arith.constant 0 : index
    %get3A_62 = vector.load %arg4[%get3A_60, %get3A_61] : memref<5120x1xi32, #tpu.memory_space<vmem>>, vector<5120x1xi32>
    %eq3A_63 = vector.broadcast %get3A_62 : vector<5120x1xi32> to vector<5120x64xi32>
    %eq3A_64 = arith.cmpi eq, %eq3A_63, %iota3A_59 : vector<5120x64xi32>
    %and3A = vector.broadcast %lt3A_58 : vector<5120x1xi1> to vector<5120x64xi1>
    %and3A_65 = arith.andi %eq3A_64, %and3A : vector<5120x64xi1>
    %jit3A = arith.constant 1.000000e+00 : f32
    %jit3A_66 = arith.constant 0.000000e+00 : f32
    %broadcast_in_dim3A = vector.broadcast %jit3A : f32 to vector<5120x64xf32>
    %broadcast_in_dim3A_67 = vector.broadcast %jit3A_66 : f32 to vector<5120x64xf32>
    %select_n3A = arith.select %and3A_65, %broadcast_in_dim3A, %broadcast_in_dim3A_67 : vector<5120x64xi1>, vector<5120x64xf32>
    %broadcast_in_dim3A_68 = vector.shape_cast %lt3A_58 : vector<5120x1xi1> to vector<5120x1xi1>
    %broadcast_in_dim3A_69 = vector.broadcast %broadcast_in_dim3A_68 : vector<5120x1xi1> to vector<5120x128xi1>
    %jit3A_70 = arith.constant 1.000000e+00 : f32
    %jit3A_71 = arith.constant 0.000000e+00 : f32
    %broadcast_in_dim3A_72 = vector.broadcast %jit3A_70 : f32 to vector<5120x128xf32>
    %broadcast_in_dim3A_73 = vector.broadcast %jit3A_71 : f32 to vector<5120x128xf32>
    %select_n3A_74 = arith.select %broadcast_in_dim3A_69, %broadcast_in_dim3A_72, %broadcast_in_dim3A_73 : vector<5120x128xi1>, vector<5120x128xf32>
    %broadcast_in_dim3A_75 = vector.shape_cast %lt3A_58 : vector<5120x1xi1> to vector<5120x1xi1>
    %broadcast_in_dim3A_76 = vector.broadcast %broadcast_in_dim3A_75 : vector<5120x1xi1> to vector<5120x128xi1>
    %jit3A_77 = arith.constant 0.000000e+00 : f32
    %broadcast_in_dim3A_78 = vector.broadcast %jit3A_77 : f32 to vector<5120x128xf32>
    %select_n3A_79 = arith.select %broadcast_in_dim3A_76, %max3A_50, %broadcast_in_dim3A_78 : vector<5120x128xi1>, vector<5120x128xf32>
    %get3A_80 = arith.constant 0 : index
    %get3A_81 = arith.constant 0 : index
    %get3A_82 = vector.load %arg15[%get3A_80, %get3A_81] : memref<64x128xf32, #tpu.memory_space<vmem>>, vector<64x128xf32>
    %dot_general3A_83 = arith.constant dense<0.000000e+00> : vector<64x128xf32>
    %dot_general3A_84 = tpu.matmul %select_n3A, %select_n3A_74, %dot_general3A_83 {dimension_numbers = #tpu.dot_dimension_numbers<[0], [0], [1], [1], [0, 1, 1, 1], [], []>, transpose_lhs_hint = false} : vector<5120x64xf32>, vector<5120x128xf32>, vector<64x128xf32> -> vector<64x128xf32>
    %add3A_85 = arith.addf %get3A_82, %dot_general3A_84 : vector<64x128xf32>
    %swap3A_86 = arith.constant 0 : index
    %swap3A_87 = arith.constant 0 : index
    %swap3A_88 = vector.load %arg15[%swap3A_86, %swap3A_87] : memref<64x128xf32, #tpu.memory_space<vmem>>, vector<64x128xf32>
    tpu.vector_store %arg15[%swap3A_86, %swap3A_87], %add3A_85 {strides = array<i32>} : memref<64x128xf32, #tpu.memory_space<vmem>>, vector<64x128xf32>,
    %get3A_89 = arith.constant 0 : index
    %get3A_90 = arith.constant 0 : index
    %get3A_91 = vector.load %arg14[%get3A_89, %get3A_90] : memref<64x128xf32, #tpu.memory_space<vmem>>, vector<64x128xf32>
    %dot_general3A_92 = arith.constant dense<0.000000e+00> : vector<64x128xf32>
    %dot_general3A_93 = tpu.matmul %select_n3A, %select_n3A_79, %dot_general3A_92 {dimension_numbers = #tpu.dot_dimension_numbers<[0], [0], [1], [1], [0, 1, 1, 1], [], []>, transpose_lhs_hint = false} : vector<5120x64xf32>, vector<5120x128xf32>, vector<64x128xf32> -> vector<64x128xf32>
    %add3A_94 = arith.addf %get3A_91, %dot_general3A_93 : vector<64x128xf32>
    %swap3A_95 = arith.constant 0 : index
    %swap3A_96 = arith.constant 0 : index
    %swap3A_97 = vector.load %arg14[%swap3A_95, %swap3A_96] : memref<64x128xf32, #tpu.memory_space<vmem>>, vector<64x128xf32>
    tpu.vector_store %arg14[%swap3A_95, %swap3A_96], %add3A_94 {strides = array<i32>} : memref<64x128xf32, #tpu.memory_space<vmem>>, vector<64x128xf32>,
    %eq3A_98 = arith.constant 1 : i32
    %eq3A_99 = arith.cmpi eq, %arg0, %eq3A_98 : i32
    %convert_element_type3A_100 = arith.extui %eq3A_99 : i1 to i32
    %cond3A_101 = arith.constant 0 : i32
    %cond3A_102 = arith.cmpi ne, %convert_element_type3A_100, %cond3A_101 : i32
    scf.if %cond3A_102 {
      %get3A_103 = arith.constant 0 : index
      %get3A_104 = arith.constant 0 : index
      %get3A_105 = vector.load %arg14[%get3A_103, %get3A_104] : memref<64x128xf32, #tpu.memory_space<vmem>>, vector<64x128xf32>
      %swap3A_106 = arith.constant 0 : index
      %swap3A_107 = arith.constant 0 : index
      %swap3A_108 = vector.load %arg12[%swap3A_106, %swap3A_107] : memref<64x128xf32, #tpu.memory_space<vmem>>, vector<64x128xf32>
      tpu.vector_store %arg12[%swap3A_106, %swap3A_107], %get3A_105 {strides = array<i32>} : memref<64x128xf32, #tpu.memory_space<vmem>>, vector<64x128xf32>,
      %get3A_109 = arith.constant 0 : index
      %get3A_110 = arith.constant 0 : index
      %get3A_111 = vector.load %arg15[%get3A_109, %get3A_110] : memref<64x128xf32, #tpu.memory_space<vmem>>, vector<64x128xf32>
      %swap3A_112 = arith.constant 0 : index
      %swap3A_113 = arith.constant 0 : index
      %swap3A_114 = vector.load %arg13[%swap3A_112, %swap3A_113] : memref<64x128xf32, #tpu.memory_space<vmem>>, vector<64x128xf32>
      tpu.vector_store %arg13[%swap3A_112, %swap3A_113], %get3A_111 {strides = array<i32>} : memref<64x128xf32, #tpu.memory_space<vmem>>, vector<64x128xf32>,
    } else {
    }
    return
  }
  func.func @transform_0(%arg0: i32) -> (i32, i32) {
    %c0_i32 = arith.constant 0 : i32
    %c0_i32_0 = arith.constant 0 : i32
    return %arg0, %c0_i32 : i32, i32
  }
  func.func @transform_1(%arg0: i32) -> (i32, i32, i32) {
    %c0_i32 = arith.constant 0 : i32
    %c0_i32_0 = arith.constant 0 : i32
    %c0_i32_1 = arith.constant 0 : i32
    return %c0_i32, %arg0, %c0_i32_0 : i32, i32, i32
  }
  func.func @transform_2(%arg0: i32) -> (i32, i32, i32) {
    %c1_i32 = arith.constant 1 : i32
    %c0_i32 = arith.constant 0 : i32
    %c0_i32_0 = arith.constant 0 : i32
    return %c1_i32, %arg0, %c0_i32 : i32, i32, i32
  }
  func.func @transform_3(%arg0: i32) -> (i32, i32) {
    %c0_i32 = arith.constant 0 : i32
    %c0_i32_0 = arith.constant 0 : i32
    return %arg0, %c0_i32 : i32, i32
  }
  func.func @transform_4(%arg0: i32) -> (i32, i32) {
    %c0_i32 = arith.constant 0 : i32
    %c0_i32_0 = arith.constant 0 : i32
    %c0_i32_1 = arith.constant 0 : i32
    return %c0_i32, %c0_i32_0 : i32, i32
  }
  func.func @transform_5(%arg0: i32) -> (i32, i32) {
    %c0_i32 = arith.constant 0 : i32
    %c0_i32_0 = arith.constant 0 : i32
    %c0_i32_1 = arith.constant 0 : i32
    return %c0_i32, %c0_i32_0 : i32, i32
  }
  func.func @transform_6(%arg0: i32) -> (i32, i32) {
    %c0_i32 = arith.constant 0 : i32
    %c0_i32_0 = arith.constant 0 : i32
    %c0_i32_1 = arith.constant 0 : i32
    return %c0_i32, %c0_i32_0 : i32, i32
  }
  func.func @transform_7(%arg0: i32) -> (i32, i32) {
    %c0_i32 = arith.constant 0 : i32
    %c0_i32_0 = arith.constant 0 : i32
    %c0_i32_1 = arith.constant 0 : i32
    return %c0_i32, %c0_i32_0 : i32, i32
  }
  func.func @transform_8(%arg0: i32) -> (i32, i32) {
    %c0_i32 = arith.constant 0 : i32
    %c0_i32_0 = arith.constant 0 : i32
    %c0_i32_1 = arith.constant 0 : i32
    return %c0_i32, %c0_i32_0 : i32, i32
  }
  func.func @transform_9(%arg0: i32) -> (i32, i32) {
    %c0_i32 = arith.constant 0 : i32
    %c0_i32_0 = arith.constant 0 : i32
    %c0_i32_1 = arith.constant 0 : i32
    return %c0_i32, %c0_i32_0 : i32, i32
  }
  func.func @transform_10(%arg0: i32) -> (i32, i32) {
    %c0_i32 = arith.constant 0 : i32
    %c0_i32_0 = arith.constant 0 : i32
    return %arg0, %c0_i32 : i32, i32
  }
  func.func @transform_11(%arg0: i32) -> (i32, i32) {
    %c0_i32 = arith.constant 0 : i32
    %c0_i32_0 = arith.constant 0 : i32
    %c0_i32_1 = arith.constant 0 : i32
    return %c0_i32, %c0_i32_0 : i32, i32
  }
  func.func @transform_12(%arg0: i32) -> (i32, i32) {
    %c0_i32 = arith.constant 0 : i32
    %c0_i32_0 = arith.constant 0 : i32
    %c0_i32_1 = arith.constant 0 : i32
    return %c0_i32, %c0_i32_0 : i32, i32
  }
}

module attributes {stable_mosaic.version = 14 : i64} {
  func.func @_head_body(%arg0: memref<64x128xf32, #tpu.memory_space<vmem>>, %arg1: memref<64x128xf32, #tpu.memory_space<vmem>>, %arg2: memref<64x128xf32, #tpu.memory_space<vmem>>, %arg3: memref<64x128xf32, #tpu.memory_space<vmem>>, %arg4: memref<384x384xf32, #tpu.memory_space<vmem>>, %arg5: memref<1x384xf32, #tpu.memory_space<vmem>>, %arg6: memref<3x384xf32, #tpu.memory_space<vmem>>, %arg7: memref<1x3xf32, #tpu.memory_space<vmem>>, %arg8: memref<64x3xf32, #tpu.memory_space<vmem>>) attributes {dimension_semantics = [], scalar_prefetch = 0 : i64, scratch_operands = 0 : i64, tpu.core_type = #tpu.core_type<tc>} {
    %get3A = arith.constant 0 : index
    %get3A_0 = arith.constant 0 : index
    %get3A_1 = vector.load %arg3[%get3A, %get3A_0] : memref<64x128xf32, #tpu.memory_space<vmem>>, vector<64x128xf32>
    %max3A = arith.constant 1.000000e+00 : f32
    %max3A_2 = vector.broadcast %max3A : f32 to vector<64x128xf32>
    %max3A_3 = arith.maximumf %get3A_1, %max3A_2 : vector<64x128xf32>
    %get3A_4 = arith.constant 0 : index
    %get3A_5 = arith.constant 0 : index
    %get3A_6 = vector.load %arg0[%get3A_4, %get3A_5] : memref<64x128xf32, #tpu.memory_space<vmem>>, vector<64x128xf32>
    %div3A = arith.divf %get3A_6, %max3A_3 : vector<64x128xf32>
    %get3A_7 = arith.constant 0 : index
    %get3A_8 = arith.constant 0 : index
    %get3A_9 = vector.load %arg1[%get3A_7, %get3A_8] : memref<64x128xf32, #tpu.memory_space<vmem>>, vector<64x128xf32>
    %div3A_10 = arith.divf %get3A_9, %max3A_3 : vector<64x128xf32>
    %get3A_11 = arith.constant 0 : index
    %get3A_12 = arith.constant 0 : index
    %get3A_13 = vector.load %arg2[%get3A_11, %get3A_12] : memref<64x128xf32, #tpu.memory_space<vmem>>, vector<64x128xf32>
    %div3A_14 = arith.divf %get3A_13, %max3A_3 : vector<64x128xf32>
    %concatenate3A = tpu.concatenate %div3A, %div3A_10, %div3A_14 in 1 : vector<64x128xf32>, vector<64x128xf32>, vector<64x128xf32> -> vector<64x384xf32>
    %get3A_15 = arith.constant 0 : index
    %get3A_16 = arith.constant 0 : index
    %get3A_17 = vector.load %arg4[%get3A_15, %get3A_16] : memref<384x384xf32, #tpu.memory_space<vmem>>, vector<384x384xf32>
    %dot_general3A = arith.constant dense<0.000000e+00> : vector<64x384xf32>
    %dot_general3A_18 = tpu.matmul %concatenate3A, %get3A_17, %dot_general3A {dimension_numbers = #tpu.dot_dimension_numbers<[1], [1], [0], [0], [0, 0, 1, 0], [], []>, transpose_lhs_hint = false} : vector<64x384xf32>, vector<384x384xf32>, vector<64x384xf32> -> vector<64x384xf32>
    %get3A_19 = arith.constant 0 : index
    %get3A_20 = arith.constant 0 : index
    %get3A_21 = vector.load %arg5[%get3A_19, %get3A_20] : memref<1x384xf32, #tpu.memory_space<vmem>>, vector<1x384xf32>
    %add3A = vector.broadcast %get3A_21 : vector<1x384xf32> to vector<64x384xf32>
    %add3A_22 = arith.addf %dot_general3A_18, %add3A : vector<64x384xf32>
    %max3A_23 = arith.constant 0.000000e+00 : f32
    %max3A_24 = vector.broadcast %max3A_23 : f32 to vector<64x384xf32>
    %max3A_25 = arith.maximumf %add3A_22, %max3A_24 : vector<64x384xf32>
    %get3A_26 = arith.constant 0 : index
    %get3A_27 = arith.constant 0 : index
    %get3A_28 = vector.load %arg6[%get3A_26, %get3A_27] : memref<3x384xf32, #tpu.memory_space<vmem>>, vector<3x384xf32>
    %dot_general3A_29 = arith.constant dense<0.000000e+00> : vector<64x3xf32>
    %dot_general3A_30 = tpu.matmul %max3A_25, %get3A_28, %dot_general3A_29 {dimension_numbers = #tpu.dot_dimension_numbers<[1], [1], [0], [0], [0, 0, 1, 0], [], []>, transpose_lhs_hint = false} : vector<64x384xf32>, vector<3x384xf32>, vector<64x3xf32> -> vector<64x3xf32>
    %get3A_31 = arith.constant 0 : index
    %get3A_32 = arith.constant 0 : index
    %get3A_33 = vector.load %arg7[%get3A_31, %get3A_32] : memref<1x3xf32, #tpu.memory_space<vmem>>, vector<1x3xf32>
    %add3A_34 = vector.broadcast %get3A_33 : vector<1x3xf32> to vector<64x3xf32>
    %add3A_35 = arith.addf %dot_general3A_30, %add3A_34 : vector<64x3xf32>
    %swap3A = arith.constant 0 : index
    %swap3A_36 = arith.constant 0 : index
    %swap3A_37 = vector.load %arg8[%swap3A, %swap3A_36] : memref<64x3xf32, #tpu.memory_space<vmem>>, vector<64x3xf32>
    tpu.vector_store %arg8[%swap3A, %swap3A_36], %add3A_35 {strides = array<i32>} : memref<64x3xf32, #tpu.memory_space<vmem>>, vector<64x3xf32>,
    return
  }
}

</mosaic_0001>

<sc_bundles>
// kernel: kernel.12.cloned.1.call-start
scs
__scs_entry_jumppad:
0x0: {  	(pc) =	sbr.rel $0x88, $3  }
0x1: {  	(tag) =	ssettag $0x0;
	lr =	simm.s32 $0x1  }
0x2: {  	[smem:$0x3F88] =	sst lr;
	_ =	strace $0xD0000000  }
0x3: {  	_ = 	snop  }
0x4: {  	_ = 	snop  }
0x5: {  	_ = 	snop  }
0x6: {  	_ = 	snop  }
0x7: {  	_ = 	snop  }
__scs_overlays_trampoline_lowered:
0x8: {  	[smem:$0x3F97] =	sst s0  }
0x9: {  	[smem:$0x3F98] =	sst s1  }
0xa: {  	[smem:$0x3F99] =	sst s2  }
0xb: {  	[smem:$0x3F9A] =	sst s3  }
0xc: {  	[smem:$0x3F9B] =	sst s4  }
0xd: {  	[smem:$0x3F9C] =	sst s5  }
0xe: {  	[smem:$0x3F9D] =	sst s6  }
0xf: {  	[smem:$0x3F9E] =	sst s7  }
0x10: {  	[smem:$0x3F9F] =	sst s8  }
0x11: {  	[smem:$0x3FA0] =	sst s9;
	s0 =	simm.s32 @!p0 $0x0  }
0x12: {  	s1 =	sld [smem:$0x3F86];
	s0 =	simm.s32 @p0 $0x1  }
0x13: {  	[smem:$0x3FA1] =	sst s0;
	s0 =	simm.s32 @!p1 $0x0  }
0x14: {  	s2 =	sld [smem:$0x3F85];
	s0 =	simm.s32 @p1 $0x1  }
0x15: {  	[smem:$0x3FA2] =	sst s0;
	s0 =	simm.s32 @!p2 $0x0  }
0x16: {  	s3 =	sld [smem:$0x3FDB];
	s0 =	simm.s32 @p2 $0x1  }
0x17: {  	s4 =	simm.s32 $0x1BF5;
	[smem:$0x3FA4] =	sst s0  }
0x18: {  	s0 =	sld [smem:$0x3F87];
	_ =	swait.ge [sflag:s4], $0x0  }
0x19: {  	s7 =	sld [smem:$0x3F88]  }
0x1a: {  	s8 =	sadd.s32 $0xFFFFE003, lr  }
0x1b: {  	s9 =	sadd.s32 $0xFFFFFEF7, lr;
	s5 =	simm.s32 $0xFFFFFFFF;
	p2 =	slt.u32 s8, $0xFFFFF086  }
0x1c: {  	p1 =	slt.u32 s9, $0xF7A;
	s5 =	simm.s32 @!p2 $0x0  }
0x1d: {  	s5 =	simm.s32 @p1 $0x1;
	p0 =	seq.s32 s7, s2  }
0x1e: {  	s7 =	smul.u32 @!p0 $0xF7A, s2;
	p2 =	seq.s32 @!p0 s5, $0x0  }
0x1f: {  	s9 =	smul.u32 $0xF7A, s1;
	s8 =	simm.s32 @!p0 $0x1BF5;
	p2 =	por !p2, p0  }
0x20: {  	[sflag:s8] =	ssyncset.s32 @!p0 $0xFFFFF086;
	s6 =	sadd.s32 @!p0 s3, s7;
	s7 =	simm.s32 @!p0 $0x108  }
0x21: {  	s3 =	sadd.s32 s3, s9;
	s6 =	sadd.s32 @!p0 $0x88, s6;
	s7 =	simm.s32 @p2 $0x1082  }
0x22: {  	[simem:s7], [sflag:s8] =	dma.local @!p0 [hbm:s6], $0xF7A  }
0x23: {  	s9 =	sor.u32 $0xD0000000, s2;
	s6 =	simm.s32 $0x108;
	_ =	swait.ge @!p0 [sflag:s8], $0x0  }
0x24: {  	s3 =	sadd.s32 $0x88, s3;
	s6 =	simm.s32 @!p1 $0x1082;
	[sflag:s4] =	ssyncset.s32 $0xFFFFF086  }
0x25: {  	[simem:s6], [sflag:s4] =	dma.local [hbm:s3], $0xF7A  }
0x26: {  	[smem:$0x3F88] =	sst s1;
	(tag) =	ssettag s2;
	_ =	strace s9  }
0x27: {  	s1 =	sld [smem:$0x3F98]  }
0x28: {  	s2 =	sld [smem:$0x3F99]  }
0x29: {  	s4 =	sld [smem:$0x3F9B]  }
0x2a: {  	p0 =	seq.s32 s5, $0x0;
	s5 =	sld [smem:$0x3F9C]  }
0x2b: {  	s6 =	sld [smem:$0x3F9D]  }
0x2c: {  	s7 =	sld [smem:$0x3F9E]  }
0x2d: {  	s3 =	simm.s32 $0x108;
	s8 =	sld [smem:$0x3F9F]  }
0x2e: {  	s3 =	simm.s32 @!p0 $0x1082;
	s9 =	sld [smem:$0x3FA0]  }
0x2f: {  	lr =	sadd.s32 s0, s3;
	s0 =	sld [smem:$0x3F97]  }
0x30: {  	s3 =	sld [smem:$0x3F9A]  }
0x31: {  	[smem:$0x3FA3] =	sst s10  }
0x32: {  	s10 =	sld [smem:$0x3FA1];
	_ =	sdelay $0x3  }
0x33: {  	p0 =	seq.s32 s10, $0x1;
	s10 =	sld [smem:$0x3FA3];
	_ =	sdelay $0x3  }
0x34: {  	[smem:$0x3FA3] =	sst s10  }
0x35: {  	s10 =	sld [smem:$0x3FA2];
	_ =	sdelay $0x3  }
0x36: {  	p1 =	seq.s32 s10, $0x1;
	s10 =	sld [smem:$0x3FA3];
	_ =	sdelay $0x3  }
0x37: {  	[smem:$0x3FA3] =	sst s10  }
0x38: {  	s10 =	sld [smem:$0x3FA4]  }
0x39: {  	_ = 	snop;
	(pc) =	sbr.ind lr, $3  }
0x3a: {  	_ = 	snop  }
0x3b: {  	_ = 	snop  }
0x3c: {  	p2 =	seq.s32 s10, $0x1;
	s10 =	sld [smem:$0x3FA3]  }
0x3d: {  	_ =	shalt  }
0x3e: {  	_ =	shalt  }
0x3f: {  	_ =	shalt  }
0x40: {  	_ =	shalt  }
0x41: {  	_ =	shalt  }
0x42: {  	_ =	shalt  }
0x43: {  	_ =	shalt  }
0x44: {  	_ =	shalt  }
0x45: {  	_ =	shalt  }
0x46: {  	_ =	shalt  }
0x47: {  	_ =	shalt  }
0x48: {  	_ =	shalt  }
0x49: {  	_ =	shalt  }
0x4a: {  	_ =	shalt  }
0x4b: {  	_ =	shalt  }
0x4c: {  	_ =	shalt  }
0x4d: {  	_ =	shalt  }
0x4e: {  	_ =	shalt  }
0x4f: {  	_ =	shalt  }
0x50: {  	_ =	shalt  }
0x51: {  	_ =	shalt  }
0x52: {  	_ =	shalt  }
0x53: {  	_ =	shalt  }
0x54: {  	_ =	shalt  }
0x55: {  	_ =	shalt  }
0x56: {  	_ =	shalt  }
0x57: {  	_ =	shalt  }
0x58: {  	_ =	shalt  }
0x59: {  	_ =	shalt  }
0x5a: {  	_ =	shalt  }
0x5b: {  	_ =	shalt  }
0x5c: {  	_ =	shalt  }
0x5d: {  	_ =	shalt  }
0x5e: {  	_ =	shalt  }
0x5f: {  	_ =	shalt  }
0x60: {  	_ =	shalt  }
0x61: {  	_ =	shalt  }
0x62: {  	_ =	shalt  }
0x63: {  	_ =	shalt  }
0x64: {  	_ =	shalt  }
0x65: {  	_ =	shalt  }
0x66: {  	_ =	shalt  }
0x67: {  	_ =	shalt  }
0x68: {  	_ =	shalt  }
0x69: {  	_ =	shalt  }
0x6a: {  	_ =	shalt  }
0x6b: {  	_ =	shalt  }
0x6c: {  	_ =	shalt  }
0x6d: {  	_ =	shalt  }
0x6e: {  	_ =	shalt  }
0x6f: {  	_ =	shalt  }
0x70: {  	_ =	shalt  }
0x71: {  	_ =	shalt  }
0x72: {  	_ =	shalt  }
0x73: {  	_ =	shalt  }
0x74: {  	_ =	shalt  }
0x75: {  	_ =	shalt  }
0x76: {  	_ =	shalt  }
0x77: {  	_ =	shalt  }
0x78: {  	_ =	shalt  }
0x79: {  	_ =	shalt  }
0x7a: {  	_ =	shalt  }
0x7b: {  	_ =	shalt  }
0x7c: {  	_ =	shalt  }
0x7d: {  	_ =	shalt  }
0x7e: {  	_ =	shalt  }
0x7f: {  	_ =	shalt  }
0x80: {  	_ =	shalt  }
0x81: {  	_ =	shalt  }
0x82: {  	_ =	shalt  }
0x83: {  	_ =	shalt  }
0x84: {  	_ =	shalt  }
0x85: {  	_ =	shalt  }
0x86: {  	_ =	shalt  }
0x87: {  	_ =	shalt  }
.Lfunc_end0:
.L_simem_size_0:
called_computation.1_lowered:
.L_overlay_start_0:
0x88: {  	s2 =	sld [smem:$0x3FD9]  }
0x89: {  	s3 =	sld [smem:$0x3FFE];
	_ =	sdelay $0x1  }
0x8a: {  	s1 =	srdreg.scid  }
0x8b: {  	s0 =	sand.u32 $0x1, s1  }
0x8c: {  	s17 =	sshll.u32 s0, $0xA;
	s2 =	sadd.s32 s3, s2  }
0x8d: {  	s2 =	sadd.s32 s2, s17  }
0x8e: {  	[smem:$0x3FAF] =	sst s2  }
0x8f: {  	_ = 	snop  }
0x90: {  	s2 =	sld [smem:$0x3FC8];
	(tm) =	ssettm $0x1  }
0x91: {  	s18 =	sld [smem:$0x3FFB];
	_ =	sdelay $0x3  }
0x92: {  	_ =	strace s18  }
0x93: {  	s3 =	sld [smem:$0x3FFC];
	_ =	sdelay $0x3  }
0x94: {  	_ =	strace s3  }
0x95: {  	s3 =	sld [smem:$0x3FFD];
	_ =	sdelay $0x3  }
0x96: {  	_ =	strace s3  }
0x97: {  	_ =	strace $0x8FFFFFFF  }
0x98: {  	s19 =	sld [smem:$0x3FDB];
	_ =	sdelay $0x1  }
0x99: {  	s4 =	simm.s32 $_scs_section_size  }
0x9a: {  	s5 =	simm.s32 $_size__tile_overlayer_lowered;
	s6 =	simm.s32 $_tile_overlayer_lowered  }
0x9b: {  	s22 =	simm.s32 $0x1BFF;
	s21 =	sshll.u32 s6, $0x1;
	s3 =	sadd.s32 s4, s19  }
0x9c: {  	s7 =	simm.s32 $0x0;
	s20 =	sshll.u32 s5, $0x1;
	s5 =	sadd.s32 s21, s3  }
0x9d: {  	[timem:s7], [sflag:s22] =	dma.local [hbm:s5], s20  }
0x9e: {  	_ =	swait.ge [sflag:s22], s20  }
0x9f: {  	s4 =	ssub.s32 $0x0, s20;
	[sflag:s22] =	ssyncset.done $0x0  }
0xa0: {  	[sflag:s22] =	ssyncadd.s32 s4;
	_ =	sdelay $0x1  }
0xa1: {  	s23 =	simm.s32 $0x1B8B  }
0xa2: {  	_ =	swait.ge [sflag:s23], $0x1  }
0xa3: {  	[sflag:s23] =	ssyncset.done $0x0  }
0xa4: {  	s25 =	simm.s32 $0x1B8E;
	s24 =	sld [smem:$0x3FFE];
	[sflag:s23] =	ssyncadd.s32 $0xFFFFFFFF  }
0xa5: {  	s26 =	simm.s32 $execute0_lowered;
	[smem:$0x3FD2] =	sst s25  }
0xa6: {  	s5 =	sshll.u32 s26, $0x1;
	_ =	strace $0x80000049;
	[dreg:$0x1] =	wrdreg $0xFFFFFFFF  }
0xa7: {  	s28 =	simm.s32 $_size_execute0_lowered;
	s3 =	sadd.s32 s3, s5;
	[dreg:$0x0] =	wrdreg $0x0  }
0xa8: {  	s5 =	sshll.u32 s28, $0x1;
	[dreg:$0x2] =	wrdreg s3  }
0xa9: {  	[dreg:$0x3] =	wrdreg s5  }
0xaa: {  	[dreg:$0x4] =	wrdreg $0xC0  }
0xab: {  	_ =	task [dreg:s7], $0x5FFFF  }
0xac: {  	[dreg:$0x1] =	wrdreg $0xFFFFFFFF  }
0xad: {  	[dreg:$0x0] =	wrdreg $0x60  }
0xae: {  	[dreg:$0x2] =	wrdreg s24  }
0xaf: {  	[dreg:$0x3] =	wrdreg s2  }
0xb0: {  	[dreg:$0x4] =	wrdreg $0xA8000  }
0xb1: {  	[dreg:$0x5] =	wrdreg $0x9  }
0xb2: {  	_ =	task.clear_ibuf [dreg:s7], $0x6FFFF;
	_ =	strace $0x90000049  }
0xb3: {  	s29 =	simm.s32 $0x9;
	_ =	strace $0x8000004B  }
0xb4: {  	_ =	swait.ge [sflag:s29], $0x1  }
0xb5: {  	[sflag:s29] =	ssyncadd.s32 $0xFFFFFFFF  }
0xb6: {  	_ =	strace $0x9000004B  }
0xb7: {  	_ =	sfence  }
0xb8: {  	s30 =	sld [smem:$0x0];
	_ =	sdelay $0x2  }
0xb9: {  	s31 =	sshll.u32 s1, $0xD;
	s1 =	sshrl.u32 s1, $0x2  }
0xba: {  	s3 =	sand.u32 $0x4000, s31;
	s1 =	sadd.s32 s1, s30  }
0xbb: {  	s0 =	sor.u32 s3, s0;
	s1 =	sshll.u32 s1, $0x11  }
0xbc: {  	s0 =	sor.u32 s1, s0  }
0xbd: {  	s0 =	sadd.s32 $0x8F2B, s0  }
0xbe: {  	[sflag:s0] =	ssyncadd.remote.s32 $0x1  }
0xbf: {  	_ =	sfence.sel $0xFFFF  }
0xc0: {  	[dreg:$0x0] =	wrdreg $0xFFFFFFFF;
	(pc) =	sbr.abs _section_cstart, $3  }
0xc1: {  	[dreg:$0x1] =	wrdreg $0xFFFFFFFF  }
0xc2: {  	_ =	task.clear_ibuf [dreg:s7], $0x2FFFF;
	_ =	strace $0x9FFFFFFF  }
0xc3: {  	(tm) =	ssettm $0x7FFFFFFF  }
tec
execute0_lowered:
.L_overlay_start_1:
0x0: {  	(tag) =	ssettag $0x1  }
0x1: {  	s0 =	rddreg [dreg:$0x0]  }
0x2: {  	s2 =	rddreg [dreg:$0x1]  }
0x3: {  	s1 =	rddreg [dreg:$0x2];
	s3 =	simm.s32 $0x0  }
0x4: {  	s19 =	srdreg.scid;
	s6 =	stileid.u32;
	s28 =	simm.s32 $0x1  }
0x5: {  	s29 =	simm.s32 $0x2;
	s30 =	simm.s32 $0x2700;
	s31 =	simm.s32 $0x2780  }
0x6: {  	[smem:$0x7FF] =	sst s3;
	s4 =	sadd.s32 $0xD800, s0;
	s3 =	sand.u32 $0x1, s19  }
0x7: {  	s5 =	sadd.s32 $0x5400, s0;
	s7 =	sshll.u32 s6, $0xB;
	s8 =	smul.u32 $0x14000, s6  }
0x8: {  	s10 =	sadd.s32 $0x5000, s0;
	s24 =	smul.u32 $0x50000, s6;
	s26 =	sadd.s32 $0x13600, s2  }
0x9: {  	s19 =	sadd.s32 $0x5540, s0;
	_ =	strace $0x8000004A;
	[dreg:$0x4] =	wrdreg s5  }
0xa: {  	s20 =	smul.u32 $0x140000, s3;
	s9 =	sshll.u32 s3, $0x4;
	[dreg:$0x5] =	wrdreg s10  }
0xb: {  	s12 =	sadd.s32 s7, s0;
	s3 =	ssub.s32 $0x2, s3;
	[dreg:$0x7] =	wrdreg s26  }
0xc: {  	s10 =	sadd.s32 $0x13610, s2;
	s26 =	simm.s32 $0x6800;
	s23 =	sor.u32 s6, s9  }
0xd: {  	s22 =	sshrl.u32 s3, $0x1;
	s11 =	sshrl.u32 s24, $0x2;
	s12 =	sadd.s32 $0x5800, s12  }
0xe: {  	s24 =	simm.s32 $0x4;
	s5 =	sadd.s32 s8, s20;
	s21 =	smul.u32 $0xA00, s23  }
0xf: {  	s3 =	ssub.s32 s3, s22;
	s14 =	smul.u32 $0x5000, s23;
	s11 =	sadd.s32 s11, s1  }
0x10: {  	s20 =	sadd.s32 $0x5140, s0;
	p0 =	seq.s32 s23, $0x1F;
	s23 =	simm.s32 $0x2800  }
0x11: {  	s5 =	sshrl.u32 s5, $0x3;
	s13 =	sadd.s32 $0x4000, s11;
	s15 =	sadd.s32 $0xC000, s11  }
0x12: {  	s22 =	smax.u32 s3, $0x1;
	s3 =	simm.s32 $0x0;
	s5 =	sadd.s32 s5, s0  }
0x13: {  	s7 =	sadd.s32 s2, s21;
	s16 =	sshrl.u32 s14, $0x3;
	s14 =	sadd.s32 $0x8000, s11  }
0x14: {  	s0 =	simm.s32 $0x3;
	s25 =	sadd.s32 $0x10, s7;
	s2 =	sadd.s32 s2, s16  }
0x15: {  	s16 =	sadd.s32 $0x10000, s11;
	s21 =	sadd.s32 $0x34A00, s5;
	[dreg:$0x6] =	wrdreg s25  }
0x16: {  	s17 =	sadd.s32 $0x500, s2;
	s18 =	sadd.s32 $0x510, s2;
	s25 =	simm.s32 $0x80  }
.LBB2_1:
0x17: {  	s2 =	simm.s32 @p0 $0x80  }
0x18: {  	s5 =	simm.s32 @p0 $0x100;
	s6 =	simm.s32 @p0 $0x0;
	s8 =	rddreg [dreg:$0x7]  }
0x19: {  	[tilespmem:s6], [sflag:$0x3] =	stream.strided.gather @p0 [hbm4b:s8+s2], $0xA00, s5, s2, $0x38;
	[tilespmem:$0x1E800] =	vst v63  }
0x1a: {  	s9 =	rddreg [dreg:$0x4];
	s8 =	simm.s32 @p0 $0xA00  }
0x1b: {  	[tilespmem:s8], [sflag:$0x3] =	stream.linear.gather @p0 [hbm4b:s9+s6], $0xA00, $0x38;
	[tilespmem:$0x1E800] =	vst v63  }
0x1c: {  	s8 =	simm.s32 @p0 $0x1400  }
0x1d: {  	[tilespmem:s8], [sflag:$0x3] =	stream.strided.gather @p0 [hbm4b:s10+s2], $0xA00, s5, s2, $0x38;
	[tilespmem:$0x1E800] =	vst v63  }
0x1e: {  	s2 =	simm.s32 @p0 $0x1E00;
	s5 =	rddreg [dreg:$0x5]  }
0x1f: {  	[tilespmem:s2], [sflag:$0x3] =	stream.linear.gather @p0 [hbm4b:s5+s6], $0xA00, $0x38;
	[tilespmem:$0x1E800] =	vst v63  }
0x20: {  	s2 =	simm.s32 @!p0 $0x80;
	s5 =	simm.s32 @!p0 $0x100;
	s6 =	simm.s32 @!p0 $0x0  }
0x21: {  	[tilespmem:s6], [sflag:$0x3] =	stream.strided.gather @!p0 [hbm4b:s7+s2], $0x1400, s5, s2, $0x38;
	[tilespmem:$0x1E800] =	vst v63  }
0x22: {  	s8 =	rddreg [dreg:$0x6];
	s6 =	simm.s32 @!p0 $0x1400  }
0x23: {  	[tilespmem:s6], [sflag:$0x3] =	stream.strided.gather @!p0 [hbm4b:s8+s2], $0x1400, s5, s2, $0x38;
	[tilespmem:$0x1E800] =	vst v63  }
0x24: {  	s9 =	simm.s32 $0x0  }
0x25: {  	[tilespmem:s23], [sflag:$0x4] =	stream.linear.gather [hbm4b:s12+s9], $0x4000, $0x38;
	[tilespmem:$0x1E800] =	vst v63  }
0x26: {  	_ =	swait.ge [sflag:s24], $0x4000  }
0x27: {  	[sflag:s24] =	ssyncset.done $0x0  }
0x28: {  	[sflag:s24] =	ssyncadd.s32 $0xFFFFC000  }
0x29: {  	[spmem:s11] =	stream.linear.scatter [tilespmem:s23], [sflag:$0x4], $0x4000, $0x38;
	[tilespmem:$0x1E800] =	vst v63  }
0x2a: {  	_ =	swait.ge [sflag:s24], $0x4000  }
0x2b: {  	[sflag:s24] =	ssyncset.done $0x0  }
0x2c: {  	[sflag:s24] =	ssyncadd.s32 $0xFFFFC000  }
0x2d: {  	[spmem:s13] =	stream.linear.scatter [tilespmem:s23], [sflag:$0x4], $0x4000, $0x38;
	[tilespmem:$0x1E800] =	vst v63  }
0x2e: {  	_ =	swait.ge [sflag:s24], $0x4000  }
0x2f: {  	[sflag:s24] =	ssyncset.done $0x0  }
0x30: {  	[sflag:s24] =	ssyncadd.s32 $0xFFFFC000  }
0x31: {  	[spmem:s14] =	stream.linear.scatter [tilespmem:s23], [sflag:$0x4], $0x4000, $0x38;
	[tilespmem:$0x1E800] =	vst v63  }
0x32: {  	_ =	swait.ge [sflag:s24], $0x4000  }
0x33: {  	[sflag:s24] =	ssyncset.done $0x0  }
0x34: {  	[sflag:s24] =	ssyncadd.s32 $0xFFFFC000  }
0x35: {  	[spmem:s15] =	stream.linear.scatter [tilespmem:s23], [sflag:$0x4], $0x4000, $0x38;
	[tilespmem:$0x1E800] =	vst v63  }
0x36: {  	_ =	swait.ge [sflag:s24], $0x4000  }
0x37: {  	[sflag:s24] =	ssyncset.done $0x0  }
0x38: {  	[sflag:s24] =	ssyncadd.s32 $0xFFFFC000  }
0x39: {  	[spmem:s16] =	stream.linear.scatter [tilespmem:s23], [sflag:$0x4], $0x4000, $0x38;
	[tilespmem:$0x1E800] =	vst v63  }
0x3a: {  	_ =	swait.ge [sflag:s24], $0x4000  }
0x3b: {  	[sflag:s24] =	ssyncset.done $0x0  }
0x3c: {  	s2 =	simm.s32 @p0 $0x3;
	[sflag:s24] =	ssyncadd.s32 $0xFFFFC000  }
0x3d: {  	_ =	swait.ge @p0 [sflag:s2], $0xA00  }
0x3e: {  	[sflag:s2] =	ssyncset.done @p0 $0x0  }
0x3f: {  	[sflag:s2] =	ssyncadd.s32 @p0 $0xFFFFF600  }
0x40: {  	_ =	swait.ge @p0 [sflag:s2], $0xA00  }
0x41: {  	[sflag:s2] =	ssyncset.done @p0 $0x0  }
0x42: {  	[sflag:s2] =	ssyncadd.s32 @p0 $0xFFFFF600  }
0x43: {  	_ =	swait.ge @p0 [sflag:s2], $0xA00  }
0x44: {  	[sflag:s2] =	ssyncset.done @p0 $0x0  }
0x45: {  	[sflag:s2] =	ssyncadd.s32 @p0 $0xFFFFF600  }
0x46: {  	_ =	swait.ge @p0 [sflag:s2], $0xA00  }
0x47: {  	[sflag:s2] =	ssyncset.done @p0 $0x0  }
0x48: {  	[sflag:s2] =	ssyncadd.s32 @p0 $0xFFFFF600;
	s2 =	simm.s32 @!p0 $0x3  }
0x49: {  	_ =	swait.ge @!p0 [sflag:s2], $0x1400  }
0x4a: {  	[sflag:s2] =	ssyncset.done @!p0 $0x0  }
0x4b: {  	[sflag:s2] =	ssyncadd.s32 @!p0 $0xFFFFEC00  }
0x4c: {  	_ =	swait.ge @!p0 [sflag:s2], $0x1400  }
0x4d: {  	[sflag:s2] =	ssyncset.done @!p0 $0x0  }
0x4e: {  	[sflag:s2] =	ssyncadd.s32 @!p0 $0xFFFFEC00  }
0x4f: {  	[bflag:$0x0] =	sbarrier.arrive $0xFFFF  }
0x50: {  	[tilespmem:s23], [sflag:$0x1] =	stream.indirect.gather [hbm4b:s4+s25], $0x80, s9, s25, $0xb8;
	[tilespmem:$0x1E800] =	vst v63  }
0x51: {  	_ = 	snop  }
0x52: {  	[tilespmem:s26], [sflag:$0x2] =	stream.indirect.gather [hbm4b:s4+s25], $0x80, s25, s25, $0xb8;
	[tilespmem:$0x1E800] =	vst v63  }
0x53: {  	_ =	swait.ge [sflag:s28], $0x4000  }
0x54: {  	[sflag:s28] =	ssyncset.done $0x0  }
0x55: {  	s6 =	simm.s32 $0x1400;
	[sflag:s28] =	ssyncadd.s32 $0xFFFFC000  }
0x56: {  	[spmem:s1] =	stream.indirect.scatter.add.f32 [tilespmem:s23], [sflag:$0x4], $0x80, s6, s25, $0xb8;
	[tilespmem:$0x1E800] =	vst v63  }
0x57: {  	_ =	swait.ge [sflag:s24], $0x4000  }
0x58: {  	[sflag:s24] =	ssyncset.done $0x0  }
0x59: {  	s8 =	simm.s32 $0x100;
	[sflag:s24] =	ssyncadd.s32 $0xFFFFC000  }
0x5a: {  	[tilespmem:s23], [sflag:$0x1] =	stream.indirect.gather [hbm4b:s4+s25], $0x80, s8, s25, $0xb8;
	[tilespmem:$0x1E800] =	vst v63  }
0x5b: {  	_ =	swait.ge [sflag:s29], $0x4000  }
0x5c: {  	[sflag:s29] =	ssyncset.done $0x0  }
0x5d: {  	s9 =	simm.s32 $0x1480;
	[sflag:s29] =	ssyncadd.s32 $0xFFFFC000  }
0x5e: {  	[spmem:s1] =	stream.indirect.scatter.add.f32 [tilespmem:s26], [sflag:$0x4], $0x80, s9, s25, $0xb8;
	[tilespmem:$0x1E800] =	vst v63  }
0x5f: {  	_ =	swait.ge [sflag:s24], $0x4000  }
0x60: {  	[sflag:s24] =	ssyncset.done $0x0  }
0x61: {  	s5 =	simm.s32 $0x180;
	s2 =	simm.s32 $0x400;
	[sflag:s24] =	ssyncadd.s32 $0xFFFFC000  }
.LBB2_2:
0x62: {  	[tilespmem:s26], [sflag:$0x2] =	stream.indirect.gather [hbm4b:s4+s25], $0x80, s5, s25, $0xb8;
	[tilespmem:$0x1E800] =	vst v63  }
0x63: {  	s5 =	smov.u32 s2  }
0x64: {  	p1 =	sne.s32 s2, $0x4800;
	s2 =	sadd.s32 $0x400, s2;
	_ =	swait.ge [sflag:s28], $0x4000  }
0x65: {  	s5 =	sshra.s32 s5, $0x2;
	[sflag:s28] =	ssyncset.done $0x0  }
0x66: {  	s6 =	sadd.s32 $0x1400, s5;
	[sflag:s28] =	ssyncadd.s32 $0xFFFFC000  }
0x67: {  	[spmem:s1] =	stream.indirect.scatter.add.f32 [tilespmem:s23], [sflag:$0x4], $0x80, s6, s25, $0xb8;
	[tilespmem:$0x1E800] =	vst v63  }
0x68: {  	_ =	swait.ge [sflag:s24], $0x4000  }
0x69: {  	[sflag:s24] =	ssyncset.done $0x0  }
0x6a: {  	s6 =	sadd.s32 $0x100, s5;
	[sflag:s24] =	ssyncadd.s32 $0xFFFFC000  }
0x6b: {  	[tilespmem:s23], [sflag:$0x1] =	stream.indirect.gather [hbm4b:s4+s25], $0x80, s6, s25, $0xb8;
	[tilespmem:$0x1E800] =	vst v63  }
0x6c: {  	_ =	swait.ge [sflag:s29], $0x4000  }
0x6d: {  	[sflag:s29] =	ssyncset.done $0x0  }
.Ltmp0:
0x6e: {  	s6 =	sadd.s32 $0x1480, s5;
	[sflag:s29] =	ssyncadd.s32 $0xFFFFC000;
	(pc) =	sbr.rel @p1 .LBB2_2-.Ltmp0, $4  }
0x6f: {  	[spmem:s1] =	stream.indirect.scatter.add.f32 [tilespmem:s26], [sflag:$0x4], $0x80, s6, s25, $0xb8;
	[tilespmem:$0x1E800] =	vst v63  }
0x70: {  	_ =	swait.ge [sflag:s24], $0x4000  }
0x71: {  	[sflag:s24] =	ssyncset.done $0x0  }
0x72: {  	s5 =	sadd.s32 $0x180, s5;
	[sflag:s24] =	ssyncadd.s32 $0xFFFFC000  }
0x73: {  	[tilespmem:s26], [sflag:$0x2] =	stream.indirect.gather [hbm4b:s4+s25], $0x80, s5, s25, $0xb8;
	[tilespmem:$0x1E800] =	vst v63  }
0x74: {  	_ =	swait.ge [sflag:s28], $0x4000  }
0x75: {  	[sflag:s28] =	ssyncset.done $0x0  }
0x76: {  	[sflag:s28] =	ssyncadd.s32 $0xFFFFC000  }
0x77: {  	[spmem:s1] =	stream.indirect.scatter.add.f32 [tilespmem:s23], [sflag:$0x4], $0x80, s30, s25, $0xb8;
	[tilespmem:$0x1E800] =	vst v63  }
0x78: {  	_ =	swait.ge [sflag:s24], $0x4000  }
0x79: {  	[sflag:s24] =	ssyncset.done $0x0  }
0x7a: {  	[sflag:s24] =	ssyncadd.s32 $0xFFFFC000  }
0x7b: {  	_ =	swait.ge [sflag:s29], $0x4000  }
0x7c: {  	[sflag:s29] =	ssyncset.done $0x0  }
0x7d: {  	[sflag:s29] =	ssyncadd.s32 $0xFFFFC000  }
0x7e: {  	[spmem:s1] =	stream.indirect.scatter.add.f32 [tilespmem:s26], [sflag:$0x4], $0x80, s31, s25, $0xb8;
	[tilespmem:$0x1E800] =	vst v63  }
0x7f: {  	_ =	swait.ge [sflag:s24], $0x4000  }
0x80: {  	[sflag:s24] =	ssyncset.done $0x0  }
0x81: {  	s2 =	simm.s32 @p0 $0x0;
	[sflag:s24] =	ssyncadd.s32 $0xFFFFC000  }
0x82: {  	[tilespmem:s2], [sflag:$0x3] =	stream.linear.gather @p0 [hbm4b:s19+s2], $0x1400, $0x38;
	[tilespmem:$0x1E800] =	vst v63  }
0x83: {  	s5 =	simm.s32 @p0 $0x1400  }
0x84: {  	[tilespmem:s5], [sflag:$0x3] =	stream.linear.gather @p0 [hbm4b:s20+s2], $0x1400, $0x38;
	[tilespmem:$0x1E800] =	vst v63  }
0x85: {  	s6 =	simm.s32 @!p0 $0x0;
	s2 =	simm.s32 @!p0 $0x80;
	s5 =	simm.s32 @!p0 $0x100  }
0x86: {  	[tilespmem:s6], [sflag:$0x3] =	stream.strided.gather @!p0 [hbm4b:s17+s2], $0x1400, s5, s2, $0x38;
	[tilespmem:$0x1E800] =	vst v63  }
0x87: {  	s6 =	simm.s32 @!p0 $0x1400  }
0x88: {  	[tilespmem:s6], [sflag:$0x3] =	stream.strided.gather @!p0 [hbm4b:s18+s2], $0x1400, s5, s2, $0x38;
	[tilespmem:$0x1E800] =	vst v63  }
0x89: {  	_ =	swait.ge [sflag:s0], $0x1400  }
0x8a: {  	[sflag:s0] =	ssyncset.done $0x0  }
0x8b: {  	[sflag:s0] =	ssyncadd.s32 $0xFFFFEC00  }
0x8c: {  	_ =	swait.ge [sflag:s0], $0x1400  }
0x8d: {  	[sflag:s0] =	ssyncset.done $0x0  }
0x8e: {  	s5 =	simm.s32 $0x0;
	[sflag:s0] =	ssyncadd.s32 $0xFFFFEC00  }
0x8f: {  	[tilespmem:s23], [sflag:$0x1] =	stream.indirect.gather [hbm4b:s4+s25], $0x80, s5, s25, $0xb8;
	[tilespmem:$0x1E800] =	vst v63  }
0x90: {  	_ = 	snop  }
0x91: {  	[tilespmem:s26], [sflag:$0x2] =	stream.indirect.gather [hbm4b:s4+s25], $0x80, s25, s25, $0xb8;
	[tilespmem:$0x1E800] =	vst v63  }
0x92: {  	_ =	swait.ge [sflag:s28], $0x4000  }
0x93: {  	[sflag:s28] =	ssyncset.done $0x0  }
0x94: {  	s6 =	simm.s32 $0x1400;
	[sflag:s28] =	ssyncadd.s32 $0xFFFFC000  }
0x95: {  	[spmem:s1] =	stream.indirect.scatter.add.f32 [tilespmem:s23], [sflag:$0x4], $0x80, s6, s25, $0xb8;
	[tilespmem:$0x1E800] =	vst v63  }
0x96: {  	_ =	swait.ge [sflag:s24], $0x4000  }
0x97: {  	[sflag:s24] =	ssyncset.done $0x0  }
0x98: {  	s8 =	simm.s32 $0x100;
	[sflag:s24] =	ssyncadd.s32 $0xFFFFC000  }
0x99: {  	[tilespmem:s23], [sflag:$0x1] =	stream.indirect.gather [hbm4b:s4+s25], $0x80, s8, s25, $0xb8;
	[tilespmem:$0x1E800] =	vst v63  }
0x9a: {  	_ =	swait.ge [sflag:s29], $0x4000  }
0x9b: {  	[sflag:s29] =	ssyncset.done $0x0  }
0x9c: {  	s9 =	simm.s32 $0x1480;
	[sflag:s29] =	ssyncadd.s32 $0xFFFFC000  }
0x9d: {  	[spmem:s1] =	stream.indirect.scatter.add.f32 [tilespmem:s26], [sflag:$0x4], $0x80, s9, s25, $0xb8;
	[tilespmem:$0x1E800] =	vst v63  }
0x9e: {  	_ =	swait.ge [sflag:s24], $0x4000  }
0x9f: {  	[sflag:s24] =	ssyncset.done $0x0  }
0xa0: {  	s2 =	simm.s32 $0x400;
	s5 =	simm.s32 $0x180;
	[sflag:s24] =	ssyncadd.s32 $0xFFFFC000  }
.LBB2_4:
0xa1: {  	[tilespmem:s26], [sflag:$0x2] =	stream.indirect.gather [hbm4b:s4+s25], $0x80, s5, s25, $0xb8;
	[tilespmem:$0x1E800] =	vst v63  }
0xa2: {  	s5 =	smov.u32 s2  }
0xa3: {  	p1 =	sne.s32 s2, $0x4800;
	s2 =	sadd.s32 $0x400, s2;
	_ =	swait.ge [sflag:s28], $0x4000  }
0xa4: {  	s5 =	sshra.s32 s5, $0x2;
	[sflag:s28] =	ssyncset.done $0x0  }
0xa5: {  	s6 =	sadd.s32 $0x1400, s5;
	[sflag:s28] =	ssyncadd.s32 $0xFFFFC000  }
0xa6: {  	[spmem:s1] =	stream.indirect.scatter.add.f32 [tilespmem:s23], [sflag:$0x4], $0x80, s6, s25, $0xb8;
	[tilespmem:$0x1E800] =	vst v63  }
0xa7: {  	_ =	swait.ge [sflag:s24], $0x4000  }
0xa8: {  	[sflag:s24] =	ssyncset.done $0x0  }
0xa9: {  	s6 =	sadd.s32 $0x100, s5;
	[sflag:s24] =	ssyncadd.s32 $0xFFFFC000  }
0xaa: {  	[tilespmem:s23], [sflag:$0x1] =	stream.indirect.gather [hbm4b:s4+s25], $0x80, s6, s25, $0xb8;
	[tilespmem:$0x1E800] =	vst v63  }
0xab: {  	_ =	swait.ge [sflag:s29], $0x4000  }
0xac: {  	[sflag:s29] =	ssyncset.done $0x0  }
.Ltmp1:
0xad: {  	s6 =	sadd.s32 $0x1480, s5;
	[sflag:s29] =	ssyncadd.s32 $0xFFFFC000;
	(pc) =	sbr.rel @p1 .LBB2_4-.Ltmp1, $4  }
0xae: {  	[spmem:s1] =	stream.indirect.scatter.add.f32 [tilespmem:s26], [sflag:$0x4], $0x80, s6, s25, $0xb8;
	[tilespmem:$0x1E800] =	vst v63  }
0xaf: {  	_ =	swait.ge [sflag:s24], $0x4000  }
0xb0: {  	[sflag:s24] =	ssyncset.done $0x0  }
0xb1: {  	s5 =	sadd.s32 $0x180, s5;
	[sflag:s24] =	ssyncadd.s32 $0xFFFFC000  }
0xb2: {  	[tilespmem:s26], [sflag:$0x2] =	stream.indirect.gather [hbm4b:s4+s25], $0x80, s5, s25, $0xb8;
	[tilespmem:$0x1E800] =	vst v63  }
0xb3: {  	_ =	swait.ge [sflag:s28], $0x4000  }
0xb4: {  	[sflag:s28] =	ssyncset.done $0x0  }
0xb5: {  	[sflag:s28] =	ssyncadd.s32 $0xFFFFC000  }
0xb6: {  	[spmem:s1] =	stream.indirect.scatter.add.f32 [tilespmem:s23], [sflag:$0x4], $0x80, s30, s25, $0xb8;
	[tilespmem:$0x1E800] =	vst v63  }
0xb7: {  	_ =	swait.ge [sflag:s24], $0x4000  }
0xb8: {  	[sflag:s24] =	ssyncset.done $0x0  }
0xb9: {  	[sflag:s24] =	ssyncadd.s32 $0xFFFFC000  }
0xba: {  	_ =	swait.ge [sflag:s29], $0x4000  }
0xbb: {  	[sflag:s29] =	ssyncset.done $0x0  }
0xbc: {  	[sflag:s29] =	ssyncadd.s32 $0xFFFFC000  }
0xbd: {  	[spmem:s1] =	stream.indirect.scatter.add.f32 [tilespmem:s26], [sflag:$0x4], $0x80, s31, s25, $0xb8;
	[tilespmem:$0x1E800] =	vst v63  }
0xbe: {  	s2 =	stileid.u32;
	_ =	swait.ge [sflag:s24], $0x4000  }
0xbf: {  	s9 =	sshrl.u32 s11, $0x3;
	s3 =	sadd.s32 $0x1, s3;
	[sflag:s24] =	ssyncset.done $0x0  }
0xc0: {  	s2 =	sshll.u32 s2, $0x6;
	p1 =	sne.s32 s3, s22;
	[sflag:s24] =	ssyncadd.s32 $0xFFFFC000  }
.Ltmp2:
0xc1: {  	s2 =	sor.u32 $0x1C04, s2;
	[bflag:$0x0] =	sbarrier.arrive $0xFFFF;
	(pc) =	sbr.rel @p1 .LBB2_1-.Ltmp2, $4  }
0xc2: {  	[hbm:s21], [sflag:s2] =	dma.local [spmem:s9], $0x2800  }
0xc3: {  	_ =	swait.ge [sflag:s24], $0x2800  }
0xc4: {  	[sflag:s24] =	ssyncset.done $0x0  }
0xc5: {  	[sflag:s24] =	ssyncadd.s32 $0xFFFFD800  }
0xc6: {  	_ =	sfence.sel $0x180000  }
0xc7: {  	[bflag:$0x0] =	sbarrier.arrive $0xFFFF  }
0xc8: {  	_ =	strace $0x9000004A  }
0xc9: {  	s0 =	stileid.u32;
	[bflag:$0x2] =	sbarrier.arrive $0xFFFF  }
0xca: {  	p0 =	sne.s32 s0, $0x0;
	s0 =	rddreg [dreg:$0x3]  }
0xcb: {  	s0 =	sadd.s32 @!p0 $0x100000, s0  }
0xcc: {  	[sflag:s0] =	ssyncadd.tile.s32 @!p0 $0x1;
	_ =	shalt  }
.Lfunc_end2:
_tile_overlayer_lowered:
.L_overlay_start_2:
0xcd: {  	(tag) =	ssettag $0x2  }
0xce: {  	s0 =	rddreg [dreg:$0x0];
	s2 =	stileid.u32  }
0xcf: {  	s1 =	rddreg [dreg:$0x1];
	p0 =	sne.s32 s2, $0x0  }
0xd0: {  	s3 =	rddreg [dreg:$0x2];
	[bflag:$0x3] =	sbarrier.arrive $0xFFFF;
	s2 =	simm.s32 @!p0 $0x1C04  }
0xd1: {  	[timem:s3], [sflag:s2] =	dma.local @!p0 [hbm:s0], s1  }
0xd2: {  	s0 =	simm.s32 @!p0 $0x4  }
0xd3: {  	_ =	swait.ge @!p0 [sflag:s0], s1  }
0xd4: {  	s1 =	ssub.s32 @!p0 $0x0, s1;
	[sflag:s0] =	ssyncset.done @!p0 $0x0  }
0xd5: {  	[sflag:s0] =	ssyncadd.s32 @!p0 s1  }
0xd6: {  	[bflag:$0x3] =	sbarrier.arrive $0xFFFF  }
0xd7: {  	_ =	shalt  }

// kernel: kernel.15.cloned.1.call-start
scs
__scs_entry_jumppad:
0x0: {  	(pc) =	sbr.rel $0x88, $3  }
0x1: {  	(tag) =	ssettag $0x0;
	lr =	simm.s32 $0x1  }
0x2: {  	[smem:$0x3F88] =	sst lr;
	_ =	strace $0xD0000000  }
0x3: {  	_ = 	snop  }
0x4: {  	_ = 	snop  }
0x5: {  	_ = 	snop  }
0x6: {  	_ = 	snop  }
0x7: {  	_ = 	snop  }
__scs_overlays_trampoline_lowered:
0x8: {  	[smem:$0x3F97] =	sst s0  }
0x9: {  	[smem:$0x3F98] =	sst s1  }
0xa: {  	[smem:$0x3F99] =	sst s2  }
0xb: {  	[smem:$0x3F9A] =	sst s3  }
0xc: {  	[smem:$0x3F9B] =	sst s4  }
0xd: {  	[smem:$0x3F9C] =	sst s5  }
0xe: {  	[smem:$0x3F9D] =	sst s6  }
0xf: {  	[smem:$0x3F9E] =	sst s7  }
0x10: {  	[smem:$0x3F9F] =	sst s8  }
0x11: {  	[smem:$0x3FA0] =	sst s9;
	s0 =	simm.s32 @!p0 $0x0  }
0x12: {  	s1 =	sld [smem:$0x3F86];
	s0 =	simm.s32 @p0 $0x1  }
0x13: {  	[smem:$0x3FA1] =	sst s0;
	s0 =	simm.s32 @!p1 $0x0  }
0x14: {  	s2 =	sld [smem:$0x3F85];
	s0 =	simm.s32 @p1 $0x1  }
0x15: {  	[smem:$0x3FA2] =	sst s0;
	s0 =	simm.s32 @!p2 $0x0  }
0x16: {  	s3 =	sld [smem:$0x3FDB];
	s0 =	simm.s32 @p2 $0x1  }
0x17: {  	s4 =	simm.s32 $0x1BF5;
	[smem:$0x3FA4] =	sst s0  }
0x18: {  	s0 =	sld [smem:$0x3F87];
	_ =	swait.ge [sflag:s4], $0x0  }
0x19: {  	s7 =	sld [smem:$0x3F88]  }
0x1a: {  	s8 =	sadd.s32 $0xFFFFE003, lr  }
0x1b: {  	s9 =	sadd.s32 $0xFFFFFEF7, lr;
	s5 =	simm.s32 $0xFFFFFFFF;
	p2 =	slt.u32 s8, $0xFFFFF086  }
0x1c: {  	p1 =	slt.u32 s9, $0xF7A;
	s5 =	simm.s32 @!p2 $0x0  }
0x1d: {  	s5 =	simm.s32 @p1 $0x1;
	p0 =	seq.s32 s7, s2  }
0x1e: {  	s7 =	smul.u32 @!p0 $0xF7A, s2;
	p2 =	seq.s32 @!p0 s5, $0x0  }
0x1f: {  	s9 =	smul.u32 $0xF7A, s1;
	s8 =	simm.s32 @!p0 $0x1BF5;
	p2 =	por !p2, p0  }
0x20: {  	[sflag:s8] =	ssyncset.s32 @!p0 $0xFFFFF086;
	s6 =	sadd.s32 @!p0 s3, s7;
	s7 =	simm.s32 @!p0 $0x108  }
0x21: {  	s3 =	sadd.s32 s3, s9;
	s6 =	sadd.s32 @!p0 $0x88, s6;
	s7 =	simm.s32 @p2 $0x1082  }
0x22: {  	[simem:s7], [sflag:s8] =	dma.local @!p0 [hbm:s6], $0xF7A  }
0x23: {  	s9 =	sor.u32 $0xD0000000, s2;
	s6 =	simm.s32 $0x108;
	_ =	swait.ge @!p0 [sflag:s8], $0x0  }
0x24: {  	s3 =	sadd.s32 $0x88, s3;
	s6 =	simm.s32 @!p1 $0x1082;
	[sflag:s4] =	ssyncset.s32 $0xFFFFF086  }
0x25: {  	[simem:s6], [sflag:s4] =	dma.local [hbm:s3], $0xF7A  }
0x26: {  	[smem:$0x3F88] =	sst s1;
	(tag) =	ssettag s2;
	_ =	strace s9  }
0x27: {  	s1 =	sld [smem:$0x3F98]  }
0x28: {  	s2 =	sld [smem:$0x3F99]  }
0x29: {  	s4 =	sld [smem:$0x3F9B]  }
0x2a: {  	p0 =	seq.s32 s5, $0x0;
	s5 =	sld [smem:$0x3F9C]  }
0x2b: {  	s6 =	sld [smem:$0x3F9D]  }
0x2c: {  	s7 =	sld [smem:$0x3F9E]  }
0x2d: {  	s3 =	simm.s32 $0x108;
	s8 =	sld [smem:$0x3F9F]  }
0x2e: {  	s3 =	simm.s32 @!p0 $0x1082;
	s9 =	sld [smem:$0x3FA0]  }
0x2f: {  	lr =	sadd.s32 s0, s3;
	s0 =	sld [smem:$0x3F97]  }
0x30: {  	s3 =	sld [smem:$0x3F9A]  }
0x31: {  	[smem:$0x3FA3] =	sst s10  }
0x32: {  	s10 =	sld [smem:$0x3FA1];
	_ =	sdelay $0x3  }
0x33: {  	p0 =	seq.s32 s10, $0x1;
	s10 =	sld [smem:$0x3FA3];
	_ =	sdelay $0x3  }
0x34: {  	[smem:$0x3FA3] =	sst s10  }
0x35: {  	s10 =	sld [smem:$0x3FA2];
	_ =	sdelay $0x3  }
0x36: {  	p1 =	seq.s32 s10, $0x1;
	s10 =	sld [smem:$0x3FA3];
	_ =	sdelay $0x3  }
0x37: {  	[smem:$0x3FA3] =	sst s10  }
0x38: {  	s10 =	sld [smem:$0x3FA4]  }
0x39: {  	_ = 	snop;
	(pc) =	sbr.ind lr, $3  }
0x3a: {  	_ = 	snop  }
0x3b: {  	_ = 	snop  }
0x3c: {  	p2 =	seq.s32 s10, $0x1;
	s10 =	sld [smem:$0x3FA3]  }
0x3d: {  	_ =	shalt  }
0x3e: {  	_ =	shalt  }
0x3f: {  	_ =	shalt  }
0x40: {  	_ =	shalt  }
0x41: {  	_ =	shalt  }
0x42: {  	_ =	shalt  }
0x43: {  	_ =	shalt  }
0x44: {  	_ =	shalt  }
0x45: {  	_ =	shalt  }
0x46: {  	_ =	shalt  }
0x47: {  	_ =	shalt  }
0x48: {  	_ =	shalt  }
0x49: {  	_ =	shalt  }
0x4a: {  	_ =	shalt  }
0x4b: {  	_ =	shalt  }
0x4c: {  	_ =	shalt  }
0x4d: {  	_ =	shalt  }
0x4e: {  	_ =	shalt  }
0x4f: {  	_ =	shalt  }
0x50: {  	_ =	shalt  }
0x51: {  	_ =	shalt  }
0x52: {  	_ =	shalt  }
0x53: {  	_ =	shalt  }
0x54: {  	_ =	shalt  }
0x55: {  	_ =	shalt  }
0x56: {  	_ =	shalt  }
0x57: {  	_ =	shalt  }
0x58: {  	_ =	shalt  }
0x59: {  	_ =	shalt  }
0x5a: {  	_ =	shalt  }
0x5b: {  	_ =	shalt  }
0x5c: {  	_ =	shalt  }
0x5d: {  	_ =	shalt  }
0x5e: {  	_ =	shalt  }
0x5f: {  	_ =	shalt  }
0x60: {  	_ =	shalt  }
0x61: {  	_ =	shalt  }
0x62: {  	_ =	shalt  }
0x63: {  	_ =	shalt  }
0x64: {  	_ =	shalt  }
0x65: {  	_ =	shalt  }
0x66: {  	_ =	shalt  }
0x67: {  	_ =	shalt  }
0x68: {  	_ =	shalt  }
0x69: {  	_ =	shalt  }
0x6a: {  	_ =	shalt  }
0x6b: {  	_ =	shalt  }
0x6c: {  	_ =	shalt  }
0x6d: {  	_ =	shalt  }
0x6e: {  	_ =	shalt  }
0x6f: {  	_ =	shalt  }
0x70: {  	_ =	shalt  }
0x71: {  	_ =	shalt  }
0x72: {  	_ =	shalt  }
0x73: {  	_ =	shalt  }
0x74: {  	_ =	shalt  }
0x75: {  	_ =	shalt  }
0x76: {  	_ =	shalt  }
0x77: {  	_ =	shalt  }
0x78: {  	_ =	shalt  }
0x79: {  	_ =	shalt  }
0x7a: {  	_ =	shalt  }
0x7b: {  	_ =	shalt  }
0x7c: {  	_ =	shalt  }
0x7d: {  	_ =	shalt  }
0x7e: {  	_ =	shalt  }
0x7f: {  	_ =	shalt  }
0x80: {  	_ =	shalt  }
0x81: {  	_ =	shalt  }
0x82: {  	_ =	shalt  }
0x83: {  	_ =	shalt  }
0x84: {  	_ =	shalt  }
0x85: {  	_ =	shalt  }
0x86: {  	_ =	shalt  }
0x87: {  	_ =	shalt  }
.Lfunc_end0:
.L_simem_size_0:
called_computation.2_lowered:
.L_overlay_start_0:
0x88: {  	s2 =	sld [smem:$0x3FD9]  }
0x89: {  	s3 =	sld [smem:$0x3FFE];
	_ =	sdelay $0x1  }
0x8a: {  	s1 =	srdreg.scid  }
0x8b: {  	s0 =	sand.u32 $0x1, s1  }
0x8c: {  	s17 =	sshll.u32 s0, $0xA;
	s2 =	sadd.s32 s3, s2  }
0x8d: {  	s2 =	sadd.s32 s2, s17  }
0x8e: {  	[smem:$0x3FAF] =	sst s2  }
0x8f: {  	_ = 	snop  }
0x90: {  	s2 =	sld [smem:$0x3FC8];
	(tm) =	ssettm $0x1  }
0x91: {  	s18 =	sld [smem:$0x3FFB];
	_ =	sdelay $0x3  }
0x92: {  	_ =	strace s18  }
0x93: {  	s3 =	sld [smem:$0x3FFC];
	_ =	sdelay $0x3  }
0x94: {  	_ =	strace s3  }
0x95: {  	s3 =	sld [smem:$0x3FFD];
	_ =	sdelay $0x3  }
0x96: {  	_ =	strace s3  }
0x97: {  	_ =	strace $0x8FFFFFFF  }
0x98: {  	s19 =	sld [smem:$0x3FDB];
	_ =	sdelay $0x1  }
0x99: {  	s4 =	simm.s32 $_scs_section_size  }
0x9a: {  	s5 =	simm.s32 $_size__tile_overlayer_lowered;
	s6 =	simm.s32 $_tile_overlayer_lowered  }
0x9b: {  	s22 =	simm.s32 $0x1BFF;
	s21 =	sshll.u32 s6, $0x1;
	s3 =	sadd.s32 s4, s19  }
0x9c: {  	s7 =	simm.s32 $0x0;
	s20 =	sshll.u32 s5, $0x1;
	s5 =	sadd.s32 s21, s3  }
0x9d: {  	[timem:s7], [sflag:s22] =	dma.local [hbm:s5], s20  }
0x9e: {  	_ =	swait.ge [sflag:s22], s20  }
0x9f: {  	s4 =	ssub.s32 $0x0, s20;
	[sflag:s22] =	ssyncset.done $0x0  }
0xa0: {  	[sflag:s22] =	ssyncadd.s32 s4;
	_ =	sdelay $0x1  }
0xa1: {  	s23 =	simm.s32 $0x1B8B  }
0xa2: {  	_ =	swait.ge [sflag:s23], $0x1  }
0xa3: {  	[sflag:s23] =	ssyncset.done $0x0  }
0xa4: {  	s25 =	simm.s32 $0x1B8E;
	s24 =	sld [smem:$0x3FFE];
	[sflag:s23] =	ssyncadd.s32 $0xFFFFFFFF  }
0xa5: {  	s26 =	simm.s32 $execute0_lowered;
	[smem:$0x3FD2] =	sst s25  }
0xa6: {  	s5 =	sshll.u32 s26, $0x1;
	_ =	strace $0x8000004C;
	[dreg:$0x1] =	wrdreg $0xFFFFFFFF  }
0xa7: {  	s28 =	simm.s32 $_size_execute0_lowered;
	s3 =	sadd.s32 s3, s5;
	[dreg:$0x0] =	wrdreg $0x0  }
0xa8: {  	s5 =	sshll.u32 s28, $0x1;
	[dreg:$0x2] =	wrdreg s3  }
0xa9: {  	[dreg:$0x3] =	wrdreg s5  }
0xaa: {  	[dreg:$0x4] =	wrdreg $0xC0  }
0xab: {  	_ =	task [dreg:s7], $0x5FFFF  }
0xac: {  	[dreg:$0x1] =	wrdreg $0xFFFFFFFF  }
0xad: {  	[dreg:$0x0] =	wrdreg $0x60  }
0xae: {  	[dreg:$0x2] =	wrdreg s24  }
0xaf: {  	[dreg:$0x3] =	wrdreg s2  }
0xb0: {  	[dreg:$0x4] =	wrdreg $0xA8000  }
0xb1: {  	[dreg:$0x5] =	wrdreg $0x9  }
0xb2: {  	_ =	task.clear_ibuf [dreg:s7], $0x6FFFF;
	_ =	strace $0x9000004C  }
0xb3: {  	s29 =	simm.s32 $0x9;
	_ =	strace $0x8000004E  }
0xb4: {  	_ =	swait.ge [sflag:s29], $0x1  }
0xb5: {  	[sflag:s29] =	ssyncadd.s32 $0xFFFFFFFF  }
0xb6: {  	_ =	strace $0x9000004E  }
0xb7: {  	_ =	sfence  }
0xb8: {  	s30 =	sld [smem:$0x0];
	_ =	sdelay $0x2  }
0xb9: {  	s31 =	sshll.u32 s1, $0xD;
	s1 =	sshrl.u32 s1, $0x2  }
0xba: {  	s3 =	sand.u32 $0x4000, s31;
	s1 =	sadd.s32 s1, s30  }
0xbb: {  	s0 =	sor.u32 s3, s0;
	s1 =	sshll.u32 s1, $0x11  }
0xbc: {  	s0 =	sor.u32 s1, s0  }
0xbd: {  	s0 =	sadd.s32 $0x8F2B, s0  }
0xbe: {  	[sflag:s0] =	ssyncadd.remote.s32 $0x1  }
0xbf: {  	_ =	sfence.sel $0xFFFF  }
0xc0: {  	[dreg:$0x0] =	wrdreg $0xFFFFFFFF;
	(pc) =	sbr.abs _section_cstart, $3  }
0xc1: {  	[dreg:$0x1] =	wrdreg $0xFFFFFFFF  }
0xc2: {  	_ =	task.clear_ibuf [dreg:s7], $0x2FFFF;
	_ =	strace $0x9FFFFFFF  }
0xc3: {  	(tm) =	ssettm $0x7FFFFFFF  }
tec
execute0_lowered:
.L_overlay_start_1:
0x0: {  	(tag) =	ssettag $0x1  }
0x1: {  	s0 =	rddreg [dreg:$0x0]  }
0x2: {  	s2 =	rddreg [dreg:$0x1]  }
0x3: {  	s1 =	rddreg [dreg:$0x2];
	s3 =	simm.s32 $0x0  }
0x4: {  	s19 =	srdreg.scid;
	s6 =	stileid.u32;
	s28 =	simm.s32 $0x1  }
0x5: {  	s29 =	simm.s32 $0x2;
	s30 =	simm.s32 $0x2700;
	s31 =	simm.s32 $0x2780  }
0x6: {  	[smem:$0x7FF] =	sst s3;
	s4 =	sadd.s32 $0xD800, s0;
	s3 =	sand.u32 $0x1, s19  }
0x7: {  	s5 =	sadd.s32 $0x5400, s0;
	s7 =	sshll.u32 s6, $0xB;
	s8 =	smul.u32 $0x14000, s6  }
0x8: {  	s10 =	sadd.s32 $0x5000, s0;
	s24 =	smul.u32 $0x50000, s6;
	s26 =	sadd.s32 $0x13600, s2  }
0x9: {  	s19 =	sadd.s32 $0x5540, s0;
	_ =	strace $0x8000004D;
	[dreg:$0x4] =	wrdreg s5  }
0xa: {  	s20 =	smul.u32 $0x140000, s3;
	s9 =	sshll.u32 s3, $0x4;
	[dreg:$0x5] =	wrdreg s10  }
0xb: {  	s12 =	sadd.s32 s7, s0;
	s3 =	ssub.s32 $0x2, s3;
	[dreg:$0x7] =	wrdreg s26  }
0xc: {  	s10 =	sadd.s32 $0x13610, s2;
	s26 =	simm.s32 $0x6800;
	s23 =	sor.u32 s6, s9  }
0xd: {  	s22 =	sshrl.u32 s3, $0x1;
	s11 =	sshrl.u32 s24, $0x2;
	s12 =	sadd.s32 $0x5800, s12  }
0xe: {  	s24 =	simm.s32 $0x4;
	s5 =	sadd.s32 s8, s20;
	s21 =	smul.u32 $0xA00, s23  }
0xf: {  	s3 =	ssub.s32 s3, s22;
	s14 =	smul.u32 $0x5000, s23;
	s11 =	sadd.s32 s11, s1  }
0x10: {  	s20 =	sadd.s32 $0x5140, s0;
	p0 =	seq.s32 s23, $0x1F;
	s23 =	simm.s32 $0x2800  }
0x11: {  	s5 =	sshrl.u32 s5, $0x3;
	s13 =	sadd.s32 $0x4000, s11;
	s15 =	sadd.s32 $0xC000, s11  }
0x12: {  	s22 =	smax.u32 s3, $0x1;
	s3 =	simm.s32 $0x0;
	s5 =	sadd.s32 s5, s0  }
0x13: {  	s7 =	sadd.s32 s2, s21;
	s16 =	sshrl.u32 s14, $0x3;
	s14 =	sadd.s32 $0x8000, s11  }
0x14: {  	s0 =	simm.s32 $0x3;
	s25 =	sadd.s32 $0x10, s7;
	s2 =	sadd.s32 s2, s16  }
0x15: {  	s16 =	sadd.s32 $0x10000, s11;
	s21 =	sadd.s32 $0x34A00, s5;
	[dreg:$0x6] =	wrdreg s25  }
0x16: {  	s17 =	sadd.s32 $0x500, s2;
	s18 =	sadd.s32 $0x510, s2;
	s25 =	simm.s32 $0x80  }
.LBB2_1:
0x17: {  	s2 =	simm.s32 @p0 $0x80  }
0x18: {  	s5 =	simm.s32 @p0 $0x100;
	s6 =	simm.s32 @p0 $0x0;
	s8 =	rddreg [dreg:$0x7]  }
0x19: {  	[tilespmem:s6], [sflag:$0x3] =	stream.strided.gather @p0 [hbm4b:s8+s2], $0xA00, s5, s2, $0x38;
	[tilespmem:$0x1E800] =	vst v63  }
0x1a: {  	s9 =	rddreg [dreg:$0x4];
	s8 =	simm.s32 @p0 $0xA00  }
0x1b: {  	[tilespmem:s8], [sflag:$0x3] =	stream.linear.gather @p0 [hbm4b:s9+s6], $0xA00, $0x38;
	[tilespmem:$0x1E800] =	vst v63  }
0x1c: {  	s8 =	simm.s32 @p0 $0x1400  }
0x1d: {  	[tilespmem:s8], [sflag:$0x3] =	stream.strided.gather @p0 [hbm4b:s10+s2], $0xA00, s5, s2, $0x38;
	[tilespmem:$0x1E800] =	vst v63  }
0x1e: {  	s2 =	simm.s32 @p0 $0x1E00;
	s5 =	rddreg [dreg:$0x5]  }
0x1f: {  	[tilespmem:s2], [sflag:$0x3] =	stream.linear.gather @p0 [hbm4b:s5+s6], $0xA00, $0x38;
	[tilespmem:$0x1E800] =	vst v63  }
0x20: {  	s2 =	simm.s32 @!p0 $0x80;
	s5 =	simm.s32 @!p0 $0x100;
	s6 =	simm.s32 @!p0 $0x0  }
0x21: {  	[tilespmem:s6], [sflag:$0x3] =	stream.strided.gather @!p0 [hbm4b:s7+s2], $0x1400, s5, s2, $0x38;
	[tilespmem:$0x1E800] =	vst v63  }
0x22: {  	s8 =	rddreg [dreg:$0x6];
	s6 =	simm.s32 @!p0 $0x1400  }
0x23: {  	[tilespmem:s6], [sflag:$0x3] =	stream.strided.gather @!p0 [hbm4b:s8+s2], $0x1400, s5, s2, $0x38;
	[tilespmem:$0x1E800] =	vst v63  }
0x24: {  	s9 =	simm.s32 $0x0  }
0x25: {  	[tilespmem:s23], [sflag:$0x4] =	stream.linear.gather [hbm4b:s12+s9], $0x4000, $0x38;
	[tilespmem:$0x1E800] =	vst v63  }
0x26: {  	_ =	swait.ge [sflag:s24], $0x4000  }
0x27: {  	[sflag:s24] =	ssyncset.done $0x0  }
0x28: {  	[sflag:s24] =	ssyncadd.s32 $0xFFFFC000  }
0x29: {  	[spmem:s11] =	stream.linear.scatter [tilespmem:s23], [sflag:$0x4], $0x4000, $0x38;
	[tilespmem:$0x1E800] =	vst v63  }
0x2a: {  	_ =	swait.ge [sflag:s24], $0x4000  }
0x2b: {  	[sflag:s24] =	ssyncset.done $0x0  }
0x2c: {  	[sflag:s24] =	ssyncadd.s32 $0xFFFFC000  }
0x2d: {  	[spmem:s13] =	stream.linear.scatter [tilespmem:s23], [sflag:$0x4], $0x4000, $0x38;
	[tilespmem:$0x1E800] =	vst v63  }
0x2e: {  	_ =	swait.ge [sflag:s24], $0x4000  }
0x2f: {  	[sflag:s24] =	ssyncset.done $0x0  }
0x30: {  	[sflag:s24] =	ssyncadd.s32 $0xFFFFC000  }
0x31: {  	[spmem:s14] =	stream.linear.scatter [tilespmem:s23], [sflag:$0x4], $0x4000, $0x38;
	[tilespmem:$0x1E800] =	vst v63  }
0x32: {  	_ =	swait.ge [sflag:s24], $0x4000  }
0x33: {  	[sflag:s24] =	ssyncset.done $0x0  }
0x34: {  	[sflag:s24] =	ssyncadd.s32 $0xFFFFC000  }
0x35: {  	[spmem:s15] =	stream.linear.scatter [tilespmem:s23], [sflag:$0x4], $0x4000, $0x38;
	[tilespmem:$0x1E800] =	vst v63  }
0x36: {  	_ =	swait.ge [sflag:s24], $0x4000  }
0x37: {  	[sflag:s24] =	ssyncset.done $0x0  }
0x38: {  	[sflag:s24] =	ssyncadd.s32 $0xFFFFC000  }
0x39: {  	[spmem:s16] =	stream.linear.scatter [tilespmem:s23], [sflag:$0x4], $0x4000, $0x38;
	[tilespmem:$0x1E800] =	vst v63  }
0x3a: {  	_ =	swait.ge [sflag:s24], $0x4000  }
0x3b: {  	[sflag:s24] =	ssyncset.done $0x0  }
0x3c: {  	s2 =	simm.s32 @p0 $0x3;
	[sflag:s24] =	ssyncadd.s32 $0xFFFFC000  }
0x3d: {  	_ =	swait.ge @p0 [sflag:s2], $0xA00  }
0x3e: {  	[sflag:s2] =	ssyncset.done @p0 $0x0  }
0x3f: {  	[sflag:s2] =	ssyncadd.s32 @p0 $0xFFFFF600  }
0x40: {  	_ =	swait.ge @p0 [sflag:s2], $0xA00  }
0x41: {  	[sflag:s2] =	ssyncset.done @p0 $0x0  }
0x42: {  	[sflag:s2] =	ssyncadd.s32 @p0 $0xFFFFF600  }
0x43: {  	_ =	swait.ge @p0 [sflag:s2], $0xA00  }
0x44: {  	[sflag:s2] =	ssyncset.done @p0 $0x0  }
0x45: {  	[sflag:s2] =	ssyncadd.s32 @p0 $0xFFFFF600  }
0x46: {  	_ =	swait.ge @p0 [sflag:s2], $0xA00  }
0x47: {  	[sflag:s2] =	ssyncset.done @p0 $0x0  }
0x48: {  	[sflag:s2] =	ssyncadd.s32 @p0 $0xFFFFF600;
	s2 =	simm.s32 @!p0 $0x3  }
0x49: {  	_ =	swait.ge @!p0 [sflag:s2], $0x1400  }
0x4a: {  	[sflag:s2] =	ssyncset.done @!p0 $0x0  }
0x4b: {  	[sflag:s2] =	ssyncadd.s32 @!p0 $0xFFFFEC00  }
0x4c: {  	_ =	swait.ge @!p0 [sflag:s2], $0x1400  }
0x4d: {  	[sflag:s2] =	ssyncset.done @!p0 $0x0  }
0x4e: {  	[sflag:s2] =	ssyncadd.s32 @!p0 $0xFFFFEC00  }
0x4f: {  	[bflag:$0x0] =	sbarrier.arrive $0xFFFF  }
0x50: {  	[tilespmem:s23], [sflag:$0x1] =	stream.indirect.gather [hbm4b:s4+s25], $0x80, s9, s25, $0xb8;
	[tilespmem:$0x1E800] =	vst v63  }
0x51: {  	_ = 	snop  }
0x52: {  	[tilespmem:s26], [sflag:$0x2] =	stream.indirect.gather [hbm4b:s4+s25], $0x80, s25, s25, $0xb8;
	[tilespmem:$0x1E800] =	vst v63  }
0x53: {  	_ =	swait.ge [sflag:s28], $0x4000  }
0x54: {  	[sflag:s28] =	ssyncset.done $0x0  }
0x55: {  	s6 =	simm.s32 $0x1400;
	[sflag:s28] =	ssyncadd.s32 $0xFFFFC000  }
0x56: {  	[spmem:s1] =	stream.indirect.scatter.add.f32 [tilespmem:s23], [sflag:$0x4], $0x80, s6, s25, $0xb8;
	[tilespmem:$0x1E800] =	vst v63  }
0x57: {  	_ =	swait.ge [sflag:s24], $0x4000  }
0x58: {  	[sflag:s24] =	ssyncset.done $0x0  }
0x59: {  	s8 =	simm.s32 $0x100;
	[sflag:s24] =	ssyncadd.s32 $0xFFFFC000  }
0x5a: {  	[tilespmem:s23], [sflag:$0x1] =	stream.indirect.gather [hbm4b:s4+s25], $0x80, s8, s25, $0xb8;
	[tilespmem:$0x1E800] =	vst v63  }
0x5b: {  	_ =	swait.ge [sflag:s29], $0x4000  }
0x5c: {  	[sflag:s29] =	ssyncset.done $0x0  }
0x5d: {  	s9 =	simm.s32 $0x1480;
	[sflag:s29] =	ssyncadd.s32 $0xFFFFC000  }
0x5e: {  	[spmem:s1] =	stream.indirect.scatter.add.f32 [tilespmem:s26], [sflag:$0x4], $0x80, s9, s25, $0xb8;
	[tilespmem:$0x1E800] =	vst v63  }
0x5f: {  	_ =	swait.ge [sflag:s24], $0x4000  }
0x60: {  	[sflag:s24] =	ssyncset.done $0x0  }
0x61: {  	s5 =	simm.s32 $0x180;
	s2 =	simm.s32 $0x400;
	[sflag:s24] =	ssyncadd.s32 $0xFFFFC000  }
.LBB2_2:
0x62: {  	[tilespmem:s26], [sflag:$0x2] =	stream.indirect.gather [hbm4b:s4+s25], $0x80, s5, s25, $0xb8;
	[tilespmem:$0x1E800] =	vst v63  }
0x63: {  	s5 =	smov.u32 s2  }
0x64: {  	p1 =	sne.s32 s2, $0x4800;
	s2 =	sadd.s32 $0x400, s2;
	_ =	swait.ge [sflag:s28], $0x4000  }
0x65: {  	s5 =	sshra.s32 s5, $0x2;
	[sflag:s28] =	ssyncset.done $0x0  }
0x66: {  	s6 =	sadd.s32 $0x1400, s5;
	[sflag:s28] =	ssyncadd.s32 $0xFFFFC000  }
0x67: {  	[spmem:s1] =	stream.indirect.scatter.add.f32 [tilespmem:s23], [sflag:$0x4], $0x80, s6, s25, $0xb8;
	[tilespmem:$0x1E800] =	vst v63  }
0x68: {  	_ =	swait.ge [sflag:s24], $0x4000  }
0x69: {  	[sflag:s24] =	ssyncset.done $0x0  }
0x6a: {  	s6 =	sadd.s32 $0x100, s5;
	[sflag:s24] =	ssyncadd.s32 $0xFFFFC000  }
0x6b: {  	[tilespmem:s23], [sflag:$0x1] =	stream.indirect.gather [hbm4b:s4+s25], $0x80, s6, s25, $0xb8;
	[tilespmem:$0x1E800] =	vst v63  }
0x6c: {  	_ =	swait.ge [sflag:s29], $0x4000  }
0x6d: {  	[sflag:s29] =	ssyncset.done $0x0  }
.Ltmp0:
0x6e: {  	s6 =	sadd.s32 $0x1480, s5;
	[sflag:s29] =	ssyncadd.s32 $0xFFFFC000;
	(pc) =	sbr.rel @p1 .LBB2_2-.Ltmp0, $4  }
0x6f: {  	[spmem:s1] =	stream.indirect.scatter.add.f32 [tilespmem:s26], [sflag:$0x4], $0x80, s6, s25, $0xb8;
	[tilespmem:$0x1E800] =	vst v63  }
0x70: {  	_ =	swait.ge [sflag:s24], $0x4000  }
0x71: {  	[sflag:s24] =	ssyncset.done $0x0  }
0x72: {  	s5 =	sadd.s32 $0x180, s5;
	[sflag:s24] =	ssyncadd.s32 $0xFFFFC000  }
0x73: {  	[tilespmem:s26], [sflag:$0x2] =	stream.indirect.gather [hbm4b:s4+s25], $0x80, s5, s25, $0xb8;
	[tilespmem:$0x1E800] =	vst v63  }
0x74: {  	_ =	swait.ge [sflag:s28], $0x4000  }
0x75: {  	[sflag:s28] =	ssyncset.done $0x0  }
0x76: {  	[sflag:s28] =	ssyncadd.s32 $0xFFFFC000  }
0x77: {  	[spmem:s1] =	stream.indirect.scatter.add.f32 [tilespmem:s23], [sflag:$0x4], $0x80, s30, s25, $0xb8;
	[tilespmem:$0x1E800] =	vst v63  }
0x78: {  	_ =	swait.ge [sflag:s24], $0x4000  }
0x79: {  	[sflag:s24] =	ssyncset.done $0x0  }
0x7a: {  	[sflag:s24] =	ssyncadd.s32 $0xFFFFC000  }
0x7b: {  	_ =	swait.ge [sflag:s29], $0x4000  }
0x7c: {  	[sflag:s29] =	ssyncset.done $0x0  }
0x7d: {  	[sflag:s29] =	ssyncadd.s32 $0xFFFFC000  }
0x7e: {  	[spmem:s1] =	stream.indirect.scatter.add.f32 [tilespmem:s26], [sflag:$0x4], $0x80, s31, s25, $0xb8;
	[tilespmem:$0x1E800] =	vst v63  }
0x7f: {  	_ =	swait.ge [sflag:s24], $0x4000  }
0x80: {  	[sflag:s24] =	ssyncset.done $0x0  }
0x81: {  	s2 =	simm.s32 @p0 $0x0;
	[sflag:s24] =	ssyncadd.s32 $0xFFFFC000  }
0x82: {  	[tilespmem:s2], [sflag:$0x3] =	stream.linear.gather @p0 [hbm4b:s19+s2], $0x1400, $0x38;
	[tilespmem:$0x1E800] =	vst v63  }
0x83: {  	s5 =	simm.s32 @p0 $0x1400  }
0x84: {  	[tilespmem:s5], [sflag:$0x3] =	stream.linear.gather @p0 [hbm4b:s20+s2], $0x1400, $0x38;
	[tilespmem:$0x1E800] =	vst v63  }
0x85: {  	s6 =	simm.s32 @!p0 $0x0;
	s2 =	simm.s32 @!p0 $0x80;
	s5 =	simm.s32 @!p0 $0x100  }
0x86: {  	[tilespmem:s6], [sflag:$0x3] =	stream.strided.gather @!p0 [hbm4b:s17+s2], $0x1400, s5, s2, $0x38;
	[tilespmem:$0x1E800] =	vst v63  }
0x87: {  	s6 =	simm.s32 @!p0 $0x1400  }
0x88: {  	[tilespmem:s6], [sflag:$0x3] =	stream.strided.gather @!p0 [hbm4b:s18+s2], $0x1400, s5, s2, $0x38;
	[tilespmem:$0x1E800] =	vst v63  }
0x89: {  	_ =	swait.ge [sflag:s0], $0x1400  }
0x8a: {  	[sflag:s0] =	ssyncset.done $0x0  }
0x8b: {  	[sflag:s0] =	ssyncadd.s32 $0xFFFFEC00  }
0x8c: {  	_ =	swait.ge [sflag:s0], $0x1400  }
0x8d: {  	[sflag:s0] =	ssyncset.done $0x0  }
0x8e: {  	s5 =	simm.s32 $0x0;
	[sflag:s0] =	ssyncadd.s32 $0xFFFFEC00  }
0x8f: {  	[tilespmem:s23], [sflag:$0x1] =	stream.indirect.gather [hbm4b:s4+s25], $0x80, s5, s25, $0xb8;
	[tilespmem:$0x1E800] =	vst v63  }
0x90: {  	_ = 	snop  }
0x91: {  	[tilespmem:s26], [sflag:$0x2] =	stream.indirect.gather [hbm4b:s4+s25], $0x80, s25, s25, $0xb8;
	[tilespmem:$0x1E800] =	vst v63  }
0x92: {  	_ =	swait.ge [sflag:s28], $0x4000  }
0x93: {  	[sflag:s28] =	ssyncset.done $0x0  }
0x94: {  	s6 =	simm.s32 $0x1400;
	[sflag:s28] =	ssyncadd.s32 $0xFFFFC000  }
0x95: {  	[spmem:s1] =	stream.indirect.scatter.add.f32 [tilespmem:s23], [sflag:$0x4], $0x80, s6, s25, $0xb8;
	[tilespmem:$0x1E800] =	vst v63  }
0x96: {  	_ =	swait.ge [sflag:s24], $0x4000  }
0x97: {  	[sflag:s24] =	ssyncset.done $0x0  }
0x98: {  	s8 =	simm.s32 $0x100;
	[sflag:s24] =	ssyncadd.s32 $0xFFFFC000  }
0x99: {  	[tilespmem:s23], [sflag:$0x1] =	stream.indirect.gather [hbm4b:s4+s25], $0x80, s8, s25, $0xb8;
	[tilespmem:$0x1E800] =	vst v63  }
0x9a: {  	_ =	swait.ge [sflag:s29], $0x4000  }
0x9b: {  	[sflag:s29] =	ssyncset.done $0x0  }
0x9c: {  	s9 =	simm.s32 $0x1480;
	[sflag:s29] =	ssyncadd.s32 $0xFFFFC000  }
0x9d: {  	[spmem:s1] =	stream.indirect.scatter.add.f32 [tilespmem:s26], [sflag:$0x4], $0x80, s9, s25, $0xb8;
	[tilespmem:$0x1E800] =	vst v63  }
0x9e: {  	_ =	swait.ge [sflag:s24], $0x4000  }
0x9f: {  	[sflag:s24] =	ssyncset.done $0x0  }
0xa0: {  	s2 =	simm.s32 $0x400;
	s5 =	simm.s32 $0x180;
	[sflag:s24] =	ssyncadd.s32 $0xFFFFC000  }
.LBB2_4:
0xa1: {  	[tilespmem:s26], [sflag:$0x2] =	stream.indirect.gather [hbm4b:s4+s25], $0x80, s5, s25, $0xb8;
	[tilespmem:$0x1E800] =	vst v63  }
0xa2: {  	s5 =	smov.u32 s2  }
0xa3: {  	p1 =	sne.s32 s2, $0x4800;
	s2 =	sadd.s32 $0x400, s2;
	_ =	swait.ge [sflag:s28], $0x4000  }
0xa4: {  	s5 =	sshra.s32 s5, $0x2;
	[sflag:s28] =	ssyncset.done $0x0  }
0xa5: {  	s6 =	sadd.s32 $0x1400, s5;
	[sflag:s28] =	ssyncadd.s32 $0xFFFFC000  }
0xa6: {  	[spmem:s1] =	stream.indirect.scatter.add.f32 [tilespmem:s23], [sflag:$0x4], $0x80, s6, s25, $0xb8;
	[tilespmem:$0x1E800] =	vst v63  }
0xa7: {  	_ =	swait.ge [sflag:s24], $0x4000  }
0xa8: {  	[sflag:s24] =	ssyncset.done $0x0  }
0xa9: {  	s6 =	sadd.s32 $0x100, s5;
	[sflag:s24] =	ssyncadd.s32 $0xFFFFC000  }
0xaa: {  	[tilespmem:s23], [sflag:$0x1] =	stream.indirect.gather [hbm4b:s4+s25], $0x80, s6, s25, $0xb8;
	[tilespmem:$0x1E800] =	vst v63  }
0xab: {  	_ =	swait.ge [sflag:s29], $0x4000  }
0xac: {  	[sflag:s29] =	ssyncset.done $0x0  }
.Ltmp1:
0xad: {  	s6 =	sadd.s32 $0x1480, s5;
	[sflag:s29] =	ssyncadd.s32 $0xFFFFC000;
	(pc) =	sbr.rel @p1 .LBB2_4-.Ltmp1, $4  }
0xae: {  	[spmem:s1] =	stream.indirect.scatter.add.f32 [tilespmem:s26], [sflag:$0x4], $0x80, s6, s25, $0xb8;
	[tilespmem:$0x1E800] =	vst v63  }
0xaf: {  	_ =	swait.ge [sflag:s24], $0x4000  }
0xb0: {  	[sflag:s24] =	ssyncset.done $0x0  }
0xb1: {  	s5 =	sadd.s32 $0x180, s5;
	[sflag:s24] =	ssyncadd.s32 $0xFFFFC000  }
0xb2: {  	[tilespmem:s26], [sflag:$0x2] =	stream.indirect.gather [hbm4b:s4+s25], $0x80, s5, s25, $0xb8;
	[tilespmem:$0x1E800] =	vst v63  }
0xb3: {  	_ =	swait.ge [sflag:s28], $0x4000  }
0xb4: {  	[sflag:s28] =	ssyncset.done $0x0  }
0xb5: {  	[sflag:s28] =	ssyncadd.s32 $0xFFFFC000  }
0xb6: {  	[spmem:s1] =	stream.indirect.scatter.add.f32 [tilespmem:s23], [sflag:$0x4], $0x80, s30, s25, $0xb8;
	[tilespmem:$0x1E800] =	vst v63  }
0xb7: {  	_ =	swait.ge [sflag:s24], $0x4000  }
0xb8: {  	[sflag:s24] =	ssyncset.done $0x0  }
0xb9: {  	[sflag:s24] =	ssyncadd.s32 $0xFFFFC000  }
0xba: {  	_ =	swait.ge [sflag:s29], $0x4000  }
0xbb: {  	[sflag:s29] =	ssyncset.done $0x0  }
0xbc: {  	[sflag:s29] =	ssyncadd.s32 $0xFFFFC000  }
0xbd: {  	[spmem:s1] =	stream.indirect.scatter.add.f32 [tilespmem:s26], [sflag:$0x4], $0x80, s31, s25, $0xb8;
	[tilespmem:$0x1E800] =	vst v63  }
0xbe: {  	s2 =	stileid.u32;
	_ =	swait.ge [sflag:s24], $0x4000  }
0xbf: {  	s9 =	sshrl.u32 s11, $0x3;
	s3 =	sadd.s32 $0x1, s3;
	[sflag:s24] =	ssyncset.done $0x0  }
0xc0: {  	s2 =	sshll.u32 s2, $0x6;
	p1 =	sne.s32 s3, s22;
	[sflag:s24] =	ssyncadd.s32 $0xFFFFC000  }
.Ltmp2:
0xc1: {  	s2 =	sor.u32 $0x1C04, s2;
	[bflag:$0x0] =	sbarrier.arrive $0xFFFF;
	(pc) =	sbr.rel @p1 .LBB2_1-.Ltmp2, $4  }
0xc2: {  	[hbm:s21], [sflag:s2] =	dma.local [spmem:s9], $0x2800  }
0xc3: {  	_ =	swait.ge [sflag:s24], $0x2800  }
0xc4: {  	[sflag:s24] =	ssyncset.done $0x0  }
0xc5: {  	[sflag:s24] =	ssyncadd.s32 $0xFFFFD800  }
0xc6: {  	_ =	sfence.sel $0x180000  }
0xc7: {  	[bflag:$0x0] =	sbarrier.arrive $0xFFFF  }
0xc8: {  	_ =	strace $0x9000004D  }
0xc9: {  	s0 =	stileid.u32;
	[bflag:$0x2] =	sbarrier.arrive $0xFFFF  }
0xca: {  	p0 =	sne.s32 s0, $0x0;
	s0 =	rddreg [dreg:$0x3]  }
0xcb: {  	s0 =	sadd.s32 @!p0 $0x100000, s0  }
0xcc: {  	[sflag:s0] =	ssyncadd.tile.s32 @!p0 $0x1;
	_ =	shalt  }
.Lfunc_end2:
_tile_overlayer_lowered:
.L_overlay_start_2:
0xcd: {  	(tag) =	ssettag $0x2  }
0xce: {  	s0 =	rddreg [dreg:$0x0];
	s2 =	stileid.u32  }
0xcf: {  	s1 =	rddreg [dreg:$0x1];
	p0 =	sne.s32 s2, $0x0  }
0xd0: {  	s3 =	rddreg [dreg:$0x2];
	[bflag:$0x3] =	sbarrier.arrive $0xFFFF;
	s2 =	simm.s32 @!p0 $0x1C04  }
0xd1: {  	[timem:s3], [sflag:s2] =	dma.local @!p0 [hbm:s0], s1  }
0xd2: {  	s0 =	simm.s32 @!p0 $0x4  }
0xd3: {  	_ =	swait.ge @!p0 [sflag:s0], s1  }
0xd4: {  	s1 =	ssub.s32 @!p0 $0x0, s1;
	[sflag:s0] =	ssyncset.done @!p0 $0x0  }
0xd5: {  	[sflag:s0] =	ssyncadd.s32 @!p0 s1  }
0xd6: {  	[bflag:$0x3] =	sbarrier.arrive $0xFFFF  }
0xd7: {  	_ =	shalt  }

// kernel: kernel.9.cloned.1.call-start
scs
__scs_entry_jumppad:
0x0: {  	(pc) =	sbr.rel $0x88, $3  }
0x1: {  	(tag) =	ssettag $0x0;
	lr =	simm.s32 $0x1  }
0x2: {  	[smem:$0x3F88] =	sst lr;
	_ =	strace $0xD0000000  }
0x3: {  	_ = 	snop  }
0x4: {  	_ = 	snop  }
0x5: {  	_ = 	snop  }
0x6: {  	_ = 	snop  }
0x7: {  	_ = 	snop  }
__scs_overlays_trampoline_lowered:
0x8: {  	[smem:$0x3F97] =	sst s0  }
0x9: {  	[smem:$0x3F98] =	sst s1  }
0xa: {  	[smem:$0x3F99] =	sst s2  }
0xb: {  	[smem:$0x3F9A] =	sst s3  }
0xc: {  	[smem:$0x3F9B] =	sst s4  }
0xd: {  	[smem:$0x3F9C] =	sst s5  }
0xe: {  	[smem:$0x3F9D] =	sst s6  }
0xf: {  	[smem:$0x3F9E] =	sst s7  }
0x10: {  	[smem:$0x3F9F] =	sst s8  }
0x11: {  	[smem:$0x3FA0] =	sst s9;
	s0 =	simm.s32 @!p0 $0x0  }
0x12: {  	s1 =	sld [smem:$0x3F86];
	s0 =	simm.s32 @p0 $0x1  }
0x13: {  	[smem:$0x3FA1] =	sst s0;
	s0 =	simm.s32 @!p1 $0x0  }
0x14: {  	s2 =	sld [smem:$0x3F85];
	s0 =	simm.s32 @p1 $0x1  }
0x15: {  	[smem:$0x3FA2] =	sst s0;
	s0 =	simm.s32 @!p2 $0x0  }
0x16: {  	s3 =	sld [smem:$0x3FDB];
	s0 =	simm.s32 @p2 $0x1  }
0x17: {  	s4 =	simm.s32 $0x1BF5;
	[smem:$0x3FA4] =	sst s0  }
0x18: {  	s0 =	sld [smem:$0x3F87];
	_ =	swait.ge [sflag:s4], $0x0  }
0x19: {  	s7 =	sld [smem:$0x3F88]  }
0x1a: {  	s8 =	sadd.s32 $0xFFFFE003, lr  }
0x1b: {  	s9 =	sadd.s32 $0xFFFFFEF7, lr;
	s5 =	simm.s32 $0xFFFFFFFF;
	p2 =	slt.u32 s8, $0xFFFFF086  }
0x1c: {  	p1 =	slt.u32 s9, $0xF7A;
	s5 =	simm.s32 @!p2 $0x0  }
0x1d: {  	s5 =	simm.s32 @p1 $0x1;
	p0 =	seq.s32 s7, s2  }
0x1e: {  	s7 =	smul.u32 @!p0 $0xF7A, s2;
	p2 =	seq.s32 @!p0 s5, $0x0  }
0x1f: {  	s9 =	smul.u32 $0xF7A, s1;
	s8 =	simm.s32 @!p0 $0x1BF5;
	p2 =	por !p2, p0  }
0x20: {  	[sflag:s8] =	ssyncset.s32 @!p0 $0xFFFFF086;
	s6 =	sadd.s32 @!p0 s3, s7;
	s7 =	simm.s32 @!p0 $0x108  }
0x21: {  	s3 =	sadd.s32 s3, s9;
	s6 =	sadd.s32 @!p0 $0x88, s6;
	s7 =	simm.s32 @p2 $0x1082  }
0x22: {  	[simem:s7], [sflag:s8] =	dma.local @!p0 [hbm:s6], $0xF7A  }
0x23: {  	s9 =	sor.u32 $0xD0000000, s2;
	s6 =	simm.s32 $0x108;
	_ =	swait.ge @!p0 [sflag:s8], $0x0  }
0x24: {  	s3 =	sadd.s32 $0x88, s3;
	s6 =	simm.s32 @!p1 $0x1082;
	[sflag:s4] =	ssyncset.s32 $0xFFFFF086  }
0x25: {  	[simem:s6], [sflag:s4] =	dma.local [hbm:s3], $0xF7A  }
0x26: {  	[smem:$0x3F88] =	sst s1;
	(tag) =	ssettag s2;
	_ =	strace s9  }
0x27: {  	s1 =	sld [smem:$0x3F98]  }
0x28: {  	s2 =	sld [smem:$0x3F99]  }
0x29: {  	s4 =	sld [smem:$0x3F9B]  }
0x2a: {  	p0 =	seq.s32 s5, $0x0;
	s5 =	sld [smem:$0x3F9C]  }
0x2b: {  	s6 =	sld [smem:$0x3F9D]  }
0x2c: {  	s7 =	sld [smem:$0x3F9E]  }
0x2d: {  	s3 =	simm.s32 $0x108;
	s8 =	sld [smem:$0x3F9F]  }
0x2e: {  	s3 =	simm.s32 @!p0 $0x1082;
	s9 =	sld [smem:$0x3FA0]  }
0x2f: {  	lr =	sadd.s32 s0, s3;
	s0 =	sld [smem:$0x3F97]  }
0x30: {  	s3 =	sld [smem:$0x3F9A]  }
0x31: {  	[smem:$0x3FA3] =	sst s10  }
0x32: {  	s10 =	sld [smem:$0x3FA1];
	_ =	sdelay $0x3  }
0x33: {  	p0 =	seq.s32 s10, $0x1;
	s10 =	sld [smem:$0x3FA3];
	_ =	sdelay $0x3  }
0x34: {  	[smem:$0x3FA3] =	sst s10  }
0x35: {  	s10 =	sld [smem:$0x3FA2];
	_ =	sdelay $0x3  }
0x36: {  	p1 =	seq.s32 s10, $0x1;
	s10 =	sld [smem:$0x3FA3];
	_ =	sdelay $0x3  }
0x37: {  	[smem:$0x3FA3] =	sst s10  }
0x38: {  	s10 =	sld [smem:$0x3FA4]  }
0x39: {  	_ = 	snop;
	(pc) =	sbr.ind lr, $3  }
0x3a: {  	_ = 	snop  }
0x3b: {  	_ = 	snop  }
0x3c: {  	p2 =	seq.s32 s10, $0x1;
	s10 =	sld [smem:$0x3FA3]  }
0x3d: {  	_ =	shalt  }
0x3e: {  	_ =	shalt  }
0x3f: {  	_ =	shalt  }
0x40: {  	_ =	shalt  }
0x41: {  	_ =	shalt  }
0x42: {  	_ =	shalt  }
0x43: {  	_ =	shalt  }
0x44: {  	_ =	shalt  }
0x45: {  	_ =	shalt  }
0x46: {  	_ =	shalt  }
0x47: {  	_ =	shalt  }
0x48: {  	_ =	shalt  }
0x49: {  	_ =	shalt  }
0x4a: {  	_ =	shalt  }
0x4b: {  	_ =	shalt  }
0x4c: {  	_ =	shalt  }
0x4d: {  	_ =	shalt  }
0x4e: {  	_ =	shalt  }
0x4f: {  	_ =	shalt  }
0x50: {  	_ =	shalt  }
0x51: {  	_ =	shalt  }
0x52: {  	_ =	shalt  }
0x53: {  	_ =	shalt  }
0x54: {  	_ =	shalt  }
0x55: {  	_ =	shalt  }
0x56: {  	_ =	shalt  }
0x57: {  	_ =	shalt  }
0x58: {  	_ =	shalt  }
0x59: {  	_ =	shalt  }
0x5a: {  	_ =	shalt  }
0x5b: {  	_ =	shalt  }
0x5c: {  	_ =	shalt  }
0x5d: {  	_ =	shalt  }
0x5e: {  	_ =	shalt  }
0x5f: {  	_ =	shalt  }
0x60: {  	_ =	shalt  }
0x61: {  	_ =	shalt  }
0x62: {  	_ =	shalt  }
0x63: {  	_ =	shalt  }
0x64: {  	_ =	shalt  }
0x65: {  	_ =	shalt  }
0x66: {  	_ =	shalt  }
0x67: {  	_ =	shalt  }
0x68: {  	_ =	shalt  }
0x69: {  	_ =	shalt  }
0x6a: {  	_ =	shalt  }
0x6b: {  	_ =	shalt  }
0x6c: {  	_ =	shalt  }
0x6d: {  	_ =	shalt  }
0x6e: {  	_ =	shalt  }
0x6f: {  	_ =	shalt  }
0x70: {  	_ =	shalt  }
0x71: {  	_ =	shalt  }
0x72: {  	_ =	shalt  }
0x73: {  	_ =	shalt  }
0x74: {  	_ =	shalt  }
0x75: {  	_ =	shalt  }
0x76: {  	_ =	shalt  }
0x77: {  	_ =	shalt  }
0x78: {  	_ =	shalt  }
0x79: {  	_ =	shalt  }
0x7a: {  	_ =	shalt  }
0x7b: {  	_ =	shalt  }
0x7c: {  	_ =	shalt  }
0x7d: {  	_ =	shalt  }
0x7e: {  	_ =	shalt  }
0x7f: {  	_ =	shalt  }
0x80: {  	_ =	shalt  }
0x81: {  	_ =	shalt  }
0x82: {  	_ =	shalt  }
0x83: {  	_ =	shalt  }
0x84: {  	_ =	shalt  }
0x85: {  	_ =	shalt  }
0x86: {  	_ =	shalt  }
0x87: {  	_ =	shalt  }
.Lfunc_end0:
.L_simem_size_0:
called_computation_lowered:
.L_overlay_start_0:
0x88: {  	s2 =	sld [smem:$0x3FD9]  }
0x89: {  	s3 =	sld [smem:$0x3FFE];
	_ =	sdelay $0x1  }
0x8a: {  	s1 =	srdreg.scid  }
0x8b: {  	s0 =	sand.u32 $0x1, s1  }
0x8c: {  	s17 =	sshll.u32 s0, $0xA;
	s2 =	sadd.s32 s3, s2  }
0x8d: {  	s2 =	sadd.s32 s2, s17  }
0x8e: {  	[smem:$0x3FAF] =	sst s2  }
0x8f: {  	_ = 	snop  }
0x90: {  	s2 =	sld [smem:$0x3FC9]  }
0x91: {  	s18 =	sld [smem:$0x3FC8];
	(tm) =	ssettm $0x1  }
0x92: {  	s4 =	sld [smem:$0x3FFB];
	_ =	sdelay $0x3  }
0x93: {  	_ =	strace s4  }
0x94: {  	s4 =	sld [smem:$0x3FFC];
	_ =	sdelay $0x3  }
0x95: {  	_ =	strace s4  }
0x96: {  	s4 =	sld [smem:$0x3FFD];
	_ =	sdelay $0x3  }
0x97: {  	_ =	strace s4  }
0x98: {  	_ =	strace $0x8FFFFFFF  }
0x99: {  	s19 =	sld [smem:$0x3FDB];
	_ =	sdelay $0x1  }
0x9a: {  	s5 =	simm.s32 $_scs_section_size  }
0x9b: {  	s6 =	simm.s32 $_size__tile_overlayer_lowered;
	s7 =	simm.s32 $_tile_overlayer_lowered  }
0x9c: {  	s22 =	simm.s32 $0x1BFF;
	s21 =	sshll.u32 s7, $0x1;
	s4 =	sadd.s32 s5, s19  }
0x9d: {  	s8 =	simm.s32 $0x0;
	s20 =	sshll.u32 s6, $0x1;
	s6 =	sadd.s32 s21, s4  }
0x9e: {  	[timem:s8], [sflag:s22] =	dma.local [hbm:s6], s20  }
0x9f: {  	_ =	swait.ge [sflag:s22], s20  }
0xa0: {  	s5 =	ssub.s32 $0x0, s20;
	[sflag:s22] =	ssyncset.done $0x0  }
0xa1: {  	[sflag:s22] =	ssyncadd.s32 s5;
	_ =	sdelay $0x1  }
0xa2: {  	s23 =	simm.s32 $0x1B8B  }
0xa3: {  	_ =	swait.ge [sflag:s23], $0x1  }
0xa4: {  	[sflag:s23] =	ssyncset.done $0x0  }
0xa5: {  	s25 =	simm.s32 $0x1B8E;
	s24 =	sld [smem:$0x3FFE];
	[sflag:s23] =	ssyncadd.s32 $0xFFFFFFFF  }
0xa6: {  	s26 =	simm.s32 $execute0_lowered;
	[smem:$0x3FD2] =	sst s25  }
0xa7: {  	s6 =	sshll.u32 s26, $0x1;
	_ =	strace $0x80000046;
	[dreg:$0x1] =	wrdreg $0xFFFFFFFF  }
0xa8: {  	s28 =	simm.s32 $_size_execute0_lowered;
	s4 =	sadd.s32 s4, s6;
	[dreg:$0x0] =	wrdreg $0x0  }
0xa9: {  	s6 =	sshll.u32 s28, $0x1;
	[dreg:$0x2] =	wrdreg s4  }
0xaa: {  	[dreg:$0x3] =	wrdreg s6  }
0xab: {  	[dreg:$0x4] =	wrdreg $0xC0  }
0xac: {  	_ =	task [dreg:s8], $0x5FFFF  }
0xad: {  	[dreg:$0x1] =	wrdreg $0xFFFFFFFF  }
0xae: {  	[dreg:$0x0] =	wrdreg $0x60  }
0xaf: {  	[dreg:$0x2] =	wrdreg s2  }
0xb0: {  	[dreg:$0x3] =	wrdreg s18  }
0xb1: {  	[dreg:$0x4] =	wrdreg s24  }
0xb2: {  	[dreg:$0x5] =	wrdreg $0xA8000  }
0xb3: {  	[dreg:$0x6] =	wrdreg $0x9  }
0xb4: {  	_ =	task.clear_ibuf [dreg:s8], $0x7FFFF;
	_ =	strace $0x90000046  }
0xb5: {  	s29 =	simm.s32 $0x9;
	_ =	strace $0x80000048  }
0xb6: {  	_ =	swait.ge [sflag:s29], $0x1  }
0xb7: {  	[sflag:s29] =	ssyncadd.s32 $0xFFFFFFFF  }
0xb8: {  	_ =	strace $0x90000048  }
0xb9: {  	_ =	sfence  }
0xba: {  	s30 =	sld [smem:$0x0];
	_ =	sdelay $0x2  }
0xbb: {  	s31 =	sshll.u32 s1, $0xD;
	s1 =	sshrl.u32 s1, $0x2  }
0xbc: {  	s3 =	sand.u32 $0x4000, s31;
	s1 =	sadd.s32 s1, s30  }
0xbd: {  	s0 =	sor.u32 s3, s0;
	s1 =	sshll.u32 s1, $0x11  }
0xbe: {  	s0 =	sor.u32 s1, s0  }
0xbf: {  	s0 =	sadd.s32 $0x8F2B, s0  }
0xc0: {  	[sflag:s0] =	ssyncadd.remote.s32 $0x1  }
0xc1: {  	_ =	sfence.sel $0xFFFF  }
0xc2: {  	[dreg:$0x0] =	wrdreg $0xFFFFFFFF;
	(pc) =	sbr.abs _section_cstart, $3  }
0xc3: {  	[dreg:$0x1] =	wrdreg $0xFFFFFFFF  }
0xc4: {  	_ =	task.clear_ibuf [dreg:s8], $0x2FFFF;
	_ =	strace $0x9FFFFFFF  }
0xc5: {  	(tm) =	ssettm $0x7FFFFFFF  }
tec
execute0_lowered:
.L_overlay_start_1:
0x0: {  	(tag) =	ssettag $0x1  }
0x1: {  	s1 =	rddreg [dreg:$0x0]  }
0x2: {  	s0 =	rddreg [dreg:$0x1]  }
0x3: {  	s3 =	rddreg [dreg:$0x2]  }
0x4: {  	s2 =	rddreg [dreg:$0x3]  }
0x5: {  	s4 =	simm.s32 $0x0;
	s19 =	srdreg.scid;
	s6 =	stileid.u32  }
0x6: {  	s28 =	simm.s32 $0x1;
	s29 =	simm.s32 $0x2;
	s30 =	simm.s32 $0x2700  }
0x7: {  	s31 =	simm.s32 $0x2780;
	[smem:$0x7FF] =	sst s4;
	s4 =	sand.u32 $0x1, s19  }
0x8: {  	s5 =	sadd.s32 $0x5400, s3;
	s7 =	sshll.u32 s6, $0xB;
	s8 =	smul.u32 $0x14000, s6  }
0x9: {  	s10 =	sadd.s32 $0x5000, s3;
	s24 =	smul.u32 $0x50000, s6;
	s26 =	sadd.s32 $0x13600, s0  }
0xa: {  	s19 =	sadd.s32 $0x5540, s3;
	_ =	strace $0x80000047;
	[dreg:$0x5] =	wrdreg s5  }
0xb: {  	s20 =	smul.u32 $0x140000, s4;
	s9 =	sshll.u32 s4, $0x4;
	[dreg:$0x6] =	wrdreg s10  }
0xc: {  	s12 =	sadd.s32 s7, s3;
	s4 =	ssub.s32 $0x2, s4;
	[dreg:$0x8] =	wrdreg s26  }
0xd: {  	s10 =	sadd.s32 $0x13610, s0;
	s26 =	simm.s32 $0x6800;
	s23 =	sor.u32 s6, s9  }
0xe: {  	s22 =	sshrl.u32 s4, $0x1;
	s11 =	sshrl.u32 s24, $0x2;
	s12 =	sadd.s32 $0x5800, s12  }
0xf: {  	s24 =	simm.s32 $0x4;
	s5 =	sadd.s32 s8, s20;
	s21 =	smul.u32 $0xA00, s23  }
0x10: {  	s4 =	ssub.s32 s4, s22;
	s14 =	smul.u32 $0x5000, s23;
	s11 =	sadd.s32 s11, s2  }
0x11: {  	s20 =	sadd.s32 $0x5140, s3;
	p0 =	seq.s32 s23, $0x1F;
	s23 =	simm.s32 $0x2800  }
0x12: {  	s5 =	sshrl.u32 s5, $0x3;
	s13 =	sadd.s32 $0x4000, s11;
	s15 =	sadd.s32 $0xC000, s11  }
0x13: {  	s22 =	smax.u32 s4, $0x1;
	s4 =	simm.s32 $0x0;
	s5 =	sadd.s32 s5, s3  }
0x14: {  	s7 =	sadd.s32 s0, s21;
	s16 =	sshrl.u32 s14, $0x3;
	s14 =	sadd.s32 $0x8000, s11  }
0x15: {  	s25 =	sadd.s32 $0x10, s7;
	s0 =	sadd.s32 s0, s16;
	s16 =	sadd.s32 $0x10000, s11  }
0x16: {  	s21 =	sadd.s32 $0xD800, s5;
	[dreg:$0x7] =	wrdreg s25;
	s17 =	sadd.s32 $0x500, s0  }
0x17: {  	s18 =	sadd.s32 $0x510, s0;
	s25 =	simm.s32 $0x80;
	s0 =	simm.s32 $0x3  }
.LBB2_1:
0x18: {  	s3 =	simm.s32 @p0 $0x80  }
0x19: {  	s5 =	simm.s32 @p0 $0x100;
	s6 =	simm.s32 @p0 $0x0;
	s8 =	rddreg [dreg:$0x8]  }
0x1a: {  	[tilespmem:s6], [sflag:$0x3] =	stream.strided.gather @p0 [hbm4b:s8+s3], $0xA00, s5, s3, $0x38;
	[tilespmem:$0x1E800] =	vst v63  }
0x1b: {  	s9 =	rddreg [dreg:$0x5];
	s8 =	simm.s32 @p0 $0xA00  }
0x1c: {  	[tilespmem:s8], [sflag:$0x3] =	stream.linear.gather @p0 [hbm4b:s9+s6], $0xA00, $0x38;
	[tilespmem:$0x1E800] =	vst v63  }
0x1d: {  	s8 =	simm.s32 @p0 $0x1400  }
0x1e: {  	[tilespmem:s8], [sflag:$0x3] =	stream.strided.gather @p0 [hbm4b:s10+s3], $0xA00, s5, s3, $0x38;
	[tilespmem:$0x1E800] =	vst v63  }
0x1f: {  	s3 =	simm.s32 @p0 $0x1E00;
	s5 =	rddreg [dreg:$0x6]  }
0x20: {  	[tilespmem:s3], [sflag:$0x3] =	stream.linear.gather @p0 [hbm4b:s5+s6], $0xA00, $0x38;
	[tilespmem:$0x1E800] =	vst v63  }
0x21: {  	s3 =	simm.s32 @!p0 $0x80;
	s5 =	simm.s32 @!p0 $0x100;
	s6 =	simm.s32 @!p0 $0x0  }
0x22: {  	[tilespmem:s6], [sflag:$0x3] =	stream.strided.gather @!p0 [hbm4b:s7+s3], $0x1400, s5, s3, $0x38;
	[tilespmem:$0x1E800] =	vst v63  }
0x23: {  	s8 =	rddreg [dreg:$0x7];
	s6 =	simm.s32 @!p0 $0x1400  }
0x24: {  	[tilespmem:s6], [sflag:$0x3] =	stream.strided.gather @!p0 [hbm4b:s8+s3], $0x1400, s5, s3, $0x38;
	[tilespmem:$0x1E800] =	vst v63  }
0x25: {  	s9 =	simm.s32 $0x0  }
0x26: {  	[tilespmem:s23], [sflag:$0x4] =	stream.linear.gather [hbm4b:s12+s9], $0x4000, $0x38;
	[tilespmem:$0x1E800] =	vst v63  }
0x27: {  	_ =	swait.ge [sflag:s24], $0x4000  }
0x28: {  	[sflag:s24] =	ssyncset.done $0x0  }
0x29: {  	[sflag:s24] =	ssyncadd.s32 $0xFFFFC000  }
0x2a: {  	[spmem:s11] =	stream.linear.scatter [tilespmem:s23], [sflag:$0x4], $0x4000, $0x38;
	[tilespmem:$0x1E800] =	vst v63  }
0x2b: {  	_ =	swait.ge [sflag:s24], $0x4000  }
0x2c: {  	[sflag:s24] =	ssyncset.done $0x0  }
0x2d: {  	[sflag:s24] =	ssyncadd.s32 $0xFFFFC000  }
0x2e: {  	[spmem:s13] =	stream.linear.scatter [tilespmem:s23], [sflag:$0x4], $0x4000, $0x38;
	[tilespmem:$0x1E800] =	vst v63  }
0x2f: {  	_ =	swait.ge [sflag:s24], $0x4000  }
0x30: {  	[sflag:s24] =	ssyncset.done $0x0  }
0x31: {  	[sflag:s24] =	ssyncadd.s32 $0xFFFFC000  }
0x32: {  	[spmem:s14] =	stream.linear.scatter [tilespmem:s23], [sflag:$0x4], $0x4000, $0x38;
	[tilespmem:$0x1E800] =	vst v63  }
0x33: {  	_ =	swait.ge [sflag:s24], $0x4000  }
0x34: {  	[sflag:s24] =	ssyncset.done $0x0  }
0x35: {  	[sflag:s24] =	ssyncadd.s32 $0xFFFFC000  }
0x36: {  	[spmem:s15] =	stream.linear.scatter [tilespmem:s23], [sflag:$0x4], $0x4000, $0x38;
	[tilespmem:$0x1E800] =	vst v63  }
0x37: {  	_ =	swait.ge [sflag:s24], $0x4000  }
0x38: {  	[sflag:s24] =	ssyncset.done $0x0  }
0x39: {  	[sflag:s24] =	ssyncadd.s32 $0xFFFFC000  }
0x3a: {  	[spmem:s16] =	stream.linear.scatter [tilespmem:s23], [sflag:$0x4], $0x4000, $0x38;
	[tilespmem:$0x1E800] =	vst v63  }
0x3b: {  	_ =	swait.ge [sflag:s24], $0x4000  }
0x3c: {  	[sflag:s24] =	ssyncset.done $0x0  }
0x3d: {  	s3 =	simm.s32 @p0 $0x3;
	[sflag:s24] =	ssyncadd.s32 $0xFFFFC000  }
0x3e: {  	_ =	swait.ge @p0 [sflag:s3], $0xA00  }
0x3f: {  	[sflag:s3] =	ssyncset.done @p0 $0x0  }
0x40: {  	[sflag:s3] =	ssyncadd.s32 @p0 $0xFFFFF600  }
0x41: {  	_ =	swait.ge @p0 [sflag:s3], $0xA00  }
0x42: {  	[sflag:s3] =	ssyncset.done @p0 $0x0  }
0x43: {  	[sflag:s3] =	ssyncadd.s32 @p0 $0xFFFFF600  }
0x44: {  	_ =	swait.ge @p0 [sflag:s3], $0xA00  }
0x45: {  	[sflag:s3] =	ssyncset.done @p0 $0x0  }
0x46: {  	[sflag:s3] =	ssyncadd.s32 @p0 $0xFFFFF600  }
0x47: {  	_ =	swait.ge @p0 [sflag:s3], $0xA00  }
0x48: {  	[sflag:s3] =	ssyncset.done @p0 $0x0  }
0x49: {  	[sflag:s3] =	ssyncadd.s32 @p0 $0xFFFFF600;
	s3 =	simm.s32 @!p0 $0x3  }
0x4a: {  	_ =	swait.ge @!p0 [sflag:s3], $0x1400  }
0x4b: {  	[sflag:s3] =	ssyncset.done @!p0 $0x0  }
0x4c: {  	[sflag:s3] =	ssyncadd.s32 @!p0 $0xFFFFEC00  }
0x4d: {  	_ =	swait.ge @!p0 [sflag:s3], $0x1400  }
0x4e: {  	[sflag:s3] =	ssyncset.done @!p0 $0x0  }
0x4f: {  	[sflag:s3] =	ssyncadd.s32 @!p0 $0xFFFFEC00  }
0x50: {  	[bflag:$0x0] =	sbarrier.arrive $0xFFFF  }
0x51: {  	[tilespmem:s23], [sflag:$0x1] =	stream.indirect.gather [hbm4b:s1+s25], $0x80, s9, s25, $0xb8;
	[tilespmem:$0x1E800] =	vst v63  }
0x52: {  	_ = 	snop  }
0x53: {  	[tilespmem:s26], [sflag:$0x2] =	stream.indirect.gather [hbm4b:s1+s25], $0x80, s25, s25, $0xb8;
	[tilespmem:$0x1E800] =	vst v63  }
0x54: {  	_ =	swait.ge [sflag:s28], $0x4000  }
0x55: {  	[sflag:s28] =	ssyncset.done $0x0  }
0x56: {  	s6 =	simm.s32 $0x1400;
	[sflag:s28] =	ssyncadd.s32 $0xFFFFC000  }
0x57: {  	[spmem:s2] =	stream.indirect.scatter.add.f32 [tilespmem:s23], [sflag:$0x4], $0x80, s6, s25, $0xb8;
	[tilespmem:$0x1E800] =	vst v63  }
0x58: {  	_ =	swait.ge [sflag:s24], $0x4000  }
0x59: {  	[sflag:s24] =	ssyncset.done $0x0  }
0x5a: {  	s8 =	simm.s32 $0x100;
	[sflag:s24] =	ssyncadd.s32 $0xFFFFC000  }
0x5b: {  	[tilespmem:s23], [sflag:$0x1] =	stream.indirect.gather [hbm4b:s1+s25], $0x80, s8, s25, $0xb8;
	[tilespmem:$0x1E800] =	vst v63  }
0x5c: {  	_ =	swait.ge [sflag:s29], $0x4000  }
0x5d: {  	[sflag:s29] =	ssyncset.done $0x0  }
0x5e: {  	s9 =	simm.s32 $0x1480;
	[sflag:s29] =	ssyncadd.s32 $0xFFFFC000  }
0x5f: {  	[spmem:s2] =	stream.indirect.scatter.add.f32 [tilespmem:s26], [sflag:$0x4], $0x80, s9, s25, $0xb8;
	[tilespmem:$0x1E800] =	vst v63  }
0x60: {  	_ =	swait.ge [sflag:s24], $0x4000  }
0x61: {  	[sflag:s24] =	ssyncset.done $0x0  }
0x62: {  	s5 =	simm.s32 $0x180;
	s3 =	simm.s32 $0x400;
	[sflag:s24] =	ssyncadd.s32 $0xFFFFC000  }
.LBB2_2:
0x63: {  	[tilespmem:s26], [sflag:$0x2] =	stream.indirect.gather [hbm4b:s1+s25], $0x80, s5, s25, $0xb8;
	[tilespmem:$0x1E800] =	vst v63  }
0x64: {  	s5 =	smov.u32 s3  }
0x65: {  	p1 =	sne.s32 s3, $0x4800;
	s3 =	sadd.s32 $0x400, s3;
	_ =	swait.ge [sflag:s28], $0x4000  }
0x66: {  	s5 =	sshra.s32 s5, $0x2;
	[sflag:s28] =	ssyncset.done $0x0  }
0x67: {  	s6 =	sadd.s32 $0x1400, s5;
	[sflag:s28] =	ssyncadd.s32 $0xFFFFC000  }
0x68: {  	[spmem:s2] =	stream.indirect.scatter.add.f32 [tilespmem:s23], [sflag:$0x4], $0x80, s6, s25, $0xb8;
	[tilespmem:$0x1E800] =	vst v63  }
0x69: {  	_ =	swait.ge [sflag:s24], $0x4000  }
0x6a: {  	[sflag:s24] =	ssyncset.done $0x0  }
0x6b: {  	s6 =	sadd.s32 $0x100, s5;
	[sflag:s24] =	ssyncadd.s32 $0xFFFFC000  }
0x6c: {  	[tilespmem:s23], [sflag:$0x1] =	stream.indirect.gather [hbm4b:s1+s25], $0x80, s6, s25, $0xb8;
	[tilespmem:$0x1E800] =	vst v63  }
0x6d: {  	_ =	swait.ge [sflag:s29], $0x4000  }
0x6e: {  	[sflag:s29] =	ssyncset.done $0x0  }
.Ltmp0:
0x6f: {  	s6 =	sadd.s32 $0x1480, s5;
	[sflag:s29] =	ssyncadd.s32 $0xFFFFC000;
	(pc) =	sbr.rel @p1 .LBB2_2-.Ltmp0, $4  }
0x70: {  	[spmem:s2] =	stream.indirect.scatter.add.f32 [tilespmem:s26], [sflag:$0x4], $0x80, s6, s25, $0xb8;
	[tilespmem:$0x1E800] =	vst v63  }
0x71: {  	_ =	swait.ge [sflag:s24], $0x4000  }
0x72: {  	[sflag:s24] =	ssyncset.done $0x0  }
0x73: {  	s5 =	sadd.s32 $0x180, s5;
	[sflag:s24] =	ssyncadd.s32 $0xFFFFC000  }
0x74: {  	[tilespmem:s26], [sflag:$0x2] =	stream.indirect.gather [hbm4b:s1+s25], $0x80, s5, s25, $0xb8;
	[tilespmem:$0x1E800] =	vst v63  }
0x75: {  	_ =	swait.ge [sflag:s28], $0x4000  }
0x76: {  	[sflag:s28] =	ssyncset.done $0x0  }
0x77: {  	[sflag:s28] =	ssyncadd.s32 $0xFFFFC000  }
0x78: {  	[spmem:s2] =	stream.indirect.scatter.add.f32 [tilespmem:s23], [sflag:$0x4], $0x80, s30, s25, $0xb8;
	[tilespmem:$0x1E800] =	vst v63  }
0x79: {  	_ =	swait.ge [sflag:s24], $0x4000  }
0x7a: {  	[sflag:s24] =	ssyncset.done $0x0  }
0x7b: {  	[sflag:s24] =	ssyncadd.s32 $0xFFFFC000  }
0x7c: {  	_ =	swait.ge [sflag:s29], $0x4000  }
0x7d: {  	[sflag:s29] =	ssyncset.done $0x0  }
0x7e: {  	[sflag:s29] =	ssyncadd.s32 $0xFFFFC000  }
0x7f: {  	[spmem:s2] =	stream.indirect.scatter.add.f32 [tilespmem:s26], [sflag:$0x4], $0x80, s31, s25, $0xb8;
	[tilespmem:$0x1E800] =	vst v63  }
0x80: {  	_ =	swait.ge [sflag:s24], $0x4000  }
0x81: {  	[sflag:s24] =	ssyncset.done $0x0  }
0x82: {  	s3 =	simm.s32 @p0 $0x0;
	[sflag:s24] =	ssyncadd.s32 $0xFFFFC000  }
0x83: {  	[tilespmem:s3], [sflag:$0x3] =	stream.linear.gather @p0 [hbm4b:s19+s3], $0x1400, $0x38;
	[tilespmem:$0x1E800] =	vst v63  }
0x84: {  	s5 =	simm.s32 @p0 $0x1400  }
0x85: {  	[tilespmem:s5], [sflag:$0x3] =	stream.linear.gather @p0 [hbm4b:s20+s3], $0x1400, $0x38;
	[tilespmem:$0x1E800] =	vst v63  }
0x86: {  	s6 =	simm.s32 @!p0 $0x0;
	s3 =	simm.s32 @!p0 $0x80;
	s5 =	simm.s32 @!p0 $0x100  }
0x87: {  	[tilespmem:s6], [sflag:$0x3] =	stream.strided.gather @!p0 [hbm4b:s17+s3], $0x1400, s5, s3, $0x38;
	[tilespmem:$0x1E800] =	vst v63  }
0x88: {  	s6 =	simm.s32 @!p0 $0x1400  }
0x89: {  	[tilespmem:s6], [sflag:$0x3] =	stream.strided.gather @!p0 [hbm4b:s18+s3], $0x1400, s5, s3, $0x38;
	[tilespmem:$0x1E800] =	vst v63  }
0x8a: {  	_ =	swait.ge [sflag:s0], $0x1400  }
0x8b: {  	[sflag:s0] =	ssyncset.done $0x0  }
0x8c: {  	[sflag:s0] =	ssyncadd.s32 $0xFFFFEC00  }
0x8d: {  	_ =	swait.ge [sflag:s0], $0x1400  }
0x8e: {  	[sflag:s0] =	ssyncset.done $0x0  }
0x8f: {  	s5 =	simm.s32 $0x0;
	[sflag:s0] =	ssyncadd.s32 $0xFFFFEC00  }
0x90: {  	[tilespmem:s23], [sflag:$0x1] =	stream.indirect.gather [hbm4b:s1+s25], $0x80, s5, s25, $0xb8;
	[tilespmem:$0x1E800] =	vst v63  }
0x91: {  	_ = 	snop  }
0x92: {  	[tilespmem:s26], [sflag:$0x2] =	stream.indirect.gather [hbm4b:s1+s25], $0x80, s25, s25, $0xb8;
	[tilespmem:$0x1E800] =	vst v63  }
0x93: {  	_ =	swait.ge [sflag:s28], $0x4000  }
0x94: {  	[sflag:s28] =	ssyncset.done $0x0  }
0x95: {  	s6 =	simm.s32 $0x1400;
	[sflag:s28] =	ssyncadd.s32 $0xFFFFC000  }
0x96: {  	[spmem:s2] =	stream.indirect.scatter.add.f32 [tilespmem:s23], [sflag:$0x4], $0x80, s6, s25, $0xb8;
	[tilespmem:$0x1E800] =	vst v63  }
0x97: {  	_ =	swait.ge [sflag:s24], $0x4000  }
0x98: {  	[sflag:s24] =	ssyncset.done $0x0  }
0x99: {  	s8 =	simm.s32 $0x100;
	[sflag:s24] =	ssyncadd.s32 $0xFFFFC000  }
0x9a: {  	[tilespmem:s23], [sflag:$0x1] =	stream.indirect.gather [hbm4b:s1+s25], $0x80, s8, s25, $0xb8;
	[tilespmem:$0x1E800] =	vst v63  }
0x9b: {  	_ =	swait.ge [sflag:s29], $0x4000  }
0x9c: {  	[sflag:s29] =	ssyncset.done $0x0  }
0x9d: {  	s9 =	simm.s32 $0x1480;
	[sflag:s29] =	ssyncadd.s32 $0xFFFFC000  }
0x9e: {  	[spmem:s2] =	stream.indirect.scatter.add.f32 [tilespmem:s26], [sflag:$0x4], $0x80, s9, s25, $0xb8;
	[tilespmem:$0x1E800] =	vst v63  }
0x9f: {  	_ =	swait.ge [sflag:s24], $0x4000  }
0xa0: {  	[sflag:s24] =	ssyncset.done $0x0  }
0xa1: {  	s3 =	simm.s32 $0x400;
	s5 =	simm.s32 $0x180;
	[sflag:s24] =	ssyncadd.s32 $0xFFFFC000  }
.LBB2_4:
0xa2: {  	[tilespmem:s26], [sflag:$0x2] =	stream.indirect.gather [hbm4b:s1+s25], $0x80, s5, s25, $0xb8;
	[tilespmem:$0x1E800] =	vst v63  }
0xa3: {  	s5 =	smov.u32 s3  }
0xa4: {  	p1 =	sne.s32 s3, $0x4800;
	s3 =	sadd.s32 $0x400, s3;
	_ =	swait.ge [sflag:s28], $0x4000  }
0xa5: {  	s5 =	sshra.s32 s5, $0x2;
	[sflag:s28] =	ssyncset.done $0x0  }
0xa6: {  	s6 =	sadd.s32 $0x1400, s5;
	[sflag:s28] =	ssyncadd.s32 $0xFFFFC000  }
0xa7: {  	[spmem:s2] =	stream.indirect.scatter.add.f32 [tilespmem:s23], [sflag:$0x4], $0x80, s6, s25, $0xb8;
	[tilespmem:$0x1E800] =	vst v63  }
0xa8: {  	_ =	swait.ge [sflag:s24], $0x4000  }
0xa9: {  	[sflag:s24] =	ssyncset.done $0x0  }
0xaa: {  	s6 =	sadd.s32 $0x100, s5;
	[sflag:s24] =	ssyncadd.s32 $0xFFFFC000  }
0xab: {  	[tilespmem:s23], [sflag:$0x1] =	stream.indirect.gather [hbm4b:s1+s25], $0x80, s6, s25, $0xb8;
	[tilespmem:$0x1E800] =	vst v63  }
0xac: {  	_ =	swait.ge [sflag:s29], $0x4000  }
0xad: {  	[sflag:s29] =	ssyncset.done $0x0  }
.Ltmp1:
0xae: {  	s6 =	sadd.s32 $0x1480, s5;
	[sflag:s29] =	ssyncadd.s32 $0xFFFFC000;
	(pc) =	sbr.rel @p1 .LBB2_4-.Ltmp1, $4  }
0xaf: {  	[spmem:s2] =	stream.indirect.scatter.add.f32 [tilespmem:s26], [sflag:$0x4], $0x80, s6, s25, $0xb8;
	[tilespmem:$0x1E800] =	vst v63  }
0xb0: {  	_ =	swait.ge [sflag:s24], $0x4000  }
0xb1: {  	[sflag:s24] =	ssyncset.done $0x0  }
0xb2: {  	s5 =	sadd.s32 $0x180, s5;
	[sflag:s24] =	ssyncadd.s32 $0xFFFFC000  }
0xb3: {  	[tilespmem:s26], [sflag:$0x2] =	stream.indirect.gather [hbm4b:s1+s25], $0x80, s5, s25, $0xb8;
	[tilespmem:$0x1E800] =	vst v63  }
0xb4: {  	_ =	swait.ge [sflag:s28], $0x4000  }
0xb5: {  	[sflag:s28] =	ssyncset.done $0x0  }
0xb6: {  	[sflag:s28] =	ssyncadd.s32 $0xFFFFC000  }
0xb7: {  	[spmem:s2] =	stream.indirect.scatter.add.f32 [tilespmem:s23], [sflag:$0x4], $0x80, s30, s25, $0xb8;
	[tilespmem:$0x1E800] =	vst v63  }
0xb8: {  	_ =	swait.ge [sflag:s24], $0x4000  }
0xb9: {  	[sflag:s24] =	ssyncset.done $0x0  }
0xba: {  	[sflag:s24] =	ssyncadd.s32 $0xFFFFC000  }
0xbb: {  	_ =	swait.ge [sflag:s29], $0x4000  }
0xbc: {  	[sflag:s29] =	ssyncset.done $0x0  }
0xbd: {  	[sflag:s29] =	ssyncadd.s32 $0xFFFFC000  }
0xbe: {  	[spmem:s2] =	stream.indirect.scatter.add.f32 [tilespmem:s26], [sflag:$0x4], $0x80, s31, s25, $0xb8;
	[tilespmem:$0x1E800] =	vst v63  }
0xbf: {  	s3 =	stileid.u32;
	_ =	swait.ge [sflag:s24], $0x4000  }
0xc0: {  	s9 =	sshrl.u32 s11, $0x3;
	s4 =	sadd.s32 $0x1, s4;
	[sflag:s24] =	ssyncset.done $0x0  }
0xc1: {  	s3 =	sshll.u32 s3, $0x6;
	p1 =	sne.s32 s4, s22;
	[sflag:s24] =	ssyncadd.s32 $0xFFFFC000  }
.Ltmp2:
0xc2: {  	s3 =	sor.u32 $0x1C04, s3;
	[bflag:$0x0] =	sbarrier.arrive $0xFFFF;
	(pc) =	sbr.rel @p1 .LBB2_1-.Ltmp2, $4  }
0xc3: {  	[hbm:s21], [sflag:s3] =	dma.local [spmem:s9], $0x2800  }
0xc4: {  	_ =	swait.ge [sflag:s24], $0x2800  }
0xc5: {  	[sflag:s24] =	ssyncset.done $0x0  }
0xc6: {  	[sflag:s24] =	ssyncadd.s32 $0xFFFFD800  }
0xc7: {  	_ =	sfence.sel $0x180000  }
0xc8: {  	[bflag:$0x0] =	sbarrier.arrive $0xFFFF  }
0xc9: {  	_ =	strace $0x90000047  }
0xca: {  	s0 =	stileid.u32;
	[bflag:$0x2] =	sbarrier.arrive $0xFFFF  }
0xcb: {  	p0 =	sne.s32 s0, $0x0;
	s0 =	rddreg [dreg:$0x4]  }
0xcc: {  	s0 =	sadd.s32 @!p0 $0x100000, s0  }
0xcd: {  	[sflag:s0] =	ssyncadd.tile.s32 @!p0 $0x1;
	_ =	shalt  }
.Lfunc_end2:
_tile_overlayer_lowered:
.L_overlay_start_2:
0xce: {  	(tag) =	ssettag $0x2  }
0xcf: {  	s0 =	rddreg [dreg:$0x0];
	s2 =	stileid.u32  }
0xd0: {  	s1 =	rddreg [dreg:$0x1];
	p0 =	sne.s32 s2, $0x0  }
0xd1: {  	s3 =	rddreg [dreg:$0x2];
	[bflag:$0x3] =	sbarrier.arrive $0xFFFF;
	s2 =	simm.s32 @!p0 $0x1C04  }
0xd2: {  	[timem:s3], [sflag:s2] =	dma.local @!p0 [hbm:s0], s1  }
0xd3: {  	s0 =	simm.s32 @!p0 $0x4  }
0xd4: {  	_ =	swait.ge @!p0 [sflag:s0], s1  }
0xd5: {  	s1 =	ssub.s32 @!p0 $0x0, s1;
	[sflag:s0] =	ssyncset.done @!p0 $0x0  }
0xd6: {  	[sflag:s0] =	ssyncadd.s32 @!p0 s1  }
0xd7: {  	[bflag:$0x3] =	sbarrier.arrive $0xFFFF  }
0xd8: {  	_ =	shalt  }

</sc_bundles>
